<compile_context>
chip_gen: v7x
topology: tpu7x:2x2x1
jax: 0.10.2.dev20260603
libtpu: 0.0.44.dev20260713+nightly
codegen_flags: <defaults>
</compile_context>

<pallas_src>
import jax
import jax.numpy as jnp
from jax import lax
from jax.experimental import pallas as pl
from jax.experimental.pallas import tpu as pltpu
from jax.experimental.pallas import tpu_sc as plsc

_N = 10000
_D = 256
_DH = 128
_E = 160000
_NC = 2
_NS = 16
_NPAD = 10240
_RPT = _NPAD // _NS
_EPAD = 163840
_EPT = _EPAD // _NS
_W = 128
_NWIN = _EPT // _W
_NWC = _NWIN // _NC
_RB = 1024
_NRB = _NPAD // _RB

_sc_mesh = plsc.VectorSubcoreMesh(core_axis_name="c", subcore_axis_name="s")


def _make_sc_agg(from_x):
    out_type = [jax.ShapeDtypeStruct((_NC * _NPAD, _DH), jnp.float32)]
    if from_x:
        out_type.append(jax.ShapeDtypeStruct((_NC, _NPAD), jnp.float32))

    scratch = (
        pltpu.VMEM((4, 2, 2, _W), jnp.int32),
        pltpu.VMEM((2, _W, _DH), jnp.float32),
        pltpu.VMEM((_W,), jnp.float32),
        pltpu.VMEM_SHARED((_NPAD, _DH), jnp.float32),
        pltpu.VMEM_SHARED((_NPAD,), jnp.float32),
        pltpu.SemaphoreType.DMA,
        pltpu.SemaphoreType.DMA,
        pltpu.SemaphoreType.DMA,
        pltpu.SemaphoreType.DMA,
    )

    def body(edpk_hbm, x_hbm, zr_hbm, *rest):
        if from_x:
            (zc_hbm, agg_hbm, cnt_hbm, ed_v, rows_v, ones_v, acc_sh, cnt_sh,
             isem, gsem, ssem, csem) = rest
        else:
            (agg_hbm, ed_v, rows_v, ones_v, acc_sh, cnt_sh,
             isem, gsem, ssem, csem) = rest
        c = lax.axis_index("c")
        s = lax.axis_index("s")

        def _gather_src(idx_ref):
            if from_x:
                return x_hbm.at[idx_ref, pl.ds(c * _DH, _DH)]
            return x_hbm.at[idx_ref]

        def _dummy_rows_src():
            if from_x:
                return x_hbm.at[pl.ds(0, _W), pl.ds(0, _DH)]
            return x_hbm.at[pl.ds(0, _W)]

        def _dummy_row_src():
            if from_x:
                return x_hbm.at[0, pl.ds(0, _DH)]
            return x_hbm.at[0]

        def _issue_idx(p, slot):
            pltpu.async_copy(edpk_hbm.at[c, s, pl.ds(2 * p, 2)],
                             ed_v.at[slot], isem)

        def _wait_cnt():
            pltpu.make_async_copy(_dummy_row_src(), ones_v, csem).wait()

        def _wait_idx():
            pltpu.make_async_copy(edpk_hbm.at[0, 0, pl.ds(0, 2)], ed_v.at[0],
                                  isem).wait()

        def _wait_rows(sem, b):
            pltpu.make_async_copy(_dummy_rows_src(), rows_v.at[b], sem).wait()

        for k in range(4):
            _issue_idx(k, k)

        zcp = pltpu.async_copy(zr_hbm, acc_sh.at[pl.ds(s * _RPT, _RPT)], ssem)
        if from_x:
            zcc = pltpu.async_copy(zc_hbm, cnt_sh.at[pl.ds(s * _RPT, _RPT)],
                                   csem)
            for j in range(_W // 16):
                ones_v[pl.ds(j * 16, 16)] = jnp.ones((16,), jnp.float32)
            zcc.wait()
        zcp.wait()

        _wait_idx()
        for b in range(2):
            pltpu.async_copy(_gather_src(ed_v.at[0, b, 0]), rows_v.at[b],
                             gsem)
        plsc.subcore_barrier()

        def _step(p, b, issue_next):
            slot = p % 4
            w = 2 * p + b
            _wait_rows(gsem, b)
            pltpu.async_copy(rows_v.at[b], acc_sh.at[ed_v.at[slot, b, 1]],
                             ssem, add=True)
            in_rng = (w >= c * _NWC) & (w < (c + 1) * _NWC)
            if from_x:
                @pl.when(in_rng)
                def _():
                    pltpu.async_copy(ones_v, cnt_sh.at[ed_v.at[slot, b, 1]],
                                     csem, add=True)
            if issue_next:
                _wait_rows(ssem, b)
                if from_x:
                    @pl.when(in_rng)
                    def _():
                        _wait_cnt()
                if b == 0:
                    _wait_idx()
                else:
                    @pl.when(p + 4 < _NWIN // 2)
                    def _():
                        _issue_idx(p + 4, slot)
                pltpu.async_copy(_gather_src(ed_v.at[(p + 1) % 4, b, 0]),
                                 rows_v.at[b], gsem)

        def _pair(i, carry):
            for b in range(2):
                _step(i, b, True)
            return carry

        lax.fori_loop(0, _NWIN // 2 - 1, _pair, 0)
        for b in range(2):
            _step(_NWIN // 2 - 1, b, False)
        for b in range(2):
            _wait_rows(ssem, b)
        if from_x:
            @pl.when(c == 1)
            def _():
                _wait_cnt()
                _wait_cnt()

        plsc.subcore_barrier()
        r0 = s * _RPT
        pltpu.sync_copy(acc_sh.at[pl.ds(r0, _RPT)],
                        agg_hbm.at[pl.ds(c * _NPAD + r0, _RPT)])
        if from_x:
            pltpu.sync_copy(cnt_sh.at[pl.ds(r0, _RPT)],
                            cnt_hbm.at[c, pl.ds(r0, _RPT)])

    return pl.kernel(body, out_type=tuple(out_type), mesh=_sc_mesh,
                     scratch_types=scratch)


_sc_agg_x = _make_sc_agg(True)
_sc_agg_h = _make_sc_agg(False)


def _matmul(a, w_ref):
    return jnp.dot(a, w_ref[...], preferred_element_type=jnp.float32,
                   precision=lax.Precision.DEFAULT)


def _mean_wl(agg_lo_ref, agg_hi_ref, cnt_ref, wl_ref, res_ref):
    cnt = cnt_ref[0] + cnt_ref[1]
    inv = 1.0 / jnp.maximum(cnt, 1.0)
    m = jnp.concatenate([agg_lo_ref[...] * inv, agg_hi_ref[...] * inv], axis=1)
    return _matmul(m, wl_ref) + res_ref[...]


def _lin1_body(x_lo_ref, x_hi_ref, wr_ref, b_ref, out_ref):
    xx = jnp.concatenate([x_lo_ref[...], x_hi_ref[...]], axis=1)
    out_ref[...] = _matmul(xx, wr_ref) + b_ref[...]


def _dense1_body(agg_lo_ref, agg_hi_ref, cnt_ref, wl_ref, res_ref, h_ref):
    h = jnp.maximum(_mean_wl(agg_lo_ref, agg_hi_ref, cnt_ref, wl_ref,
                             res_ref), 0.0)
    h_ref[0] = h[:, :_DH]
    h_ref[1] = h[:, _DH:]


def _dense2_body(agg_lo_ref, agg_hi_ref, cnt_ref, wl_ref, res_ref, out_ref):
    h = _mean_wl(agg_lo_ref, agg_hi_ref, cnt_ref, wl_ref, res_ref)
    hmax = jnp.max(h, axis=1, keepdims=True)
    e = jnp.exp(h - hmax)
    lse = jnp.log(jnp.sum(e, axis=1, keepdims=True))
    out_ref[...] = h - hmax - lse


def _lo_spec():
    return pl.BlockSpec((_RB, _DH), lambda i: (i, 0))


def _hi_spec():
    return pl.BlockSpec((_RB, _DH), lambda i: (i + _NRB, 0))


def _w_spec():
    return pl.BlockSpec((_D, _D), lambda i: (0, 0))


def _res_spec():
    return pl.BlockSpec((_RB, _D), lambda i: (i, 0))


def _agg_cnt_wl_specs():
    return [
        _lo_spec(),
        _hi_spec(),
        pl.BlockSpec((_NC, _RB, 1), lambda i: (0, i, 0)),
        _w_spec(),
        _res_spec(),
    ]


_lin1 = pl.pallas_call(
    _lin1_body,
    grid=(_NRB,),
    in_specs=[
        pl.BlockSpec((_RB, _DH), lambda i: (i, 0)),
        pl.BlockSpec((_RB, _DH), lambda i: (i, 1)),
        _w_spec(),
        pl.BlockSpec((1, _D), lambda i: (0, 0)),
    ],
    out_specs=_res_spec(),
    out_shape=jax.ShapeDtypeStruct((_NPAD, _D), jnp.float32),
)

_lin2 = pl.pallas_call(
    _lin1_body,
    grid=(_NRB,),
    in_specs=[
        _lo_spec(),
        _hi_spec(),
        _w_spec(),
        pl.BlockSpec((1, _D), lambda i: (0, 0)),
    ],
    out_specs=_res_spec(),
    out_shape=jax.ShapeDtypeStruct((_NPAD, _D), jnp.float32),
)

_dense1 = pl.pallas_call(
    _dense1_body,
    grid=(_NRB,),
    in_specs=_agg_cnt_wl_specs(),
    out_specs=pl.BlockSpec((_NC, _RB, _DH), lambda i: (0, i, 0)),
    out_shape=jax.ShapeDtypeStruct((_NC, _NPAD, _DH), jnp.float32),
)

_dense2 = pl.pallas_call(
    _dense2_body,
    grid=(_NRB,),
    in_specs=_agg_cnt_wl_specs(),
    out_specs=pl.BlockSpec((_RB, _D), lambda i: (i, 0)),
    out_shape=jax.ShapeDtypeStruct((_N, _D), jnp.float32),
)


def kernel(x, edge_index, W1_l, W1_r, b1, W2_l, W2_r, b2):
    ei = edge_index.astype(jnp.int32)
    src, dst = ei[0], ei[1]

    npad_e = _EPAD - _E
    pad_ar = jnp.arange(npad_e, dtype=jnp.int32)
    pad_src = (pad_ar * 577) % _N
    pad_dst = _N + pad_ar % (_NPAD - _N)
    srcp = jnp.concatenate([src, pad_src]).reshape(_NS, _NWIN, _W)
    dstp = jnp.concatenate([dst, pad_dst]).reshape(_NS, _NWIN, _W)
    edpk1 = jnp.stack([jnp.stack([srcp, dstp], axis=2)] * _NC, axis=0)
    edpk2 = jnp.stack([jnp.stack([srcp, dstp], axis=2),
                       jnp.stack([srcp + _NPAD, dstp], axis=2)], axis=0)

    zr = jnp.zeros((_RPT, _DH), jnp.float32)
    zc = jnp.zeros((_RPT,), jnp.float32)
    agg1, cnt = _sc_agg_x(edpk1, x, zr, zc)
    cnt2 = cnt.reshape(_NC, _NPAD, 1)
    xr1 = _lin1(x, x, W1_r.T, b1.reshape(1, _D))
    h3 = _dense1(agg1, agg1, cnt2, W1_l.T, xr1)
    hcat = h3.reshape(_NC * _NPAD, _DH)
    agg2 = _sc_agg_h(edpk2, hcat, zr)
    hr2 = _lin2(hcat, hcat, W2_r.T, b2.reshape(1, _D))
    return _dense2(agg2[0], agg2[0], cnt2, W2_l.T, hr2)

# --- scband reference (transcript-rebuilt; emitter-appended) ---
"""Pipeline reference for scband-graph-sage-38654705664522 (READ-ONLY COPY).

The authoritative reference and input builder live on the scoring server;
editing this copy changes nothing except your own understanding.
"""

import jax, jax.numpy as jnp
import numpy as np

N_NODES = 10000
N_EDGES = 160000
DIM_IN = 256
DIM_H = 256
DIM_OUT = 256


def _sage_conv(x, edge_index, W_l, W_r, b):
    # PyG SAGEConv (mean aggregation): out = lin_l(mean_j x_j) + lin_r(x_i)
    src = edge_index[0]
    dst = edge_index[1]
    msgs = jnp.take(x, src, axis=0)
    agg = jax.ops.segment_sum(msgs, dst, num_segments=x.shape[0])
    cnt = jax.ops.segment_sum(jnp.ones((edge_index.shape[1],), dtype=x.dtype), dst, num_segments=x.shape[0])
    mean = agg / jnp.clip(cnt, 1.0)[:, None]
    return mean @ W_l.T + x @ W_r.T + b


def setup_inputs(seed: int = 0) -> dict:
    key = jax.random.key(seed)
    k_x, k_ei, k1, k2, k3, k4 = jax.random.split(key, 6)
    x = jax.random.normal(k_x, (N_NODES, DIM_IN), dtype=jnp.float32)
    edge_index = jax.random.randint(k_ei, (2, N_EDGES), 0, N_NODES, dtype=jnp.int64)
    s1 = 1.0 / np.sqrt(DIM_IN)
    s2 = 1.0 / np.sqrt(DIM_H)
    W1_l = jax.random.uniform(k1, (DIM_H, DIM_IN), jnp.float32, -s1, s1)
    W1_r = jax.random.uniform(jax.random.fold_in(k1, 1), (DIM_H, DIM_IN), jnp.float32, -s1, s1)
    b1 = jax.random.uniform(k2, (DIM_H,), jnp.float32, -s1, s1)
    W2_l = jax.random.uniform(k3, (DIM_OUT, DIM_H), jnp.float32, -s2, s2)
    W2_r = jax.random.uniform(jax.random.fold_in(k3, 1), (DIM_OUT, DIM_H), jnp.float32, -s2, s2)
    b2 = jax.random.uniform(k4, (DIM_OUT,), jnp.float32, -s2, s2)
    return {"x": x, "edge_index": edge_index, "W1_l": W1_l, "W1_r": W1_r, "b1": b1, "W2_l": W2_l, "W2_r": W2_r, "b2": b2}


def reference(x, edge_index, W1_l, W1_r, b1, W2_l, W2_r, b2):
    h = _sage_conv(x, edge_index, W1_l, W1_r, b1)
    h = jax.nn.relu(h)
    # dropout p=0.5 is identity in eval mode
    h = _sage_conv(h, edge_index, W2_l, W2_r, b2)
    h = jax.nn.log_softmax(h, axis=1)
    return h

if __name__ == "__main__":
    import jax
    _d = setup_inputs()
    print(jax.jit(kernel)(*tuple(_d.values())))

</pallas_src>

<mosaic_0001>
#map = affine_map<(d0, d1) -> (0, 0, 0, 0, 0)>
#map1 = affine_map<(d0, d1) -> (0, 0)>
#map2 = affine_map<(d0, d1) -> (0)>
module attributes {stable_mosaic.version = 14 : i64} {
  func.func @body(%arg0: i32, %arg1: i32, %arg2: memref<2x16x80x2x128xi32, #tpu.memory_space<hbm>>, %arg3: memref<10000x256xf32, #tpu.memory_space<hbm>>, %arg4: memref<640x128xf32, #tpu.memory_space<hbm>>, %arg5: memref<640xf32, #tpu.memory_space<hbm>>, %arg6: memref<20480x128xf32, #tpu.memory_space<hbm>>, %arg7: memref<2x10240xf32, #tpu.memory_space<hbm>>, %arg8: memref<4x2x2x128xi32, #tpu.memory_space<vmem>>, %arg9: memref<2x128x128xf32, #tpu.memory_space<vmem>>, %arg10: memref<128xf32, #tpu.memory_space<vmem>>, %arg11: memref<10240x128xf32, #tpu.memory_space<vmem_shared>>, %arg12: memref<10240xf32, #tpu.memory_space<vmem_shared>>, %arg13: memref<!tpu.dma_semaphore, #tpu.memory_space<semaphore_mem>>, %arg14: memref<!tpu.dma_semaphore, #tpu.memory_space<semaphore_mem>>, %arg15: memref<!tpu.dma_semaphore, #tpu.memory_space<semaphore_mem>>, %arg16: memref<!tpu.dma_semaphore, #tpu.memory_space<semaphore_mem>>) attributes {dimension_semantics = [#tpu.dimension_semantics<core_parallel>, #tpu.dimension_semantics<subcore_parallel>], iteration_bounds = array<i64: 2, 16>, scalar_prefetch = 0 : i64, scratch_operands = 9 : i64, tpu.core_type = #tpu.core_type<sc_vector_subcore>, window_params = [{transform_indices = #map}, {transform_indices = #map1}, {transform_indices = #map1}, {transform_indices = #map2}, {transform_indices = #map1}, {transform_indices = #map1}]} {
    %dma_start3A = arith.constant 0 : i32
    %dma_start3A_0 = arith.constant 0 : i32
    %dma_start3A_1 = arith.constant 0 : i32
    %dma_start3A_2 = arith.constant 0 : i32
    %dma_start3A_3 = tpu.memref_slice %arg8[%dma_start3A, %dma_start3A_0, %dma_start3A_1, %dma_start3A_2] : memref<4x2x2x128xi32, #tpu.memory_space<vmem>> -> memref<1x2x2x128xi32, #tpu.memory_space<vmem>>
    %dma_start3A_4 = tpu.memref_squeeze %dma_start3A_3 : memref<1x2x2x128xi32, #tpu.memory_space<vmem>> -> memref<2x2x128xi32, #tpu.memory_space<vmem>>
    %dma_start3A_5 = arith.constant 0 : i32
    %dma_start3A_6 = arith.constant 0 : i32
    %dma_start3A_7 = arith.constant 0 : i32
    %dma_start3A_8 = tpu.memref_slice %arg2[%arg0, %arg1, %dma_start3A_5, %dma_start3A_6, %dma_start3A_7] : memref<2x16x80x2x128xi32, #tpu.memory_space<hbm>> -> memref<1x1x2x2x128xi32, #tpu.memory_space<hbm>>
    %dma_start3A_9 = tpu.memref_squeeze %dma_start3A_8 : memref<1x1x2x2x128xi32, #tpu.memory_space<hbm>> -> memref<2x2x128xi32, #tpu.memory_space<hbm>>
    %dma_start3A_10 = arith.constant 0 : i32
    %dma_start3A_11 = arith.constant 0 : i32
    %dma_start3A_12 = arith.constant 0 : i32
    %dma_start3A_13 = tpu.memref_slice %arg8[%dma_start3A, %dma_start3A_10, %dma_start3A_11, %dma_start3A_12] : memref<4x2x2x128xi32, #tpu.memory_space<vmem>> -> memref<1x2x2x128xi32, #tpu.memory_space<vmem>>
    %dma_start3A_14 = tpu.memref_squeeze %dma_start3A_13 : memref<1x2x2x128xi32, #tpu.memory_space<vmem>> -> memref<2x2x128xi32, #tpu.memory_space<vmem>>
    %dma_start3A_15 = arith.constant 0 : i32
    %dma_start3A_16 = arith.constant 0 : i32
    %dma_start3A_17 = arith.constant 0 : i32
    %dma_start3A_18 = tpu.memref_slice %arg2[%arg0, %arg1, %dma_start3A_15, %dma_start3A_16, %dma_start3A_17] : memref<2x16x80x2x128xi32, #tpu.memory_space<hbm>> -> memref<1x1x2x2x128xi32, #tpu.memory_space<hbm>>
    %dma_start3A_19 = tpu.memref_squeeze %dma_start3A_18 : memref<1x1x2x2x128xi32, #tpu.memory_space<hbm>> -> memref<2x2x128xi32, #tpu.memory_space<hbm>>
    tpu.enqueue_dma source(%dma_start3A_19 : memref<2x2x128xi32, #tpu.memory_space<hbm>>) target(%dma_start3A_14 : memref<2x2x128xi32, #tpu.memory_space<vmem>>) target_semaphore(%arg13 : memref<!tpu.dma_semaphore, #tpu.memory_space<semaphore_mem>>)
    %dma_start3A_20 = arith.constant 1 : i32
    %dma_start3A_21 = arith.constant 0 : i32
    %dma_start3A_22 = arith.constant 0 : i32
    %dma_start3A_23 = arith.constant 0 : i32
    %dma_start3A_24 = tpu.memref_slice %arg8[%dma_start3A_20, %dma_start3A_21, %dma_start3A_22, %dma_start3A_23] : memref<4x2x2x128xi32, #tpu.memory_space<vmem>> -> memref<1x2x2x128xi32, #tpu.memory_space<vmem>>
    %dma_start3A_25 = tpu.memref_squeeze %dma_start3A_24 : memref<1x2x2x128xi32, #tpu.memory_space<vmem>> -> memref<2x2x128xi32, #tpu.memory_space<vmem>>
    %dma_start3A_26 = arith.constant 2 : i32
    %dma_start3A_27 = arith.constant 0 : i32
    %dma_start3A_28 = arith.constant 0 : i32
    %dma_start3A_29 = tpu.memref_slice %arg2[%arg0, %arg1, %dma_start3A_26, %dma_start3A_27, %dma_start3A_28] : memref<2x16x80x2x128xi32, #tpu.memory_space<hbm>> -> memref<1x1x2x2x128xi32, #tpu.memory_space<hbm>>
    %dma_start3A_30 = tpu.memref_squeeze %dma_start3A_29 : memref<1x1x2x2x128xi32, #tpu.memory_space<hbm>> -> memref<2x2x128xi32, #tpu.memory_space<hbm>>
    %dma_start3A_31 = arith.constant 0 : i32
    %dma_start3A_32 = arith.constant 0 : i32
    %dma_start3A_33 = arith.constant 0 : i32
    %dma_start3A_34 = tpu.memref_slice %arg8[%dma_start3A_20, %dma_start3A_31, %dma_start3A_32, %dma_start3A_33] : memref<4x2x2x128xi32, #tpu.memory_space<vmem>> -> memref<1x2x2x128xi32, #tpu.memory_space<vmem>>
    %dma_start3A_35 = tpu.memref_squeeze %dma_start3A_34 : memref<1x2x2x128xi32, #tpu.memory_space<vmem>> -> memref<2x2x128xi32, #tpu.memory_space<vmem>>
    %dma_start3A_36 = arith.constant 2 : i32
    %dma_start3A_37 = arith.constant 0 : i32
    %dma_start3A_38 = arith.constant 0 : i32
    %dma_start3A_39 = tpu.memref_slice %arg2[%arg0, %arg1, %dma_start3A_36, %dma_start3A_37, %dma_start3A_38] : memref<2x16x80x2x128xi32, #tpu.memory_space<hbm>> -> memref<1x1x2x2x128xi32, #tpu.memory_space<hbm>>
    %dma_start3A_40 = tpu.memref_squeeze %dma_start3A_39 : memref<1x1x2x2x128xi32, #tpu.memory_space<hbm>> -> memref<2x2x128xi32, #tpu.memory_space<hbm>>
    tpu.enqueue_dma source(%dma_start3A_40 : memref<2x2x128xi32, #tpu.memory_space<hbm>>) target(%dma_start3A_35 : memref<2x2x128xi32, #tpu.memory_space<vmem>>) target_semaphore(%arg13 : memref<!tpu.dma_semaphore, #tpu.memory_space<semaphore_mem>>)
    %dma_start3A_41 = arith.constant 2 : i32
    %dma_start3A_42 = arith.constant 0 : i32
    %dma_start3A_43 = arith.constant 0 : i32
    %dma_start3A_44 = arith.constant 0 : i32
    %dma_start3A_45 = tpu.memref_slice %arg8[%dma_start3A_41, %dma_start3A_42, %dma_start3A_43, %dma_start3A_44] : memref<4x2x2x128xi32, #tpu.memory_space<vmem>> -> memref<1x2x2x128xi32, #tpu.memory_space<vmem>>
    %dma_start3A_46 = tpu.memref_squeeze %dma_start3A_45 : memref<1x2x2x128xi32, #tpu.memory_space<vmem>> -> memref<2x2x128xi32, #tpu.memory_space<vmem>>
    %dma_start3A_47 = arith.constant 4 : i32
    %dma_start3A_48 = arith.constant 0 : i32
    %dma_start3A_49 = arith.constant 0 : i32
    %dma_start3A_50 = tpu.memref_slice %arg2[%arg0, %arg1, %dma_start3A_47, %dma_start3A_48, %dma_start3A_49] : memref<2x16x80x2x128xi32, #tpu.memory_space<hbm>> -> memref<1x1x2x2x128xi32, #tpu.memory_space<hbm>>
    %dma_start3A_51 = tpu.memref_squeeze %dma_start3A_50 : memref<1x1x2x2x128xi32, #tpu.memory_space<hbm>> -> memref<2x2x128xi32, #tpu.memory_space<hbm>>
    %dma_start3A_52 = arith.constant 0 : i32
    %dma_start3A_53 = arith.constant 0 : i32
    %dma_start3A_54 = arith.constant 0 : i32
    %dma_start3A_55 = tpu.memref_slice %arg8[%dma_start3A_41, %dma_start3A_52, %dma_start3A_53, %dma_start3A_54] : memref<4x2x2x128xi32, #tpu.memory_space<vmem>> -> memref<1x2x2x128xi32, #tpu.memory_space<vmem>>
    %dma_start3A_56 = tpu.memref_squeeze %dma_start3A_55 : memref<1x2x2x128xi32, #tpu.memory_space<vmem>> -> memref<2x2x128xi32, #tpu.memory_space<vmem>>
    %dma_start3A_57 = arith.constant 4 : i32
    %dma_start3A_58 = arith.constant 0 : i32
    %dma_start3A_59 = arith.constant 0 : i32
    %dma_start3A_60 = tpu.memref_slice %arg2[%arg0, %arg1, %dma_start3A_57, %dma_start3A_58, %dma_start3A_59] : memref<2x16x80x2x128xi32, #tpu.memory_space<hbm>> -> memref<1x1x2x2x128xi32, #tpu.memory_space<hbm>>
    %dma_start3A_61 = tpu.memref_squeeze %dma_start3A_60 : memref<1x1x2x2x128xi32, #tpu.memory_space<hbm>> -> memref<2x2x128xi32, #tpu.memory_space<hbm>>
    tpu.enqueue_dma source(%dma_start3A_61 : memref<2x2x128xi32, #tpu.memory_space<hbm>>) target(%dma_start3A_56 : memref<2x2x128xi32, #tpu.memory_space<vmem>>) target_semaphore(%arg13 : memref<!tpu.dma_semaphore, #tpu.memory_space<semaphore_mem>>)
    %dma_start3A_62 = arith.constant 3 : i32
    %dma_start3A_63 = arith.constant 0 : i32
    %dma_start3A_64 = arith.constant 0 : i32
    %dma_start3A_65 = arith.constant 0 : i32
    %dma_start3A_66 = tpu.memref_slice %arg8[%dma_start3A_62, %dma_start3A_63, %dma_start3A_64, %dma_start3A_65] : memref<4x2x2x128xi32, #tpu.memory_space<vmem>> -> memref<1x2x2x128xi32, #tpu.memory_space<vmem>>
    %dma_start3A_67 = tpu.memref_squeeze %dma_start3A_66 : memref<1x2x2x128xi32, #tpu.memory_space<vmem>> -> memref<2x2x128xi32, #tpu.memory_space<vmem>>
    %dma_start3A_68 = arith.constant 6 : i32
    %dma_start3A_69 = arith.constant 0 : i32
    %dma_start3A_70 = arith.constant 0 : i32
    %dma_start3A_71 = tpu.memref_slice %arg2[%arg0, %arg1, %dma_start3A_68, %dma_start3A_69, %dma_start3A_70] : memref<2x16x80x2x128xi32, #tpu.memory_space<hbm>> -> memref<1x1x2x2x128xi32, #tpu.memory_space<hbm>>
    %dma_start3A_72 = tpu.memref_squeeze %dma_start3A_71 : memref<1x1x2x2x128xi32, #tpu.memory_space<hbm>> -> memref<2x2x128xi32, #tpu.memory_space<hbm>>
    %dma_start3A_73 = arith.constant 0 : i32
    %dma_start3A_74 = arith.constant 0 : i32
    %dma_start3A_75 = arith.constant 0 : i32
    %dma_start3A_76 = tpu.memref_slice %arg8[%dma_start3A_62, %dma_start3A_73, %dma_start3A_74, %dma_start3A_75] : memref<4x2x2x128xi32, #tpu.memory_space<vmem>> -> memref<1x2x2x128xi32, #tpu.memory_space<vmem>>
    %dma_start3A_77 = tpu.memref_squeeze %dma_start3A_76 : memref<1x2x2x128xi32, #tpu.memory_space<vmem>> -> memref<2x2x128xi32, #tpu.memory_space<vmem>>
    %dma_start3A_78 = arith.constant 6 : i32
    %dma_start3A_79 = arith.constant 0 : i32
    %dma_start3A_80 = arith.constant 0 : i32
    %dma_start3A_81 = tpu.memref_slice %arg2[%arg0, %arg1, %dma_start3A_78, %dma_start3A_79, %dma_start3A_80] : memref<2x16x80x2x128xi32, #tpu.memory_space<hbm>> -> memref<1x1x2x2x128xi32, #tpu.memory_space<hbm>>
    %dma_start3A_82 = tpu.memref_squeeze %dma_start3A_81 : memref<1x1x2x2x128xi32, #tpu.memory_space<hbm>> -> memref<2x2x128xi32, #tpu.memory_space<hbm>>
    tpu.enqueue_dma source(%dma_start3A_82 : memref<2x2x128xi32, #tpu.memory_space<hbm>>) target(%dma_start3A_77 : memref<2x2x128xi32, #tpu.memory_space<vmem>>) target_semaphore(%arg13 : memref<!tpu.dma_semaphore, #tpu.memory_space<semaphore_mem>>)
    %mul3A = arith.constant 640 : i32
    %mul3A_83 = arith.muli %arg1, %mul3A : i32
    %dma_start3A_84 = arith.constant 0 : i32
    %dma_start3A_85 = tpu.memref_slice %arg11[%mul3A_83, %dma_start3A_84] : memref<10240x128xf32, #tpu.memory_space<vmem_shared>> -> memref<640x128xf32, #tpu.memory_space<vmem_shared>>
    tpu.enqueue_dma source(%arg4 : memref<640x128xf32, #tpu.memory_space<hbm>>) target(%dma_start3A_85 : memref<640x128xf32, #tpu.memory_space<vmem_shared>>) target_semaphore(%arg15 : memref<!tpu.dma_semaphore, #tpu.memory_space<semaphore_mem>>)
    %mul3A_86 = arith.constant 640 : i32
    %mul3A_87 = arith.muli %arg1, %mul3A_86 : i32
    %dma_start3A_88 = tpu.memref_slice %arg12[%mul3A_87] : memref<10240xf32, #tpu.memory_space<vmem_shared>> -> memref<640xf32, #tpu.memory_space<vmem_shared>>
    tpu.enqueue_dma source(%arg5 : memref<640xf32, #tpu.memory_space<hbm>>) target(%dma_start3A_88 : memref<640xf32, #tpu.memory_space<vmem_shared>>) target_semaphore(%arg16 : memref<!tpu.dma_semaphore, #tpu.memory_space<semaphore_mem>>)
    %broadcast_in_dim3A = arith.constant 1.000000e+00 : f32
    %broadcast_in_dim3A_89 = vector.broadcast %broadcast_in_dim3A : f32 to vector<16xf32>
    %swap3A = arith.constant 0 : index
    %swap3A_90 = tpu.vector_load %arg10[%swap3A] {strides = array<i32>} : memref<128xf32, #tpu.memory_space<vmem>>, vector<16xf32>,
    %swap3A_91 = vector.shape_cast %swap3A_90 : vector<16xf32> to vector<16xf32>
    %swap3A_92 = vector.shape_cast %broadcast_in_dim3A_89 : vector<16xf32> to vector<16xf32>
    tpu.vector_store %arg10[%swap3A], %swap3A_92 {strides = array<i32>} : memref<128xf32, #tpu.memory_space<vmem>>, vector<16xf32>,
    %broadcast_in_dim3A_93 = arith.constant 1.000000e+00 : f32
    %broadcast_in_dim3A_94 = vector.broadcast %broadcast_in_dim3A_93 : f32 to vector<16xf32>
    %swap3A_95 = arith.constant 16 : index
    %swap3A_96 = tpu.vector_load %arg10[%swap3A_95] {strides = array<i32>} : memref<128xf32, #tpu.memory_space<vmem>>, vector<16xf32>,
    %swap3A_97 = vector.shape_cast %swap3A_96 : vector<16xf32> to vector<16xf32>
    %swap3A_98 = vector.shape_cast %broadcast_in_dim3A_94 : vector<16xf32> to vector<16xf32>
    tpu.vector_store %arg10[%swap3A_95], %swap3A_98 {strides = array<i32>} : memref<128xf32, #tpu.memory_space<vmem>>, vector<16xf32>,
    %broadcast_in_dim3A_99 = arith.constant 1.000000e+00 : f32
    %broadcast_in_dim3A_100 = vector.broadcast %broadcast_in_dim3A_99 : f32 to vector<16xf32>
    %swap3A_101 = arith.constant 32 : index
    %swap3A_102 = tpu.vector_load %arg10[%swap3A_101] {strides = array<i32>} : memref<128xf32, #tpu.memory_space<vmem>>, vector<16xf32>,
    %swap3A_103 = vector.shape_cast %swap3A_102 : vector<16xf32> to vector<16xf32>
    %swap3A_104 = vector.shape_cast %broadcast_in_dim3A_100 : vector<16xf32> to vector<16xf32>
    tpu.vector_store %arg10[%swap3A_101], %swap3A_104 {strides = array<i32>} : memref<128xf32, #tpu.memory_space<vmem>>, vector<16xf32>,
    %broadcast_in_dim3A_105 = arith.constant 1.000000e+00 : f32
    %broadcast_in_dim3A_106 = vector.broadcast %broadcast_in_dim3A_105 : f32 to vector<16xf32>
    %swap3A_107 = arith.constant 48 : index
    %swap3A_108 = tpu.vector_load %arg10[%swap3A_107] {strides = array<i32>} : memref<128xf32, #tpu.memory_space<vmem>>, vector<16xf32>,
    %swap3A_109 = vector.shape_cast %swap3A_108 : vector<16xf32> to vector<16xf32>
    %swap3A_110 = vector.shape_cast %broadcast_in_dim3A_106 : vector<16xf32> to vector<16xf32>
    tpu.vector_store %arg10[%swap3A_107], %swap3A_110 {strides = array<i32>} : memref<128xf32, #tpu.memory_space<vmem>>, vector<16xf32>,
    %broadcast_in_dim3A_111 = arith.constant 1.000000e+00 : f32
    %broadcast_in_dim3A_112 = vector.broadcast %broadcast_in_dim3A_111 : f32 to vector<16xf32>
    %swap3A_113 = arith.constant 64 : index
    %swap3A_114 = tpu.vector_load %arg10[%swap3A_113] {strides = array<i32>} : memref<128xf32, #tpu.memory_space<vmem>>, vector<16xf32>,
    %swap3A_115 = vector.shape_cast %swap3A_114 : vector<16xf32> to vector<16xf32>
    %swap3A_116 = vector.shape_cast %broadcast_in_dim3A_112 : vector<16xf32> to vector<16xf32>
    tpu.vector_store %arg10[%swap3A_113], %swap3A_116 {strides = array<i32>} : memref<128xf32, #tpu.memory_space<vmem>>, vector<16xf32>,
    %broadcast_in_dim3A_117 = arith.constant 1.000000e+00 : f32
    %broadcast_in_dim3A_118 = vector.broadcast %broadcast_in_dim3A_117 : f32 to vector<16xf32>
    %swap3A_119 = arith.constant 80 : index
    %swap3A_120 = tpu.vector_load %arg10[%swap3A_119] {strides = array<i32>} : memref<128xf32, #tpu.memory_space<vmem>>, vector<16xf32>,
    %swap3A_121 = vector.shape_cast %swap3A_120 : vector<16xf32> to vector<16xf32>
    %swap3A_122 = vector.shape_cast %broadcast_in_dim3A_118 : vector<16xf32> to vector<16xf32>
    tpu.vector_store %arg10[%swap3A_119], %swap3A_122 {strides = array<i32>} : memref<128xf32, #tpu.memory_space<vmem>>, vector<16xf32>,
    %broadcast_in_dim3A_123 = arith.constant 1.000000e+00 : f32
    %broadcast_in_dim3A_124 = vector.broadcast %broadcast_in_dim3A_123 : f32 to vector<16xf32>
    %swap3A_125 = arith.constant 96 : index
    %swap3A_126 = tpu.vector_load %arg10[%swap3A_125] {strides = array<i32>} : memref<128xf32, #tpu.memory_space<vmem>>, vector<16xf32>,
    %swap3A_127 = vector.shape_cast %swap3A_126 : vector<16xf32> to vector<16xf32>
    %swap3A_128 = vector.shape_cast %broadcast_in_dim3A_124 : vector<16xf32> to vector<16xf32>
    tpu.vector_store %arg10[%swap3A_125], %swap3A_128 {strides = array<i32>} : memref<128xf32, #tpu.memory_space<vmem>>, vector<16xf32>,
    %broadcast_in_dim3A_129 = arith.constant 1.000000e+00 : f32
    %broadcast_in_dim3A_130 = vector.broadcast %broadcast_in_dim3A_129 : f32 to vector<16xf32>
    %swap3A_131 = arith.constant 112 : index
    %swap3A_132 = tpu.vector_load %arg10[%swap3A_131] {strides = array<i32>} : memref<128xf32, #tpu.memory_space<vmem>>, vector<16xf32>,
    %swap3A_133 = vector.shape_cast %swap3A_132 : vector<16xf32> to vector<16xf32>
    %swap3A_134 = vector.shape_cast %broadcast_in_dim3A_130 : vector<16xf32> to vector<16xf32>
    tpu.vector_store %arg10[%swap3A_131], %swap3A_134 {strides = array<i32>} : memref<128xf32, #tpu.memory_space<vmem>>, vector<16xf32>,
    %dma_wait3A = tpu.memref_slice %arg12[%mul3A_87] : memref<10240xf32, #tpu.memory_space<vmem_shared>> -> memref<640xf32, #tpu.memory_space<vmem_shared>>
    tpu.wait_dma2 semaphore(%arg16 : memref<!tpu.dma_semaphore, #tpu.memory_space<semaphore_mem>>) src(%arg5 : memref<640xf32, #tpu.memory_space<hbm>>) dst(%dma_wait3A : memref<640xf32, #tpu.memory_space<vmem_shared>>)
    %dma_wait3A_135 = arith.constant 0 : i32
    %dma_wait3A_136 = tpu.memref_slice %arg11[%mul3A_83, %dma_wait3A_135] : memref<10240x128xf32, #tpu.memory_space<vmem_shared>> -> memref<640x128xf32, #tpu.memory_space<vmem_shared>>
    tpu.wait_dma2 semaphore(%arg15 : memref<!tpu.dma_semaphore, #tpu.memory_space<semaphore_mem>>) src(%arg4 : memref<640x128xf32, #tpu.memory_space<hbm>>) dst(%dma_wait3A_136 : memref<640x128xf32, #tpu.memory_space<vmem_shared>>)
    %dma_wait3A_137 = arith.constant 0 : i32
    %dma_wait3A_138 = arith.constant 0 : i32
    %dma_wait3A_139 = arith.constant 0 : i32
    %dma_wait3A_140 = arith.constant 0 : i32
    %dma_wait3A_141 = arith.constant 0 : i32
    %dma_wait3A_142 = arith.constant 0 : i32
    %dma_wait3A_143 = tpu.memref_slice %arg8[%dma_wait3A_139, %dma_wait3A_140, %dma_wait3A_141, %dma_wait3A_142] : memref<4x2x2x128xi32, #tpu.memory_space<vmem>> -> memref<1x2x2x128xi32, #tpu.memory_space<vmem>>
    %dma_wait3A_144 = tpu.memref_squeeze %dma_wait3A_143 : memref<1x2x2x128xi32, #tpu.memory_space<vmem>> -> memref<2x2x128xi32, #tpu.memory_space<vmem>>
    %dma_wait3A_145 = arith.constant 0 : i32
    %dma_wait3A_146 = arith.constant 0 : i32
    %dma_wait3A_147 = arith.constant 0 : i32
    %dma_wait3A_148 = tpu.memref_slice %arg2[%dma_wait3A_137, %dma_wait3A_138, %dma_wait3A_145, %dma_wait3A_146, %dma_wait3A_147] : memref<2x16x80x2x128xi32, #tpu.memory_space<hbm>> -> memref<1x1x2x2x128xi32, #tpu.memory_space<hbm>>
    %dma_wait3A_149 = tpu.memref_squeeze %dma_wait3A_148 : memref<1x1x2x2x128xi32, #tpu.memory_space<hbm>> -> memref<2x2x128xi32, #tpu.memory_space<hbm>>
    %dma_wait3A_150 = arith.constant 0 : i32
    %dma_wait3A_151 = arith.constant 0 : i32
    %dma_wait3A_152 = arith.constant 0 : i32
    %dma_wait3A_153 = tpu.memref_slice %arg8[%dma_wait3A_139, %dma_wait3A_150, %dma_wait3A_151, %dma_wait3A_152] : memref<4x2x2x128xi32, #tpu.memory_space<vmem>> -> memref<1x2x2x128xi32, #tpu.memory_space<vmem>>
    %dma_wait3A_154 = tpu.memref_squeeze %dma_wait3A_153 : memref<1x2x2x128xi32, #tpu.memory_space<vmem>> -> memref<2x2x128xi32, #tpu.memory_space<vmem>>
    %dma_wait3A_155 = arith.constant 0 : i32
    %dma_wait3A_156 = arith.constant 0 : i32
    %dma_wait3A_157 = arith.constant 0 : i32
    %dma_wait3A_158 = tpu.memref_slice %arg2[%dma_wait3A_137, %dma_wait3A_138, %dma_wait3A_155, %dma_wait3A_156, %dma_wait3A_157] : memref<2x16x80x2x128xi32, #tpu.memory_space<hbm>> -> memref<1x1x2x2x128xi32, #tpu.memory_space<hbm>>
    %dma_wait3A_159 = tpu.memref_squeeze %dma_wait3A_158 : memref<1x1x2x2x128xi32, #tpu.memory_space<hbm>> -> memref<2x2x128xi32, #tpu.memory_space<hbm>>
    tpu.wait_dma2 semaphore(%arg13 : memref<!tpu.dma_semaphore, #tpu.memory_space<semaphore_mem>>) src(%dma_wait3A_159 : memref<2x2x128xi32, #tpu.memory_space<hbm>>) dst(%dma_wait3A_154 : memref<2x2x128xi32, #tpu.memory_space<vmem>>)
    %mul3A_160 = arith.constant 128 : i32
    %mul3A_161 = arith.muli %arg0, %mul3A_160 : i32
    %dma_start3A_162 = arith.constant 0 : i32
    %dma_start3A_163 = arith.constant 0 : i32
    %dma_start3A_164 = arith.constant 0 : i32
    %dma_start3A_165 = arith.constant 0 : i32
    %dma_start3A_166 = arith.constant 0 : i32
    %dma_start3A_167 = arith.constant 0 : i32
    %dma_start3A_168 = tpu.memref_slice %arg9[%dma_start3A_165, %dma_start3A_166, %dma_start3A_167] : memref<2x128x128xf32, #tpu.memory_space<vmem>> -> memref<1x128x128xf32, #tpu.memory_space<vmem>>
    %dma_start3A_169 = tpu.memref_squeeze %dma_start3A_168 : memref<1x128x128xf32, #tpu.memory_space<vmem>> -> memref<128x128xf32, #tpu.memory_space<vmem>>
    %dma_start3A_170 = arith.constant 0 : i32
    %dma_start3A_171 = tpu.memref_slice %arg8[%dma_start3A_162, %dma_start3A_163, %dma_start3A_164, %dma_start3A_170] : memref<4x2x2x128xi32, #tpu.memory_space<vmem>> -> memref<1x1x1x128xi32, #tpu.memory_space<vmem>>
    %dma_start3A_172 = tpu.memref_squeeze %dma_start3A_171 : memref<1x1x1x128xi32, #tpu.memory_space<vmem>> -> memref<128xi32, #tpu.memory_space<vmem>>
    %dma_start3A_173 = arith.constant 0 : i32
    %dma_start3A_174 = tpu.memref_slice %arg3[%dma_start3A_173, %mul3A_161] : memref<10000x256xf32, #tpu.memory_space<hbm>> -> memref<10000x128xf32, #tpu.memory_space<hbm>>
    tpu.enqueue_indirect_dma source(%dma_start3A_174 : memref<10000x128xf32, #tpu.memory_space<hbm>>) target(%dma_start3A_169 : memref<128x128xf32, #tpu.memory_space<vmem>>) offsets(%dma_start3A_172 : memref<128xi32, #tpu.memory_space<vmem>>) semaphore(%arg14 : memref<!tpu.dma_semaphore, #tpu.memory_space<semaphore_mem>>)
    %mul3A_175 = arith.constant 128 : i32
    %mul3A_176 = arith.muli %arg0, %mul3A_175 : i32
    %dma_start3A_177 = arith.constant 0 : i32
    %dma_start3A_178 = arith.constant 1 : i32
    %dma_start3A_179 = arith.constant 0 : i32
    %dma_start3A_180 = arith.constant 1 : i32
    %dma_start3A_181 = arith.constant 0 : i32
    %dma_start3A_182 = arith.constant 0 : i32
    %dma_start3A_183 = tpu.memref_slice %arg9[%dma_start3A_180, %dma_start3A_181, %dma_start3A_182] : memref<2x128x128xf32, #tpu.memory_space<vmem>> -> memref<1x128x128xf32, #tpu.memory_space<vmem>>
    %dma_start3A_184 = tpu.memref_squeeze %dma_start3A_183 : memref<1x128x128xf32, #tpu.memory_space<vmem>> -> memref<128x128xf32, #tpu.memory_space<vmem>>
    %dma_start3A_185 = arith.constant 0 : i32
    %dma_start3A_186 = tpu.memref_slice %arg8[%dma_start3A_177, %dma_start3A_178, %dma_start3A_179, %dma_start3A_185] : memref<4x2x2x128xi32, #tpu.memory_space<vmem>> -> memref<1x1x1x128xi32, #tpu.memory_space<vmem>>
    %dma_start3A_187 = tpu.memref_squeeze %dma_start3A_186 : memref<1x1x1x128xi32, #tpu.memory_space<vmem>> -> memref<128xi32, #tpu.memory_space<vmem>>
    %dma_start3A_188 = arith.constant 0 : i32
    %dma_start3A_189 = tpu.memref_slice %arg3[%dma_start3A_188, %mul3A_176] : memref<10000x256xf32, #tpu.memory_space<hbm>> -> memref<10000x128xf32, #tpu.memory_space<hbm>>
    tpu.enqueue_indirect_dma source(%dma_start3A_189 : memref<10000x128xf32, #tpu.memory_space<hbm>>) target(%dma_start3A_184 : memref<128x128xf32, #tpu.memory_space<vmem>>) offsets(%dma_start3A_187 : memref<128xi32, #tpu.memory_space<vmem>>) semaphore(%arg14 : memref<!tpu.dma_semaphore, #tpu.memory_space<semaphore_mem>>)
    %barrier3A = arith.constant 0 : index
    tpu.barrier barrier_id(%barrier3A)
    %scan3A = arith.constant 0 : i32
    %scan3A_190 = arith.constant 0 : i32
    %scan3A_191 = arith.constant 39 : i32
    %scan3A_192 = arith.addi %scan3A_190, %scan3A_191 : i32
    %scan3A_193 = arith.constant 1 : i32
    scf.for %scan3A_315 = %scan3A_190 to %scan3A_192 step %scan3A_193  : i32 {
      %jit3A = arith.constant 4 : i32
      %eq3A_316 = arith.constant 0 : i32
      %eq3A_317 = arith.cmpi eq, %jit3A, %eq3A_316 : i32
      %jit3A_318 = arith.constant 1 : i32
      %select_n3A = arith.select %eq3A_317, %jit3A_318, %jit3A : i32
      %rem3A = arith.remsi %scan3A_315, %select_n3A : i32
      %ne3A = arith.constant 0 : i32
      %ne3A_319 = arith.cmpi ne, %rem3A, %ne3A : i32
      %lt3A = arith.constant 0 : i32
      %lt3A_320 = arith.cmpi slt, %rem3A, %lt3A : i32
      %lt3A_321 = arith.constant 0 : i32
      %lt3A_322 = arith.cmpi slt, %select_n3A, %lt3A_321 : i32
      %ne3A_323 = arith.xori %lt3A_320, %lt3A_322 : i1
      %and3A_324 = arith.andi %ne3A_323, %ne3A_319 : i1
      %add3A_325 = arith.addi %rem3A, %select_n3A : i32
      %select_n3A_326 = arith.select %and3A_324, %add3A_325, %rem3A : i32
      %mul3A_327 = arith.constant 2 : i32
      %mul3A_328 = arith.muli %mul3A_327, %scan3A_315 : i32
      %add3A_329 = arith.constant 0 : i32
      %add3A_330 = arith.addi %mul3A_328, %add3A_329 : i32
      %dma_wait3A_331 = arith.constant 0 : i32
      %dma_wait3A_332 = arith.constant 0 : i32
      %dma_wait3A_333 = arith.constant 0 : i32
      %dma_wait3A_334 = tpu.memref_slice %arg9[%dma_wait3A_331, %dma_wait3A_332, %dma_wait3A_333] : memref<2x128x128xf32, #tpu.memory_space<vmem>> -> memref<1x128x128xf32, #tpu.memory_space<vmem>>
      %dma_wait3A_335 = tpu.memref_squeeze %dma_wait3A_334 : memref<1x128x128xf32, #tpu.memory_space<vmem>> -> memref<128x128xf32, #tpu.memory_space<vmem>>
      %dma_wait3A_336 = arith.constant 0 : i32
      %dma_wait3A_337 = arith.constant 0 : i32
      %dma_wait3A_338 = tpu.memref_slice %arg3[%dma_wait3A_336, %dma_wait3A_337] : memref<10000x256xf32, #tpu.memory_space<hbm>> -> memref<128x128xf32, #tpu.memory_space<hbm>>
      %dma_wait3A_339 = arith.constant 0 : i32
      %dma_wait3A_340 = arith.constant 0 : i32
      %dma_wait3A_341 = tpu.memref_slice %arg9[%dma_wait3A_331, %dma_wait3A_339, %dma_wait3A_340] : memref<2x128x128xf32, #tpu.memory_space<vmem>> -> memref<1x128x128xf32, #tpu.memory_space<vmem>>
      %dma_wait3A_342 = tpu.memref_squeeze %dma_wait3A_341 : memref<1x128x128xf32, #tpu.memory_space<vmem>> -> memref<128x128xf32, #tpu.memory_space<vmem>>
      %dma_wait3A_343 = arith.constant 0 : i32
      %dma_wait3A_344 = arith.constant 0 : i32
      %dma_wait3A_345 = tpu.memref_slice %arg3[%dma_wait3A_343, %dma_wait3A_344] : memref<10000x256xf32, #tpu.memory_space<hbm>> -> memref<128x128xf32, #tpu.memory_space<hbm>>
      tpu.wait_dma2 semaphore(%arg14 : memref<!tpu.dma_semaphore, #tpu.memory_space<semaphore_mem>>) src(%dma_wait3A_345 : memref<128x128xf32, #tpu.memory_space<hbm>>) dst(%dma_wait3A_342 : memref<128x128xf32, #tpu.memory_space<vmem>>)
      %dma_start3A_346 = arith.constant 0 : i32
      %dma_start3A_347 = arith.constant 0 : i32
      %dma_start3A_348 = arith.constant 1 : i32
      %dma_start3A_349 = arith.constant 0 : i32
      %dma_start3A_350 = arith.constant 0 : i32
      %dma_start3A_351 = tpu.memref_slice %arg9[%dma_start3A_346, %dma_start3A_349, %dma_start3A_350] : memref<2x128x128xf32, #tpu.memory_space<vmem>> -> memref<1x128x128xf32, #tpu.memory_space<vmem>>
      %dma_start3A_352 = tpu.memref_squeeze %dma_start3A_351 : memref<1x128x128xf32, #tpu.memory_space<vmem>> -> memref<128x128xf32, #tpu.memory_space<vmem>>
      %dma_start3A_353 = arith.constant 0 : i32
      %dma_start3A_354 = tpu.memref_slice %arg8[%select_n3A_326, %dma_start3A_347, %dma_start3A_348, %dma_start3A_353] : memref<4x2x2x128xi32, #tpu.memory_space<vmem>> -> memref<1x1x1x128xi32, #tpu.memory_space<vmem>>
      %dma_start3A_355 = tpu.memref_squeeze %dma_start3A_354 : memref<1x1x1x128xi32, #tpu.memory_space<vmem>> -> memref<128xi32, #tpu.memory_space<vmem>>
      %dma_start3A_356 = arith.constant 0 : i32
      %dma_start3A_357 = arith.constant 0 : i32
      %dma_start3A_358 = tpu.memref_slice %arg11[%dma_start3A_356, %dma_start3A_357] : memref<10240x128xf32, #tpu.memory_space<vmem_shared>> -> memref<10240x128xf32, #tpu.memory_space<vmem_shared>>
      tpu.enqueue_indirect_dma source(%dma_start3A_352 : memref<128x128xf32, #tpu.memory_space<vmem>>) target(%dma_start3A_358 : memref<10240x128xf32, #tpu.memory_space<vmem_shared>>) offsets(%dma_start3A_355 : memref<128xi32, #tpu.memory_space<vmem>>) semaphore(%arg15 : memref<!tpu.dma_semaphore, #tpu.memory_space<semaphore_mem>>) {add = true}
      %mul3A_359 = arith.constant 40 : i32
      %mul3A_360 = arith.muli %arg0, %mul3A_359 : i32
      %ge3A = arith.cmpi sge, %add3A_330, %mul3A_360 : i32
      %add3A_361 = arith.constant 1 : i32
      %add3A_362 = arith.addi %arg0, %add3A_361 : i32
      %mul3A_363 = arith.constant 40 : i32
      %mul3A_364 = arith.muli %add3A_362, %mul3A_363 : i32
      %lt3A_365 = arith.cmpi slt, %add3A_330, %mul3A_364 : i32
      %and3A_366 = arith.andi %ge3A, %lt3A_365 : i1
      %convert_element_type3A_367 = arith.extui %and3A_366 : i1 to i32
      %cond3A_368 = arith.constant 0 : i32
      %cond3A_369 = arith.cmpi ne, %convert_element_type3A_367, %cond3A_368 : i32
      scf.if %cond3A_369 {
        %dma_start3A_560 = arith.constant 0 : i32
        %dma_start3A_561 = arith.constant 1 : i32
        %dma_start3A_562 = arith.constant 0 : i32
        %dma_start3A_563 = tpu.memref_slice %arg8[%select_n3A_326, %dma_start3A_560, %dma_start3A_561, %dma_start3A_562] : memref<4x2x2x128xi32, #tpu.memory_space<vmem>> -> memref<1x1x1x128xi32, #tpu.memory_space<vmem>>
        %dma_start3A_564 = tpu.memref_squeeze %dma_start3A_563 : memref<1x1x1x128xi32, #tpu.memory_space<vmem>> -> memref<128xi32, #tpu.memory_space<vmem>>
        %dma_start3A_565 = arith.constant 0 : i32
        %dma_start3A_566 = tpu.memref_slice %arg12[%dma_start3A_565] : memref<10240xf32, #tpu.memory_space<vmem_shared>> -> memref<10240xf32, #tpu.memory_space<vmem_shared>>
        tpu.enqueue_indirect_dma source(%arg10 : memref<128xf32, #tpu.memory_space<vmem>>) target(%dma_start3A_566 : memref<10240xf32, #tpu.memory_space<vmem_shared>>) offsets(%dma_start3A_564 : memref<128xi32, #tpu.memory_space<vmem>>) semaphore(%arg16 : memref<!tpu.dma_semaphore, #tpu.memory_space<semaphore_mem>>) {add = true}
      } else {
      }
      %dma_wait3A_370 = arith.constant 0 : i32
      %dma_wait3A_371 = arith.constant 0 : i32
      %dma_wait3A_372 = arith.constant 0 : i32
      %dma_wait3A_373 = tpu.memref_slice %arg9[%dma_wait3A_370, %dma_wait3A_371, %dma_wait3A_372] : memref<2x128x128xf32, #tpu.memory_space<vmem>> -> memref<1x128x128xf32, #tpu.memory_space<vmem>>
      %dma_wait3A_374 = tpu.memref_squeeze %dma_wait3A_373 : memref<1x128x128xf32, #tpu.memory_space<vmem>> -> memref<128x128xf32, #tpu.memory_space<vmem>>
      %dma_wait3A_375 = arith.constant 0 : i32
      %dma_wait3A_376 = arith.constant 0 : i32
      %dma_wait3A_377 = tpu.memref_slice %arg3[%dma_wait3A_375, %dma_wait3A_376] : memref<10000x256xf32, #tpu.memory_space<hbm>> -> memref<128x128xf32, #tpu.memory_space<hbm>>
      %dma_wait3A_378 = arith.constant 0 : i32
      %dma_wait3A_379 = arith.constant 0 : i32
      %dma_wait3A_380 = tpu.memref_slice %arg9[%dma_wait3A_370, %dma_wait3A_378, %dma_wait3A_379] : memref<2x128x128xf32, #tpu.memory_space<vmem>> -> memref<1x128x128xf32, #tpu.memory_space<vmem>>
      %dma_wait3A_381 = tpu.memref_squeeze %dma_wait3A_380 : memref<1x128x128xf32, #tpu.memory_space<vmem>> -> memref<128x128xf32, #tpu.memory_space<vmem>>
      %dma_wait3A_382 = arith.constant 0 : i32
      %dma_wait3A_383 = arith.constant 0 : i32
      %dma_wait3A_384 = tpu.memref_slice %arg3[%dma_wait3A_382, %dma_wait3A_383] : memref<10000x256xf32, #tpu.memory_space<hbm>> -> memref<128x128xf32, #tpu.memory_space<hbm>>
      tpu.wait_dma2 semaphore(%arg15 : memref<!tpu.dma_semaphore, #tpu.memory_space<semaphore_mem>>) src(%dma_wait3A_384 : memref<128x128xf32, #tpu.memory_space<hbm>>) dst(%dma_wait3A_381 : memref<128x128xf32, #tpu.memory_space<vmem>>)
      %convert_element_type3A_385 = arith.extui %and3A_366 : i1 to i32
      %cond3A_386 = arith.constant 0 : i32
      %cond3A_387 = arith.cmpi ne, %convert_element_type3A_385, %cond3A_386 : i32
      scf.if %cond3A_387 {
        %dma_wait3A_560 = arith.constant 0 : i32
        %dma_wait3A_561 = arith.constant 0 : i32
        %dma_wait3A_562 = tpu.memref_slice %arg3[%dma_wait3A_560, %dma_wait3A_561] : memref<10000x256xf32, #tpu.memory_space<hbm>> -> memref<1x128xf32, #tpu.memory_space<hbm>>
        %dma_wait3A_563 = tpu.memref_squeeze %dma_wait3A_562 : memref<1x128xf32, #tpu.memory_space<hbm>> -> memref<128xf32, #tpu.memory_space<hbm>>
        %dma_wait3A_564 = arith.constant 0 : i32
        %dma_wait3A_565 = tpu.memref_slice %arg3[%dma_wait3A_560, %dma_wait3A_564] : memref<10000x256xf32, #tpu.memory_space<hbm>> -> memref<1x128xf32, #tpu.memory_space<hbm>>
        %dma_wait3A_566 = tpu.memref_squeeze %dma_wait3A_565 : memref<1x128xf32, #tpu.memory_space<hbm>> -> memref<128xf32, #tpu.memory_space<hbm>>
        tpu.wait_dma2 semaphore(%arg16 : memref<!tpu.dma_semaphore, #tpu.memory_space<semaphore_mem>>) src(%dma_wait3A_566 : memref<128xf32, #tpu.memory_space<hbm>>) dst(%arg10 : memref<128xf32, #tpu.memory_space<vmem>>)
      } else {
      }
      %dma_wait3A_388 = arith.constant 0 : i32
      %dma_wait3A_389 = arith.constant 0 : i32
      %dma_wait3A_390 = arith.constant 0 : i32
      %dma_wait3A_391 = arith.constant 0 : i32
      %dma_wait3A_392 = arith.constant 0 : i32
      %dma_wait3A_393 = arith.constant 0 : i32
      %dma_wait3A_394 = tpu.memref_slice %arg8[%dma_wait3A_390, %dma_wait3A_391, %dma_wait3A_392, %dma_wait3A_393] : memref<4x2x2x128xi32, #tpu.memory_space<vmem>> -> memref<1x2x2x128xi32, #tpu.memory_space<vmem>>
      %dma_wait3A_395 = tpu.memref_squeeze %dma_wait3A_394 : memref<1x2x2x128xi32, #tpu.memory_space<vmem>> -> memref<2x2x128xi32, #tpu.memory_space<vmem>>
      %dma_wait3A_396 = arith.constant 0 : i32
      %dma_wait3A_397 = arith.constant 0 : i32
      %dma_wait3A_398 = arith.constant 0 : i32
      %dma_wait3A_399 = tpu.memref_slice %arg2[%dma_wait3A_388, %dma_wait3A_389, %dma_wait3A_396, %dma_wait3A_397, %dma_wait3A_398] : memref<2x16x80x2x128xi32, #tpu.memory_space<hbm>> -> memref<1x1x2x2x128xi32, #tpu.memory_space<hbm>>
      %dma_wait3A_400 = tpu.memref_squeeze %dma_wait3A_399 : memref<1x1x2x2x128xi32, #tpu.memory_space<hbm>> -> memref<2x2x128xi32, #tpu.memory_space<hbm>>
      %dma_wait3A_401 = arith.constant 0 : i32
      %dma_wait3A_402 = arith.constant 0 : i32
      %dma_wait3A_403 = arith.constant 0 : i32
      %dma_wait3A_404 = tpu.memref_slice %arg8[%dma_wait3A_390, %dma_wait3A_401, %dma_wait3A_402, %dma_wait3A_403] : memref<4x2x2x128xi32, #tpu.memory_space<vmem>> -> memref<1x2x2x128xi32, #tpu.memory_space<vmem>>
      %dma_wait3A_405 = tpu.memref_squeeze %dma_wait3A_404 : memref<1x2x2x128xi32, #tpu.memory_space<vmem>> -> memref<2x2x128xi32, #tpu.memory_space<vmem>>
      %dma_wait3A_406 = arith.constant 0 : i32
      %dma_wait3A_407 = arith.constant 0 : i32
      %dma_wait3A_408 = arith.constant 0 : i32
      %dma_wait3A_409 = tpu.memref_slice %arg2[%dma_wait3A_388, %dma_wait3A_389, %dma_wait3A_406, %dma_wait3A_407, %dma_wait3A_408] : memref<2x16x80x2x128xi32, #tpu.memory_space<hbm>> -> memref<1x1x2x2x128xi32, #tpu.memory_space<hbm>>
      %dma_wait3A_410 = tpu.memref_squeeze %dma_wait3A_409 : memref<1x1x2x2x128xi32, #tpu.memory_space<hbm>> -> memref<2x2x128xi32, #tpu.memory_space<hbm>>
      tpu.wait_dma2 semaphore(%arg13 : memref<!tpu.dma_semaphore, #tpu.memory_space<semaphore_mem>>) src(%dma_wait3A_410 : memref<2x2x128xi32, #tpu.memory_space<hbm>>) dst(%dma_wait3A_405 : memref<2x2x128xi32, #tpu.memory_space<vmem>>)
      %add3A_411 = arith.constant 1 : i32
      %add3A_412 = arith.addi %scan3A_315, %add3A_411 : i32
      %jit3A_413 = arith.constant 4 : i32
      %eq3A_414 = arith.constant 0 : i32
      %eq3A_415 = arith.cmpi eq, %jit3A_413, %eq3A_414 : i32
      %jit3A_416 = arith.constant 1 : i32
      %select_n3A_417 = arith.select %eq3A_415, %jit3A_416, %jit3A_413 : i32
      %rem3A_418 = arith.remsi %add3A_412, %select_n3A_417 : i32
      %ne3A_419 = arith.constant 0 : i32
      %ne3A_420 = arith.cmpi ne, %rem3A_418, %ne3A_419 : i32
      %lt3A_421 = arith.constant 0 : i32
      %lt3A_422 = arith.cmpi slt, %rem3A_418, %lt3A_421 : i32
      %lt3A_423 = arith.constant 0 : i32
      %lt3A_424 = arith.cmpi slt, %select_n3A_417, %lt3A_423 : i32
      %ne3A_425 = arith.xori %lt3A_422, %lt3A_424 : i1
      %and3A_426 = arith.andi %ne3A_425, %ne3A_420 : i1
      %add3A_427 = arith.addi %rem3A_418, %select_n3A_417 : i32
      %select_n3A_428 = arith.select %and3A_426, %add3A_427, %rem3A_418 : i32
      %mul3A_429 = arith.constant 128 : i32
      %mul3A_430 = arith.muli %arg0, %mul3A_429 : i32
      %dma_start3A_431 = arith.constant 0 : i32
      %dma_start3A_432 = arith.constant 0 : i32
      %dma_start3A_433 = arith.constant 0 : i32
      %dma_start3A_434 = arith.constant 0 : i32
      %dma_start3A_435 = arith.constant 0 : i32
      %dma_start3A_436 = tpu.memref_slice %arg9[%dma_start3A_433, %dma_start3A_434, %dma_start3A_435] : memref<2x128x128xf32, #tpu.memory_space<vmem>> -> memref<1x128x128xf32, #tpu.memory_space<vmem>>
      %dma_start3A_437 = tpu.memref_squeeze %dma_start3A_436 : memref<1x128x128xf32, #tpu.memory_space<vmem>> -> memref<128x128xf32, #tpu.memory_space<vmem>>
      %dma_start3A_438 = arith.constant 0 : i32
      %dma_start3A_439 = tpu.memref_slice %arg8[%select_n3A_428, %dma_start3A_431, %dma_start3A_432, %dma_start3A_438] : memref<4x2x2x128xi32, #tpu.memory_space<vmem>> -> memref<1x1x1x128xi32, #tpu.memory_space<vmem>>
      %dma_start3A_440 = tpu.memref_squeeze %dma_start3A_439 : memref<1x1x1x128xi32, #tpu.memory_space<vmem>> -> memref<128xi32, #tpu.memory_space<vmem>>
      %dma_start3A_441 = arith.constant 0 : i32
      %dma_start3A_442 = tpu.memref_slice %arg3[%dma_start3A_441, %mul3A_430] : memref<10000x256xf32, #tpu.memory_space<hbm>> -> memref<10000x128xf32, #tpu.memory_space<hbm>>
      tpu.enqueue_indirect_dma source(%dma_start3A_442 : memref<10000x128xf32, #tpu.memory_space<hbm>>) target(%dma_start3A_437 : memref<128x128xf32, #tpu.memory_space<vmem>>) offsets(%dma_start3A_440 : memref<128xi32, #tpu.memory_space<vmem>>) semaphore(%arg14 : memref<!tpu.dma_semaphore, #tpu.memory_space<semaphore_mem>>)
      %jit3A_443 = arith.constant 4 : i32
      %eq3A_444 = arith.constant 0 : i32
      %eq3A_445 = arith.cmpi eq, %jit3A_443, %eq3A_444 : i32
      %jit3A_446 = arith.constant 1 : i32
      %select_n3A_447 = arith.select %eq3A_445, %jit3A_446, %jit3A_443 : i32
      %rem3A_448 = arith.remsi %scan3A_315, %select_n3A_447 : i32
      %ne3A_449 = arith.constant 0 : i32
      %ne3A_450 = arith.cmpi ne, %rem3A_448, %ne3A_449 : i32
      %lt3A_451 = arith.constant 0 : i32
      %lt3A_452 = arith.cmpi slt, %rem3A_448, %lt3A_451 : i32
      %lt3A_453 = arith.constant 0 : i32
      %lt3A_454 = arith.cmpi slt, %select_n3A_447, %lt3A_453 : i32
      %ne3A_455 = arith.xori %lt3A_452, %lt3A_454 : i1
      %and3A_456 = arith.andi %ne3A_455, %ne3A_450 : i1
      %add3A_457 = arith.addi %rem3A_448, %select_n3A_447 : i32
      %select_n3A_458 = arith.select %and3A_456, %add3A_457, %rem3A_448 : i32
      %mul3A_459 = arith.constant 2 : i32
      %mul3A_460 = arith.muli %mul3A_459, %scan3A_315 : i32
      %add3A_461 = arith.constant 1 : i32
      %add3A_462 = arith.addi %mul3A_460, %add3A_461 : i32
      %dma_wait3A_463 = arith.constant 1 : i32
      %dma_wait3A_464 = arith.constant 0 : i32
      %dma_wait3A_465 = arith.constant 0 : i32
      %dma_wait3A_466 = tpu.memref_slice %arg9[%dma_wait3A_463, %dma_wait3A_464, %dma_wait3A_465] : memref<2x128x128xf32, #tpu.memory_space<vmem>> -> memref<1x128x128xf32, #tpu.memory_space<vmem>>
      %dma_wait3A_467 = tpu.memref_squeeze %dma_wait3A_466 : memref<1x128x128xf32, #tpu.memory_space<vmem>> -> memref<128x128xf32, #tpu.memory_space<vmem>>
      %dma_wait3A_468 = arith.constant 0 : i32
      %dma_wait3A_469 = arith.constant 0 : i32
      %dma_wait3A_470 = tpu.memref_slice %arg3[%dma_wait3A_468, %dma_wait3A_469] : memref<10000x256xf32, #tpu.memory_space<hbm>> -> memref<128x128xf32, #tpu.memory_space<hbm>>
      %dma_wait3A_471 = arith.constant 0 : i32
      %dma_wait3A_472 = arith.constant 0 : i32
      %dma_wait3A_473 = tpu.memref_slice %arg9[%dma_wait3A_463, %dma_wait3A_471, %dma_wait3A_472] : memref<2x128x128xf32, #tpu.memory_space<vmem>> -> memref<1x128x128xf32, #tpu.memory_space<vmem>>
      %dma_wait3A_474 = tpu.memref_squeeze %dma_wait3A_473 : memref<1x128x128xf32, #tpu.memory_space<vmem>> -> memref<128x128xf32, #tpu.memory_space<vmem>>
      %dma_wait3A_475 = arith.constant 0 : i32
      %dma_wait3A_476 = arith.constant 0 : i32
      %dma_wait3A_477 = tpu.memref_slice %arg3[%dma_wait3A_475, %dma_wait3A_476] : memref<10000x256xf32, #tpu.memory_space<hbm>> -> memref<128x128xf32, #tpu.memory_space<hbm>>
      tpu.wait_dma2 semaphore(%arg14 : memref<!tpu.dma_semaphore, #tpu.memory_space<semaphore_mem>>) src(%dma_wait3A_477 : memref<128x128xf32, #tpu.memory_space<hbm>>) dst(%dma_wait3A_474 : memref<128x128xf32, #tpu.memory_space<vmem>>)
      %dma_start3A_478 = arith.constant 1 : i32
      %dma_start3A_479 = arith.constant 1 : i32
      %dma_start3A_480 = arith.constant 1 : i32
      %dma_start3A_481 = arith.constant 0 : i32
      %dma_start3A_482 = arith.constant 0 : i32
      %dma_start3A_483 = tpu.memref_slice %arg9[%dma_start3A_478, %dma_start3A_481, %dma_start3A_482] : memref<2x128x128xf32, #tpu.memory_space<vmem>> -> memref<1x128x128xf32, #tpu.memory_space<vmem>>
      %dma_start3A_484 = tpu.memref_squeeze %dma_start3A_483 : memref<1x128x128xf32, #tpu.memory_space<vmem>> -> memref<128x128xf32, #tpu.memory_space<vmem>>
      %dma_start3A_485 = arith.constant 0 : i32
      %dma_start3A_486 = tpu.memref_slice %arg8[%select_n3A_458, %dma_start3A_479, %dma_start3A_480, %dma_start3A_485] : memref<4x2x2x128xi32, #tpu.memory_space<vmem>> -> memref<1x1x1x128xi32, #tpu.memory_space<vmem>>
      %dma_start3A_487 = tpu.memref_squeeze %dma_start3A_486 : memref<1x1x1x128xi32, #tpu.memory_space<vmem>> -> memref<128xi32, #tpu.memory_space<vmem>>
      %dma_start3A_488 = arith.constant 0 : i32
      %dma_start3A_489 = arith.constant 0 : i32
      %dma_start3A_490 = tpu.memref_slice %arg11[%dma_start3A_488, %dma_start3A_489] : memref<10240x128xf32, #tpu.memory_space<vmem_shared>> -> memref<10240x128xf32, #tpu.memory_space<vmem_shared>>
      tpu.enqueue_indirect_dma source(%dma_start3A_484 : memref<128x128xf32, #tpu.memory_space<vmem>>) target(%dma_start3A_490 : memref<10240x128xf32, #tpu.memory_space<vmem_shared>>) offsets(%dma_start3A_487 : memref<128xi32, #tpu.memory_space<vmem>>) semaphore(%arg15 : memref<!tpu.dma_semaphore, #tpu.memory_space<semaphore_mem>>) {add = true}
      %mul3A_491 = arith.constant 40 : i32
      %mul3A_492 = arith.muli %arg0, %mul3A_491 : i32
      %ge3A_493 = arith.cmpi sge, %add3A_462, %mul3A_492 : i32
      %add3A_494 = arith.constant 1 : i32
      %add3A_495 = arith.addi %arg0, %add3A_494 : i32
      %mul3A_496 = arith.constant 40 : i32
      %mul3A_497 = arith.muli %add3A_495, %mul3A_496 : i32
      %lt3A_498 = arith.cmpi slt, %add3A_462, %mul3A_497 : i32
      %and3A_499 = arith.andi %ge3A_493, %lt3A_498 : i1
      %convert_element_type3A_500 = arith.extui %and3A_499 : i1 to i32
      %cond3A_501 = arith.constant 0 : i32
      %cond3A_502 = arith.cmpi ne, %convert_element_type3A_500, %cond3A_501 : i32
      scf.if %cond3A_502 {
        %dma_start3A_560 = arith.constant 1 : i32
        %dma_start3A_561 = arith.constant 1 : i32
        %dma_start3A_562 = arith.constant 0 : i32
        %dma_start3A_563 = tpu.memref_slice %arg8[%select_n3A_458, %dma_start3A_560, %dma_start3A_561, %dma_start3A_562] : memref<4x2x2x128xi32, #tpu.memory_space<vmem>> -> memref<1x1x1x128xi32, #tpu.memory_space<vmem>>
        %dma_start3A_564 = tpu.memref_squeeze %dma_start3A_563 : memref<1x1x1x128xi32, #tpu.memory_space<vmem>> -> memref<128xi32, #tpu.memory_space<vmem>>
        %dma_start3A_565 = arith.constant 0 : i32
        %dma_start3A_566 = tpu.memref_slice %arg12[%dma_start3A_565] : memref<10240xf32, #tpu.memory_space<vmem_shared>> -> memref<10240xf32, #tpu.memory_space<vmem_shared>>
        tpu.enqueue_indirect_dma source(%arg10 : memref<128xf32, #tpu.memory_space<vmem>>) target(%dma_start3A_566 : memref<10240xf32, #tpu.memory_space<vmem_shared>>) offsets(%dma_start3A_564 : memref<128xi32, #tpu.memory_space<vmem>>) semaphore(%arg16 : memref<!tpu.dma_semaphore, #tpu.memory_space<semaphore_mem>>) {add = true}
      } else {
      }
      %dma_wait3A_503 = arith.constant 1 : i32
      %dma_wait3A_504 = arith.constant 0 : i32
      %dma_wait3A_505 = arith.constant 0 : i32
      %dma_wait3A_506 = tpu.memref_slice %arg9[%dma_wait3A_503, %dma_wait3A_504, %dma_wait3A_505] : memref<2x128x128xf32, #tpu.memory_space<vmem>> -> memref<1x128x128xf32, #tpu.memory_space<vmem>>
      %dma_wait3A_507 = tpu.memref_squeeze %dma_wait3A_506 : memref<1x128x128xf32, #tpu.memory_space<vmem>> -> memref<128x128xf32, #tpu.memory_space<vmem>>
      %dma_wait3A_508 = arith.constant 0 : i32
      %dma_wait3A_509 = arith.constant 0 : i32
      %dma_wait3A_510 = tpu.memref_slice %arg3[%dma_wait3A_508, %dma_wait3A_509] : memref<10000x256xf32, #tpu.memory_space<hbm>> -> memref<128x128xf32, #tpu.memory_space<hbm>>
      %dma_wait3A_511 = arith.constant 0 : i32
      %dma_wait3A_512 = arith.constant 0 : i32
      %dma_wait3A_513 = tpu.memref_slice %arg9[%dma_wait3A_503, %dma_wait3A_511, %dma_wait3A_512] : memref<2x128x128xf32, #tpu.memory_space<vmem>> -> memref<1x128x128xf32, #tpu.memory_space<vmem>>
      %dma_wait3A_514 = tpu.memref_squeeze %dma_wait3A_513 : memref<1x128x128xf32, #tpu.memory_space<vmem>> -> memref<128x128xf32, #tpu.memory_space<vmem>>
      %dma_wait3A_515 = arith.constant 0 : i32
      %dma_wait3A_516 = arith.constant 0 : i32
      %dma_wait3A_517 = tpu.memref_slice %arg3[%dma_wait3A_515, %dma_wait3A_516] : memref<10000x256xf32, #tpu.memory_space<hbm>> -> memref<128x128xf32, #tpu.memory_space<hbm>>
      tpu.wait_dma2 semaphore(%arg15 : memref<!tpu.dma_semaphore, #tpu.memory_space<semaphore_mem>>) src(%dma_wait3A_517 : memref<128x128xf32, #tpu.memory_space<hbm>>) dst(%dma_wait3A_514 : memref<128x128xf32, #tpu.memory_space<vmem>>)
      %convert_element_type3A_518 = arith.extui %and3A_499 : i1 to i32
      %cond3A_519 = arith.constant 0 : i32
      %cond3A_520 = arith.cmpi ne, %convert_element_type3A_518, %cond3A_519 : i32
      scf.if %cond3A_520 {
        %dma_wait3A_560 = arith.constant 0 : i32
        %dma_wait3A_561 = arith.constant 0 : i32
        %dma_wait3A_562 = tpu.memref_slice %arg3[%dma_wait3A_560, %dma_wait3A_561] : memref<10000x256xf32, #tpu.memory_space<hbm>> -> memref<1x128xf32, #tpu.memory_space<hbm>>
        %dma_wait3A_563 = tpu.memref_squeeze %dma_wait3A_562 : memref<1x128xf32, #tpu.memory_space<hbm>> -> memref<128xf32, #tpu.memory_space<hbm>>
        %dma_wait3A_564 = arith.constant 0 : i32
        %dma_wait3A_565 = tpu.memref_slice %arg3[%dma_wait3A_560, %dma_wait3A_564] : memref<10000x256xf32, #tpu.memory_space<hbm>> -> memref<1x128xf32, #tpu.memory_space<hbm>>
        %dma_wait3A_566 = tpu.memref_squeeze %dma_wait3A_565 : memref<1x128xf32, #tpu.memory_space<hbm>> -> memref<128xf32, #tpu.memory_space<hbm>>
        tpu.wait_dma2 semaphore(%arg16 : memref<!tpu.dma_semaphore, #tpu.memory_space<semaphore_mem>>) src(%dma_wait3A_566 : memref<128xf32, #tpu.memory_space<hbm>>) dst(%arg10 : memref<128xf32, #tpu.memory_space<vmem>>)
      } else {
      }
      %add3A_521 = arith.constant 4 : i32
      %add3A_522 = arith.addi %scan3A_315, %add3A_521 : i32
      %lt3A_523 = arith.constant 40 : i32
      %lt3A_524 = arith.cmpi slt, %add3A_522, %lt3A_523 : i32
      %convert_element_type3A_525 = arith.extui %lt3A_524 : i1 to i32
      %cond3A_526 = arith.constant 0 : i32
      %cond3A_527 = arith.cmpi ne, %convert_element_type3A_525, %cond3A_526 : i32
      scf.if %cond3A_527 {
        %add3A_560 = arith.constant 4 : i32
        %add3A_561 = arith.addi %scan3A_315, %add3A_560 : i32
        %mul3A_562 = arith.constant 2 : i32
        %mul3A_563 = arith.muli %mul3A_562, %add3A_561 : i32
        %dma_start3A_564 = arith.constant 0 : i32
        %dma_start3A_565 = arith.constant 0 : i32
        %dma_start3A_566 = arith.constant 0 : i32
        %dma_start3A_567 = tpu.memref_slice %arg8[%select_n3A_458, %dma_start3A_564, %dma_start3A_565, %dma_start3A_566] : memref<4x2x2x128xi32, #tpu.memory_space<vmem>> -> memref<1x2x2x128xi32, #tpu.memory_space<vmem>>
        %dma_start3A_568 = tpu.memref_squeeze %dma_start3A_567 : memref<1x2x2x128xi32, #tpu.memory_space<vmem>> -> memref<2x2x128xi32, #tpu.memory_space<vmem>>
        %dma_start3A_569 = arith.constant 0 : i32
        %dma_start3A_570 = arith.constant 0 : i32
        %dma_start3A_571 = tpu.memref_slice %arg2[%arg0, %arg1, %mul3A_563, %dma_start3A_569, %dma_start3A_570] : memref<2x16x80x2x128xi32, #tpu.memory_space<hbm>> -> memref<1x1x2x2x128xi32, #tpu.memory_space<hbm>>
        %dma_start3A_572 = tpu.memref_squeeze %dma_start3A_571 : memref<1x1x2x2x128xi32, #tpu.memory_space<hbm>> -> memref<2x2x128xi32, #tpu.memory_space<hbm>>
        %dma_start3A_573 = arith.constant 0 : i32
        %dma_start3A_574 = arith.constant 0 : i32
        %dma_start3A_575 = arith.constant 0 : i32
        %dma_start3A_576 = tpu.memref_slice %arg8[%select_n3A_458, %dma_start3A_573, %dma_start3A_574, %dma_start3A_575] : memref<4x2x2x128xi32, #tpu.memory_space<vmem>> -> memref<1x2x2x128xi32, #tpu.memory_space<vmem>>
        %dma_start3A_577 = tpu.memref_squeeze %dma_start3A_576 : memref<1x2x2x128xi32, #tpu.memory_space<vmem>> -> memref<2x2x128xi32, #tpu.memory_space<vmem>>
        %dma_start3A_578 = arith.constant 0 : i32
        %dma_start3A_579 = arith.constant 0 : i32
        %dma_start3A_580 = tpu.memref_slice %arg2[%arg0, %arg1, %mul3A_563, %dma_start3A_578, %dma_start3A_579] : memref<2x16x80x2x128xi32, #tpu.memory_space<hbm>> -> memref<1x1x2x2x128xi32, #tpu.memory_space<hbm>>
        %dma_start3A_581 = tpu.memref_squeeze %dma_start3A_580 : memref<1x1x2x2x128xi32, #tpu.memory_space<hbm>> -> memref<2x2x128xi32, #tpu.memory_space<hbm>>
        tpu.enqueue_dma source(%dma_start3A_581 : memref<2x2x128xi32, #tpu.memory_space<hbm>>) target(%dma_start3A_577 : memref<2x2x128xi32, #tpu.memory_space<vmem>>) target_semaphore(%arg13 : memref<!tpu.dma_semaphore, #tpu.memory_space<semaphore_mem>>)
      } else {
      }
      %add3A_528 = arith.constant 1 : i32
      %add3A_529 = arith.addi %scan3A_315, %add3A_528 : i32
      %jit3A_530 = arith.constant 4 : i32
      %eq3A_531 = arith.constant 0 : i32
      %eq3A_532 = arith.cmpi eq, %jit3A_530, %eq3A_531 : i32
      %jit3A_533 = arith.constant 1 : i32
      %select_n3A_534 = arith.select %eq3A_532, %jit3A_533, %jit3A_530 : i32
      %rem3A_535 = arith.remsi %add3A_529, %select_n3A_534 : i32
      %ne3A_536 = arith.constant 0 : i32
      %ne3A_537 = arith.cmpi ne, %rem3A_535, %ne3A_536 : i32
      %lt3A_538 = arith.constant 0 : i32
      %lt3A_539 = arith.cmpi slt, %rem3A_535, %lt3A_538 : i32
      %lt3A_540 = arith.constant 0 : i32
      %lt3A_541 = arith.cmpi slt, %select_n3A_534, %lt3A_540 : i32
      %ne3A_542 = arith.xori %lt3A_539, %lt3A_541 : i1
      %and3A_543 = arith.andi %ne3A_542, %ne3A_537 : i1
      %add3A_544 = arith.addi %rem3A_535, %select_n3A_534 : i32
      %select_n3A_545 = arith.select %and3A_543, %add3A_544, %rem3A_535 : i32
      %mul3A_546 = arith.constant 128 : i32
      %mul3A_547 = arith.muli %arg0, %mul3A_546 : i32
      %dma_start3A_548 = arith.constant 1 : i32
      %dma_start3A_549 = arith.constant 0 : i32
      %dma_start3A_550 = arith.constant 1 : i32
      %dma_start3A_551 = arith.constant 0 : i32
      %dma_start3A_552 = arith.constant 0 : i32
      %dma_start3A_553 = tpu.memref_slice %arg9[%dma_start3A_550, %dma_start3A_551, %dma_start3A_552] : memref<2x128x128xf32, #tpu.memory_space<vmem>> -> memref<1x128x128xf32, #tpu.memory_space<vmem>>
      %dma_start3A_554 = tpu.memref_squeeze %dma_start3A_553 : memref<1x128x128xf32, #tpu.memory_space<vmem>> -> memref<128x128xf32, #tpu.memory_space<vmem>>
      %dma_start3A_555 = arith.constant 0 : i32
      %dma_start3A_556 = tpu.memref_slice %arg8[%select_n3A_545, %dma_start3A_548, %dma_start3A_549, %dma_start3A_555] : memref<4x2x2x128xi32, #tpu.memory_space<vmem>> -> memref<1x1x1x128xi32, #tpu.memory_space<vmem>>
      %dma_start3A_557 = tpu.memref_squeeze %dma_start3A_556 : memref<1x1x1x128xi32, #tpu.memory_space<vmem>> -> memref<128xi32, #tpu.memory_space<vmem>>
      %dma_start3A_558 = arith.constant 0 : i32
      %dma_start3A_559 = tpu.memref_slice %arg3[%dma_start3A_558, %mul3A_547] : memref<10000x256xf32, #tpu.memory_space<hbm>> -> memref<10000x128xf32, #tpu.memory_space<hbm>>
      tpu.enqueue_indirect_dma source(%dma_start3A_559 : memref<10000x128xf32, #tpu.memory_space<hbm>>) target(%dma_start3A_554 : memref<128x128xf32, #tpu.memory_space<vmem>>) offsets(%dma_start3A_557 : memref<128xi32, #tpu.memory_space<vmem>>) semaphore(%arg14 : memref<!tpu.dma_semaphore, #tpu.memory_space<semaphore_mem>>)
    }
    %scan3A_194 = arith.constant 39 : i32
    %dma_wait3A_195 = arith.constant 0 : i32
    %dma_wait3A_196 = arith.constant 0 : i32
    %dma_wait3A_197 = arith.constant 0 : i32
    %dma_wait3A_198 = tpu.memref_slice %arg9[%dma_wait3A_195, %dma_wait3A_196, %dma_wait3A_197] : memref<2x128x128xf32, #tpu.memory_space<vmem>> -> memref<1x128x128xf32, #tpu.memory_space<vmem>>
    %dma_wait3A_199 = tpu.memref_squeeze %dma_wait3A_198 : memref<1x128x128xf32, #tpu.memory_space<vmem>> -> memref<128x128xf32, #tpu.memory_space<vmem>>
    %dma_wait3A_200 = arith.constant 0 : i32
    %dma_wait3A_201 = arith.constant 0 : i32
    %dma_wait3A_202 = tpu.memref_slice %arg3[%dma_wait3A_200, %dma_wait3A_201] : memref<10000x256xf32, #tpu.memory_space<hbm>> -> memref<128x128xf32, #tpu.memory_space<hbm>>
    %dma_wait3A_203 = arith.constant 0 : i32
    %dma_wait3A_204 = arith.constant 0 : i32
    %dma_wait3A_205 = tpu.memref_slice %arg9[%dma_wait3A_195, %dma_wait3A_203, %dma_wait3A_204] : memref<2x128x128xf32, #tpu.memory_space<vmem>> -> memref<1x128x128xf32, #tpu.memory_space<vmem>>
    %dma_wait3A_206 = tpu.memref_squeeze %dma_wait3A_205 : memref<1x128x128xf32, #tpu.memory_space<vmem>> -> memref<128x128xf32, #tpu.memory_space<vmem>>
    %dma_wait3A_207 = arith.constant 0 : i32
    %dma_wait3A_208 = arith.constant 0 : i32
    %dma_wait3A_209 = tpu.memref_slice %arg3[%dma_wait3A_207, %dma_wait3A_208] : memref<10000x256xf32, #tpu.memory_space<hbm>> -> memref<128x128xf32, #tpu.memory_space<hbm>>
    tpu.wait_dma2 semaphore(%arg14 : memref<!tpu.dma_semaphore, #tpu.memory_space<semaphore_mem>>) src(%dma_wait3A_209 : memref<128x128xf32, #tpu.memory_space<hbm>>) dst(%dma_wait3A_206 : memref<128x128xf32, #tpu.memory_space<vmem>>)
    %dma_start3A_210 = arith.constant 0 : i32
    %dma_start3A_211 = arith.constant 3 : i32
    %dma_start3A_212 = arith.constant 0 : i32
    %dma_start3A_213 = arith.constant 1 : i32
    %dma_start3A_214 = arith.constant 0 : i32
    %dma_start3A_215 = arith.constant 0 : i32
    %dma_start3A_216 = tpu.memref_slice %arg9[%dma_start3A_210, %dma_start3A_214, %dma_start3A_215] : memref<2x128x128xf32, #tpu.memory_space<vmem>> -> memref<1x128x128xf32, #tpu.memory_space<vmem>>
    %dma_start3A_217 = tpu.memref_squeeze %dma_start3A_216 : memref<1x128x128xf32, #tpu.memory_space<vmem>> -> memref<128x128xf32, #tpu.memory_space<vmem>>
    %dma_start3A_218 = arith.constant 0 : i32
    %dma_start3A_219 = tpu.memref_slice %arg8[%dma_start3A_211, %dma_start3A_212, %dma_start3A_213, %dma_start3A_218] : memref<4x2x2x128xi32, #tpu.memory_space<vmem>> -> memref<1x1x1x128xi32, #tpu.memory_space<vmem>>
    %dma_start3A_220 = tpu.memref_squeeze %dma_start3A_219 : memref<1x1x1x128xi32, #tpu.memory_space<vmem>> -> memref<128xi32, #tpu.memory_space<vmem>>
    %dma_start3A_221 = arith.constant 0 : i32
    %dma_start3A_222 = arith.constant 0 : i32
    %dma_start3A_223 = tpu.memref_slice %arg11[%dma_start3A_221, %dma_start3A_222] : memref<10240x128xf32, #tpu.memory_space<vmem_shared>> -> memref<10240x128xf32, #tpu.memory_space<vmem_shared>>
    tpu.enqueue_indirect_dma source(%dma_start3A_217 : memref<128x128xf32, #tpu.memory_space<vmem>>) target(%dma_start3A_223 : memref<10240x128xf32, #tpu.memory_space<vmem_shared>>) offsets(%dma_start3A_220 : memref<128xi32, #tpu.memory_space<vmem>>) semaphore(%arg15 : memref<!tpu.dma_semaphore, #tpu.memory_space<semaphore_mem>>) {add = true}
    %mul3A_224 = arith.constant 40 : i32
    %mul3A_225 = arith.muli %arg0, %mul3A_224 : i32
    %le3A = arith.constant 78 : i32
    %le3A_226 = arith.cmpi sle, %mul3A_225, %le3A : i32
    %add3A = arith.constant 1 : i32
    %add3A_227 = arith.addi %arg0, %add3A : i32
    %mul3A_228 = arith.constant 40 : i32
    %mul3A_229 = arith.muli %add3A_227, %mul3A_228 : i32
    %gt3A = arith.constant 78 : i32
    %gt3A_230 = arith.cmpi sgt, %mul3A_229, %gt3A : i32
    %and3A = arith.andi %le3A_226, %gt3A_230 : i1
    %convert_element_type3A = arith.extui %and3A : i1 to i32
    %cond3A = arith.constant 0 : i32
    %cond3A_231 = arith.cmpi ne, %convert_element_type3A, %cond3A : i32
    scf.if %cond3A_231 {
      %dma_start3A_315 = arith.constant 3 : i32
      %dma_start3A_316 = arith.constant 0 : i32
      %dma_start3A_317 = arith.constant 1 : i32
      %dma_start3A_318 = arith.constant 0 : i32
      %dma_start3A_319 = tpu.memref_slice %arg8[%dma_start3A_315, %dma_start3A_316, %dma_start3A_317, %dma_start3A_318] : memref<4x2x2x128xi32, #tpu.memory_space<vmem>> -> memref<1x1x1x128xi32, #tpu.memory_space<vmem>>
      %dma_start3A_320 = tpu.memref_squeeze %dma_start3A_319 : memref<1x1x1x128xi32, #tpu.memory_space<vmem>> -> memref<128xi32, #tpu.memory_space<vmem>>
      %dma_start3A_321 = arith.constant 0 : i32
      %dma_start3A_322 = tpu.memref_slice %arg12[%dma_start3A_321] : memref<10240xf32, #tpu.memory_space<vmem_shared>> -> memref<10240xf32, #tpu.memory_space<vmem_shared>>
      tpu.enqueue_indirect_dma source(%arg10 : memref<128xf32, #tpu.memory_space<vmem>>) target(%dma_start3A_322 : memref<10240xf32, #tpu.memory_space<vmem_shared>>) offsets(%dma_start3A_320 : memref<128xi32, #tpu.memory_space<vmem>>) semaphore(%arg16 : memref<!tpu.dma_semaphore, #tpu.memory_space<semaphore_mem>>) {add = true}
    } else {
    }
    %dma_wait3A_232 = arith.constant 1 : i32
    %dma_wait3A_233 = arith.constant 0 : i32
    %dma_wait3A_234 = arith.constant 0 : i32
    %dma_wait3A_235 = tpu.memref_slice %arg9[%dma_wait3A_232, %dma_wait3A_233, %dma_wait3A_234] : memref<2x128x128xf32, #tpu.memory_space<vmem>> -> memref<1x128x128xf32, #tpu.memory_space<vmem>>
    %dma_wait3A_236 = tpu.memref_squeeze %dma_wait3A_235 : memref<1x128x128xf32, #tpu.memory_space<vmem>> -> memref<128x128xf32, #tpu.memory_space<vmem>>
    %dma_wait3A_237 = arith.constant 0 : i32
    %dma_wait3A_238 = arith.constant 0 : i32
    %dma_wait3A_239 = tpu.memref_slice %arg3[%dma_wait3A_237, %dma_wait3A_238] : memref<10000x256xf32, #tpu.memory_space<hbm>> -> memref<128x128xf32, #tpu.memory_space<hbm>>
    %dma_wait3A_240 = arith.constant 0 : i32
    %dma_wait3A_241 = arith.constant 0 : i32
    %dma_wait3A_242 = tpu.memref_slice %arg9[%dma_wait3A_232, %dma_wait3A_240, %dma_wait3A_241] : memref<2x128x128xf32, #tpu.memory_space<vmem>> -> memref<1x128x128xf32, #tpu.memory_space<vmem>>
    %dma_wait3A_243 = tpu.memref_squeeze %dma_wait3A_242 : memref<1x128x128xf32, #tpu.memory_space<vmem>> -> memref<128x128xf32, #tpu.memory_space<vmem>>
    %dma_wait3A_244 = arith.constant 0 : i32
    %dma_wait3A_245 = arith.constant 0 : i32
    %dma_wait3A_246 = tpu.memref_slice %arg3[%dma_wait3A_244, %dma_wait3A_245] : memref<10000x256xf32, #tpu.memory_space<hbm>> -> memref<128x128xf32, #tpu.memory_space<hbm>>
    tpu.wait_dma2 semaphore(%arg14 : memref<!tpu.dma_semaphore, #tpu.memory_space<semaphore_mem>>) src(%dma_wait3A_246 : memref<128x128xf32, #tpu.memory_space<hbm>>) dst(%dma_wait3A_243 : memref<128x128xf32, #tpu.memory_space<vmem>>)
    %dma_start3A_247 = arith.constant 1 : i32
    %dma_start3A_248 = arith.constant 3 : i32
    %dma_start3A_249 = arith.constant 1 : i32
    %dma_start3A_250 = arith.constant 1 : i32
    %dma_start3A_251 = arith.constant 0 : i32
    %dma_start3A_252 = arith.constant 0 : i32
    %dma_start3A_253 = tpu.memref_slice %arg9[%dma_start3A_247, %dma_start3A_251, %dma_start3A_252] : memref<2x128x128xf32, #tpu.memory_space<vmem>> -> memref<1x128x128xf32, #tpu.memory_space<vmem>>
    %dma_start3A_254 = tpu.memref_squeeze %dma_start3A_253 : memref<1x128x128xf32, #tpu.memory_space<vmem>> -> memref<128x128xf32, #tpu.memory_space<vmem>>
    %dma_start3A_255 = arith.constant 0 : i32
    %dma_start3A_256 = tpu.memref_slice %arg8[%dma_start3A_248, %dma_start3A_249, %dma_start3A_250, %dma_start3A_255] : memref<4x2x2x128xi32, #tpu.memory_space<vmem>> -> memref<1x1x1x128xi32, #tpu.memory_space<vmem>>
    %dma_start3A_257 = tpu.memref_squeeze %dma_start3A_256 : memref<1x1x1x128xi32, #tpu.memory_space<vmem>> -> memref<128xi32, #tpu.memory_space<vmem>>
    %dma_start3A_258 = arith.constant 0 : i32
    %dma_start3A_259 = arith.constant 0 : i32
    %dma_start3A_260 = tpu.memref_slice %arg11[%dma_start3A_258, %dma_start3A_259] : memref<10240x128xf32, #tpu.memory_space<vmem_shared>> -> memref<10240x128xf32, #tpu.memory_space<vmem_shared>>
    tpu.enqueue_indirect_dma source(%dma_start3A_254 : memref<128x128xf32, #tpu.memory_space<vmem>>) target(%dma_start3A_260 : memref<10240x128xf32, #tpu.memory_space<vmem_shared>>) offsets(%dma_start3A_257 : memref<128xi32, #tpu.memory_space<vmem>>) semaphore(%arg15 : memref<!tpu.dma_semaphore, #tpu.memory_space<semaphore_mem>>) {add = true}
    %mul3A_261 = arith.constant 40 : i32
    %mul3A_262 = arith.muli %arg0, %mul3A_261 : i32
    %le3A_263 = arith.constant 79 : i32
    %le3A_264 = arith.cmpi sle, %mul3A_262, %le3A_263 : i32
    %add3A_265 = arith.constant 1 : i32
    %add3A_266 = arith.addi %arg0, %add3A_265 : i32
    %mul3A_267 = arith.constant 40 : i32
    %mul3A_268 = arith.muli %add3A_266, %mul3A_267 : i32
    %gt3A_269 = arith.constant 79 : i32
    %gt3A_270 = arith.cmpi sgt, %mul3A_268, %gt3A_269 : i32
    %and3A_271 = arith.andi %le3A_264, %gt3A_270 : i1
    %convert_element_type3A_272 = arith.extui %and3A_271 : i1 to i32
    %cond3A_273 = arith.constant 0 : i32
    %cond3A_274 = arith.cmpi ne, %convert_element_type3A_272, %cond3A_273 : i32
    scf.if %cond3A_274 {
      %dma_start3A_315 = arith.constant 3 : i32
      %dma_start3A_316 = arith.constant 1 : i32
      %dma_start3A_317 = arith.constant 1 : i32
      %dma_start3A_318 = arith.constant 0 : i32
      %dma_start3A_319 = tpu.memref_slice %arg8[%dma_start3A_315, %dma_start3A_316, %dma_start3A_317, %dma_start3A_318] : memref<4x2x2x128xi32, #tpu.memory_space<vmem>> -> memref<1x1x1x128xi32, #tpu.memory_space<vmem>>
      %dma_start3A_320 = tpu.memref_squeeze %dma_start3A_319 : memref<1x1x1x128xi32, #tpu.memory_space<vmem>> -> memref<128xi32, #tpu.memory_space<vmem>>
      %dma_start3A_321 = arith.constant 0 : i32
      %dma_start3A_322 = tpu.memref_slice %arg12[%dma_start3A_321] : memref<10240xf32, #tpu.memory_space<vmem_shared>> -> memref<10240xf32, #tpu.memory_space<vmem_shared>>
      tpu.enqueue_indirect_dma source(%arg10 : memref<128xf32, #tpu.memory_space<vmem>>) target(%dma_start3A_322 : memref<10240xf32, #tpu.memory_space<vmem_shared>>) offsets(%dma_start3A_320 : memref<128xi32, #tpu.memory_space<vmem>>) semaphore(%arg16 : memref<!tpu.dma_semaphore, #tpu.memory_space<semaphore_mem>>) {add = true}
    } else {
    }
    %dma_wait3A_275 = arith.constant 0 : i32
    %dma_wait3A_276 = arith.constant 0 : i32
    %dma_wait3A_277 = arith.constant 0 : i32
    %dma_wait3A_278 = tpu.memref_slice %arg9[%dma_wait3A_275, %dma_wait3A_276, %dma_wait3A_277] : memref<2x128x128xf32, #tpu.memory_space<vmem>> -> memref<1x128x128xf32, #tpu.memory_space<vmem>>
    %dma_wait3A_279 = tpu.memref_squeeze %dma_wait3A_278 : memref<1x128x128xf32, #tpu.memory_space<vmem>> -> memref<128x128xf32, #tpu.memory_space<vmem>>
    %dma_wait3A_280 = arith.constant 0 : i32
    %dma_wait3A_281 = arith.constant 0 : i32
    %dma_wait3A_282 = tpu.memref_slice %arg3[%dma_wait3A_280, %dma_wait3A_281] : memref<10000x256xf32, #tpu.memory_space<hbm>> -> memref<128x128xf32, #tpu.memory_space<hbm>>
    %dma_wait3A_283 = arith.constant 0 : i32
    %dma_wait3A_284 = arith.constant 0 : i32
    %dma_wait3A_285 = tpu.memref_slice %arg9[%dma_wait3A_275, %dma_wait3A_283, %dma_wait3A_284] : memref<2x128x128xf32, #tpu.memory_space<vmem>> -> memref<1x128x128xf32, #tpu.memory_space<vmem>>
    %dma_wait3A_286 = tpu.memref_squeeze %dma_wait3A_285 : memref<1x128x128xf32, #tpu.memory_space<vmem>> -> memref<128x128xf32, #tpu.memory_space<vmem>>
    %dma_wait3A_287 = arith.constant 0 : i32
    %dma_wait3A_288 = arith.constant 0 : i32
    %dma_wait3A_289 = tpu.memref_slice %arg3[%dma_wait3A_287, %dma_wait3A_288] : memref<10000x256xf32, #tpu.memory_space<hbm>> -> memref<128x128xf32, #tpu.memory_space<hbm>>
    tpu.wait_dma2 semaphore(%arg15 : memref<!tpu.dma_semaphore, #tpu.memory_space<semaphore_mem>>) src(%dma_wait3A_289 : memref<128x128xf32, #tpu.memory_space<hbm>>) dst(%dma_wait3A_286 : memref<128x128xf32, #tpu.memory_space<vmem>>)
    %dma_wait3A_290 = arith.constant 1 : i32
    %dma_wait3A_291 = arith.constant 0 : i32
    %dma_wait3A_292 = arith.constant 0 : i32
    %dma_wait3A_293 = tpu.memref_slice %arg9[%dma_wait3A_290, %dma_wait3A_291, %dma_wait3A_292] : memref<2x128x128xf32, #tpu.memory_space<vmem>> -> memref<1x128x128xf32, #tpu.memory_space<vmem>>
    %dma_wait3A_294 = tpu.memref_squeeze %dma_wait3A_293 : memref<1x128x128xf32, #tpu.memory_space<vmem>> -> memref<128x128xf32, #tpu.memory_space<vmem>>
    %dma_wait3A_295 = arith.constant 0 : i32
    %dma_wait3A_296 = arith.constant 0 : i32
    %dma_wait3A_297 = tpu.memref_slice %arg3[%dma_wait3A_295, %dma_wait3A_296] : memref<10000x256xf32, #tpu.memory_space<hbm>> -> memref<128x128xf32, #tpu.memory_space<hbm>>
    %dma_wait3A_298 = arith.constant 0 : i32
    %dma_wait3A_299 = arith.constant 0 : i32
    %dma_wait3A_300 = tpu.memref_slice %arg9[%dma_wait3A_290, %dma_wait3A_298, %dma_wait3A_299] : memref<2x128x128xf32, #tpu.memory_space<vmem>> -> memref<1x128x128xf32, #tpu.memory_space<vmem>>
    %dma_wait3A_301 = tpu.memref_squeeze %dma_wait3A_300 : memref<1x128x128xf32, #tpu.memory_space<vmem>> -> memref<128x128xf32, #tpu.memory_space<vmem>>
    %dma_wait3A_302 = arith.constant 0 : i32
    %dma_wait3A_303 = arith.constant 0 : i32
    %dma_wait3A_304 = tpu.memref_slice %arg3[%dma_wait3A_302, %dma_wait3A_303] : memref<10000x256xf32, #tpu.memory_space<hbm>> -> memref<128x128xf32, #tpu.memory_space<hbm>>
    tpu.wait_dma2 semaphore(%arg15 : memref<!tpu.dma_semaphore, #tpu.memory_space<semaphore_mem>>) src(%dma_wait3A_304 : memref<128x128xf32, #tpu.memory_space<hbm>>) dst(%dma_wait3A_301 : memref<128x128xf32, #tpu.memory_space<vmem>>)
    %eq3A = arith.constant 1 : i32
    %eq3A_305 = arith.cmpi eq, %arg0, %eq3A : i32
    %convert_element_type3A_306 = arith.extui %eq3A_305 : i1 to i32
    %cond3A_307 = arith.constant 0 : i32
    %cond3A_308 = arith.cmpi ne, %convert_element_type3A_306, %cond3A_307 : i32
    scf.if %cond3A_308 {
      %dma_wait3A_315 = arith.constant 0 : i32
      %dma_wait3A_316 = arith.constant 0 : i32
      %dma_wait3A_317 = tpu.memref_slice %arg3[%dma_wait3A_315, %dma_wait3A_316] : memref<10000x256xf32, #tpu.memory_space<hbm>> -> memref<1x128xf32, #tpu.memory_space<hbm>>
      %dma_wait3A_318 = tpu.memref_squeeze %dma_wait3A_317 : memref<1x128xf32, #tpu.memory_space<hbm>> -> memref<128xf32, #tpu.memory_space<hbm>>
      %dma_wait3A_319 = arith.constant 0 : i32
      %dma_wait3A_320 = tpu.memref_slice %arg3[%dma_wait3A_315, %dma_wait3A_319] : memref<10000x256xf32, #tpu.memory_space<hbm>> -> memref<1x128xf32, #tpu.memory_space<hbm>>
      %dma_wait3A_321 = tpu.memref_squeeze %dma_wait3A_320 : memref<1x128xf32, #tpu.memory_space<hbm>> -> memref<128xf32, #tpu.memory_space<hbm>>
      tpu.wait_dma2 semaphore(%arg16 : memref<!tpu.dma_semaphore, #tpu.memory_space<semaphore_mem>>) src(%dma_wait3A_321 : memref<128xf32, #tpu.memory_space<hbm>>) dst(%arg10 : memref<128xf32, #tpu.memory_space<vmem>>)
      %dma_wait3A_322 = arith.constant 0 : i32
      %dma_wait3A_323 = arith.constant 0 : i32
      %dma_wait3A_324 = tpu.memref_slice %arg3[%dma_wait3A_322, %dma_wait3A_323] : memref<10000x256xf32, #tpu.memory_space<hbm>> -> memref<1x128xf32, #tpu.memory_space<hbm>>
      %dma_wait3A_325 = tpu.memref_squeeze %dma_wait3A_324 : memref<1x128xf32, #tpu.memory_space<hbm>> -> memref<128xf32, #tpu.memory_space<hbm>>
      %dma_wait3A_326 = arith.constant 0 : i32
      %dma_wait3A_327 = tpu.memref_slice %arg3[%dma_wait3A_322, %dma_wait3A_326] : memref<10000x256xf32, #tpu.memory_space<hbm>> -> memref<1x128xf32, #tpu.memory_space<hbm>>
      %dma_wait3A_328 = tpu.memref_squeeze %dma_wait3A_327 : memref<1x128xf32, #tpu.memory_space<hbm>> -> memref<128xf32, #tpu.memory_space<hbm>>
      tpu.wait_dma2 semaphore(%arg16 : memref<!tpu.dma_semaphore, #tpu.memory_space<semaphore_mem>>) src(%dma_wait3A_328 : memref<128xf32, #tpu.memory_space<hbm>>) dst(%arg10 : memref<128xf32, #tpu.memory_space<vmem>>)
    } else {
    }
    %barrier3A_309 = arith.constant 0 : index
    tpu.barrier barrier_id(%barrier3A_309)
    %mul3A_310 = arith.constant 640 : i32
    %mul3A_311 = arith.muli %arg1, %mul3A_310 : i32
    %mul3A_312 = arith.constant 10240 : i32
    %mul3A_313 = arith.muli %arg0, %mul3A_312 : i32
    %add3A_314 = arith.addi %mul3A_313, %mul3A_311 : i32
    "tpu.region"() ({
      %run_scoped3A = tpu.sem_alloc : memref<!tpu.dma_semaphore, #tpu.memory_space<semaphore_mem>>
      %dma_start3A_315 = arith.constant 0 : i32
      %dma_start3A_316 = tpu.memref_slice %arg6[%add3A_314, %dma_start3A_315] : memref<20480x128xf32, #tpu.memory_space<hbm>> -> memref<640x128xf32, #tpu.memory_space<hbm>>
      %dma_start3A_317 = arith.constant 0 : i32
      %dma_start3A_318 = tpu.memref_slice %arg11[%mul3A_311, %dma_start3A_317] : memref<10240x128xf32, #tpu.memory_space<vmem_shared>> -> memref<640x128xf32, #tpu.memory_space<vmem_shared>>
      tpu.enqueue_dma source(%dma_start3A_318 : memref<640x128xf32, #tpu.memory_space<vmem_shared>>) target(%dma_start3A_316 : memref<640x128xf32, #tpu.memory_space<hbm>>) target_semaphore(%run_scoped3A : memref<!tpu.dma_semaphore, #tpu.memory_space<semaphore_mem>>)
      %dma_wait3A_319 = arith.constant 0 : i32
      %dma_wait3A_320 = tpu.memref_slice %arg6[%add3A_314, %dma_wait3A_319] : memref<20480x128xf32, #tpu.memory_space<hbm>> -> memref<640x128xf32, #tpu.memory_space<hbm>>
      %dma_wait3A_321 = arith.constant 0 : i32
      %dma_wait3A_322 = tpu.memref_slice %arg11[%mul3A_311, %dma_wait3A_321] : memref<10240x128xf32, #tpu.memory_space<vmem_shared>> -> memref<640x128xf32, #tpu.memory_space<vmem_shared>>
      tpu.wait_dma2 semaphore(%run_scoped3A : memref<!tpu.dma_semaphore, #tpu.memory_space<semaphore_mem>>) src(%dma_wait3A_322 : memref<640x128xf32, #tpu.memory_space<vmem_shared>>) dst(%dma_wait3A_320 : memref<640x128xf32, #tpu.memory_space<hbm>>)
      tpu.yield
    }) : () -> ()
    "tpu.region"() ({
      %run_scoped3A = tpu.sem_alloc : memref<!tpu.dma_semaphore, #tpu.memory_space<semaphore_mem>>
      %dma_start3A_315 = tpu.memref_slice %arg7[%arg0, %mul3A_311] : memref<2x10240xf32, #tpu.memory_space<hbm>> -> memref<1x640xf32, #tpu.memory_space<hbm>>
      %dma_start3A_316 = tpu.memref_squeeze %dma_start3A_315 : memref<1x640xf32, #tpu.memory_space<hbm>> -> memref<640xf32, #tpu.memory_space<hbm>>
      %dma_start3A_317 = tpu.memref_slice %arg12[%mul3A_311] : memref<10240xf32, #tpu.memory_space<vmem_shared>> -> memref<640xf32, #tpu.memory_space<vmem_shared>>
      tpu.enqueue_dma source(%dma_start3A_317 : memref<640xf32, #tpu.memory_space<vmem_shared>>) target(%dma_start3A_316 : memref<640xf32, #tpu.memory_space<hbm>>) target_semaphore(%run_scoped3A : memref<!tpu.dma_semaphore, #tpu.memory_space<semaphore_mem>>)
      %dma_wait3A_318 = tpu.memref_slice %arg7[%arg0, %mul3A_311] : memref<2x10240xf32, #tpu.memory_space<hbm>> -> memref<1x640xf32, #tpu.memory_space<hbm>>
      %dma_wait3A_319 = tpu.memref_squeeze %dma_wait3A_318 : memref<1x640xf32, #tpu.memory_space<hbm>> -> memref<640xf32, #tpu.memory_space<hbm>>
      %dma_wait3A_320 = tpu.memref_slice %arg12[%mul3A_311] : memref<10240xf32, #tpu.memory_space<vmem_shared>> -> memref<640xf32, #tpu.memory_space<vmem_shared>>
      tpu.wait_dma2 semaphore(%run_scoped3A : memref<!tpu.dma_semaphore, #tpu.memory_space<semaphore_mem>>) src(%dma_wait3A_320 : memref<640xf32, #tpu.memory_space<vmem_shared>>) dst(%dma_wait3A_319 : memref<640xf32, #tpu.memory_space<hbm>>)
      tpu.yield
    }) : () -> ()
    return
  }
}

#map = affine_map<(d0, d1) -> (0, 0, 0, 0, 0)>
#map1 = affine_map<(d0, d1) -> (0, 0)>
module attributes {stable_mosaic.version = 14 : i64} {
  func.func @body(%arg0: i32, %arg1: i32, %arg2: memref<2x16x80x2x128xi32, #tpu.memory_space<hbm>>, %arg3: memref<20480x128xf32, #tpu.memory_space<hbm>>, %arg4: memref<640x128xf32, #tpu.memory_space<hbm>>, %arg5: memref<20480x128xf32, #tpu.memory_space<hbm>>, %arg6: memref<4x2x2x128xi32, #tpu.memory_space<vmem>>, %arg7: memref<2x128x128xf32, #tpu.memory_space<vmem>>, %arg8: memref<128xf32, #tpu.memory_space<vmem>>, %arg9: memref<10240x128xf32, #tpu.memory_space<vmem_shared>>, %arg10: memref<10240xf32, #tpu.memory_space<vmem_shared>>, %arg11: memref<!tpu.dma_semaphore, #tpu.memory_space<semaphore_mem>>, %arg12: memref<!tpu.dma_semaphore, #tpu.memory_space<semaphore_mem>>, %arg13: memref<!tpu.dma_semaphore, #tpu.memory_space<semaphore_mem>>, %arg14: memref<!tpu.dma_semaphore, #tpu.memory_space<semaphore_mem>>) attributes {dimension_semantics = [#tpu.dimension_semantics<core_parallel>, #tpu.dimension_semantics<subcore_parallel>], iteration_bounds = array<i64: 2, 16>, scalar_prefetch = 0 : i64, scratch_operands = 9 : i64, tpu.core_type = #tpu.core_type<sc_vector_subcore>, window_params = [{transform_indices = #map}, {transform_indices = #map1}, {transform_indices = #map1}, {transform_indices = #map1}]} {
    %dma_start3A = arith.constant 0 : i32
    %dma_start3A_0 = arith.constant 0 : i32
    %dma_start3A_1 = arith.constant 0 : i32
    %dma_start3A_2 = arith.constant 0 : i32
    %dma_start3A_3 = tpu.memref_slice %arg6[%dma_start3A, %dma_start3A_0, %dma_start3A_1, %dma_start3A_2] : memref<4x2x2x128xi32, #tpu.memory_space<vmem>> -> memref<1x2x2x128xi32, #tpu.memory_space<vmem>>
    %dma_start3A_4 = tpu.memref_squeeze %dma_start3A_3 : memref<1x2x2x128xi32, #tpu.memory_space<vmem>> -> memref<2x2x128xi32, #tpu.memory_space<vmem>>
    %dma_start3A_5 = arith.constant 0 : i32
    %dma_start3A_6 = arith.constant 0 : i32
    %dma_start3A_7 = arith.constant 0 : i32
    %dma_start3A_8 = tpu.memref_slice %arg2[%arg0, %arg1, %dma_start3A_5, %dma_start3A_6, %dma_start3A_7] : memref<2x16x80x2x128xi32, #tpu.memory_space<hbm>> -> memref<1x1x2x2x128xi32, #tpu.memory_space<hbm>>
    %dma_start3A_9 = tpu.memref_squeeze %dma_start3A_8 : memref<1x1x2x2x128xi32, #tpu.memory_space<hbm>> -> memref<2x2x128xi32, #tpu.memory_space<hbm>>
    %dma_start3A_10 = arith.constant 0 : i32
    %dma_start3A_11 = arith.constant 0 : i32
    %dma_start3A_12 = arith.constant 0 : i32
    %dma_start3A_13 = tpu.memref_slice %arg6[%dma_start3A, %dma_start3A_10, %dma_start3A_11, %dma_start3A_12] : memref<4x2x2x128xi32, #tpu.memory_space<vmem>> -> memref<1x2x2x128xi32, #tpu.memory_space<vmem>>
    %dma_start3A_14 = tpu.memref_squeeze %dma_start3A_13 : memref<1x2x2x128xi32, #tpu.memory_space<vmem>> -> memref<2x2x128xi32, #tpu.memory_space<vmem>>
    %dma_start3A_15 = arith.constant 0 : i32
    %dma_start3A_16 = arith.constant 0 : i32
    %dma_start3A_17 = arith.constant 0 : i32
    %dma_start3A_18 = tpu.memref_slice %arg2[%arg0, %arg1, %dma_start3A_15, %dma_start3A_16, %dma_start3A_17] : memref<2x16x80x2x128xi32, #tpu.memory_space<hbm>> -> memref<1x1x2x2x128xi32, #tpu.memory_space<hbm>>
    %dma_start3A_19 = tpu.memref_squeeze %dma_start3A_18 : memref<1x1x2x2x128xi32, #tpu.memory_space<hbm>> -> memref<2x2x128xi32, #tpu.memory_space<hbm>>
    tpu.enqueue_dma source(%dma_start3A_19 : memref<2x2x128xi32, #tpu.memory_space<hbm>>) target(%dma_start3A_14 : memref<2x2x128xi32, #tpu.memory_space<vmem>>) target_semaphore(%arg11 : memref<!tpu.dma_semaphore, #tpu.memory_space<semaphore_mem>>)
    %dma_start3A_20 = arith.constant 1 : i32
    %dma_start3A_21 = arith.constant 0 : i32
    %dma_start3A_22 = arith.constant 0 : i32
    %dma_start3A_23 = arith.constant 0 : i32
    %dma_start3A_24 = tpu.memref_slice %arg6[%dma_start3A_20, %dma_start3A_21, %dma_start3A_22, %dma_start3A_23] : memref<4x2x2x128xi32, #tpu.memory_space<vmem>> -> memref<1x2x2x128xi32, #tpu.memory_space<vmem>>
    %dma_start3A_25 = tpu.memref_squeeze %dma_start3A_24 : memref<1x2x2x128xi32, #tpu.memory_space<vmem>> -> memref<2x2x128xi32, #tpu.memory_space<vmem>>
    %dma_start3A_26 = arith.constant 2 : i32
    %dma_start3A_27 = arith.constant 0 : i32
    %dma_start3A_28 = arith.constant 0 : i32
    %dma_start3A_29 = tpu.memref_slice %arg2[%arg0, %arg1, %dma_start3A_26, %dma_start3A_27, %dma_start3A_28] : memref<2x16x80x2x128xi32, #tpu.memory_space<hbm>> -> memref<1x1x2x2x128xi32, #tpu.memory_space<hbm>>
    %dma_start3A_30 = tpu.memref_squeeze %dma_start3A_29 : memref<1x1x2x2x128xi32, #tpu.memory_space<hbm>> -> memref<2x2x128xi32, #tpu.memory_space<hbm>>
    %dma_start3A_31 = arith.constant 0 : i32
    %dma_start3A_32 = arith.constant 0 : i32
    %dma_start3A_33 = arith.constant 0 : i32
    %dma_start3A_34 = tpu.memref_slice %arg6[%dma_start3A_20, %dma_start3A_31, %dma_start3A_32, %dma_start3A_33] : memref<4x2x2x128xi32, #tpu.memory_space<vmem>> -> memref<1x2x2x128xi32, #tpu.memory_space<vmem>>
    %dma_start3A_35 = tpu.memref_squeeze %dma_start3A_34 : memref<1x2x2x128xi32, #tpu.memory_space<vmem>> -> memref<2x2x128xi32, #tpu.memory_space<vmem>>
    %dma_start3A_36 = arith.constant 2 : i32
    %dma_start3A_37 = arith.constant 0 : i32
    %dma_start3A_38 = arith.constant 0 : i32
    %dma_start3A_39 = tpu.memref_slice %arg2[%arg0, %arg1, %dma_start3A_36, %dma_start3A_37, %dma_start3A_38] : memref<2x16x80x2x128xi32, #tpu.memory_space<hbm>> -> memref<1x1x2x2x128xi32, #tpu.memory_space<hbm>>
    %dma_start3A_40 = tpu.memref_squeeze %dma_start3A_39 : memref<1x1x2x2x128xi32, #tpu.memory_space<hbm>> -> memref<2x2x128xi32, #tpu.memory_space<hbm>>
    tpu.enqueue_dma source(%dma_start3A_40 : memref<2x2x128xi32, #tpu.memory_space<hbm>>) target(%dma_start3A_35 : memref<2x2x128xi32, #tpu.memory_space<vmem>>) target_semaphore(%arg11 : memref<!tpu.dma_semaphore, #tpu.memory_space<semaphore_mem>>)
    %dma_start3A_41 = arith.constant 2 : i32
    %dma_start3A_42 = arith.constant 0 : i32
    %dma_start3A_43 = arith.constant 0 : i32
    %dma_start3A_44 = arith.constant 0 : i32
    %dma_start3A_45 = tpu.memref_slice %arg6[%dma_start3A_41, %dma_start3A_42, %dma_start3A_43, %dma_start3A_44] : memref<4x2x2x128xi32, #tpu.memory_space<vmem>> -> memref<1x2x2x128xi32, #tpu.memory_space<vmem>>
    %dma_start3A_46 = tpu.memref_squeeze %dma_start3A_45 : memref<1x2x2x128xi32, #tpu.memory_space<vmem>> -> memref<2x2x128xi32, #tpu.memory_space<vmem>>
    %dma_start3A_47 = arith.constant 4 : i32
    %dma_start3A_48 = arith.constant 0 : i32
    %dma_start3A_49 = arith.constant 0 : i32
    %dma_start3A_50 = tpu.memref_slice %arg2[%arg0, %arg1, %dma_start3A_47, %dma_start3A_48, %dma_start3A_49] : memref<2x16x80x2x128xi32, #tpu.memory_space<hbm>> -> memref<1x1x2x2x128xi32, #tpu.memory_space<hbm>>
    %dma_start3A_51 = tpu.memref_squeeze %dma_start3A_50 : memref<1x1x2x2x128xi32, #tpu.memory_space<hbm>> -> memref<2x2x128xi32, #tpu.memory_space<hbm>>
    %dma_start3A_52 = arith.constant 0 : i32
    %dma_start3A_53 = arith.constant 0 : i32
    %dma_start3A_54 = arith.constant 0 : i32
    %dma_start3A_55 = tpu.memref_slice %arg6[%dma_start3A_41, %dma_start3A_52, %dma_start3A_53, %dma_start3A_54] : memref<4x2x2x128xi32, #tpu.memory_space<vmem>> -> memref<1x2x2x128xi32, #tpu.memory_space<vmem>>
    %dma_start3A_56 = tpu.memref_squeeze %dma_start3A_55 : memref<1x2x2x128xi32, #tpu.memory_space<vmem>> -> memref<2x2x128xi32, #tpu.memory_space<vmem>>
    %dma_start3A_57 = arith.constant 4 : i32
    %dma_start3A_58 = arith.constant 0 : i32
    %dma_start3A_59 = arith.constant 0 : i32
    %dma_start3A_60 = tpu.memref_slice %arg2[%arg0, %arg1, %dma_start3A_57, %dma_start3A_58, %dma_start3A_59] : memref<2x16x80x2x128xi32, #tpu.memory_space<hbm>> -> memref<1x1x2x2x128xi32, #tpu.memory_space<hbm>>
    %dma_start3A_61 = tpu.memref_squeeze %dma_start3A_60 : memref<1x1x2x2x128xi32, #tpu.memory_space<hbm>> -> memref<2x2x128xi32, #tpu.memory_space<hbm>>
    tpu.enqueue_dma source(%dma_start3A_61 : memref<2x2x128xi32, #tpu.memory_space<hbm>>) target(%dma_start3A_56 : memref<2x2x128xi32, #tpu.memory_space<vmem>>) target_semaphore(%arg11 : memref<!tpu.dma_semaphore, #tpu.memory_space<semaphore_mem>>)
    %dma_start3A_62 = arith.constant 3 : i32
    %dma_start3A_63 = arith.constant 0 : i32
    %dma_start3A_64 = arith.constant 0 : i32
    %dma_start3A_65 = arith.constant 0 : i32
    %dma_start3A_66 = tpu.memref_slice %arg6[%dma_start3A_62, %dma_start3A_63, %dma_start3A_64, %dma_start3A_65] : memref<4x2x2x128xi32, #tpu.memory_space<vmem>> -> memref<1x2x2x128xi32, #tpu.memory_space<vmem>>
    %dma_start3A_67 = tpu.memref_squeeze %dma_start3A_66 : memref<1x2x2x128xi32, #tpu.memory_space<vmem>> -> memref<2x2x128xi32, #tpu.memory_space<vmem>>
    %dma_start3A_68 = arith.constant 6 : i32
    %dma_start3A_69 = arith.constant 0 : i32
    %dma_start3A_70 = arith.constant 0 : i32
    %dma_start3A_71 = tpu.memref_slice %arg2[%arg0, %arg1, %dma_start3A_68, %dma_start3A_69, %dma_start3A_70] : memref<2x16x80x2x128xi32, #tpu.memory_space<hbm>> -> memref<1x1x2x2x128xi32, #tpu.memory_space<hbm>>
    %dma_start3A_72 = tpu.memref_squeeze %dma_start3A_71 : memref<1x1x2x2x128xi32, #tpu.memory_space<hbm>> -> memref<2x2x128xi32, #tpu.memory_space<hbm>>
    %dma_start3A_73 = arith.constant 0 : i32
    %dma_start3A_74 = arith.constant 0 : i32
    %dma_start3A_75 = arith.constant 0 : i32
    %dma_start3A_76 = tpu.memref_slice %arg6[%dma_start3A_62, %dma_start3A_73, %dma_start3A_74, %dma_start3A_75] : memref<4x2x2x128xi32, #tpu.memory_space<vmem>> -> memref<1x2x2x128xi32, #tpu.memory_space<vmem>>
    %dma_start3A_77 = tpu.memref_squeeze %dma_start3A_76 : memref<1x2x2x128xi32, #tpu.memory_space<vmem>> -> memref<2x2x128xi32, #tpu.memory_space<vmem>>
    %dma_start3A_78 = arith.constant 6 : i32
    %dma_start3A_79 = arith.constant 0 : i32
    %dma_start3A_80 = arith.constant 0 : i32
    %dma_start3A_81 = tpu.memref_slice %arg2[%arg0, %arg1, %dma_start3A_78, %dma_start3A_79, %dma_start3A_80] : memref<2x16x80x2x128xi32, #tpu.memory_space<hbm>> -> memref<1x1x2x2x128xi32, #tpu.memory_space<hbm>>
    %dma_start3A_82 = tpu.memref_squeeze %dma_start3A_81 : memref<1x1x2x2x128xi32, #tpu.memory_space<hbm>> -> memref<2x2x128xi32, #tpu.memory_space<hbm>>
    tpu.enqueue_dma source(%dma_start3A_82 : memref<2x2x128xi32, #tpu.memory_space<hbm>>) target(%dma_start3A_77 : memref<2x2x128xi32, #tpu.memory_space<vmem>>) target_semaphore(%arg11 : memref<!tpu.dma_semaphore, #tpu.memory_space<semaphore_mem>>)
    %mul3A = arith.constant 640 : i32
    %mul3A_83 = arith.muli %arg1, %mul3A : i32
    %dma_start3A_84 = arith.constant 0 : i32
    %dma_start3A_85 = tpu.memref_slice %arg9[%mul3A_83, %dma_start3A_84] : memref<10240x128xf32, #tpu.memory_space<vmem_shared>> -> memref<640x128xf32, #tpu.memory_space<vmem_shared>>
    tpu.enqueue_dma source(%arg4 : memref<640x128xf32, #tpu.memory_space<hbm>>) target(%dma_start3A_85 : memref<640x128xf32, #tpu.memory_space<vmem_shared>>) target_semaphore(%arg13 : memref<!tpu.dma_semaphore, #tpu.memory_space<semaphore_mem>>)
    %dma_wait3A = arith.constant 0 : i32
    %dma_wait3A_86 = tpu.memref_slice %arg9[%mul3A_83, %dma_wait3A] : memref<10240x128xf32, #tpu.memory_space<vmem_shared>> -> memref<640x128xf32, #tpu.memory_space<vmem_shared>>
    tpu.wait_dma2 semaphore(%arg13 : memref<!tpu.dma_semaphore, #tpu.memory_space<semaphore_mem>>) src(%arg4 : memref<640x128xf32, #tpu.memory_space<hbm>>) dst(%dma_wait3A_86 : memref<640x128xf32, #tpu.memory_space<vmem_shared>>)
    %dma_wait3A_87 = arith.constant 0 : i32
    %dma_wait3A_88 = arith.constant 0 : i32
    %dma_wait3A_89 = arith.constant 0 : i32
    %dma_wait3A_90 = arith.constant 0 : i32
    %dma_wait3A_91 = arith.constant 0 : i32
    %dma_wait3A_92 = arith.constant 0 : i32
    %dma_wait3A_93 = tpu.memref_slice %arg6[%dma_wait3A_89, %dma_wait3A_90, %dma_wait3A_91, %dma_wait3A_92] : memref<4x2x2x128xi32, #tpu.memory_space<vmem>> -> memref<1x2x2x128xi32, #tpu.memory_space<vmem>>
    %dma_wait3A_94 = tpu.memref_squeeze %dma_wait3A_93 : memref<1x2x2x128xi32, #tpu.memory_space<vmem>> -> memref<2x2x128xi32, #tpu.memory_space<vmem>>
    %dma_wait3A_95 = arith.constant 0 : i32
    %dma_wait3A_96 = arith.constant 0 : i32
    %dma_wait3A_97 = arith.constant 0 : i32
    %dma_wait3A_98 = tpu.memref_slice %arg2[%dma_wait3A_87, %dma_wait3A_88, %dma_wait3A_95, %dma_wait3A_96, %dma_wait3A_97] : memref<2x16x80x2x128xi32, #tpu.memory_space<hbm>> -> memref<1x1x2x2x128xi32, #tpu.memory_space<hbm>>
    %dma_wait3A_99 = tpu.memref_squeeze %dma_wait3A_98 : memref<1x1x2x2x128xi32, #tpu.memory_space<hbm>> -> memref<2x2x128xi32, #tpu.memory_space<hbm>>
    %dma_wait3A_100 = arith.constant 0 : i32
    %dma_wait3A_101 = arith.constant 0 : i32
    %dma_wait3A_102 = arith.constant 0 : i32
    %dma_wait3A_103 = tpu.memref_slice %arg6[%dma_wait3A_89, %dma_wait3A_100, %dma_wait3A_101, %dma_wait3A_102] : memref<4x2x2x128xi32, #tpu.memory_space<vmem>> -> memref<1x2x2x128xi32, #tpu.memory_space<vmem>>
    %dma_wait3A_104 = tpu.memref_squeeze %dma_wait3A_103 : memref<1x2x2x128xi32, #tpu.memory_space<vmem>> -> memref<2x2x128xi32, #tpu.memory_space<vmem>>
    %dma_wait3A_105 = arith.constant 0 : i32
    %dma_wait3A_106 = arith.constant 0 : i32
    %dma_wait3A_107 = arith.constant 0 : i32
    %dma_wait3A_108 = tpu.memref_slice %arg2[%dma_wait3A_87, %dma_wait3A_88, %dma_wait3A_105, %dma_wait3A_106, %dma_wait3A_107] : memref<2x16x80x2x128xi32, #tpu.memory_space<hbm>> -> memref<1x1x2x2x128xi32, #tpu.memory_space<hbm>>
    %dma_wait3A_109 = tpu.memref_squeeze %dma_wait3A_108 : memref<1x1x2x2x128xi32, #tpu.memory_space<hbm>> -> memref<2x2x128xi32, #tpu.memory_space<hbm>>
    tpu.wait_dma2 semaphore(%arg11 : memref<!tpu.dma_semaphore, #tpu.memory_space<semaphore_mem>>) src(%dma_wait3A_109 : memref<2x2x128xi32, #tpu.memory_space<hbm>>) dst(%dma_wait3A_104 : memref<2x2x128xi32, #tpu.memory_space<vmem>>)
    %dma_start3A_110 = arith.constant 0 : i32
    %dma_start3A_111 = arith.constant 0 : i32
    %dma_start3A_112 = arith.constant 0 : i32
    %dma_start3A_113 = arith.constant 0 : i32
    %dma_start3A_114 = arith.constant 0 : i32
    %dma_start3A_115 = arith.constant 0 : i32
    %dma_start3A_116 = tpu.memref_slice %arg7[%dma_start3A_113, %dma_start3A_114, %dma_start3A_115] : memref<2x128x128xf32, #tpu.memory_space<vmem>> -> memref<1x128x128xf32, #tpu.memory_space<vmem>>
    %dma_start3A_117 = tpu.memref_squeeze %dma_start3A_116 : memref<1x128x128xf32, #tpu.memory_space<vmem>> -> memref<128x128xf32, #tpu.memory_space<vmem>>
    %dma_start3A_118 = arith.constant 0 : i32
    %dma_start3A_119 = tpu.memref_slice %arg6[%dma_start3A_110, %dma_start3A_111, %dma_start3A_112, %dma_start3A_118] : memref<4x2x2x128xi32, #tpu.memory_space<vmem>> -> memref<1x1x1x128xi32, #tpu.memory_space<vmem>>
    %dma_start3A_120 = tpu.memref_squeeze %dma_start3A_119 : memref<1x1x1x128xi32, #tpu.memory_space<vmem>> -> memref<128xi32, #tpu.memory_space<vmem>>
    %dma_start3A_121 = arith.constant 0 : i32
    %dma_start3A_122 = arith.constant 0 : i32
    %dma_start3A_123 = tpu.memref_slice %arg3[%dma_start3A_121, %dma_start3A_122] : memref<20480x128xf32, #tpu.memory_space<hbm>> -> memref<20480x128xf32, #tpu.memory_space<hbm>>
    tpu.enqueue_indirect_dma source(%dma_start3A_123 : memref<20480x128xf32, #tpu.memory_space<hbm>>) target(%dma_start3A_117 : memref<128x128xf32, #tpu.memory_space<vmem>>) offsets(%dma_start3A_120 : memref<128xi32, #tpu.memory_space<vmem>>) semaphore(%arg12 : memref<!tpu.dma_semaphore, #tpu.memory_space<semaphore_mem>>)
    %dma_start3A_124 = arith.constant 0 : i32
    %dma_start3A_125 = arith.constant 1 : i32
    %dma_start3A_126 = arith.constant 0 : i32
    %dma_start3A_127 = arith.constant 1 : i32
    %dma_start3A_128 = arith.constant 0 : i32
    %dma_start3A_129 = arith.constant 0 : i32
    %dma_start3A_130 = tpu.memref_slice %arg7[%dma_start3A_127, %dma_start3A_128, %dma_start3A_129] : memref<2x128x128xf32, #tpu.memory_space<vmem>> -> memref<1x128x128xf32, #tpu.memory_space<vmem>>
    %dma_start3A_131 = tpu.memref_squeeze %dma_start3A_130 : memref<1x128x128xf32, #tpu.memory_space<vmem>> -> memref<128x128xf32, #tpu.memory_space<vmem>>
    %dma_start3A_132 = arith.constant 0 : i32
    %dma_start3A_133 = tpu.memref_slice %arg6[%dma_start3A_124, %dma_start3A_125, %dma_start3A_126, %dma_start3A_132] : memref<4x2x2x128xi32, #tpu.memory_space<vmem>> -> memref<1x1x1x128xi32, #tpu.memory_space<vmem>>
    %dma_start3A_134 = tpu.memref_squeeze %dma_start3A_133 : memref<1x1x1x128xi32, #tpu.memory_space<vmem>> -> memref<128xi32, #tpu.memory_space<vmem>>
    %dma_start3A_135 = arith.constant 0 : i32
    %dma_start3A_136 = arith.constant 0 : i32
    %dma_start3A_137 = tpu.memref_slice %arg3[%dma_start3A_135, %dma_start3A_136] : memref<20480x128xf32, #tpu.memory_space<hbm>> -> memref<20480x128xf32, #tpu.memory_space<hbm>>
    tpu.enqueue_indirect_dma source(%dma_start3A_137 : memref<20480x128xf32, #tpu.memory_space<hbm>>) target(%dma_start3A_131 : memref<128x128xf32, #tpu.memory_space<vmem>>) offsets(%dma_start3A_134 : memref<128xi32, #tpu.memory_space<vmem>>) semaphore(%arg12 : memref<!tpu.dma_semaphore, #tpu.memory_space<semaphore_mem>>)
    %barrier3A = arith.constant 0 : index
    tpu.barrier barrier_id(%barrier3A)
    %scan3A = arith.constant 0 : i32
    %scan3A_138 = arith.constant 0 : i32
    %scan3A_139 = arith.constant 39 : i32
    %scan3A_140 = arith.addi %scan3A_138, %scan3A_139 : i32
    %scan3A_141 = arith.constant 1 : i32
    scf.for %scan3A_255 = %scan3A_138 to %scan3A_140 step %scan3A_141  : i32 {
      %jit3A = arith.constant 4 : i32
      %eq3A = arith.constant 0 : i32
      %eq3A_256 = arith.cmpi eq, %jit3A, %eq3A : i32
      %jit3A_257 = arith.constant 1 : i32
      %select_n3A = arith.select %eq3A_256, %jit3A_257, %jit3A : i32
      %rem3A = arith.remsi %scan3A_255, %select_n3A : i32
      %ne3A = arith.constant 0 : i32
      %ne3A_258 = arith.cmpi ne, %rem3A, %ne3A : i32
      %lt3A = arith.constant 0 : i32
      %lt3A_259 = arith.cmpi slt, %rem3A, %lt3A : i32
      %lt3A_260 = arith.constant 0 : i32
      %lt3A_261 = arith.cmpi slt, %select_n3A, %lt3A_260 : i32
      %ne3A_262 = arith.xori %lt3A_259, %lt3A_261 : i1
      %and3A_263 = arith.andi %ne3A_262, %ne3A_258 : i1
      %add3A_264 = arith.addi %rem3A, %select_n3A : i32
      %select_n3A_265 = arith.select %and3A_263, %add3A_264, %rem3A : i32
      %mul3A_266 = arith.constant 2 : i32
      %mul3A_267 = arith.muli %mul3A_266, %scan3A_255 : i32
      %add3A_268 = arith.constant 0 : i32
      %add3A_269 = arith.addi %mul3A_267, %add3A_268 : i32
      %dma_wait3A_270 = arith.constant 0 : i32
      %dma_wait3A_271 = arith.constant 0 : i32
      %dma_wait3A_272 = arith.constant 0 : i32
      %dma_wait3A_273 = tpu.memref_slice %arg7[%dma_wait3A_270, %dma_wait3A_271, %dma_wait3A_272] : memref<2x128x128xf32, #tpu.memory_space<vmem>> -> memref<1x128x128xf32, #tpu.memory_space<vmem>>
      %dma_wait3A_274 = tpu.memref_squeeze %dma_wait3A_273 : memref<1x128x128xf32, #tpu.memory_space<vmem>> -> memref<128x128xf32, #tpu.memory_space<vmem>>
      %dma_wait3A_275 = arith.constant 0 : i32
      %dma_wait3A_276 = arith.constant 0 : i32
      %dma_wait3A_277 = tpu.memref_slice %arg3[%dma_wait3A_275, %dma_wait3A_276] : memref<20480x128xf32, #tpu.memory_space<hbm>> -> memref<128x128xf32, #tpu.memory_space<hbm>>
      %dma_wait3A_278 = arith.constant 0 : i32
      %dma_wait3A_279 = arith.constant 0 : i32
      %dma_wait3A_280 = tpu.memref_slice %arg7[%dma_wait3A_270, %dma_wait3A_278, %dma_wait3A_279] : memref<2x128x128xf32, #tpu.memory_space<vmem>> -> memref<1x128x128xf32, #tpu.memory_space<vmem>>
      %dma_wait3A_281 = tpu.memref_squeeze %dma_wait3A_280 : memref<1x128x128xf32, #tpu.memory_space<vmem>> -> memref<128x128xf32, #tpu.memory_space<vmem>>
      %dma_wait3A_282 = arith.constant 0 : i32
      %dma_wait3A_283 = arith.constant 0 : i32
      %dma_wait3A_284 = tpu.memref_slice %arg3[%dma_wait3A_282, %dma_wait3A_283] : memref<20480x128xf32, #tpu.memory_space<hbm>> -> memref<128x128xf32, #tpu.memory_space<hbm>>
      tpu.wait_dma2 semaphore(%arg12 : memref<!tpu.dma_semaphore, #tpu.memory_space<semaphore_mem>>) src(%dma_wait3A_284 : memref<128x128xf32, #tpu.memory_space<hbm>>) dst(%dma_wait3A_281 : memref<128x128xf32, #tpu.memory_space<vmem>>)
      %dma_start3A_285 = arith.constant 0 : i32
      %dma_start3A_286 = arith.constant 0 : i32
      %dma_start3A_287 = arith.constant 1 : i32
      %dma_start3A_288 = arith.constant 0 : i32
      %dma_start3A_289 = arith.constant 0 : i32
      %dma_start3A_290 = tpu.memref_slice %arg7[%dma_start3A_285, %dma_start3A_288, %dma_start3A_289] : memref<2x128x128xf32, #tpu.memory_space<vmem>> -> memref<1x128x128xf32, #tpu.memory_space<vmem>>
      %dma_start3A_291 = tpu.memref_squeeze %dma_start3A_290 : memref<1x128x128xf32, #tpu.memory_space<vmem>> -> memref<128x128xf32, #tpu.memory_space<vmem>>
      %dma_start3A_292 = arith.constant 0 : i32
      %dma_start3A_293 = tpu.memref_slice %arg6[%select_n3A_265, %dma_start3A_286, %dma_start3A_287, %dma_start3A_292] : memref<4x2x2x128xi32, #tpu.memory_space<vmem>> -> memref<1x1x1x128xi32, #tpu.memory_space<vmem>>
      %dma_start3A_294 = tpu.memref_squeeze %dma_start3A_293 : memref<1x1x1x128xi32, #tpu.memory_space<vmem>> -> memref<128xi32, #tpu.memory_space<vmem>>
      %dma_start3A_295 = arith.constant 0 : i32
      %dma_start3A_296 = arith.constant 0 : i32
      %dma_start3A_297 = tpu.memref_slice %arg9[%dma_start3A_295, %dma_start3A_296] : memref<10240x128xf32, #tpu.memory_space<vmem_shared>> -> memref<10240x128xf32, #tpu.memory_space<vmem_shared>>
      tpu.enqueue_indirect_dma source(%dma_start3A_291 : memref<128x128xf32, #tpu.memory_space<vmem>>) target(%dma_start3A_297 : memref<10240x128xf32, #tpu.memory_space<vmem_shared>>) offsets(%dma_start3A_294 : memref<128xi32, #tpu.memory_space<vmem>>) semaphore(%arg13 : memref<!tpu.dma_semaphore, #tpu.memory_space<semaphore_mem>>) {add = true}
      %mul3A_298 = arith.constant 40 : i32
      %mul3A_299 = arith.muli %arg0, %mul3A_298 : i32
      %ge3A = arith.cmpi sge, %add3A_269, %mul3A_299 : i32
      %add3A_300 = arith.constant 1 : i32
      %add3A_301 = arith.addi %arg0, %add3A_300 : i32
      %mul3A_302 = arith.constant 40 : i32
      %mul3A_303 = arith.muli %add3A_301, %mul3A_302 : i32
      %lt3A_304 = arith.cmpi slt, %add3A_269, %mul3A_303 : i32
      %and3A_305 = arith.andi %ge3A, %lt3A_304 : i1
      %dma_wait3A_306 = arith.constant 0 : i32
      %dma_wait3A_307 = arith.constant 0 : i32
      %dma_wait3A_308 = arith.constant 0 : i32
      %dma_wait3A_309 = tpu.memref_slice %arg7[%dma_wait3A_306, %dma_wait3A_307, %dma_wait3A_308] : memref<2x128x128xf32, #tpu.memory_space<vmem>> -> memref<1x128x128xf32, #tpu.memory_space<vmem>>
      %dma_wait3A_310 = tpu.memref_squeeze %dma_wait3A_309 : memref<1x128x128xf32, #tpu.memory_space<vmem>> -> memref<128x128xf32, #tpu.memory_space<vmem>>
      %dma_wait3A_311 = arith.constant 0 : i32
      %dma_wait3A_312 = arith.constant 0 : i32
      %dma_wait3A_313 = tpu.memref_slice %arg3[%dma_wait3A_311, %dma_wait3A_312] : memref<20480x128xf32, #tpu.memory_space<hbm>> -> memref<128x128xf32, #tpu.memory_space<hbm>>
      %dma_wait3A_314 = arith.constant 0 : i32
      %dma_wait3A_315 = arith.constant 0 : i32
      %dma_wait3A_316 = tpu.memref_slice %arg7[%dma_wait3A_306, %dma_wait3A_314, %dma_wait3A_315] : memref<2x128x128xf32, #tpu.memory_space<vmem>> -> memref<1x128x128xf32, #tpu.memory_space<vmem>>
      %dma_wait3A_317 = tpu.memref_squeeze %dma_wait3A_316 : memref<1x128x128xf32, #tpu.memory_space<vmem>> -> memref<128x128xf32, #tpu.memory_space<vmem>>
      %dma_wait3A_318 = arith.constant 0 : i32
      %dma_wait3A_319 = arith.constant 0 : i32
      %dma_wait3A_320 = tpu.memref_slice %arg3[%dma_wait3A_318, %dma_wait3A_319] : memref<20480x128xf32, #tpu.memory_space<hbm>> -> memref<128x128xf32, #tpu.memory_space<hbm>>
      tpu.wait_dma2 semaphore(%arg13 : memref<!tpu.dma_semaphore, #tpu.memory_space<semaphore_mem>>) src(%dma_wait3A_320 : memref<128x128xf32, #tpu.memory_space<hbm>>) dst(%dma_wait3A_317 : memref<128x128xf32, #tpu.memory_space<vmem>>)
      %dma_wait3A_321 = arith.constant 0 : i32
      %dma_wait3A_322 = arith.constant 0 : i32
      %dma_wait3A_323 = arith.constant 0 : i32
      %dma_wait3A_324 = arith.constant 0 : i32
      %dma_wait3A_325 = arith.constant 0 : i32
      %dma_wait3A_326 = arith.constant 0 : i32
      %dma_wait3A_327 = tpu.memref_slice %arg6[%dma_wait3A_323, %dma_wait3A_324, %dma_wait3A_325, %dma_wait3A_326] : memref<4x2x2x128xi32, #tpu.memory_space<vmem>> -> memref<1x2x2x128xi32, #tpu.memory_space<vmem>>
      %dma_wait3A_328 = tpu.memref_squeeze %dma_wait3A_327 : memref<1x2x2x128xi32, #tpu.memory_space<vmem>> -> memref<2x2x128xi32, #tpu.memory_space<vmem>>
      %dma_wait3A_329 = arith.constant 0 : i32
      %dma_wait3A_330 = arith.constant 0 : i32
      %dma_wait3A_331 = arith.constant 0 : i32
      %dma_wait3A_332 = tpu.memref_slice %arg2[%dma_wait3A_321, %dma_wait3A_322, %dma_wait3A_329, %dma_wait3A_330, %dma_wait3A_331] : memref<2x16x80x2x128xi32, #tpu.memory_space<hbm>> -> memref<1x1x2x2x128xi32, #tpu.memory_space<hbm>>
      %dma_wait3A_333 = tpu.memref_squeeze %dma_wait3A_332 : memref<1x1x2x2x128xi32, #tpu.memory_space<hbm>> -> memref<2x2x128xi32, #tpu.memory_space<hbm>>
      %dma_wait3A_334 = arith.constant 0 : i32
      %dma_wait3A_335 = arith.constant 0 : i32
      %dma_wait3A_336 = arith.constant 0 : i32
      %dma_wait3A_337 = tpu.memref_slice %arg6[%dma_wait3A_323, %dma_wait3A_334, %dma_wait3A_335, %dma_wait3A_336] : memref<4x2x2x128xi32, #tpu.memory_space<vmem>> -> memref<1x2x2x128xi32, #tpu.memory_space<vmem>>
      %dma_wait3A_338 = tpu.memref_squeeze %dma_wait3A_337 : memref<1x2x2x128xi32, #tpu.memory_space<vmem>> -> memref<2x2x128xi32, #tpu.memory_space<vmem>>
      %dma_wait3A_339 = arith.constant 0 : i32
      %dma_wait3A_340 = arith.constant 0 : i32
      %dma_wait3A_341 = arith.constant 0 : i32
      %dma_wait3A_342 = tpu.memref_slice %arg2[%dma_wait3A_321, %dma_wait3A_322, %dma_wait3A_339, %dma_wait3A_340, %dma_wait3A_341] : memref<2x16x80x2x128xi32, #tpu.memory_space<hbm>> -> memref<1x1x2x2x128xi32, #tpu.memory_space<hbm>>
      %dma_wait3A_343 = tpu.memref_squeeze %dma_wait3A_342 : memref<1x1x2x2x128xi32, #tpu.memory_space<hbm>> -> memref<2x2x128xi32, #tpu.memory_space<hbm>>
      tpu.wait_dma2 semaphore(%arg11 : memref<!tpu.dma_semaphore, #tpu.memory_space<semaphore_mem>>) src(%dma_wait3A_343 : memref<2x2x128xi32, #tpu.memory_space<hbm>>) dst(%dma_wait3A_338 : memref<2x2x128xi32, #tpu.memory_space<vmem>>)
      %add3A_344 = arith.constant 1 : i32
      %add3A_345 = arith.addi %scan3A_255, %add3A_344 : i32
      %jit3A_346 = arith.constant 4 : i32
      %eq3A_347 = arith.constant 0 : i32
      %eq3A_348 = arith.cmpi eq, %jit3A_346, %eq3A_347 : i32
      %jit3A_349 = arith.constant 1 : i32
      %select_n3A_350 = arith.select %eq3A_348, %jit3A_349, %jit3A_346 : i32
      %rem3A_351 = arith.remsi %add3A_345, %select_n3A_350 : i32
      %ne3A_352 = arith.constant 0 : i32
      %ne3A_353 = arith.cmpi ne, %rem3A_351, %ne3A_352 : i32
      %lt3A_354 = arith.constant 0 : i32
      %lt3A_355 = arith.cmpi slt, %rem3A_351, %lt3A_354 : i32
      %lt3A_356 = arith.constant 0 : i32
      %lt3A_357 = arith.cmpi slt, %select_n3A_350, %lt3A_356 : i32
      %ne3A_358 = arith.xori %lt3A_355, %lt3A_357 : i1
      %and3A_359 = arith.andi %ne3A_358, %ne3A_353 : i1
      %add3A_360 = arith.addi %rem3A_351, %select_n3A_350 : i32
      %select_n3A_361 = arith.select %and3A_359, %add3A_360, %rem3A_351 : i32
      %dma_start3A_362 = arith.constant 0 : i32
      %dma_start3A_363 = arith.constant 0 : i32
      %dma_start3A_364 = arith.constant 0 : i32
      %dma_start3A_365 = arith.constant 0 : i32
      %dma_start3A_366 = arith.constant 0 : i32
      %dma_start3A_367 = tpu.memref_slice %arg7[%dma_start3A_364, %dma_start3A_365, %dma_start3A_366] : memref<2x128x128xf32, #tpu.memory_space<vmem>> -> memref<1x128x128xf32, #tpu.memory_space<vmem>>
      %dma_start3A_368 = tpu.memref_squeeze %dma_start3A_367 : memref<1x128x128xf32, #tpu.memory_space<vmem>> -> memref<128x128xf32, #tpu.memory_space<vmem>>
      %dma_start3A_369 = arith.constant 0 : i32
      %dma_start3A_370 = tpu.memref_slice %arg6[%select_n3A_361, %dma_start3A_362, %dma_start3A_363, %dma_start3A_369] : memref<4x2x2x128xi32, #tpu.memory_space<vmem>> -> memref<1x1x1x128xi32, #tpu.memory_space<vmem>>
      %dma_start3A_371 = tpu.memref_squeeze %dma_start3A_370 : memref<1x1x1x128xi32, #tpu.memory_space<vmem>> -> memref<128xi32, #tpu.memory_space<vmem>>
      %dma_start3A_372 = arith.constant 0 : i32
      %dma_start3A_373 = arith.constant 0 : i32
      %dma_start3A_374 = tpu.memref_slice %arg3[%dma_start3A_372, %dma_start3A_373] : memref<20480x128xf32, #tpu.memory_space<hbm>> -> memref<20480x128xf32, #tpu.memory_space<hbm>>
      tpu.enqueue_indirect_dma source(%dma_start3A_374 : memref<20480x128xf32, #tpu.memory_space<hbm>>) target(%dma_start3A_368 : memref<128x128xf32, #tpu.memory_space<vmem>>) offsets(%dma_start3A_371 : memref<128xi32, #tpu.memory_space<vmem>>) semaphore(%arg12 : memref<!tpu.dma_semaphore, #tpu.memory_space<semaphore_mem>>)
      %jit3A_375 = arith.constant 4 : i32
      %eq3A_376 = arith.constant 0 : i32
      %eq3A_377 = arith.cmpi eq, %jit3A_375, %eq3A_376 : i32
      %jit3A_378 = arith.constant 1 : i32
      %select_n3A_379 = arith.select %eq3A_377, %jit3A_378, %jit3A_375 : i32
      %rem3A_380 = arith.remsi %scan3A_255, %select_n3A_379 : i32
      %ne3A_381 = arith.constant 0 : i32
      %ne3A_382 = arith.cmpi ne, %rem3A_380, %ne3A_381 : i32
      %lt3A_383 = arith.constant 0 : i32
      %lt3A_384 = arith.cmpi slt, %rem3A_380, %lt3A_383 : i32
      %lt3A_385 = arith.constant 0 : i32
      %lt3A_386 = arith.cmpi slt, %select_n3A_379, %lt3A_385 : i32
      %ne3A_387 = arith.xori %lt3A_384, %lt3A_386 : i1
      %and3A_388 = arith.andi %ne3A_387, %ne3A_382 : i1
      %add3A_389 = arith.addi %rem3A_380, %select_n3A_379 : i32
      %select_n3A_390 = arith.select %and3A_388, %add3A_389, %rem3A_380 : i32
      %mul3A_391 = arith.constant 2 : i32
      %mul3A_392 = arith.muli %mul3A_391, %scan3A_255 : i32
      %add3A_393 = arith.constant 1 : i32
      %add3A_394 = arith.addi %mul3A_392, %add3A_393 : i32
      %dma_wait3A_395 = arith.constant 1 : i32
      %dma_wait3A_396 = arith.constant 0 : i32
      %dma_wait3A_397 = arith.constant 0 : i32
      %dma_wait3A_398 = tpu.memref_slice %arg7[%dma_wait3A_395, %dma_wait3A_396, %dma_wait3A_397] : memref<2x128x128xf32, #tpu.memory_space<vmem>> -> memref<1x128x128xf32, #tpu.memory_space<vmem>>
      %dma_wait3A_399 = tpu.memref_squeeze %dma_wait3A_398 : memref<1x128x128xf32, #tpu.memory_space<vmem>> -> memref<128x128xf32, #tpu.memory_space<vmem>>
      %dma_wait3A_400 = arith.constant 0 : i32
      %dma_wait3A_401 = arith.constant 0 : i32
      %dma_wait3A_402 = tpu.memref_slice %arg3[%dma_wait3A_400, %dma_wait3A_401] : memref<20480x128xf32, #tpu.memory_space<hbm>> -> memref<128x128xf32, #tpu.memory_space<hbm>>
      %dma_wait3A_403 = arith.constant 0 : i32
      %dma_wait3A_404 = arith.constant 0 : i32
      %dma_wait3A_405 = tpu.memref_slice %arg7[%dma_wait3A_395, %dma_wait3A_403, %dma_wait3A_404] : memref<2x128x128xf32, #tpu.memory_space<vmem>> -> memref<1x128x128xf32, #tpu.memory_space<vmem>>
      %dma_wait3A_406 = tpu.memref_squeeze %dma_wait3A_405 : memref<1x128x128xf32, #tpu.memory_space<vmem>> -> memref<128x128xf32, #tpu.memory_space<vmem>>
      %dma_wait3A_407 = arith.constant 0 : i32
      %dma_wait3A_408 = arith.constant 0 : i32
      %dma_wait3A_409 = tpu.memref_slice %arg3[%dma_wait3A_407, %dma_wait3A_408] : memref<20480x128xf32, #tpu.memory_space<hbm>> -> memref<128x128xf32, #tpu.memory_space<hbm>>
      tpu.wait_dma2 semaphore(%arg12 : memref<!tpu.dma_semaphore, #tpu.memory_space<semaphore_mem>>) src(%dma_wait3A_409 : memref<128x128xf32, #tpu.memory_space<hbm>>) dst(%dma_wait3A_406 : memref<128x128xf32, #tpu.memory_space<vmem>>)
      %dma_start3A_410 = arith.constant 1 : i32
      %dma_start3A_411 = arith.constant 1 : i32
      %dma_start3A_412 = arith.constant 1 : i32
      %dma_start3A_413 = arith.constant 0 : i32
      %dma_start3A_414 = arith.constant 0 : i32
      %dma_start3A_415 = tpu.memref_slice %arg7[%dma_start3A_410, %dma_start3A_413, %dma_start3A_414] : memref<2x128x128xf32, #tpu.memory_space<vmem>> -> memref<1x128x128xf32, #tpu.memory_space<vmem>>
      %dma_start3A_416 = tpu.memref_squeeze %dma_start3A_415 : memref<1x128x128xf32, #tpu.memory_space<vmem>> -> memref<128x128xf32, #tpu.memory_space<vmem>>
      %dma_start3A_417 = arith.constant 0 : i32
      %dma_start3A_418 = tpu.memref_slice %arg6[%select_n3A_390, %dma_start3A_411, %dma_start3A_412, %dma_start3A_417] : memref<4x2x2x128xi32, #tpu.memory_space<vmem>> -> memref<1x1x1x128xi32, #tpu.memory_space<vmem>>
      %dma_start3A_419 = tpu.memref_squeeze %dma_start3A_418 : memref<1x1x1x128xi32, #tpu.memory_space<vmem>> -> memref<128xi32, #tpu.memory_space<vmem>>
      %dma_start3A_420 = arith.constant 0 : i32
      %dma_start3A_421 = arith.constant 0 : i32
      %dma_start3A_422 = tpu.memref_slice %arg9[%dma_start3A_420, %dma_start3A_421] : memref<10240x128xf32, #tpu.memory_space<vmem_shared>> -> memref<10240x128xf32, #tpu.memory_space<vmem_shared>>
      tpu.enqueue_indirect_dma source(%dma_start3A_416 : memref<128x128xf32, #tpu.memory_space<vmem>>) target(%dma_start3A_422 : memref<10240x128xf32, #tpu.memory_space<vmem_shared>>) offsets(%dma_start3A_419 : memref<128xi32, #tpu.memory_space<vmem>>) semaphore(%arg13 : memref<!tpu.dma_semaphore, #tpu.memory_space<semaphore_mem>>) {add = true}
      %mul3A_423 = arith.constant 40 : i32
      %mul3A_424 = arith.muli %arg0, %mul3A_423 : i32
      %ge3A_425 = arith.cmpi sge, %add3A_394, %mul3A_424 : i32
      %add3A_426 = arith.constant 1 : i32
      %add3A_427 = arith.addi %arg0, %add3A_426 : i32
      %mul3A_428 = arith.constant 40 : i32
      %mul3A_429 = arith.muli %add3A_427, %mul3A_428 : i32
      %lt3A_430 = arith.cmpi slt, %add3A_394, %mul3A_429 : i32
      %and3A_431 = arith.andi %ge3A_425, %lt3A_430 : i1
      %dma_wait3A_432 = arith.constant 1 : i32
      %dma_wait3A_433 = arith.constant 0 : i32
      %dma_wait3A_434 = arith.constant 0 : i32
      %dma_wait3A_435 = tpu.memref_slice %arg7[%dma_wait3A_432, %dma_wait3A_433, %dma_wait3A_434] : memref<2x128x128xf32, #tpu.memory_space<vmem>> -> memref<1x128x128xf32, #tpu.memory_space<vmem>>
      %dma_wait3A_436 = tpu.memref_squeeze %dma_wait3A_435 : memref<1x128x128xf32, #tpu.memory_space<vmem>> -> memref<128x128xf32, #tpu.memory_space<vmem>>
      %dma_wait3A_437 = arith.constant 0 : i32
      %dma_wait3A_438 = arith.constant 0 : i32
      %dma_wait3A_439 = tpu.memref_slice %arg3[%dma_wait3A_437, %dma_wait3A_438] : memref<20480x128xf32, #tpu.memory_space<hbm>> -> memref<128x128xf32, #tpu.memory_space<hbm>>
      %dma_wait3A_440 = arith.constant 0 : i32
      %dma_wait3A_441 = arith.constant 0 : i32
      %dma_wait3A_442 = tpu.memref_slice %arg7[%dma_wait3A_432, %dma_wait3A_440, %dma_wait3A_441] : memref<2x128x128xf32, #tpu.memory_space<vmem>> -> memref<1x128x128xf32, #tpu.memory_space<vmem>>
      %dma_wait3A_443 = tpu.memref_squeeze %dma_wait3A_442 : memref<1x128x128xf32, #tpu.memory_space<vmem>> -> memref<128x128xf32, #tpu.memory_space<vmem>>
      %dma_wait3A_444 = arith.constant 0 : i32
      %dma_wait3A_445 = arith.constant 0 : i32
      %dma_wait3A_446 = tpu.memref_slice %arg3[%dma_wait3A_444, %dma_wait3A_445] : memref<20480x128xf32, #tpu.memory_space<hbm>> -> memref<128x128xf32, #tpu.memory_space<hbm>>
      tpu.wait_dma2 semaphore(%arg13 : memref<!tpu.dma_semaphore, #tpu.memory_space<semaphore_mem>>) src(%dma_wait3A_446 : memref<128x128xf32, #tpu.memory_space<hbm>>) dst(%dma_wait3A_443 : memref<128x128xf32, #tpu.memory_space<vmem>>)
      %add3A_447 = arith.constant 4 : i32
      %add3A_448 = arith.addi %scan3A_255, %add3A_447 : i32
      %lt3A_449 = arith.constant 40 : i32
      %lt3A_450 = arith.cmpi slt, %add3A_448, %lt3A_449 : i32
      %convert_element_type3A = arith.extui %lt3A_450 : i1 to i32
      %cond3A = arith.constant 0 : i32
      %cond3A_451 = arith.cmpi ne, %convert_element_type3A, %cond3A : i32
      scf.if %cond3A_451 {
        %add3A_483 = arith.constant 4 : i32
        %add3A_484 = arith.addi %scan3A_255, %add3A_483 : i32
        %mul3A_485 = arith.constant 2 : i32
        %mul3A_486 = arith.muli %mul3A_485, %add3A_484 : i32
        %dma_start3A_487 = arith.constant 0 : i32
        %dma_start3A_488 = arith.constant 0 : i32
        %dma_start3A_489 = arith.constant 0 : i32
        %dma_start3A_490 = tpu.memref_slice %arg6[%select_n3A_390, %dma_start3A_487, %dma_start3A_488, %dma_start3A_489] : memref<4x2x2x128xi32, #tpu.memory_space<vmem>> -> memref<1x2x2x128xi32, #tpu.memory_space<vmem>>
        %dma_start3A_491 = tpu.memref_squeeze %dma_start3A_490 : memref<1x2x2x128xi32, #tpu.memory_space<vmem>> -> memref<2x2x128xi32, #tpu.memory_space<vmem>>
        %dma_start3A_492 = arith.constant 0 : i32
        %dma_start3A_493 = arith.constant 0 : i32
        %dma_start3A_494 = tpu.memref_slice %arg2[%arg0, %arg1, %mul3A_486, %dma_start3A_492, %dma_start3A_493] : memref<2x16x80x2x128xi32, #tpu.memory_space<hbm>> -> memref<1x1x2x2x128xi32, #tpu.memory_space<hbm>>
        %dma_start3A_495 = tpu.memref_squeeze %dma_start3A_494 : memref<1x1x2x2x128xi32, #tpu.memory_space<hbm>> -> memref<2x2x128xi32, #tpu.memory_space<hbm>>
        %dma_start3A_496 = arith.constant 0 : i32
        %dma_start3A_497 = arith.constant 0 : i32
        %dma_start3A_498 = arith.constant 0 : i32
        %dma_start3A_499 = tpu.memref_slice %arg6[%select_n3A_390, %dma_start3A_496, %dma_start3A_497, %dma_start3A_498] : memref<4x2x2x128xi32, #tpu.memory_space<vmem>> -> memref<1x2x2x128xi32, #tpu.memory_space<vmem>>
        %dma_start3A_500 = tpu.memref_squeeze %dma_start3A_499 : memref<1x2x2x128xi32, #tpu.memory_space<vmem>> -> memref<2x2x128xi32, #tpu.memory_space<vmem>>
        %dma_start3A_501 = arith.constant 0 : i32
        %dma_start3A_502 = arith.constant 0 : i32
        %dma_start3A_503 = tpu.memref_slice %arg2[%arg0, %arg1, %mul3A_486, %dma_start3A_501, %dma_start3A_502] : memref<2x16x80x2x128xi32, #tpu.memory_space<hbm>> -> memref<1x1x2x2x128xi32, #tpu.memory_space<hbm>>
        %dma_start3A_504 = tpu.memref_squeeze %dma_start3A_503 : memref<1x1x2x2x128xi32, #tpu.memory_space<hbm>> -> memref<2x2x128xi32, #tpu.memory_space<hbm>>
        tpu.enqueue_dma source(%dma_start3A_504 : memref<2x2x128xi32, #tpu.memory_space<hbm>>) target(%dma_start3A_500 : memref<2x2x128xi32, #tpu.memory_space<vmem>>) target_semaphore(%arg11 : memref<!tpu.dma_semaphore, #tpu.memory_space<semaphore_mem>>)
      } else {
      }
      %add3A_452 = arith.constant 1 : i32
      %add3A_453 = arith.addi %scan3A_255, %add3A_452 : i32
      %jit3A_454 = arith.constant 4 : i32
      %eq3A_455 = arith.constant 0 : i32
      %eq3A_456 = arith.cmpi eq, %jit3A_454, %eq3A_455 : i32
      %jit3A_457 = arith.constant 1 : i32
      %select_n3A_458 = arith.select %eq3A_456, %jit3A_457, %jit3A_454 : i32
      %rem3A_459 = arith.remsi %add3A_453, %select_n3A_458 : i32
      %ne3A_460 = arith.constant 0 : i32
      %ne3A_461 = arith.cmpi ne, %rem3A_459, %ne3A_460 : i32
      %lt3A_462 = arith.constant 0 : i32
      %lt3A_463 = arith.cmpi slt, %rem3A_459, %lt3A_462 : i32
      %lt3A_464 = arith.constant 0 : i32
      %lt3A_465 = arith.cmpi slt, %select_n3A_458, %lt3A_464 : i32
      %ne3A_466 = arith.xori %lt3A_463, %lt3A_465 : i1
      %and3A_467 = arith.andi %ne3A_466, %ne3A_461 : i1
      %add3A_468 = arith.addi %rem3A_459, %select_n3A_458 : i32
      %select_n3A_469 = arith.select %and3A_467, %add3A_468, %rem3A_459 : i32
      %dma_start3A_470 = arith.constant 1 : i32
      %dma_start3A_471 = arith.constant 0 : i32
      %dma_start3A_472 = arith.constant 1 : i32
      %dma_start3A_473 = arith.constant 0 : i32
      %dma_start3A_474 = arith.constant 0 : i32
      %dma_start3A_475 = tpu.memref_slice %arg7[%dma_start3A_472, %dma_start3A_473, %dma_start3A_474] : memref<2x128x128xf32, #tpu.memory_space<vmem>> -> memref<1x128x128xf32, #tpu.memory_space<vmem>>
      %dma_start3A_476 = tpu.memref_squeeze %dma_start3A_475 : memref<1x128x128xf32, #tpu.memory_space<vmem>> -> memref<128x128xf32, #tpu.memory_space<vmem>>
      %dma_start3A_477 = arith.constant 0 : i32
      %dma_start3A_478 = tpu.memref_slice %arg6[%select_n3A_469, %dma_start3A_470, %dma_start3A_471, %dma_start3A_477] : memref<4x2x2x128xi32, #tpu.memory_space<vmem>> -> memref<1x1x1x128xi32, #tpu.memory_space<vmem>>
      %dma_start3A_479 = tpu.memref_squeeze %dma_start3A_478 : memref<1x1x1x128xi32, #tpu.memory_space<vmem>> -> memref<128xi32, #tpu.memory_space<vmem>>
      %dma_start3A_480 = arith.constant 0 : i32
      %dma_start3A_481 = arith.constant 0 : i32
      %dma_start3A_482 = tpu.memref_slice %arg3[%dma_start3A_480, %dma_start3A_481] : memref<20480x128xf32, #tpu.memory_space<hbm>> -> memref<20480x128xf32, #tpu.memory_space<hbm>>
      tpu.enqueue_indirect_dma source(%dma_start3A_482 : memref<20480x128xf32, #tpu.memory_space<hbm>>) target(%dma_start3A_476 : memref<128x128xf32, #tpu.memory_space<vmem>>) offsets(%dma_start3A_479 : memref<128xi32, #tpu.memory_space<vmem>>) semaphore(%arg12 : memref<!tpu.dma_semaphore, #tpu.memory_space<semaphore_mem>>)
    }
    %scan3A_142 = arith.constant 39 : i32
    %dma_wait3A_143 = arith.constant 0 : i32
    %dma_wait3A_144 = arith.constant 0 : i32
    %dma_wait3A_145 = arith.constant 0 : i32
    %dma_wait3A_146 = tpu.memref_slice %arg7[%dma_wait3A_143, %dma_wait3A_144, %dma_wait3A_145] : memref<2x128x128xf32, #tpu.memory_space<vmem>> -> memref<1x128x128xf32, #tpu.memory_space<vmem>>
    %dma_wait3A_147 = tpu.memref_squeeze %dma_wait3A_146 : memref<1x128x128xf32, #tpu.memory_space<vmem>> -> memref<128x128xf32, #tpu.memory_space<vmem>>
    %dma_wait3A_148 = arith.constant 0 : i32
    %dma_wait3A_149 = arith.constant 0 : i32
    %dma_wait3A_150 = tpu.memref_slice %arg3[%dma_wait3A_148, %dma_wait3A_149] : memref<20480x128xf32, #tpu.memory_space<hbm>> -> memref<128x128xf32, #tpu.memory_space<hbm>>
    %dma_wait3A_151 = arith.constant 0 : i32
    %dma_wait3A_152 = arith.constant 0 : i32
    %dma_wait3A_153 = tpu.memref_slice %arg7[%dma_wait3A_143, %dma_wait3A_151, %dma_wait3A_152] : memref<2x128x128xf32, #tpu.memory_space<vmem>> -> memref<1x128x128xf32, #tpu.memory_space<vmem>>
    %dma_wait3A_154 = tpu.memref_squeeze %dma_wait3A_153 : memref<1x128x128xf32, #tpu.memory_space<vmem>> -> memref<128x128xf32, #tpu.memory_space<vmem>>
    %dma_wait3A_155 = arith.constant 0 : i32
    %dma_wait3A_156 = arith.constant 0 : i32
    %dma_wait3A_157 = tpu.memref_slice %arg3[%dma_wait3A_155, %dma_wait3A_156] : memref<20480x128xf32, #tpu.memory_space<hbm>> -> memref<128x128xf32, #tpu.memory_space<hbm>>
    tpu.wait_dma2 semaphore(%arg12 : memref<!tpu.dma_semaphore, #tpu.memory_space<semaphore_mem>>) src(%dma_wait3A_157 : memref<128x128xf32, #tpu.memory_space<hbm>>) dst(%dma_wait3A_154 : memref<128x128xf32, #tpu.memory_space<vmem>>)
    %dma_start3A_158 = arith.constant 0 : i32
    %dma_start3A_159 = arith.constant 3 : i32
    %dma_start3A_160 = arith.constant 0 : i32
    %dma_start3A_161 = arith.constant 1 : i32
    %dma_start3A_162 = arith.constant 0 : i32
    %dma_start3A_163 = arith.constant 0 : i32
    %dma_start3A_164 = tpu.memref_slice %arg7[%dma_start3A_158, %dma_start3A_162, %dma_start3A_163] : memref<2x128x128xf32, #tpu.memory_space<vmem>> -> memref<1x128x128xf32, #tpu.memory_space<vmem>>
    %dma_start3A_165 = tpu.memref_squeeze %dma_start3A_164 : memref<1x128x128xf32, #tpu.memory_space<vmem>> -> memref<128x128xf32, #tpu.memory_space<vmem>>
    %dma_start3A_166 = arith.constant 0 : i32
    %dma_start3A_167 = tpu.memref_slice %arg6[%dma_start3A_159, %dma_start3A_160, %dma_start3A_161, %dma_start3A_166] : memref<4x2x2x128xi32, #tpu.memory_space<vmem>> -> memref<1x1x1x128xi32, #tpu.memory_space<vmem>>
    %dma_start3A_168 = tpu.memref_squeeze %dma_start3A_167 : memref<1x1x1x128xi32, #tpu.memory_space<vmem>> -> memref<128xi32, #tpu.memory_space<vmem>>
    %dma_start3A_169 = arith.constant 0 : i32
    %dma_start3A_170 = arith.constant 0 : i32
    %dma_start3A_171 = tpu.memref_slice %arg9[%dma_start3A_169, %dma_start3A_170] : memref<10240x128xf32, #tpu.memory_space<vmem_shared>> -> memref<10240x128xf32, #tpu.memory_space<vmem_shared>>
    tpu.enqueue_indirect_dma source(%dma_start3A_165 : memref<128x128xf32, #tpu.memory_space<vmem>>) target(%dma_start3A_171 : memref<10240x128xf32, #tpu.memory_space<vmem_shared>>) offsets(%dma_start3A_168 : memref<128xi32, #tpu.memory_space<vmem>>) semaphore(%arg13 : memref<!tpu.dma_semaphore, #tpu.memory_space<semaphore_mem>>) {add = true}
    %mul3A_172 = arith.constant 40 : i32
    %mul3A_173 = arith.muli %arg0, %mul3A_172 : i32
    %le3A = arith.constant 78 : i32
    %le3A_174 = arith.cmpi sle, %mul3A_173, %le3A : i32
    %add3A = arith.constant 1 : i32
    %add3A_175 = arith.addi %arg0, %add3A : i32
    %mul3A_176 = arith.constant 40 : i32
    %mul3A_177 = arith.muli %add3A_175, %mul3A_176 : i32
    %gt3A = arith.constant 78 : i32
    %gt3A_178 = arith.cmpi sgt, %mul3A_177, %gt3A : i32
    %and3A = arith.andi %le3A_174, %gt3A_178 : i1
    %dma_wait3A_179 = arith.constant 1 : i32
    %dma_wait3A_180 = arith.constant 0 : i32
    %dma_wait3A_181 = arith.constant 0 : i32
    %dma_wait3A_182 = tpu.memref_slice %arg7[%dma_wait3A_179, %dma_wait3A_180, %dma_wait3A_181] : memref<2x128x128xf32, #tpu.memory_space<vmem>> -> memref<1x128x128xf32, #tpu.memory_space<vmem>>
    %dma_wait3A_183 = tpu.memref_squeeze %dma_wait3A_182 : memref<1x128x128xf32, #tpu.memory_space<vmem>> -> memref<128x128xf32, #tpu.memory_space<vmem>>
    %dma_wait3A_184 = arith.constant 0 : i32
    %dma_wait3A_185 = arith.constant 0 : i32
    %dma_wait3A_186 = tpu.memref_slice %arg3[%dma_wait3A_184, %dma_wait3A_185] : memref<20480x128xf32, #tpu.memory_space<hbm>> -> memref<128x128xf32, #tpu.memory_space<hbm>>
    %dma_wait3A_187 = arith.constant 0 : i32
    %dma_wait3A_188 = arith.constant 0 : i32
    %dma_wait3A_189 = tpu.memref_slice %arg7[%dma_wait3A_179, %dma_wait3A_187, %dma_wait3A_188] : memref<2x128x128xf32, #tpu.memory_space<vmem>> -> memref<1x128x128xf32, #tpu.memory_space<vmem>>
    %dma_wait3A_190 = tpu.memref_squeeze %dma_wait3A_189 : memref<1x128x128xf32, #tpu.memory_space<vmem>> -> memref<128x128xf32, #tpu.memory_space<vmem>>
    %dma_wait3A_191 = arith.constant 0 : i32
    %dma_wait3A_192 = arith.constant 0 : i32
    %dma_wait3A_193 = tpu.memref_slice %arg3[%dma_wait3A_191, %dma_wait3A_192] : memref<20480x128xf32, #tpu.memory_space<hbm>> -> memref<128x128xf32, #tpu.memory_space<hbm>>
    tpu.wait_dma2 semaphore(%arg12 : memref<!tpu.dma_semaphore, #tpu.memory_space<semaphore_mem>>) src(%dma_wait3A_193 : memref<128x128xf32, #tpu.memory_space<hbm>>) dst(%dma_wait3A_190 : memref<128x128xf32, #tpu.memory_space<vmem>>)
    %dma_start3A_194 = arith.constant 1 : i32
    %dma_start3A_195 = arith.constant 3 : i32
    %dma_start3A_196 = arith.constant 1 : i32
    %dma_start3A_197 = arith.constant 1 : i32
    %dma_start3A_198 = arith.constant 0 : i32
    %dma_start3A_199 = arith.constant 0 : i32
    %dma_start3A_200 = tpu.memref_slice %arg7[%dma_start3A_194, %dma_start3A_198, %dma_start3A_199] : memref<2x128x128xf32, #tpu.memory_space<vmem>> -> memref<1x128x128xf32, #tpu.memory_space<vmem>>
    %dma_start3A_201 = tpu.memref_squeeze %dma_start3A_200 : memref<1x128x128xf32, #tpu.memory_space<vmem>> -> memref<128x128xf32, #tpu.memory_space<vmem>>
    %dma_start3A_202 = arith.constant 0 : i32
    %dma_start3A_203 = tpu.memref_slice %arg6[%dma_start3A_195, %dma_start3A_196, %dma_start3A_197, %dma_start3A_202] : memref<4x2x2x128xi32, #tpu.memory_space<vmem>> -> memref<1x1x1x128xi32, #tpu.memory_space<vmem>>
    %dma_start3A_204 = tpu.memref_squeeze %dma_start3A_203 : memref<1x1x1x128xi32, #tpu.memory_space<vmem>> -> memref<128xi32, #tpu.memory_space<vmem>>
    %dma_start3A_205 = arith.constant 0 : i32
    %dma_start3A_206 = arith.constant 0 : i32
    %dma_start3A_207 = tpu.memref_slice %arg9[%dma_start3A_205, %dma_start3A_206] : memref<10240x128xf32, #tpu.memory_space<vmem_shared>> -> memref<10240x128xf32, #tpu.memory_space<vmem_shared>>
    tpu.enqueue_indirect_dma source(%dma_start3A_201 : memref<128x128xf32, #tpu.memory_space<vmem>>) target(%dma_start3A_207 : memref<10240x128xf32, #tpu.memory_space<vmem_shared>>) offsets(%dma_start3A_204 : memref<128xi32, #tpu.memory_space<vmem>>) semaphore(%arg13 : memref<!tpu.dma_semaphore, #tpu.memory_space<semaphore_mem>>) {add = true}
    %mul3A_208 = arith.constant 40 : i32
    %mul3A_209 = arith.muli %arg0, %mul3A_208 : i32
    %le3A_210 = arith.constant 79 : i32
    %le3A_211 = arith.cmpi sle, %mul3A_209, %le3A_210 : i32
    %add3A_212 = arith.constant 1 : i32
    %add3A_213 = arith.addi %arg0, %add3A_212 : i32
    %mul3A_214 = arith.constant 40 : i32
    %mul3A_215 = arith.muli %add3A_213, %mul3A_214 : i32
    %gt3A_216 = arith.constant 79 : i32
    %gt3A_217 = arith.cmpi sgt, %mul3A_215, %gt3A_216 : i32
    %and3A_218 = arith.andi %le3A_211, %gt3A_217 : i1
    %dma_wait3A_219 = arith.constant 0 : i32
    %dma_wait3A_220 = arith.constant 0 : i32
    %dma_wait3A_221 = arith.constant 0 : i32
    %dma_wait3A_222 = tpu.memref_slice %arg7[%dma_wait3A_219, %dma_wait3A_220, %dma_wait3A_221] : memref<2x128x128xf32, #tpu.memory_space<vmem>> -> memref<1x128x128xf32, #tpu.memory_space<vmem>>
    %dma_wait3A_223 = tpu.memref_squeeze %dma_wait3A_222 : memref<1x128x128xf32, #tpu.memory_space<vmem>> -> memref<128x128xf32, #tpu.memory_space<vmem>>
    %dma_wait3A_224 = arith.constant 0 : i32
    %dma_wait3A_225 = arith.constant 0 : i32
    %dma_wait3A_226 = tpu.memref_slice %arg3[%dma_wait3A_224, %dma_wait3A_225] : memref<20480x128xf32, #tpu.memory_space<hbm>> -> memref<128x128xf32, #tpu.memory_space<hbm>>
    %dma_wait3A_227 = arith.constant 0 : i32
    %dma_wait3A_228 = arith.constant 0 : i32
    %dma_wait3A_229 = tpu.memref_slice %arg7[%dma_wait3A_219, %dma_wait3A_227, %dma_wait3A_228] : memref<2x128x128xf32, #tpu.memory_space<vmem>> -> memref<1x128x128xf32, #tpu.memory_space<vmem>>
    %dma_wait3A_230 = tpu.memref_squeeze %dma_wait3A_229 : memref<1x128x128xf32, #tpu.memory_space<vmem>> -> memref<128x128xf32, #tpu.memory_space<vmem>>
    %dma_wait3A_231 = arith.constant 0 : i32
    %dma_wait3A_232 = arith.constant 0 : i32
    %dma_wait3A_233 = tpu.memref_slice %arg3[%dma_wait3A_231, %dma_wait3A_232] : memref<20480x128xf32, #tpu.memory_space<hbm>> -> memref<128x128xf32, #tpu.memory_space<hbm>>
    tpu.wait_dma2 semaphore(%arg13 : memref<!tpu.dma_semaphore, #tpu.memory_space<semaphore_mem>>) src(%dma_wait3A_233 : memref<128x128xf32, #tpu.memory_space<hbm>>) dst(%dma_wait3A_230 : memref<128x128xf32, #tpu.memory_space<vmem>>)
    %dma_wait3A_234 = arith.constant 1 : i32
    %dma_wait3A_235 = arith.constant 0 : i32
    %dma_wait3A_236 = arith.constant 0 : i32
    %dma_wait3A_237 = tpu.memref_slice %arg7[%dma_wait3A_234, %dma_wait3A_235, %dma_wait3A_236] : memref<2x128x128xf32, #tpu.memory_space<vmem>> -> memref<1x128x128xf32, #tpu.memory_space<vmem>>
    %dma_wait3A_238 = tpu.memref_squeeze %dma_wait3A_237 : memref<1x128x128xf32, #tpu.memory_space<vmem>> -> memref<128x128xf32, #tpu.memory_space<vmem>>
    %dma_wait3A_239 = arith.constant 0 : i32
    %dma_wait3A_240 = arith.constant 0 : i32
    %dma_wait3A_241 = tpu.memref_slice %arg3[%dma_wait3A_239, %dma_wait3A_240] : memref<20480x128xf32, #tpu.memory_space<hbm>> -> memref<128x128xf32, #tpu.memory_space<hbm>>
    %dma_wait3A_242 = arith.constant 0 : i32
    %dma_wait3A_243 = arith.constant 0 : i32
    %dma_wait3A_244 = tpu.memref_slice %arg7[%dma_wait3A_234, %dma_wait3A_242, %dma_wait3A_243] : memref<2x128x128xf32, #tpu.memory_space<vmem>> -> memref<1x128x128xf32, #tpu.memory_space<vmem>>
    %dma_wait3A_245 = tpu.memref_squeeze %dma_wait3A_244 : memref<1x128x128xf32, #tpu.memory_space<vmem>> -> memref<128x128xf32, #tpu.memory_space<vmem>>
    %dma_wait3A_246 = arith.constant 0 : i32
    %dma_wait3A_247 = arith.constant 0 : i32
    %dma_wait3A_248 = tpu.memref_slice %arg3[%dma_wait3A_246, %dma_wait3A_247] : memref<20480x128xf32, #tpu.memory_space<hbm>> -> memref<128x128xf32, #tpu.memory_space<hbm>>
    tpu.wait_dma2 semaphore(%arg13 : memref<!tpu.dma_semaphore, #tpu.memory_space<semaphore_mem>>) src(%dma_wait3A_248 : memref<128x128xf32, #tpu.memory_space<hbm>>) dst(%dma_wait3A_245 : memref<128x128xf32, #tpu.memory_space<vmem>>)
    %barrier3A_249 = arith.constant 0 : index
    tpu.barrier barrier_id(%barrier3A_249)
    %mul3A_250 = arith.constant 640 : i32
    %mul3A_251 = arith.muli %arg1, %mul3A_250 : i32
    %mul3A_252 = arith.constant 10240 : i32
    %mul3A_253 = arith.muli %arg0, %mul3A_252 : i32
    %add3A_254 = arith.addi %mul3A_253, %mul3A_251 : i32
    "tpu.region"() ({
      %run_scoped3A = tpu.sem_alloc : memref<!tpu.dma_semaphore, #tpu.memory_space<semaphore_mem>>
      %dma_start3A_255 = arith.constant 0 : i32
      %dma_start3A_256 = tpu.memref_slice %arg5[%add3A_254, %dma_start3A_255] : memref<20480x128xf32, #tpu.memory_space<hbm>> -> memref<640x128xf32, #tpu.memory_space<hbm>>
      %dma_start3A_257 = arith.constant 0 : i32
      %dma_start3A_258 = tpu.memref_slice %arg9[%mul3A_251, %dma_start3A_257] : memref<10240x128xf32, #tpu.memory_space<vmem_shared>> -> memref<640x128xf32, #tpu.memory_space<vmem_shared>>
      tpu.enqueue_dma source(%dma_start3A_258 : memref<640x128xf32, #tpu.memory_space<vmem_shared>>) target(%dma_start3A_256 : memref<640x128xf32, #tpu.memory_space<hbm>>) target_semaphore(%run_scoped3A : memref<!tpu.dma_semaphore, #tpu.memory_space<semaphore_mem>>)
      %dma_wait3A_259 = arith.constant 0 : i32
      %dma_wait3A_260 = tpu.memref_slice %arg5[%add3A_254, %dma_wait3A_259] : memref<20480x128xf32, #tpu.memory_space<hbm>> -> memref<640x128xf32, #tpu.memory_space<hbm>>
      %dma_wait3A_261 = arith.constant 0 : i32
      %dma_wait3A_262 = tpu.memref_slice %arg9[%mul3A_251, %dma_wait3A_261] : memref<10240x128xf32, #tpu.memory_space<vmem_shared>> -> memref<640x128xf32, #tpu.memory_space<vmem_shared>>
      tpu.wait_dma2 semaphore(%run_scoped3A : memref<!tpu.dma_semaphore, #tpu.memory_space<semaphore_mem>>) src(%dma_wait3A_262 : memref<640x128xf32, #tpu.memory_space<vmem_shared>>) dst(%dma_wait3A_260 : memref<640x128xf32, #tpu.memory_space<hbm>>)
      tpu.yield
    }) : () -> ()
    return
  }
}

module attributes {stable_mosaic.version = 14 : i64} {
  func.func @_lin1_body(%arg0: i32, %arg1: memref<1024x128xf32, #tpu.memory_space<vmem>>, %arg2: memref<1024x128xf32, #tpu.memory_space<vmem>>, %arg3: memref<256x256xf32, #tpu.memory_space<vmem>>, %arg4: memref<1x256xf32, #tpu.memory_space<vmem>>, %arg5: memref<1024x256xf32, #tpu.memory_space<vmem>>) attributes {dimension_semantics = [#tpu.dimension_semantics<arbitrary>], iteration_bounds = array<i64: 10>, scalar_prefetch = 0 : i64, scratch_operands = 0 : i64, tpu.core_type = #tpu.core_type<tc>, window_params = [{transform_indices = @transform_0, window_bounds = array<i64: 1024, 128>}, {transform_indices = @transform_1, window_bounds = array<i64: 1024, 128>}, {pipeline_mode = #tpu.pipeline_mode<synchronous>, transform_indices = @transform_2, window_bounds = array<i64: 256, 256>}, {pipeline_mode = #tpu.pipeline_mode<synchronous>, transform_indices = @transform_3, window_bounds = array<i64: 1, 256>}, {transform_indices = @transform_4, window_bounds = array<i64: 1024, 256>}]} {
    %get3A = arith.constant 0 : index
    %get3A_0 = arith.constant 0 : index
    %get3A_1 = vector.load %arg1[%get3A, %get3A_0] : memref<1024x128xf32, #tpu.memory_space<vmem>>, vector<1024x128xf32>
    %get3A_2 = arith.constant 0 : index
    %get3A_3 = arith.constant 0 : index
    %get3A_4 = vector.load %arg2[%get3A_2, %get3A_3] : memref<1024x128xf32, #tpu.memory_space<vmem>>, vector<1024x128xf32>
    %concatenate3A = tpu.concatenate %get3A_1, %get3A_4 in 1 : vector<1024x128xf32>, vector<1024x128xf32> -> vector<1024x256xf32>
    %get3A_5 = arith.constant 0 : index
    %get3A_6 = arith.constant 0 : index
    %get3A_7 = vector.load %arg3[%get3A_5, %get3A_6] : memref<256x256xf32, #tpu.memory_space<vmem>>, vector<256x256xf32>
    %dot_general3A = arith.constant dense<0.000000e+00> : vector<1024x256xf32>
    %dot_general3A_8 = tpu.matmul %concatenate3A, %get3A_7, %dot_general3A {dimension_numbers = #tpu.dot_dimension_numbers<[1], [0], [0], [1], [0, 0, 1, 1], [], []>, transpose_lhs_hint = false} : vector<1024x256xf32>, vector<256x256xf32>, vector<1024x256xf32> -> vector<1024x256xf32>
    %get3A_9 = arith.constant 0 : index
    %get3A_10 = arith.constant 0 : index
    %get3A_11 = vector.load %arg4[%get3A_9, %get3A_10] : memref<1x256xf32, #tpu.memory_space<vmem>>, vector<1x256xf32>
    %add3A = vector.broadcast %get3A_11 : vector<1x256xf32> to vector<1024x256xf32>
    %add3A_12 = arith.addf %dot_general3A_8, %add3A : vector<1024x256xf32>
    %swap3A = arith.constant 0 : index
    %swap3A_13 = arith.constant 0 : index
    %swap3A_14 = vector.load %arg5[%swap3A, %swap3A_13] : memref<1024x256xf32, #tpu.memory_space<vmem>>, vector<1024x256xf32>
    tpu.vector_store %arg5[%swap3A, %swap3A_13], %add3A_12 {strides = array<i32>} : memref<1024x256xf32, #tpu.memory_space<vmem>>, vector<1024x256xf32>,
    return
  }
  func.func @transform_0(%arg0: i32) -> (i32, i32) {
    %c0_i32 = arith.constant 0 : i32
    %c0_i32_0 = arith.constant 0 : i32
    return %arg0, %c0_i32 : i32, i32
  }
  func.func @transform_1(%arg0: i32) -> (i32, i32) {
    %c1_i32 = arith.constant 1 : i32
    %c0_i32 = arith.constant 0 : i32
    return %arg0, %c1_i32 : i32, i32
  }
  func.func @transform_2(%arg0: i32) -> (i32, i32) {
    %c0_i32 = arith.constant 0 : i32
    %c0_i32_0 = arith.constant 0 : i32
    %c0_i32_1 = arith.constant 0 : i32
    return %c0_i32, %c0_i32_0 : i32, i32
  }
  func.func @transform_3(%arg0: i32) -> (i32, i32) {
    %c0_i32 = arith.constant 0 : i32
    %c0_i32_0 = arith.constant 0 : i32
    %c0_i32_1 = arith.constant 0 : i32
    return %c0_i32, %c0_i32_0 : i32, i32
  }
  func.func @transform_4(%arg0: i32) -> (i32, i32) {
    %c0_i32 = arith.constant 0 : i32
    %c0_i32_0 = arith.constant 0 : i32
    return %arg0, %c0_i32 : i32, i32
  }
}

module attributes {stable_mosaic.version = 14 : i64} {
  func.func @_dense1_body(%arg0: i32, %arg1: memref<1024x128xf32, #tpu.memory_space<vmem>>, %arg2: memref<1024x128xf32, #tpu.memory_space<vmem>>, %arg3: memref<2x1024x1xf32, #tpu.memory_space<vmem>>, %arg4: memref<256x256xf32, #tpu.memory_space<vmem>>, %arg5: memref<1024x256xf32, #tpu.memory_space<vmem>>, %arg6: memref<2x1024x128xf32, #tpu.memory_space<vmem>>) attributes {dimension_semantics = [#tpu.dimension_semantics<arbitrary>], iteration_bounds = array<i64: 10>, scalar_prefetch = 0 : i64, scratch_operands = 0 : i64, tpu.core_type = #tpu.core_type<tc>, window_params = [{transform_indices = @transform_0, window_bounds = array<i64: 1024, 128>}, {transform_indices = @transform_1, window_bounds = array<i64: 1024, 128>}, {transform_indices = @transform_2, window_bounds = array<i64: 2, 1024, 1>}, {pipeline_mode = #tpu.pipeline_mode<synchronous>, transform_indices = @transform_3, window_bounds = array<i64: 256, 256>}, {transform_indices = @transform_4, window_bounds = array<i64: 1024, 256>}, {transform_indices = @transform_5, window_bounds = array<i64: 2, 1024, 128>}]} {
    %get3A = arith.constant 0 : index
    %get3A_0 = arith.constant 0 : index
    %get3A_1 = arith.constant 0 : index
    %get3A_2 = vector.load %arg3[%get3A, %get3A_0, %get3A_1] : memref<2x1024x1xf32, #tpu.memory_space<vmem>>, vector<1x1024x1xf32>
    %get3A_3 = vector.shape_cast %get3A_2 : vector<1x1024x1xf32> to vector<1024x1xf32>
    %get3A_4 = arith.constant 1 : index
    %get3A_5 = arith.constant 0 : index
    %get3A_6 = arith.constant 0 : index
    %get3A_7 = vector.load %arg3[%get3A_4, %get3A_5, %get3A_6] : memref<2x1024x1xf32, #tpu.memory_space<vmem>>, vector<1x1024x1xf32>
    %get3A_8 = vector.shape_cast %get3A_7 : vector<1x1024x1xf32> to vector<1024x1xf32>
    %add3A = arith.addf %get3A_3, %get3A_8 : vector<1024x1xf32>
    %max3A = arith.constant 1.000000e+00 : f32
    %max3A_9 = vector.broadcast %max3A : f32 to vector<1024x1xf32>
    %max3A_10 = arith.maximumf %add3A, %max3A_9 : vector<1024x1xf32>
    %div3A = arith.constant 1.000000e+00 : f32
    %div3A_11 = vector.broadcast %div3A : f32 to vector<1024x1xf32>
    %div3A_12 = arith.divf %div3A_11, %max3A_10 : vector<1024x1xf32>
    %get3A_13 = arith.constant 0 : index
    %get3A_14 = arith.constant 0 : index
    %get3A_15 = vector.load %arg1[%get3A_13, %get3A_14] : memref<1024x128xf32, #tpu.memory_space<vmem>>, vector<1024x128xf32>
    %mul3A = vector.broadcast %div3A_12 : vector<1024x1xf32> to vector<1024x128xf32>
    %mul3A_16 = arith.mulf %get3A_15, %mul3A : vector<1024x128xf32>
    %get3A_17 = arith.constant 0 : index
    %get3A_18 = arith.constant 0 : index
    %get3A_19 = vector.load %arg2[%get3A_17, %get3A_18] : memref<1024x128xf32, #tpu.memory_space<vmem>>, vector<1024x128xf32>
    %mul3A_20 = vector.broadcast %div3A_12 : vector<1024x1xf32> to vector<1024x128xf32>
    %mul3A_21 = arith.mulf %get3A_19, %mul3A_20 : vector<1024x128xf32>
    %concatenate3A = tpu.concatenate %mul3A_16, %mul3A_21 in 1 : vector<1024x128xf32>, vector<1024x128xf32> -> vector<1024x256xf32>
    %get3A_22 = arith.constant 0 : index
    %get3A_23 = arith.constant 0 : index
    %get3A_24 = vector.load %arg4[%get3A_22, %get3A_23] : memref<256x256xf32, #tpu.memory_space<vmem>>, vector<256x256xf32>
    %dot_general3A = arith.constant dense<0.000000e+00> : vector<1024x256xf32>
    %dot_general3A_25 = tpu.matmul %concatenate3A, %get3A_24, %dot_general3A {dimension_numbers = #tpu.dot_dimension_numbers<[1], [0], [0], [1], [0, 0, 1, 1], [], []>, transpose_lhs_hint = false} : vector<1024x256xf32>, vector<256x256xf32>, vector<1024x256xf32> -> vector<1024x256xf32>
    %get3A_26 = arith.constant 0 : index
    %get3A_27 = arith.constant 0 : index
    %get3A_28 = vector.load %arg5[%get3A_26, %get3A_27] : memref<1024x256xf32, #tpu.memory_space<vmem>>, vector<1024x256xf32>
    %add3A_29 = arith.addf %dot_general3A_25, %get3A_28 : vector<1024x256xf32>
    %max3A_30 = arith.constant 0.000000e+00 : f32
    %max3A_31 = vector.broadcast %max3A_30 : f32 to vector<1024x256xf32>
    %max3A_32 = arith.maximumf %add3A_29, %max3A_31 : vector<1024x256xf32>
    %slice3A = vector.extract_strided_slice %max3A_32 {offsets = [0, 0], sizes = [1024, 128], strides = [1, 1]} : vector<1024x256xf32> to vector<1024x128xf32>
    %swap3A = arith.constant 0 : index
    %swap3A_33 = arith.constant 0 : index
    %swap3A_34 = arith.constant 0 : index
    %swap3A_35 = vector.load %arg6[%swap3A, %swap3A_33, %swap3A_34] : memref<2x1024x128xf32, #tpu.memory_space<vmem>>, vector<1x1024x128xf32>
    %swap3A_36 = vector.shape_cast %swap3A_35 : vector<1x1024x128xf32> to vector<1024x128xf32>
    %swap3A_37 = vector.shape_cast %slice3A : vector<1024x128xf32> to vector<1x1024x128xf32>
    tpu.vector_store %arg6[%swap3A, %swap3A_33, %swap3A_34], %swap3A_37 {strides = array<i32>} : memref<2x1024x128xf32, #tpu.memory_space<vmem>>, vector<1x1024x128xf32>,
    %slice3A_38 = vector.extract_strided_slice %max3A_32 {offsets = [0, 128], sizes = [1024, 128], strides = [1, 1]} : vector<1024x256xf32> to vector<1024x128xf32>
    %swap3A_39 = arith.constant 1 : index
    %swap3A_40 = arith.constant 0 : index
    %swap3A_41 = arith.constant 0 : index
    %swap3A_42 = vector.load %arg6[%swap3A_39, %swap3A_40, %swap3A_41] : memref<2x1024x128xf32, #tpu.memory_space<vmem>>, vector<1x1024x128xf32>
    %swap3A_43 = vector.shape_cast %swap3A_42 : vector<1x1024x128xf32> to vector<1024x128xf32>
    %swap3A_44 = vector.shape_cast %slice3A_38 : vector<1024x128xf32> to vector<1x1024x128xf32>
    tpu.vector_store %arg6[%swap3A_39, %swap3A_40, %swap3A_41], %swap3A_44 {strides = array<i32>} : memref<2x1024x128xf32, #tpu.memory_space<vmem>>, vector<1x1024x128xf32>,
    return
  }
  func.func @transform_0(%arg0: i32) -> (i32, i32) {
    %c0_i32 = arith.constant 0 : i32
    %c0_i32_0 = arith.constant 0 : i32
    return %arg0, %c0_i32 : i32, i32
  }
  func.func @transform_1(%arg0: i32) -> (i32, i32) {
    %add3A = arith.constant 10 : i32
    %add3A_0 = arith.addi %arg0, %add3A : i32
    %c0_i32 = arith.constant 0 : i32
    %c0_i32_1 = arith.constant 0 : i32
    return %add3A_0, %c0_i32 : i32, i32
  }
  func.func @transform_2(%arg0: i32) -> (i32, i32, i32) {
    %c0_i32 = arith.constant 0 : i32
    %c0_i32_0 = arith.constant 0 : i32
    %c0_i32_1 = arith.constant 0 : i32
    return %c0_i32, %arg0, %c0_i32_0 : i32, i32, i32
  }
  func.func @transform_3(%arg0: i32) -> (i32, i32) {
    %c0_i32 = arith.constant 0 : i32
    %c0_i32_0 = arith.constant 0 : i32
    %c0_i32_1 = arith.constant 0 : i32
    return %c0_i32, %c0_i32_0 : i32, i32
  }
  func.func @transform_4(%arg0: i32) -> (i32, i32) {
    %c0_i32 = arith.constant 0 : i32
    %c0_i32_0 = arith.constant 0 : i32
    return %arg0, %c0_i32 : i32, i32
  }
  func.func @transform_5(%arg0: i32) -> (i32, i32, i32) {
    %c0_i32 = arith.constant 0 : i32
    %c0_i32_0 = arith.constant 0 : i32
    %c0_i32_1 = arith.constant 0 : i32
    return %c0_i32, %arg0, %c0_i32_0 : i32, i32, i32
  }
}

module attributes {stable_mosaic.version = 14 : i64} {
  func.func @_lin1_body(%arg0: i32, %arg1: memref<1024x128xf32, #tpu.memory_space<vmem>>, %arg2: memref<1024x128xf32, #tpu.memory_space<vmem>>, %arg3: memref<256x256xf32, #tpu.memory_space<vmem>>, %arg4: memref<1x256xf32, #tpu.memory_space<vmem>>, %arg5: memref<1024x256xf32, #tpu.memory_space<vmem>>) attributes {dimension_semantics = [#tpu.dimension_semantics<arbitrary>], iteration_bounds = array<i64: 10>, scalar_prefetch = 0 : i64, scratch_operands = 0 : i64, tpu.core_type = #tpu.core_type<tc>, window_params = [{transform_indices = @transform_0, window_bounds = array<i64: 1024, 128>}, {transform_indices = @transform_1, window_bounds = array<i64: 1024, 128>}, {pipeline_mode = #tpu.pipeline_mode<synchronous>, transform_indices = @transform_2, window_bounds = array<i64: 256, 256>}, {pipeline_mode = #tpu.pipeline_mode<synchronous>, transform_indices = @transform_3, window_bounds = array<i64: 1, 256>}, {transform_indices = @transform_4, window_bounds = array<i64: 1024, 256>}]} {
    %get3A = arith.constant 0 : index
    %get3A_0 = arith.constant 0 : index
    %get3A_1 = vector.load %arg1[%get3A, %get3A_0] : memref<1024x128xf32, #tpu.memory_space<vmem>>, vector<1024x128xf32>
    %get3A_2 = arith.constant 0 : index
    %get3A_3 = arith.constant 0 : index
    %get3A_4 = vector.load %arg2[%get3A_2, %get3A_3] : memref<1024x128xf32, #tpu.memory_space<vmem>>, vector<1024x128xf32>
    %concatenate3A = tpu.concatenate %get3A_1, %get3A_4 in 1 : vector<1024x128xf32>, vector<1024x128xf32> -> vector<1024x256xf32>
    %get3A_5 = arith.constant 0 : index
    %get3A_6 = arith.constant 0 : index
    %get3A_7 = vector.load %arg3[%get3A_5, %get3A_6] : memref<256x256xf32, #tpu.memory_space<vmem>>, vector<256x256xf32>
    %dot_general3A = arith.constant dense<0.000000e+00> : vector<1024x256xf32>
    %dot_general3A_8 = tpu.matmul %concatenate3A, %get3A_7, %dot_general3A {dimension_numbers = #tpu.dot_dimension_numbers<[1], [0], [0], [1], [0, 0, 1, 1], [], []>, transpose_lhs_hint = false} : vector<1024x256xf32>, vector<256x256xf32>, vector<1024x256xf32> -> vector<1024x256xf32>
    %get3A_9 = arith.constant 0 : index
    %get3A_10 = arith.constant 0 : index
    %get3A_11 = vector.load %arg4[%get3A_9, %get3A_10] : memref<1x256xf32, #tpu.memory_space<vmem>>, vector<1x256xf32>
    %add3A = vector.broadcast %get3A_11 : vector<1x256xf32> to vector<1024x256xf32>
    %add3A_12 = arith.addf %dot_general3A_8, %add3A : vector<1024x256xf32>
    %swap3A = arith.constant 0 : index
    %swap3A_13 = arith.constant 0 : index
    %swap3A_14 = vector.load %arg5[%swap3A, %swap3A_13] : memref<1024x256xf32, #tpu.memory_space<vmem>>, vector<1024x256xf32>
    tpu.vector_store %arg5[%swap3A, %swap3A_13], %add3A_12 {strides = array<i32>} : memref<1024x256xf32, #tpu.memory_space<vmem>>, vector<1024x256xf32>,
    return
  }
  func.func @transform_0(%arg0: i32) -> (i32, i32) {
    %c0_i32 = arith.constant 0 : i32
    %c0_i32_0 = arith.constant 0 : i32
    return %arg0, %c0_i32 : i32, i32
  }
  func.func @transform_1(%arg0: i32) -> (i32, i32) {
    %add3A = arith.constant 10 : i32
    %add3A_0 = arith.addi %arg0, %add3A : i32
    %c0_i32 = arith.constant 0 : i32
    %c0_i32_1 = arith.constant 0 : i32
    return %add3A_0, %c0_i32 : i32, i32
  }
  func.func @transform_2(%arg0: i32) -> (i32, i32) {
    %c0_i32 = arith.constant 0 : i32
    %c0_i32_0 = arith.constant 0 : i32
    %c0_i32_1 = arith.constant 0 : i32
    return %c0_i32, %c0_i32_0 : i32, i32
  }
  func.func @transform_3(%arg0: i32) -> (i32, i32) {
    %c0_i32 = arith.constant 0 : i32
    %c0_i32_0 = arith.constant 0 : i32
    %c0_i32_1 = arith.constant 0 : i32
    return %c0_i32, %c0_i32_0 : i32, i32
  }
  func.func @transform_4(%arg0: i32) -> (i32, i32) {
    %c0_i32 = arith.constant 0 : i32
    %c0_i32_0 = arith.constant 0 : i32
    return %arg0, %c0_i32 : i32, i32
  }
}

module attributes {stable_mosaic.version = 14 : i64} {
  func.func @_dense2_body(%arg0: i32, %arg1: memref<1024x128xf32, #tpu.memory_space<vmem>>, %arg2: memref<1024x128xf32, #tpu.memory_space<vmem>>, %arg3: memref<2x1024x1xf32, #tpu.memory_space<vmem>>, %arg4: memref<256x256xf32, #tpu.memory_space<vmem>>, %arg5: memref<1024x256xf32, #tpu.memory_space<vmem>>, %arg6: memref<1024x256xf32, #tpu.memory_space<vmem>>) attributes {dimension_semantics = [#tpu.dimension_semantics<arbitrary>], iteration_bounds = array<i64: 10>, scalar_prefetch = 0 : i64, scratch_operands = 0 : i64, tpu.core_type = #tpu.core_type<tc>, window_params = [{transform_indices = @transform_0, window_bounds = array<i64: 1024, 128>}, {transform_indices = @transform_1, window_bounds = array<i64: 1024, 128>}, {transform_indices = @transform_2, window_bounds = array<i64: 2, 1024, 1>}, {pipeline_mode = #tpu.pipeline_mode<synchronous>, transform_indices = @transform_3, window_bounds = array<i64: 256, 256>}, {transform_indices = @transform_4, window_bounds = array<i64: 1024, 256>}, {transform_indices = @transform_5, window_bounds = array<i64: 1024, 256>}]} {
    %get3A = arith.constant 0 : index
    %get3A_0 = arith.constant 0 : index
    %get3A_1 = arith.constant 0 : index
    %get3A_2 = vector.load %arg3[%get3A, %get3A_0, %get3A_1] : memref<2x1024x1xf32, #tpu.memory_space<vmem>>, vector<1x1024x1xf32>
    %get3A_3 = vector.shape_cast %get3A_2 : vector<1x1024x1xf32> to vector<1024x1xf32>
    %get3A_4 = arith.constant 1 : index
    %get3A_5 = arith.constant 0 : index
    %get3A_6 = arith.constant 0 : index
    %get3A_7 = vector.load %arg3[%get3A_4, %get3A_5, %get3A_6] : memref<2x1024x1xf32, #tpu.memory_space<vmem>>, vector<1x1024x1xf32>
    %get3A_8 = vector.shape_cast %get3A_7 : vector<1x1024x1xf32> to vector<1024x1xf32>
    %add3A = arith.addf %get3A_3, %get3A_8 : vector<1024x1xf32>
    %max3A = arith.constant 1.000000e+00 : f32
    %max3A_9 = vector.broadcast %max3A : f32 to vector<1024x1xf32>
    %max3A_10 = arith.maximumf %add3A, %max3A_9 : vector<1024x1xf32>
    %div3A = arith.constant 1.000000e+00 : f32
    %div3A_11 = vector.broadcast %div3A : f32 to vector<1024x1xf32>
    %div3A_12 = arith.divf %div3A_11, %max3A_10 : vector<1024x1xf32>
    %get3A_13 = arith.constant 0 : index
    %get3A_14 = arith.constant 0 : index
    %get3A_15 = vector.load %arg1[%get3A_13, %get3A_14] : memref<1024x128xf32, #tpu.memory_space<vmem>>, vector<1024x128xf32>
    %mul3A = vector.broadcast %div3A_12 : vector<1024x1xf32> to vector<1024x128xf32>
    %mul3A_16 = arith.mulf %get3A_15, %mul3A : vector<1024x128xf32>
    %get3A_17 = arith.constant 0 : index
    %get3A_18 = arith.constant 0 : index
    %get3A_19 = vector.load %arg2[%get3A_17, %get3A_18] : memref<1024x128xf32, #tpu.memory_space<vmem>>, vector<1024x128xf32>
    %mul3A_20 = vector.broadcast %div3A_12 : vector<1024x1xf32> to vector<1024x128xf32>
    %mul3A_21 = arith.mulf %get3A_19, %mul3A_20 : vector<1024x128xf32>
    %concatenate3A = tpu.concatenate %mul3A_16, %mul3A_21 in 1 : vector<1024x128xf32>, vector<1024x128xf32> -> vector<1024x256xf32>
    %get3A_22 = arith.constant 0 : index
    %get3A_23 = arith.constant 0 : index
    %get3A_24 = vector.load %arg4[%get3A_22, %get3A_23] : memref<256x256xf32, #tpu.memory_space<vmem>>, vector<256x256xf32>
    %dot_general3A = arith.constant dense<0.000000e+00> : vector<1024x256xf32>
    %dot_general3A_25 = tpu.matmul %concatenate3A, %get3A_24, %dot_general3A {dimension_numbers = #tpu.dot_dimension_numbers<[1], [0], [0], [1], [0, 0, 1, 1], [], []>, transpose_lhs_hint = false} : vector<1024x256xf32>, vector<256x256xf32>, vector<1024x256xf32> -> vector<1024x256xf32>
    %get3A_26 = arith.constant 0 : index
    %get3A_27 = arith.constant 0 : index
    %get3A_28 = vector.load %arg5[%get3A_26, %get3A_27] : memref<1024x256xf32, #tpu.memory_space<vmem>>, vector<1024x256xf32>
    %add3A_29 = arith.addf %dot_general3A_25, %get3A_28 : vector<1024x256xf32>
    %reduce_max3A = arith.constant dense<0xFF800000> : vector<1024xf32>
    %reduce_max3A_30 = vector.multi_reduction <maximumf>, %add3A_29, %reduce_max3A [1] : vector<1024x256xf32> to vector<1024xf32>
    %broadcast_in_dim3A = vector.shape_cast %reduce_max3A_30 : vector<1024xf32> to vector<1024x1xf32>
    %sub3A = vector.broadcast %broadcast_in_dim3A : vector<1024x1xf32> to vector<1024x256xf32>
    %sub3A_31 = arith.subf %add3A_29, %sub3A : vector<1024x256xf32>
    %exp3A = math.exp %sub3A_31 : vector<1024x256xf32>
    %reduce_sum3A = arith.constant dense<0.000000e+00> : vector<1024xf32>
    %reduce_sum3A_32 = vector.multi_reduction <add>, %exp3A, %reduce_sum3A [1] : vector<1024x256xf32> to vector<1024xf32>
    %broadcast_in_dim3A_33 = vector.shape_cast %reduce_sum3A_32 : vector<1024xf32> to vector<1024x1xf32>
    %log3A = math.log %broadcast_in_dim3A_33 : vector<1024x1xf32>
    %sub3A_34 = vector.broadcast %broadcast_in_dim3A : vector<1024x1xf32> to vector<1024x256xf32>
    %sub3A_35 = arith.subf %add3A_29, %sub3A_34 : vector<1024x256xf32>
    %sub3A_36 = vector.broadcast %log3A : vector<1024x1xf32> to vector<1024x256xf32>
    %sub3A_37 = arith.subf %sub3A_35, %sub3A_36 : vector<1024x256xf32>
    %swap3A = arith.constant 0 : index
    %swap3A_38 = arith.constant 0 : index
    %swap3A_39 = vector.load %arg6[%swap3A, %swap3A_38] : memref<1024x256xf32, #tpu.memory_space<vmem>>, vector<1024x256xf32>
    tpu.vector_store %arg6[%swap3A, %swap3A_38], %sub3A_37 {strides = array<i32>} : memref<1024x256xf32, #tpu.memory_space<vmem>>, vector<1024x256xf32>,
    return
  }
  func.func @transform_0(%arg0: i32) -> (i32, i32) {
    %c0_i32 = arith.constant 0 : i32
    %c0_i32_0 = arith.constant 0 : i32
    return %arg0, %c0_i32 : i32, i32
  }
  func.func @transform_1(%arg0: i32) -> (i32, i32) {
    %add3A = arith.constant 10 : i32
    %add3A_0 = arith.addi %arg0, %add3A : i32
    %c0_i32 = arith.constant 0 : i32
    %c0_i32_1 = arith.constant 0 : i32
    return %add3A_0, %c0_i32 : i32, i32
  }
  func.func @transform_2(%arg0: i32) -> (i32, i32, i32) {
    %c0_i32 = arith.constant 0 : i32
    %c0_i32_0 = arith.constant 0 : i32
    %c0_i32_1 = arith.constant 0 : i32
    return %c0_i32, %arg0, %c0_i32_0 : i32, i32, i32
  }
  func.func @transform_3(%arg0: i32) -> (i32, i32) {
    %c0_i32 = arith.constant 0 : i32
    %c0_i32_0 = arith.constant 0 : i32
    %c0_i32_1 = arith.constant 0 : i32
    return %c0_i32, %c0_i32_0 : i32, i32
  }
  func.func @transform_4(%arg0: i32) -> (i32, i32) {
    %c0_i32 = arith.constant 0 : i32
    %c0_i32_0 = arith.constant 0 : i32
    return %arg0, %c0_i32 : i32, i32
  }
  func.func @transform_5(%arg0: i32) -> (i32, i32) {
    %c0_i32 = arith.constant 0 : i32
    %c0_i32_0 = arith.constant 0 : i32
    return %arg0, %c0_i32 : i32, i32
  }
}

</mosaic_0001>

<sc_bundles>
// kernel: kernel.11.cloned.1.call-start
scs
__scs_entry_jumppad:
0x0: {  	(pc) =	sbr.rel $0x88, $3  }
0x1: {  	(tag) =	ssettag $0x0;
	lr =	simm.s32 $0x1  }
0x2: {  	[smem:$0x3F99] =	sst lr;
	_ =	strace $0xD0000000  }
0x3: {  	_ = 	snop  }
0x4: {  	_ = 	snop  }
0x5: {  	_ = 	snop  }
0x6: {  	_ = 	snop  }
0x7: {  	_ = 	snop  }
__scs_overlays_trampoline_lowered:
0x8: {  	[smem:$0x3FA8] =	sst s0  }
0x9: {  	[smem:$0x3FA9] =	sst s1  }
0xa: {  	[smem:$0x3FAA] =	sst s2  }
0xb: {  	[smem:$0x3FAB] =	sst s3  }
0xc: {  	[smem:$0x3FAC] =	sst s4  }
0xd: {  	[smem:$0x3FAD] =	sst s5  }
0xe: {  	[smem:$0x3FAE] =	sst s6  }
0xf: {  	[smem:$0x3FAF] =	sst s7  }
0x10: {  	[smem:$0x3FB0] =	sst s8  }
0x11: {  	[smem:$0x3FB1] =	sst s9;
	s0 =	simm.s32 @!p0 $0x0  }
0x12: {  	s1 =	sld [smem:$0x3F97];
	s0 =	simm.s32 @p0 $0x1  }
0x13: {  	[smem:$0x3FB2] =	sst s0;
	s0 =	simm.s32 @!p1 $0x0  }
0x14: {  	s2 =	sld [smem:$0x3F96];
	s0 =	simm.s32 @p1 $0x1  }
0x15: {  	[smem:$0x3FB3] =	sst s0;
	s0 =	simm.s32 @!p2 $0x0  }
0x16: {  	s3 =	sld [smem:$0x3FDB];
	s0 =	simm.s32 @p2 $0x1  }
0x17: {  	s4 =	simm.s32 $0x1BF5;
	[smem:$0x3FB5] =	sst s0  }
0x18: {  	s0 =	sld [smem:$0x3F98];
	_ =	swait.ge [sflag:s4], $0x0  }
0x19: {  	s7 =	sld [smem:$0x3F99]  }
0x1a: {  	s8 =	sadd.s32 $0xFFFFE003, lr  }
0x1b: {  	s9 =	sadd.s32 $0xFFFFFEF7, lr;
	s5 =	simm.s32 $0xFFFFFFFF;
	p2 =	slt.u32 s8, $0xFFFFF086  }
0x1c: {  	p1 =	slt.u32 s9, $0xF7A;
	s5 =	simm.s32 @!p2 $0x0  }
0x1d: {  	s5 =	simm.s32 @p1 $0x1;
	p0 =	seq.s32 s7, s2  }
0x1e: {  	s7 =	smul.u32 @!p0 $0xF7A, s2;
	p2 =	seq.s32 @!p0 s5, $0x0  }
0x1f: {  	s9 =	smul.u32 $0xF7A, s1;
	s8 =	simm.s32 @!p0 $0x1BF5;
	p2 =	por !p2, p0  }
0x20: {  	[sflag:s8] =	ssyncset.s32 @!p0 $0xFFFFF086;
	s6 =	sadd.s32 @!p0 s3, s7;
	s7 =	simm.s32 @!p0 $0x108  }
0x21: {  	s3 =	sadd.s32 s3, s9;
	s6 =	sadd.s32 @!p0 $0x88, s6;
	s7 =	simm.s32 @p2 $0x1082  }
0x22: {  	[simem:s7], [sflag:s8] =	dma.local @!p0 [hbm:s6], $0xF7A  }
0x23: {  	s9 =	sor.u32 $0xD0000000, s2;
	s6 =	simm.s32 $0x108;
	_ =	swait.ge @!p0 [sflag:s8], $0x0  }
0x24: {  	s3 =	sadd.s32 $0x88, s3;
	s6 =	simm.s32 @!p1 $0x1082;
	[sflag:s4] =	ssyncset.s32 $0xFFFFF086  }
0x25: {  	[simem:s6], [sflag:s4] =	dma.local [hbm:s3], $0xF7A  }
0x26: {  	[smem:$0x3F99] =	sst s1;
	(tag) =	ssettag s2;
	_ =	strace s9  }
0x27: {  	s1 =	sld [smem:$0x3FA9]  }
0x28: {  	s2 =	sld [smem:$0x3FAA]  }
0x29: {  	s4 =	sld [smem:$0x3FAC]  }
0x2a: {  	p0 =	seq.s32 s5, $0x0;
	s5 =	sld [smem:$0x3FAD]  }
0x2b: {  	s6 =	sld [smem:$0x3FAE]  }
0x2c: {  	s7 =	sld [smem:$0x3FAF]  }
0x2d: {  	s3 =	simm.s32 $0x108;
	s8 =	sld [smem:$0x3FB0]  }
0x2e: {  	s3 =	simm.s32 @!p0 $0x1082;
	s9 =	sld [smem:$0x3FB1]  }
0x2f: {  	lr =	sadd.s32 s0, s3;
	s0 =	sld [smem:$0x3FA8]  }
0x30: {  	s3 =	sld [smem:$0x3FAB]  }
0x31: {  	[smem:$0x3FB4] =	sst s10  }
0x32: {  	s10 =	sld [smem:$0x3FB2];
	_ =	sdelay $0x3  }
0x33: {  	p0 =	seq.s32 s10, $0x1;
	s10 =	sld [smem:$0x3FB4];
	_ =	sdelay $0x3  }
0x34: {  	[smem:$0x3FB4] =	sst s10  }
0x35: {  	s10 =	sld [smem:$0x3FB3];
	_ =	sdelay $0x3  }
0x36: {  	p1 =	seq.s32 s10, $0x1;
	s10 =	sld [smem:$0x3FB4];
	_ =	sdelay $0x3  }
0x37: {  	[smem:$0x3FB4] =	sst s10  }
0x38: {  	s10 =	sld [smem:$0x3FB5]  }
0x39: {  	_ = 	snop;
	(pc) =	sbr.ind lr, $3  }
0x3a: {  	_ = 	snop  }
0x3b: {  	_ = 	snop  }
0x3c: {  	p2 =	seq.s32 s10, $0x1;
	s10 =	sld [smem:$0x3FB4]  }
0x3d: {  	_ =	shalt  }
0x3e: {  	_ =	shalt  }
0x3f: {  	_ =	shalt  }
0x40: {  	_ =	shalt  }
0x41: {  	_ =	shalt  }
0x42: {  	_ =	shalt  }
0x43: {  	_ =	shalt  }
0x44: {  	_ =	shalt  }
0x45: {  	_ =	shalt  }
0x46: {  	_ =	shalt  }
0x47: {  	_ =	shalt  }
0x48: {  	_ =	shalt  }
0x49: {  	_ =	shalt  }
0x4a: {  	_ =	shalt  }
0x4b: {  	_ =	shalt  }
0x4c: {  	_ =	shalt  }
0x4d: {  	_ =	shalt  }
0x4e: {  	_ =	shalt  }
0x4f: {  	_ =	shalt  }
0x50: {  	_ =	shalt  }
0x51: {  	_ =	shalt  }
0x52: {  	_ =	shalt  }
0x53: {  	_ =	shalt  }
0x54: {  	_ =	shalt  }
0x55: {  	_ =	shalt  }
0x56: {  	_ =	shalt  }
0x57: {  	_ =	shalt  }
0x58: {  	_ =	shalt  }
0x59: {  	_ =	shalt  }
0x5a: {  	_ =	shalt  }
0x5b: {  	_ =	shalt  }
0x5c: {  	_ =	shalt  }
0x5d: {  	_ =	shalt  }
0x5e: {  	_ =	shalt  }
0x5f: {  	_ =	shalt  }
0x60: {  	_ =	shalt  }
0x61: {  	_ =	shalt  }
0x62: {  	_ =	shalt  }
0x63: {  	_ =	shalt  }
0x64: {  	_ =	shalt  }
0x65: {  	_ =	shalt  }
0x66: {  	_ =	shalt  }
0x67: {  	_ =	shalt  }
0x68: {  	_ =	shalt  }
0x69: {  	_ =	shalt  }
0x6a: {  	_ =	shalt  }
0x6b: {  	_ =	shalt  }
0x6c: {  	_ =	shalt  }
0x6d: {  	_ =	shalt  }
0x6e: {  	_ =	shalt  }
0x6f: {  	_ =	shalt  }
0x70: {  	_ =	shalt  }
0x71: {  	_ =	shalt  }
0x72: {  	_ =	shalt  }
0x73: {  	_ =	shalt  }
0x74: {  	_ =	shalt  }
0x75: {  	_ =	shalt  }
0x76: {  	_ =	shalt  }
0x77: {  	_ =	shalt  }
0x78: {  	_ =	shalt  }
0x79: {  	_ =	shalt  }
0x7a: {  	_ =	shalt  }
0x7b: {  	_ =	shalt  }
0x7c: {  	_ =	shalt  }
0x7d: {  	_ =	shalt  }
0x7e: {  	_ =	shalt  }
0x7f: {  	_ =	shalt  }
0x80: {  	_ =	shalt  }
0x81: {  	_ =	shalt  }
0x82: {  	_ =	shalt  }
0x83: {  	_ =	shalt  }
0x84: {  	_ =	shalt  }
0x85: {  	_ =	shalt  }
0x86: {  	_ =	shalt  }
0x87: {  	_ =	shalt  }
.Lfunc_end0:
.L_simem_size_0:
called_computation.1_lowered:
.L_overlay_start_0:
0x88: {  	s2 =	sld [smem:$0x3FD9]  }
0x89: {  	s3 =	sld [smem:$0x3FFE];
	_ =	sdelay $0x1  }
0x8a: {  	s1 =	srdreg.scid  }
0x8b: {  	s0 =	sand.u32 $0x1, s1  }
0x8c: {  	s16 =	sshll.u32 s0, $0xA;
	s2 =	sadd.s32 s3, s2  }
0x8d: {  	s2 =	sadd.s32 s2, s16  }
0x8e: {  	[smem:$0x3FC0] =	sst s2  }
0x8f: {  	_ = 	snop  }
0x90: {  	(tm) =	ssettm $0x1  }
0x91: {  	s17 =	sld [smem:$0x3FFB];
	_ =	sdelay $0x3  }
0x92: {  	_ =	strace s17  }
0x93: {  	s2 =	sld [smem:$0x3FFC];
	_ =	sdelay $0x3  }
0x94: {  	_ =	strace s2  }
0x95: {  	s2 =	sld [smem:$0x3FFD];
	_ =	sdelay $0x3  }
0x96: {  	_ =	strace s2  }
0x97: {  	_ =	strace $0x8FFFFFFF  }
0x98: {  	s18 =	sld [smem:$0x3FDB];
	_ =	sdelay $0x1  }
0x99: {  	s19 =	simm.s32 $_scs_section_size  }
0x9a: {  	s4 =	simm.s32 $_size__tile_overlayer_lowered;
	s5 =	simm.s32 $_tile_overlayer_lowered  }
0x9b: {  	s22 =	simm.s32 $0x1BFF;
	s21 =	sshll.u32 s5, $0x1;
	s2 =	sadd.s32 s19, s18  }
0x9c: {  	s6 =	simm.s32 $0x0;
	s20 =	sshll.u32 s4, $0x1;
	s4 =	sadd.s32 s21, s2  }
0x9d: {  	[timem:s6], [sflag:s22] =	dma.local [hbm:s4], s20  }
0x9e: {  	_ =	swait.ge [sflag:s22], s20  }
0x9f: {  	s3 =	ssub.s32 $0x0, s20;
	[sflag:s22] =	ssyncset.done $0x0  }
0xa0: {  	[sflag:s22] =	ssyncadd.s32 s3;
	_ =	sdelay $0x1  }
0xa1: {  	s23 =	simm.s32 $0x1B8B  }
0xa2: {  	_ =	swait.ge [sflag:s23], $0x1  }
0xa3: {  	[sflag:s23] =	ssyncset.done $0x0  }
0xa4: {  	s25 =	simm.s32 $0x1B8E;
	s24 =	sld [smem:$0x3FFE];
	[sflag:s23] =	ssyncadd.s32 $0xFFFFFFFF  }
0xa5: {  	s26 =	simm.s32 $execute0_lowered;
	[smem:$0x3FD2] =	sst s25  }
0xa6: {  	s4 =	sshll.u32 s26, $0x1;
	_ =	strace $0x80000049;
	[dreg:$0x1] =	wrdreg $0xFFFFFFFF  }
0xa7: {  	s28 =	simm.s32 $_size_execute0_lowered;
	s2 =	sadd.s32 s2, s4;
	[dreg:$0x0] =	wrdreg $0x0  }
0xa8: {  	s4 =	sshll.u32 s28, $0x1;
	[dreg:$0x2] =	wrdreg s2  }
0xa9: {  	[dreg:$0x3] =	wrdreg s4  }
0xaa: {  	[dreg:$0x4] =	wrdreg $0xC0  }
0xab: {  	_ =	task [dreg:s6], $0x5FFFF  }
0xac: {  	[dreg:$0x1] =	wrdreg $0xFFFFFFFF  }
0xad: {  	[dreg:$0x0] =	wrdreg $0x60  }
0xae: {  	[dreg:$0x2] =	wrdreg s24  }
0xaf: {  	[dreg:$0x3] =	wrdreg $0x88000  }
0xb0: {  	[dreg:$0x4] =	wrdreg $0x9  }
0xb1: {  	_ =	task.clear_ibuf [dreg:s6], $0x5FFFF;
	_ =	strace $0x90000049  }
0xb2: {  	s29 =	simm.s32 $0x9;
	_ =	strace $0x8000004B  }
0xb3: {  	_ =	swait.ge [sflag:s29], $0x1  }
0xb4: {  	[sflag:s29] =	ssyncadd.s32 $0xFFFFFFFF  }
0xb5: {  	_ =	strace $0x9000004B  }
0xb6: {  	_ =	sfence  }
0xb7: {  	s30 =	sld [smem:$0x0];
	_ =	sdelay $0x2  }
0xb8: {  	s31 =	sshll.u32 s1, $0xD;
	s1 =	sshrl.u32 s1, $0x2  }
0xb9: {  	s3 =	sand.u32 $0x4000, s31;
	s1 =	sadd.s32 s1, s30  }
0xba: {  	s0 =	sor.u32 s3, s0;
	s1 =	sshll.u32 s1, $0x11  }
0xbb: {  	s0 =	sor.u32 s1, s0  }
0xbc: {  	s0 =	sadd.s32 $0x8F2B, s0  }
0xbd: {  	[sflag:s0] =	ssyncadd.remote.s32 $0x1  }
0xbe: {  	_ =	sfence.sel $0xFFFF  }
0xbf: {  	[dreg:$0x0] =	wrdreg $0xFFFFFFFF;
	(pc) =	sbr.abs _section_cstart, $3  }
0xc0: {  	[dreg:$0x1] =	wrdreg $0xFFFFFFFF  }
0xc1: {  	_ =	task.clear_ibuf [dreg:s6], $0x2FFFF;
	_ =	strace $0x9FFFFFFF  }
0xc2: {  	(tm) =	ssettm $0x7FFFFFFF  }
0xc3: {  	_ =	shalt  }
tec
execute0_lowered:
.L_overlay_start_1:
0x0: {  	(tag) =	ssettag $0x1  }
0x1: {  	s0 =	rddreg [dreg:$0x0];
	s1 =	srdreg.scid  }
0x2: {  	s13 =	stileid.u32;
	s2 =	rddreg [dreg:$0x1];
	s3 =	simm.s32 $0x0  }
0x3: {  	s19 =	simm.s32 $0x3;
	s20 =	simm.s32 $0x1;
	s21 =	simm.s32 $0x80  }
0x4: {  	s22 =	simm.s32 $0x800;
	s24 =	simm.s32 $0x4800;
	s6 =	smul.u32 $0x2800, s13  }
0x5: {  	s28 =	simm.s32 $0x780;
	s29 =	simm.s32 $0x4;
	s9 =	smul.u32 $0x5000, s13  }
0x6: {  	s30 =	simm.s32 $0x0;
	s1 =	sand.u32 $0x1, s1;
	s10 =	smul.u32 $0x50000, s13  }
0x7: {  	[smem:$0x7FF] =	sst s3;
	s14 =	sadd.s32 $0x4400, s0;
	s7 =	smul.u32 $0x28000, s1  }
0x8: {  	s4 =	sadd.s32 $0x1AC00, s0;
	s8 =	smul.u32 $0x50000, s1;
	s1 =	ssub.s32 $0x2, s1  }
0x9: {  	s5 =	sadd.s32 $0x18400, s0;
	_ =	strace $0x8000004A;
	s25 =	sshrl.u32 s1, $0x1  }
0xa: {  	s12 =	sshrl.u32 s10, $0x2;
	s10 =	sshll.u32 s13, $0x6;
	s6 =	sadd.s32 s6, s7  }
0xb: {  	s11 =	sadd.s32 s9, s8;
	s1 =	ssub.s32 s1, s25;
	s15 =	sadd.s32 s12, s2  }
0xc: {  	s25 =	simm.s32 $0x2;
	s0 =	sadd.s32 s6, s0;
	s26 =	sshrl.u32 s11, $0x3  }
0xd: {  	s31 =	sor.u32 $0x800, s11;
	s11 =	sor.u32 $0x1C03, s10;
	s13 =	smax.u32 s1, $0x1  }
0xe: {  	s18 =	sshrl.u32 s15, $0x3;
	s6 =	sadd.s32 s14, s26;
	s16 =	sshrl.u32 s31, $0x3  }
0xf: {  	s12 =	sadd.s32 $0x6AC00, s0;
	s26 =	simm.s32 $0x680;
	s7 =	sadd.s32 $0x40, s6  }
0x10: {  	s8 =	sadd.s32 $0x80, s6;
	s9 =	sadd.s32 $0xC0, s6;
	s14 =	sadd.s32 s16, s14  }
.LBB2_1:
0x11: {  	[tilespmem:s3], [sflag:$0x1] =	stream.linear.gather [hbm4b:s6+s3], $0x200, $0x38;
	[tilespmem:$0x1C800] =	vst v63  }
0x12: {  	s0 =	simm.s32 $0x200  }
0x13: {  	[tilespmem:s0], [sflag:$0x1] =	stream.linear.gather [hbm4b:s7+s3], $0x200, $0x38;
	[tilespmem:$0x1C800] =	vst v63  }
0x14: {  	s15 =	simm.s32 $0x400  }
0x15: {  	[tilespmem:s15], [sflag:$0x1] =	stream.linear.gather [hbm4b:s8+s3], $0x200, $0x38;
	[tilespmem:$0x1C800] =	vst v63  }
0x16: {  	s16 =	simm.s32 $0x600  }
0x17: {  	[tilespmem:s16], [sflag:$0x1] =	stream.linear.gather [hbm4b:s9+s3], $0x200, $0x38;
	[tilespmem:$0x1C800] =	vst v63  }
0x18: {  	[spmem:s18], [sflag:s11] =	dma.local [hbm:s5], $0x2800  }
0x19: {  	_ =	swait.ge [sflag:s19], $0x2800  }
0x1a: {  	[sflag:s19] =	ssyncset.done $0x0  }
0x1b: {  	[sflag:s19] =	ssyncadd.s32 $0xFFFFD800  }
0x1c: {  	_ =	swait.ge [sflag:s20], $0x200  }
0x1d: {  	[sflag:s20] =	ssyncset.done $0x0  }
0x1e: {  	[sflag:s20] =	ssyncadd.s32 $0xFFFFFE00  }
0x1f: {  	[tilespmem:s22], [sflag:$0x2] =	stream.indirect.gather [hbm4b:s4+s21], $0x80, s3, s21, $0xb8;
	[tilespmem:$0x1C800] =	vst v63  }
0x20: {  	s17 =	simm.s32 $0x100  }
0x21: {  	[tilespmem:s24], [sflag:$0x2] =	stream.indirect.gather [hbm4b:s4+s21], $0x80, s17, s21, $0xb8;
	[tilespmem:$0x1C800] =	vst v63  }
0x22: {  	[bflag:$0x0] =	sbarrier.arrive $0xFFFF  }
0x23: {  	_ =	swait.ge [sflag:s25], $0x4000  }
0x24: {  	s0 =	sand.u32 $0x600, s3;
	[sflag:s25] =	ssyncset.done $0x0  }
0x25: {  	s1 =	sor.u32 $0x80, s0;
	[sflag:s25] =	ssyncadd.s32 $0xFFFFC000  }
0x26: {  	[spmem:s2] =	stream.indirect.scatter.add.f32 [tilespmem:s22], [sflag:$0x3], $0x80, s1, s21, $0xb8;
	[tilespmem:$0x1C800] =	vst v63  }
0x27: {  	_ =	swait.ge [sflag:s19], $0x4000  }
0x28: {  	[sflag:s19] =	ssyncset.done $0x0  }
0x29: {  	[sflag:s19] =	ssyncadd.s32 $0xFFFFC000  }
0x2a: {  	_ =	swait.ge [sflag:s20], $0x200  }
0x2b: {  	s31 =	simm.s32 $0x200;
	[sflag:s20] =	ssyncset.done $0x0  }
0x2c: {  	s15 =	sand.u32 $0x600, s31;
	[sflag:s20] =	ssyncadd.s32 $0xFFFFFE00  }
0x2d: {  	[tilespmem:s22], [sflag:$0x2] =	stream.indirect.gather [hbm4b:s4+s21], $0x80, s15, s21, $0xb8;
	[tilespmem:$0x1C800] =	vst v63  }
0x2e: {  	_ =	swait.ge [sflag:s25], $0x4000  }
0x2f: {  	[sflag:s25] =	ssyncset.done $0x0  }
0x30: {  	s23 =	sor.u32 $0x180, s0;
	[sflag:s25] =	ssyncadd.s32 $0xFFFFC000  }
0x31: {  	[spmem:s2] =	stream.indirect.scatter.add.f32 [tilespmem:s24], [sflag:$0x3], $0x80, s23, s21, $0xb8;
	[tilespmem:$0x1C800] =	vst v63  }
0x32: {  	_ =	swait.ge [sflag:s19], $0x4000  }
0x33: {  	p0 =	por $0x0, $0x0;
	[sflag:s19] =	ssyncset.done $0x0  }
0x34: {  	s1 =	simm.s32 @!p0 $0x0;
	[sflag:s19] =	ssyncadd.s32 $0xFFFFC000  }
0x35: {  	[tilespmem:s0], [sflag:$0x1] =	stream.linear.gather @!p0 [hbm4b:s14+s1], $0x200, $0x38;
	[tilespmem:$0x1C800] =	vst v63  }
0x36: {  	s15 =	sadd.s32 $0x100, s15;
	s1 =	simm.s32 $0x1;
	s0 =	sadd.s32 $0x40, s14  }
.LBB2_2:
0x37: {  	[tilespmem:s24], [sflag:$0x2] =	stream.indirect.gather [hbm4b:s4+s21], $0x80, s15, s21, $0xb8;
	[tilespmem:$0x1C800] =	vst v63  }
0x38: {  	s15 =	smov.u32 s1;
	s1 =	sadd.s32 $0x1, s1;
	_ =	swait.ge [sflag:s25], $0x4000  }
0x39: {  	s16 =	sand.u32 $0x600, s31;
	p0 =	sne.s32 s1, $0x27;
	[sflag:s25] =	ssyncset.done $0x0  }
0x3a: {  	s17 =	sor.u32 $0x80, s16;
	[sflag:s25] =	ssyncadd.s32 $0xFFFFC000  }
0x3b: {  	[spmem:s2] =	stream.indirect.scatter.add.f32 [tilespmem:s22], [sflag:$0x3], $0x80, s17, s21, $0xb8;
	[tilespmem:$0x1C800] =	vst v63  }
0x3c: {  	_ =	swait.ge [sflag:s19], $0x4000  }
0x3d: {  	[sflag:s19] =	ssyncset.done $0x0  }
0x3e: {  	[sflag:s19] =	ssyncadd.s32 $0xFFFFC000  }
0x3f: {  	_ =	swait.ge [sflag:s20], $0x200  }
0x40: {  	s31 =	sadd.s32 $0x200, s31;
	[sflag:s20] =	ssyncset.done $0x0  }
0x41: {  	s17 =	sand.u32 $0x600, s31;
	[sflag:s20] =	ssyncadd.s32 $0xFFFFFE00  }
0x42: {  	[tilespmem:s22], [sflag:$0x2] =	stream.indirect.gather [hbm4b:s4+s21], $0x80, s17, s21, $0xb8;
	[tilespmem:$0x1C800] =	vst v63  }
0x43: {  	_ =	swait.ge [sflag:s25], $0x4000  }
0x44: {  	[sflag:s25] =	ssyncset.done $0x0  }
0x45: {  	s23 =	sor.u32 $0x180, s16;
	[sflag:s25] =	ssyncadd.s32 $0xFFFFC000  }
0x46: {  	[spmem:s2] =	stream.indirect.scatter.add.f32 [tilespmem:s24], [sflag:$0x3], $0x80, s23, s21, $0xb8;
	[tilespmem:$0x1C800] =	vst v63  }
.Ltmp0:
0x47: {  	_ =	swait.ge [sflag:s19], $0x4000;
	(pc) =	sbr.rel @p0 .LBB2_2-.Ltmp0, $4  }
0x48: {  	p1 =	sgt.u32 s15, $0x23;
	[sflag:s19] =	ssyncset.done $0x0  }
0x49: {  	s15 =	simm.s32 @!p1 $0x0;
	[sflag:s19] =	ssyncadd.s32 $0xFFFFC000  }
0x4a: {  	[tilespmem:s16], [sflag:$0x1] =	stream.linear.gather @!p1 [hbm4b:s0+s15], $0x200, $0x38;
	[tilespmem:$0x1C800] =	vst v63  }
0x4b: {  	s15 =	sadd.s32 $0x100, s17;
	s0 =	sadd.s32 $0x40, s0  }
0x4c: {  	[tilespmem:s24], [sflag:$0x2] =	stream.indirect.gather [hbm4b:s4+s21], $0x80, s15, s21, $0xb8;
	[tilespmem:$0x1C800] =	vst v63  }
0x4d: {  	_ =	swait.ge [sflag:s25], $0x4000  }
0x4e: {  	[sflag:s25] =	ssyncset.done $0x0  }
0x4f: {  	[sflag:s25] =	ssyncadd.s32 $0xFFFFC000  }
0x50: {  	[spmem:s2] =	stream.indirect.scatter.add.f32 [tilespmem:s22], [sflag:$0x3], $0x80, s26, s21, $0xb8;
	[tilespmem:$0x1C800] =	vst v63  }
0x51: {  	_ =	swait.ge [sflag:s25], $0x4000  }
0x52: {  	[sflag:s25] =	ssyncset.done $0x0  }
0x53: {  	[sflag:s25] =	ssyncadd.s32 $0xFFFFC000  }
0x54: {  	[spmem:s2] =	stream.indirect.scatter.add.f32 [tilespmem:s24], [sflag:$0x3], $0x80, s28, s21, $0xb8;
	[tilespmem:$0x1C800] =	vst v63  }
0x55: {  	_ =	swait.ge [sflag:s19], $0x4000  }
0x56: {  	[sflag:s19] =	ssyncset.done $0x0  }
0x57: {  	[sflag:s19] =	ssyncadd.s32 $0xFFFFC000  }
0x58: {  	_ =	swait.ge [sflag:s19], $0x4000  }
0x59: {  	s30 =	sadd.s32 $0x1, s30;
	[sflag:s19] =	ssyncset.done $0x0  }
0x5a: {  	p0 =	sne.s32 s30, s13;
	[sflag:s19] =	ssyncadd.s32 $0xFFFFC000  }
.Ltmp1:
0x5b: {  	s0 =	sor.u32 $0x1C04, s10;
	[bflag:$0x0] =	sbarrier.arrive $0xFFFF;
	(pc) =	sbr.rel @p0 .LBB2_1-.Ltmp1, $4  }
0x5c: {  	[hbm:s12], [sflag:s0] =	dma.local [spmem:s18], $0x2800  }
0x5d: {  	_ =	swait.ge [sflag:s29], $0x2800  }
0x5e: {  	[sflag:s29] =	ssyncset.done $0x0  }
0x5f: {  	[sflag:s29] =	ssyncadd.s32 $0xFFFFD800  }
0x60: {  	_ =	sfence.sel $0x180000  }
0x61: {  	[bflag:$0x0] =	sbarrier.arrive $0xFFFF  }
0x62: {  	_ =	strace $0x9000004A  }
0x63: {  	s0 =	stileid.u32;
	[bflag:$0x2] =	sbarrier.arrive $0xFFFF  }
0x64: {  	p0 =	sne.s32 s0, $0x0;
	s0 =	rddreg [dreg:$0x2]  }
0x65: {  	s0 =	sadd.s32 @!p0 $0x100000, s0  }
0x66: {  	[sflag:s0] =	ssyncadd.tile.s32 @!p0 $0x1;
	_ =	shalt  }
.Lfunc_end2:
_tile_overlayer_lowered:
.L_overlay_start_2:
0x67: {  	(tag) =	ssettag $0x2  }
0x68: {  	s0 =	rddreg [dreg:$0x0];
	s2 =	stileid.u32  }
0x69: {  	s1 =	rddreg [dreg:$0x1];
	p0 =	sne.s32 s2, $0x0  }
0x6a: {  	s3 =	rddreg [dreg:$0x2];
	[bflag:$0x3] =	sbarrier.arrive $0xFFFF;
	s2 =	simm.s32 @!p0 $0x1C04  }
0x6b: {  	[timem:s3], [sflag:s2] =	dma.local @!p0 [hbm:s0], s1  }
0x6c: {  	s0 =	simm.s32 @!p0 $0x4  }
0x6d: {  	_ =	swait.ge @!p0 [sflag:s0], s1  }
0x6e: {  	s1 =	ssub.s32 @!p0 $0x0, s1;
	[sflag:s0] =	ssyncset.done @!p0 $0x0  }
0x6f: {  	[sflag:s0] =	ssyncadd.s32 @!p0 s1  }
0x70: {  	[bflag:$0x3] =	sbarrier.arrive $0xFFFF  }
0x71: {  	_ =	shalt  }

// kernel: kernel.8.cloned.1.call-start
scs
__scs_entry_jumppad:
0x0: {  	(pc) =	sbr.rel $0x88, $3  }
0x1: {  	(tag) =	ssettag $0x0;
	lr =	simm.s32 $0x1  }
0x2: {  	[smem:$0x3F99] =	sst lr;
	_ =	strace $0xD0000000  }
0x3: {  	_ = 	snop  }
0x4: {  	_ = 	snop  }
0x5: {  	_ = 	snop  }
0x6: {  	_ = 	snop  }
0x7: {  	_ = 	snop  }
__scs_overlays_trampoline_lowered:
0x8: {  	[smem:$0x3FA8] =	sst s0  }
0x9: {  	[smem:$0x3FA9] =	sst s1  }
0xa: {  	[smem:$0x3FAA] =	sst s2  }
0xb: {  	[smem:$0x3FAB] =	sst s3  }
0xc: {  	[smem:$0x3FAC] =	sst s4  }
0xd: {  	[smem:$0x3FAD] =	sst s5  }
0xe: {  	[smem:$0x3FAE] =	sst s6  }
0xf: {  	[smem:$0x3FAF] =	sst s7  }
0x10: {  	[smem:$0x3FB0] =	sst s8  }
0x11: {  	[smem:$0x3FB1] =	sst s9;
	s0 =	simm.s32 @!p0 $0x0  }
0x12: {  	s1 =	sld [smem:$0x3F97];
	s0 =	simm.s32 @p0 $0x1  }
0x13: {  	[smem:$0x3FB2] =	sst s0;
	s0 =	simm.s32 @!p1 $0x0  }
0x14: {  	s2 =	sld [smem:$0x3F96];
	s0 =	simm.s32 @p1 $0x1  }
0x15: {  	[smem:$0x3FB3] =	sst s0;
	s0 =	simm.s32 @!p2 $0x0  }
0x16: {  	s3 =	sld [smem:$0x3FDB];
	s0 =	simm.s32 @p2 $0x1  }
0x17: {  	s4 =	simm.s32 $0x1BF5;
	[smem:$0x3FB5] =	sst s0  }
0x18: {  	s0 =	sld [smem:$0x3F98];
	_ =	swait.ge [sflag:s4], $0x0  }
0x19: {  	s7 =	sld [smem:$0x3F99]  }
0x1a: {  	s8 =	sadd.s32 $0xFFFFE003, lr  }
0x1b: {  	s9 =	sadd.s32 $0xFFFFFEF7, lr;
	s5 =	simm.s32 $0xFFFFFFFF;
	p2 =	slt.u32 s8, $0xFFFFF086  }
0x1c: {  	p1 =	slt.u32 s9, $0xF7A;
	s5 =	simm.s32 @!p2 $0x0  }
0x1d: {  	s5 =	simm.s32 @p1 $0x1;
	p0 =	seq.s32 s7, s2  }
0x1e: {  	s7 =	smul.u32 @!p0 $0xF7A, s2;
	p2 =	seq.s32 @!p0 s5, $0x0  }
0x1f: {  	s9 =	smul.u32 $0xF7A, s1;
	s8 =	simm.s32 @!p0 $0x1BF5;
	p2 =	por !p2, p0  }
0x20: {  	[sflag:s8] =	ssyncset.s32 @!p0 $0xFFFFF086;
	s6 =	sadd.s32 @!p0 s3, s7;
	s7 =	simm.s32 @!p0 $0x108  }
0x21: {  	s3 =	sadd.s32 s3, s9;
	s6 =	sadd.s32 @!p0 $0x88, s6;
	s7 =	simm.s32 @p2 $0x1082  }
0x22: {  	[simem:s7], [sflag:s8] =	dma.local @!p0 [hbm:s6], $0xF7A  }
0x23: {  	s9 =	sor.u32 $0xD0000000, s2;
	s6 =	simm.s32 $0x108;
	_ =	swait.ge @!p0 [sflag:s8], $0x0  }
0x24: {  	s3 =	sadd.s32 $0x88, s3;
	s6 =	simm.s32 @!p1 $0x1082;
	[sflag:s4] =	ssyncset.s32 $0xFFFFF086  }
0x25: {  	[simem:s6], [sflag:s4] =	dma.local [hbm:s3], $0xF7A  }
0x26: {  	[smem:$0x3F99] =	sst s1;
	(tag) =	ssettag s2;
	_ =	strace s9  }
0x27: {  	s1 =	sld [smem:$0x3FA9]  }
0x28: {  	s2 =	sld [smem:$0x3FAA]  }
0x29: {  	s4 =	sld [smem:$0x3FAC]  }
0x2a: {  	p0 =	seq.s32 s5, $0x0;
	s5 =	sld [smem:$0x3FAD]  }
0x2b: {  	s6 =	sld [smem:$0x3FAE]  }
0x2c: {  	s7 =	sld [smem:$0x3FAF]  }
0x2d: {  	s3 =	simm.s32 $0x108;
	s8 =	sld [smem:$0x3FB0]  }
0x2e: {  	s3 =	simm.s32 @!p0 $0x1082;
	s9 =	sld [smem:$0x3FB1]  }
0x2f: {  	lr =	sadd.s32 s0, s3;
	s0 =	sld [smem:$0x3FA8]  }
0x30: {  	s3 =	sld [smem:$0x3FAB]  }
0x31: {  	[smem:$0x3FB4] =	sst s10  }
0x32: {  	s10 =	sld [smem:$0x3FB2];
	_ =	sdelay $0x3  }
0x33: {  	p0 =	seq.s32 s10, $0x1;
	s10 =	sld [smem:$0x3FB4];
	_ =	sdelay $0x3  }
0x34: {  	[smem:$0x3FB4] =	sst s10  }
0x35: {  	s10 =	sld [smem:$0x3FB3];
	_ =	sdelay $0x3  }
0x36: {  	p1 =	seq.s32 s10, $0x1;
	s10 =	sld [smem:$0x3FB4];
	_ =	sdelay $0x3  }
0x37: {  	[smem:$0x3FB4] =	sst s10  }
0x38: {  	s10 =	sld [smem:$0x3FB5]  }
0x39: {  	_ = 	snop;
	(pc) =	sbr.ind lr, $3  }
0x3a: {  	_ = 	snop  }
0x3b: {  	_ = 	snop  }
0x3c: {  	p2 =	seq.s32 s10, $0x1;
	s10 =	sld [smem:$0x3FB4]  }
0x3d: {  	_ =	shalt  }
0x3e: {  	_ =	shalt  }
0x3f: {  	_ =	shalt  }
0x40: {  	_ =	shalt  }
0x41: {  	_ =	shalt  }
0x42: {  	_ =	shalt  }
0x43: {  	_ =	shalt  }
0x44: {  	_ =	shalt  }
0x45: {  	_ =	shalt  }
0x46: {  	_ =	shalt  }
0x47: {  	_ =	shalt  }
0x48: {  	_ =	shalt  }
0x49: {  	_ =	shalt  }
0x4a: {  	_ =	shalt  }
0x4b: {  	_ =	shalt  }
0x4c: {  	_ =	shalt  }
0x4d: {  	_ =	shalt  }
0x4e: {  	_ =	shalt  }
0x4f: {  	_ =	shalt  }
0x50: {  	_ =	shalt  }
0x51: {  	_ =	shalt  }
0x52: {  	_ =	shalt  }
0x53: {  	_ =	shalt  }
0x54: {  	_ =	shalt  }
0x55: {  	_ =	shalt  }
0x56: {  	_ =	shalt  }
0x57: {  	_ =	shalt  }
0x58: {  	_ =	shalt  }
0x59: {  	_ =	shalt  }
0x5a: {  	_ =	shalt  }
0x5b: {  	_ =	shalt  }
0x5c: {  	_ =	shalt  }
0x5d: {  	_ =	shalt  }
0x5e: {  	_ =	shalt  }
0x5f: {  	_ =	shalt  }
0x60: {  	_ =	shalt  }
0x61: {  	_ =	shalt  }
0x62: {  	_ =	shalt  }
0x63: {  	_ =	shalt  }
0x64: {  	_ =	shalt  }
0x65: {  	_ =	shalt  }
0x66: {  	_ =	shalt  }
0x67: {  	_ =	shalt  }
0x68: {  	_ =	shalt  }
0x69: {  	_ =	shalt  }
0x6a: {  	_ =	shalt  }
0x6b: {  	_ =	shalt  }
0x6c: {  	_ =	shalt  }
0x6d: {  	_ =	shalt  }
0x6e: {  	_ =	shalt  }
0x6f: {  	_ =	shalt  }
0x70: {  	_ =	shalt  }
0x71: {  	_ =	shalt  }
0x72: {  	_ =	shalt  }
0x73: {  	_ =	shalt  }
0x74: {  	_ =	shalt  }
0x75: {  	_ =	shalt  }
0x76: {  	_ =	shalt  }
0x77: {  	_ =	shalt  }
0x78: {  	_ =	shalt  }
0x79: {  	_ =	shalt  }
0x7a: {  	_ =	shalt  }
0x7b: {  	_ =	shalt  }
0x7c: {  	_ =	shalt  }
0x7d: {  	_ =	shalt  }
0x7e: {  	_ =	shalt  }
0x7f: {  	_ =	shalt  }
0x80: {  	_ =	shalt  }
0x81: {  	_ =	shalt  }
0x82: {  	_ =	shalt  }
0x83: {  	_ =	shalt  }
0x84: {  	_ =	shalt  }
0x85: {  	_ =	shalt  }
0x86: {  	_ =	shalt  }
0x87: {  	_ =	shalt  }
.Lfunc_end0:
.L_simem_size_0:
called_computation_lowered:
.L_overlay_start_0:
0x88: {  	s2 =	sld [smem:$0x3FD9]  }
0x89: {  	s3 =	sld [smem:$0x3FFE];
	_ =	sdelay $0x1  }
0x8a: {  	s1 =	srdreg.scid  }
0x8b: {  	s0 =	sand.u32 $0x1, s1  }
0x8c: {  	s17 =	sshll.u32 s0, $0xA;
	s2 =	sadd.s32 s3, s2  }
0x8d: {  	s2 =	sadd.s32 s2, s17  }
0x8e: {  	[smem:$0x3FC0] =	sst s2  }
0x8f: {  	_ = 	snop  }
0x90: {  	s2 =	sld [smem:$0x3FC9]  }
0x91: {  	s18 =	sld [smem:$0x3FD0];
	(tm) =	ssettm $0x1  }
0x92: {  	s4 =	sld [smem:$0x3FFB];
	_ =	sdelay $0x3  }
0x93: {  	_ =	strace s4  }
0x94: {  	s4 =	sld [smem:$0x3FFC];
	_ =	sdelay $0x3  }
0x95: {  	_ =	strace s4  }
0x96: {  	s4 =	sld [smem:$0x3FFD];
	_ =	sdelay $0x3  }
0x97: {  	_ =	strace s4  }
0x98: {  	_ =	strace $0x8FFFFFFF  }
0x99: {  	s19 =	sld [smem:$0x3FDB];
	_ =	sdelay $0x1  }
0x9a: {  	s5 =	simm.s32 $_scs_section_size  }
0x9b: {  	s6 =	simm.s32 $_size__tile_overlayer_lowered;
	s7 =	simm.s32 $_tile_overlayer_lowered  }
0x9c: {  	s22 =	simm.s32 $0x1BFF;
	s21 =	sshll.u32 s7, $0x1;
	s4 =	sadd.s32 s5, s19  }
0x9d: {  	s8 =	simm.s32 $0x0;
	s20 =	sshll.u32 s6, $0x1;
	s6 =	sadd.s32 s21, s4  }
0x9e: {  	[timem:s8], [sflag:s22] =	dma.local [hbm:s6], s20  }
0x9f: {  	_ =	swait.ge [sflag:s22], s20  }
0xa0: {  	s5 =	ssub.s32 $0x0, s20;
	[sflag:s22] =	ssyncset.done $0x0  }
0xa1: {  	[sflag:s22] =	ssyncadd.s32 s5;
	_ =	sdelay $0x1  }
0xa2: {  	s23 =	simm.s32 $0x1B8B  }
0xa3: {  	_ =	swait.ge [sflag:s23], $0x1  }
0xa4: {  	[sflag:s23] =	ssyncset.done $0x0  }
0xa5: {  	s25 =	simm.s32 $0x1B8E;
	s24 =	sld [smem:$0x3FFE];
	[sflag:s23] =	ssyncadd.s32 $0xFFFFFFFF  }
0xa6: {  	s26 =	simm.s32 $execute0_lowered;
	[smem:$0x3FD2] =	sst s25  }
0xa7: {  	s6 =	sshll.u32 s26, $0x1;
	_ =	strace $0x80000046;
	[dreg:$0x1] =	wrdreg $0xFFFFFFFF  }
0xa8: {  	s28 =	simm.s32 $_size_execute0_lowered;
	s4 =	sadd.s32 s4, s6;
	[dreg:$0x0] =	wrdreg $0x0  }
0xa9: {  	s6 =	sshll.u32 s28, $0x1;
	[dreg:$0x2] =	wrdreg s4  }
0xaa: {  	[dreg:$0x3] =	wrdreg s6  }
0xab: {  	[dreg:$0x4] =	wrdreg $0xC0  }
0xac: {  	_ =	task [dreg:s8], $0x5FFFF  }
0xad: {  	[dreg:$0x1] =	wrdreg $0xFFFFFFFF  }
0xae: {  	[dreg:$0x0] =	wrdreg $0x60  }
0xaf: {  	[dreg:$0x2] =	wrdreg s18  }
0xb0: {  	[dreg:$0x3] =	wrdreg s2  }
0xb1: {  	[dreg:$0x4] =	wrdreg s24  }
0xb2: {  	[dreg:$0x5] =	wrdreg $0x88800  }
0xb3: {  	[dreg:$0x6] =	wrdreg $0x1C8800  }
0xb4: {  	[dreg:$0x7] =	wrdreg $0x9  }
0xb5: {  	_ =	task.clear_ibuf [dreg:s8], $0x8FFFF;
	_ =	strace $0x90000046  }
0xb6: {  	s29 =	simm.s32 $0x9;
	_ =	strace $0x80000048  }
0xb7: {  	_ =	swait.ge [sflag:s29], $0x1  }
0xb8: {  	[sflag:s29] =	ssyncadd.s32 $0xFFFFFFFF  }
0xb9: {  	_ =	strace $0x90000048  }
0xba: {  	_ =	sfence  }
0xbb: {  	s30 =	sld [smem:$0x0];
	_ =	sdelay $0x2  }
0xbc: {  	s31 =	sshll.u32 s1, $0xD;
	s1 =	sshrl.u32 s1, $0x2  }
0xbd: {  	s3 =	sand.u32 $0x4000, s31;
	s1 =	sadd.s32 s1, s30  }
0xbe: {  	s0 =	sor.u32 s3, s0;
	s1 =	sshll.u32 s1, $0x11  }
0xbf: {  	s0 =	sor.u32 s1, s0  }
0xc0: {  	s0 =	sadd.s32 $0x8F2B, s0  }
0xc1: {  	[sflag:s0] =	ssyncadd.remote.s32 $0x1  }
0xc2: {  	_ =	sfence.sel $0xFFFF  }
0xc3: {  	[dreg:$0x0] =	wrdreg $0xFFFFFFFF;
	(pc) =	sbr.abs _section_cstart, $3  }
0xc4: {  	[dreg:$0x1] =	wrdreg $0xFFFFFFFF  }
0xc5: {  	_ =	task.clear_ibuf [dreg:s8], $0x2FFFF;
	_ =	strace $0x9FFFFFFF  }
0xc6: {  	(tm) =	ssettm $0x7FFFFFFF  }
0xc7: {  	_ =	shalt  }
tec
execute0_lowered:
.L_overlay_start_1:
0x0: {  	(tag) =	ssettag $0x1  }
0x1: {  	s0 =	rddreg [dreg:$0x0]  }
0x2: {  	s1 =	rddreg [dreg:$0x1]  }
0x3: {  	s5 =	rddreg [dreg:$0x2]  }
0x4: {  	s2 =	rddreg [dreg:$0x3]  }
0x5: {  	s3 =	rddreg [dreg:$0x4];
	s14 =	stileid.u32  }
0x6: {  	s6 =	srdreg.scid;
	s7 =	smul.u32 $0x280, s14  }
0x7: {  	s4 =	simm.s32 $0x0;
	s28 =	simm.s32 $0x1;
	s9 =	smul.u32 $0x500, s14  }
0x8: {  	s29 =	simm.s32 $0x800;
	s31 =	simm.s32 $0x4800;
	s12 =	smul.u32 $0x5000, s14  }
0x9: {  	s6 =	sand.u32 $0x1, s6;
	[smem:$0x7FF] =	sst s4;
	s21 =	smul.u32 $0x50000, s14  }
0xa: {  	s10 =	sadd.s32 $0x18400, s5;
	s13 =	sadd.s32 $0x1AC00, s5;
	s8 =	smul.u32 $0x2800, s6  }
0xb: {  	_ =	strace $0x80000047;
	[dreg:$0x6] =	wrdreg s10;
	s17 =	smul.u32 $0x50000, s6  }
0xc: {  	s11 =	sshll.u32 s6, $0x7;
	[dreg:$0x7] =	wrdreg s13;
	s18 =	ssub.s32 $0x2, s6  }
0xd: {  	p0 =	seq.s32 s6, $0x0;
	s9 =	sor.u32 s11, s9;
	s19 =	sshrl.u32 s18, $0x1  }
0xe: {  	s23 =	sshrl.u32 s21, $0x2;
	s16 =	sadd.s32 s1, s11;
	s11 =	simm.s32 $0x0  }
0xf: {  	s8 =	sadd.s32 s7, s8;
	s9 =	sshrl.u32 s9, $0x3;
	s10 =	sadd.s32 s12, s17  }
0x10: {  	s7 =	sadd.s32 s7, s3;
	s8 =	sshll.u32 s8, $0x4;
	s12 =	sshrl.u32 s10, $0x3  }
0x11: {  	[dreg:$0xf] =	wrdreg s7;
	s25 =	sor.u32 $0x800, s10;
	s10 =	simm.s32 $0x80  }
0x12: {  	s8 =	sadd.s32 s8, s5;
	s5 =	sadd.s32 s9, s5;
	s20 =	sadd.s32 s0, s12  }
0x13: {  	s9 =	ssub.s32 s18, s19;
	s18 =	sshll.u32 s14, $0x6;
	[dreg:$0x8] =	wrdreg s20  }
0x14: {  	s12 =	smul.u32 $0x28, s6;
	s15 =	sadd.s32 $0x40, s20;
	[dreg:$0xc] =	wrdreg s18  }
0x15: {  	s1 =	sshrl.u32 s25, $0x3;
	s22 =	sadd.s32 $0x80, s20;
	[dreg:$0x9] =	wrdreg s15  }
0x16: {  	s25 =	simm.s32 $0x4;
	s13 =	sadd.s32 $0xC0, s20;
	[dreg:$0xa] =	wrdreg s22  }
0x17: {  	s14 =	simm.s32 $0x2;
	s24 =	sor.u32 $0x1C03, s18;
	[dreg:$0xb] =	wrdreg s13  }
0x18: {  	s6 =	simm.s32 $0x8080;
	s26 =	sadd.s32 $0x1B800, s8;
	[dreg:$0xe] =	wrdreg s24  }
0x19: {  	v0 =	vimm.f32 $1.000000000e+00;
	v1 =	vimm.s32 $0x7;
	s5 =	sadd.s32 $0x1AE00, s5;
	s30 =	smax.u32 s9, $0x1;
	[dreg:$0x10] =	wrdreg s26  }
0x1a: {  	v2 =	vimm.s32 $0x1;
	v3 =	vimm.s32 $0x0;
	v4 =	vlaneseq.u32;
	s0 =	sadd.s32 s1, s0;
	s8 =	simm.s32 $0x8800;
	[dreg:$0x11] =	wrdreg s5  }
0x1b: {  	vm0 =	vmmov $0x1;
	v5 =	vimm.s32 $0x2;
	v6 =	vimm.s32 $0x3;
	s1 =	simm.s32 $0x8380;
	s9 =	simm.s32 $0x8100;
	[dreg:$0x12] =	wrdreg s30  }
0x1c: {  	v7 =	vimm.s32 $0x4;
	v8 =	vimm.s32 $0x5;
	v9 =	vimm.s32 $0x6;
	s13 =	sadd.s32 s23, s2;
	s17 =	sadd.s32 $0x28, s12;
	[dreg:$0x13] =	wrdreg s0  }
0x1d: {  	v10 =	vimm.s32 $0x8;
	v11 =	vimm.s32 $0x9;
	v12 =	vimm.s32 $0xA;
	s26 =	simm.s32 $0x3;
	s0 =	simm.s32 $0x8400;
	s22 =	simm.s32 $0x8300  }
0x1e: {  	v13 =	vimm.s32 $0xB;
	v14 =	vimm.s32 $0xC;
	v15 =	vimm.s32 $0xD;
	s23 =	simm.s32 $0x8280;
	s24 =	simm.s32 $0x7F80;
	s5 =	simm.s32 $0x8000  }
0x1f: {  	v16 =	vimm.s32 $0xE;
	v17 =	vimm.s32 $0xF;
	v4 =	vmul.u32 $0x8, v4;
	s15 =	simm.s32 $0x8200;
	[dreg:$0xd] =	wrdreg s13;
	s13 =	simm.s32 $0x8180  }
.LBB2_1:
0x20: {  	[dreg:$0x14] =	wrdreg s11  }
0x21: {  	s7 =	rddreg [dreg:$0x8]  }
0x22: {  	s19 =	rddreg [dreg:$0x9]  }
0x23: {  	s21 =	rddreg [dreg:$0xa]  }
0x24: {  	[tilespmem:s4], [sflag:$0x1] =	stream.linear.gather [hbm4b:s7+s4], $0x200, $0x38;
	[tilespmem:$0x1CB00] =	vst v63  }
0x25: {  	s20 =	simm.s32 $0x200;
	s11 =	rddreg [dreg:$0xb]  }
0x26: {  	[tilespmem:s20], [sflag:$0x1] =	stream.linear.gather [hbm4b:s19+s4], $0x200, $0x38;
	[tilespmem:$0x1CB00] =	vst v63  }
0x27: {  	s30 =	simm.s32 $0x400;
	s20 =	rddreg [dreg:$0xd]  }
0x28: {  	[tilespmem:s30], [sflag:$0x1] =	stream.linear.gather [hbm4b:s21+s4], $0x200, $0x38;
	[tilespmem:$0x1CB00] =	vst v63  }
0x29: {  	s19 =	simm.s32 $0x600;
	s21 =	rddreg [dreg:$0x6]  }
0x2a: {  	[tilespmem:s19], [sflag:$0x1] =	stream.linear.gather [hbm4b:s11+s4], $0x200, $0x38;
	[tilespmem:$0x1CB00] =	vst v63  }
0x2b: {  	s30 =	rddreg [dreg:$0xe];
	s19 =	sshrl.u32 s20, $0x3  }
0x2c: {  	[dreg:$0x16] =	wrdreg s19  }
0x2d: {  	[spmem:s19], [sflag:s30] =	dma.local [hbm:s21], $0x2800  }
0x2e: {  	s11 =	rddreg [dreg:$0xf]  }
0x2f: {  	s30 =	rddreg [dreg:$0x7];
	s21 =	sshrl.u32 s11, $0x3  }
0x30: {  	s20 =	sor.u32 $0x1C04, s18;
	[dreg:$0x15] =	wrdreg s21  }
0x31: {  	[spmem:s21], [sflag:s20] =	dma.local [hbm:s30], $0x50;
	[tilespmem:$0x8800] =	vst v0  }
0x32: {  	[tilespmem:$0x8810] =	vst v0  }
0x33: {  	[tilespmem:$0x8820] =	vst v0  }
0x34: {  	[tilespmem:$0x8830] =	vst v0  }
0x35: {  	[tilespmem:$0x8840] =	vst v0  }
0x36: {  	[tilespmem:$0x8850] =	vst v0  }
0x37: {  	[tilespmem:$0x8860] =	vst v0  }
0x38: {  	[tilespmem:$0x8870] =	vst v0  }
0x39: {  	_ =	swait.ge [sflag:s25], $0x50  }
0x3a: {  	[sflag:s25] =	ssyncset.done $0x0  }
0x3b: {  	[sflag:s25] =	ssyncadd.s32 $0xFFFFFFB0  }
0x3c: {  	_ =	swait.ge [sflag:s26], $0x2800  }
0x3d: {  	[sflag:s26] =	ssyncset.done $0x0  }
0x3e: {  	[sflag:s26] =	ssyncadd.s32 $0xFFFFD800  }
0x3f: {  	_ =	swait.ge [sflag:s28], $0x200  }
0x40: {  	[sflag:s28] =	ssyncset.done $0x0  }
0x41: {  	[sflag:s28] =	ssyncadd.s32 $0xFFFFFE00  }
0x42: {  	v18 =	vld [tilespmem:$0x0];
	_ =	sdelay $0x4  }
0x43: {  	v19 =	vshll.u32 v18, $0x1  }
0x44: {  	v18 =	vand.u32 $0x7, v18;
	v19 =	vand.u32 $0xFFFFFFF0, v19  }
0x45: {  	v18 =	vor.u32 v18, v19  }
0x46: {  	v19 =	vperm.xlane v18, v3;
	_ =	sdelay $0x1  }
0x47: {  	v20 =	vperm.xlane v18, v2;
	v19 =	vadd.s32 v4, v19;
	_ =	sdelay $0x1  }
0x48: {  	v21 =	vperm.xlane v18, v5;
	v20 =	vadd.s32 v4, v20;
	_ =	sdelay $0x1  }
0x49: {  	v22 =	vperm.xlane v18, v6;
	v21 =	vadd.s32 v4, v21  }
0x4a: {  	[tilespmem:s29], [sflag:$0x2] =	stream.indirect_vreg.gather [hbm4b:s16+s4], $0x80, v19, vm0, $0xb8;
	[tilespmem:$0x1CB00] =	vst v63  }
0x4b: {  	s19 =	simm.s32 $0x880;
	v35 =	vperm.xlane v18, v7;
	v19 =	vadd.s32 v4, v22  }
0x4c: {  	[tilespmem:s19], [sflag:$0x2] =	stream.indirect_vreg.gather [hbm4b:s16+s4], $0x80, v20, vm0, $0xb8;
	[tilespmem:$0x1CB00] =	vst v63  }
0x4d: {  	s20 =	simm.s32 $0x900;
	v37 =	vperm.xlane v18, v8;
	v36 =	vadd.s32 v4, v35  }
0x4e: {  	[tilespmem:s20], [sflag:$0x2] =	stream.indirect_vreg.gather [hbm4b:s16+s4], $0x80, v21, vm0, $0xb8;
	[tilespmem:$0x1CB00] =	vst v63  }
0x4f: {  	s21 =	simm.s32 $0x980;
	v39 =	vperm.xlane v18, v9;
	v38 =	vadd.s32 v4, v37  }
0x50: {  	[tilespmem:s21], [sflag:$0x2] =	stream.indirect_vreg.gather [hbm4b:s16+s4], $0x80, v19, vm0, $0xb8;
	[tilespmem:$0x1CB00] =	vst v63  }
0x51: {  	s30 =	simm.s32 $0xA00;
	v40 =	vperm.xlane v18, v1;
	v19 =	vadd.s32 v4, v39  }
0x52: {  	[tilespmem:s30], [sflag:$0x2] =	stream.indirect_vreg.gather [hbm4b:s16+s4], $0x80, v36, vm0, $0xb8;
	[tilespmem:$0x1CB00] =	vst v63  }
0x53: {  	s11 =	simm.s32 $0xA80;
	v42 =	vperm.xlane v18, v10;
	v41 =	vadd.s32 v4, v40  }
0x54: {  	[tilespmem:s11], [sflag:$0x2] =	stream.indirect_vreg.gather [hbm4b:s16+s4], $0x80, v38, vm0, $0xb8;
	[tilespmem:$0x1CB00] =	vst v63  }
0x55: {  	s18 =	simm.s32 $0xB00;
	v44 =	vperm.xlane v18, v11;
	v43 =	vadd.s32 v4, v42  }
0x56: {  	[tilespmem:s18], [sflag:$0x2] =	stream.indirect_vreg.gather [hbm4b:s16+s4], $0x80, v19, vm0, $0xb8;
	[tilespmem:$0x1CB00] =	vst v63  }
0x57: {  	v45 =	vperm.xlane v18, v12;
	s19 =	simm.s32 $0xB80;
	v19 =	vadd.s32 v4, v44  }
0x58: {  	[tilespmem:s19], [sflag:$0x2] =	stream.indirect_vreg.gather [hbm4b:s16+s4], $0x80, v41, vm0, $0xb8;
	[tilespmem:$0x1CB00] =	vst v63  }
0x59: {  	v47 =	vperm.xlane v18, v13;
	v46 =	vadd.s32 v4, v45;
	s20 =	simm.s32 $0xC00  }
0x5a: {  	[tilespmem:s20], [sflag:$0x2] =	stream.indirect_vreg.gather [hbm4b:s16+s4], $0x80, v43, vm0, $0xb8;
	[tilespmem:$0x1CB00] =	vst v63  }
0x5b: {  	v49 =	vperm.xlane v18, v14;
	v48 =	vadd.s32 v4, v47;
	s21 =	simm.s32 $0xC80  }
0x5c: {  	[tilespmem:s21], [sflag:$0x2] =	stream.indirect_vreg.gather [hbm4b:s16+s4], $0x80, v19, vm0, $0xb8;
	[tilespmem:$0x1CB00] =	vst v63  }
0x5d: {  	v50 =	vperm.xlane v18, v15;
	s30 =	simm.s32 $0xD00;
	v19 =	vadd.s32 v4, v49  }
0x5e: {  	[tilespmem:s30], [sflag:$0x2] =	stream.indirect_vreg.gather [hbm4b:s16+s4], $0x80, v46, vm0, $0xb8;
	[tilespmem:$0x1CB00] =	vst v63  }
0x5f: {  	v52 =	vperm.xlane v18, v16;
	v51 =	vadd.s32 v4, v50;
	s11 =	simm.s32 $0xD80  }
0x60: {  	[tilespmem:s11], [sflag:$0x2] =	stream.indirect_vreg.gather [hbm4b:s16+s4], $0x80, v48, vm0, $0xb8;
	[tilespmem:$0x1CB00] =	vst v63  }
0x61: {  	v18 =	vperm.xlane v18, v17;
	v53 =	vadd.s32 v4, v52;
	s18 =	simm.s32 $0xE00  }
0x62: {  	[tilespmem:s18], [sflag:$0x2] =	stream.indirect_vreg.gather [hbm4b:s16+s4], $0x80, v19, vm0, $0xb8;
	[tilespmem:$0x1CB00] =	vst v63  }
0x63: {  	v18 =	vadd.s32 v4, v18;
	s19 =	simm.s32 $0xE80  }
0x64: {  	[tilespmem:s19], [sflag:$0x2] =	stream.indirect_vreg.gather [hbm4b:s16+s4], $0x80, v51, vm0, $0xb8;
	[tilespmem:$0x1CB00] =	vst v63  }
0x65: {  	s20 =	simm.s32 $0xF00  }
0x66: {  	[tilespmem:s20], [sflag:$0x2] =	stream.indirect_vreg.gather [hbm4b:s16+s4], $0x80, v53, vm0, $0xb8;
	[tilespmem:$0x1CB00] =	vst v63  }
0x67: {  	s21 =	simm.s32 $0xF80  }
0x68: {  	[tilespmem:s21], [sflag:$0x2] =	stream.indirect_vreg.gather [hbm4b:s16+s4], $0x80, v18, vm0, $0xb8;
	[tilespmem:$0x1CB00] =	vst v63  }
0x69: {  	v18 =	vld [tilespmem:$0x10];
	_ =	sdelay $0x4  }
0x6a: {  	v19 =	vshll.u32 v18, $0x1  }
0x6b: {  	v18 =	vand.u32 $0x7, v18;
	v19 =	vand.u32 $0xFFFFFFF0, v19  }
0x6c: {  	v18 =	vor.u32 v18, v19  }
0x6d: {  	v19 =	vperm.xlane v18, v3;
	_ =	sdelay $0x1  }
0x6e: {  	v54 =	vperm.xlane v18, v2;
	v19 =	vadd.s32 v4, v19;
	_ =	sdelay $0x1  }
0x6f: {  	v55 =	vperm.xlane v18, v5;
	v20 =	vadd.s32 v4, v54;
	_ =	sdelay $0x1  }
0x70: {  	s30 =	simm.s32 $0x1000;
	v56 =	vperm.xlane v18, v6;
	v21 =	vadd.s32 v4, v55  }
0x71: {  	[tilespmem:s30], [sflag:$0x2] =	stream.indirect_vreg.gather [hbm4b:s16+s4], $0x80, v19, vm0, $0xb8;
	[tilespmem:$0x1CB00] =	vst v63  }
0x72: {  	s11 =	simm.s32 $0x1080;
	v57 =	vperm.xlane v18, v7;
	v19 =	vadd.s32 v4, v56  }
0x73: {  	[tilespmem:s11], [sflag:$0x2] =	stream.indirect_vreg.gather [hbm4b:s16+s4], $0x80, v20, vm0, $0xb8;
	[tilespmem:$0x1CB00] =	vst v63  }
0x74: {  	s18 =	simm.s32 $0x1100;
	v59 =	vperm.xlane v18, v8;
	v58 =	vadd.s32 v4, v57  }
0x75: {  	[tilespmem:s18], [sflag:$0x2] =	stream.indirect_vreg.gather [hbm4b:s16+s4], $0x80, v21, vm0, $0xb8;
	[tilespmem:$0x1CB00] =	vst v63  }
0x76: {  	s19 =	simm.s32 $0x1180;
	v61 =	vperm.xlane v18, v9;
	v60 =	vadd.s32 v4, v59  }
0x77: {  	[tilespmem:s19], [sflag:$0x2] =	stream.indirect_vreg.gather [hbm4b:s16+s4], $0x80, v19, vm0, $0xb8;
	[tilespmem:$0x1CB00] =	vst v63  }
0x78: {  	s20 =	simm.s32 $0x1200;
	v62 =	vperm.xlane v18, v1;
	v19 =	vadd.s32 v4, v61  }
0x79: {  	[tilespmem:s20], [sflag:$0x2] =	stream.indirect_vreg.gather [hbm4b:s16+s4], $0x80, v58, vm0, $0xb8;
	[tilespmem:$0x1CB00] =	vst v63  }
0x7a: {  	s21 =	simm.s32 $0x1280;
	v24 =	vperm.xlane v18, v10;
	v63 =	vadd.s32 v4, v62  }
0x7b: {  	[tilespmem:s21], [sflag:$0x2] =	stream.indirect_vreg.gather [hbm4b:s16+s4], $0x80, v60, vm0, $0xb8;
	[tilespmem:$0x1CB00] =	vst v63  }
0x7c: {  	v26 =	vperm.xlane v18, v11;
	v25 =	vadd.s32 v4, v24;
	s30 =	simm.s32 $0x1300  }
0x7d: {  	[tilespmem:s30], [sflag:$0x2] =	stream.indirect_vreg.gather [hbm4b:s16+s4], $0x80, v19, vm0, $0xb8;
	[tilespmem:$0x1CB00] =	vst v63  }
0x7e: {  	v27 =	vperm.xlane v18, v12;
	s11 =	simm.s32 $0x1380;
	v19 =	vadd.s32 v4, v26  }
0x7f: {  	[tilespmem:s11], [sflag:$0x2] =	stream.indirect_vreg.gather [hbm4b:s16+s4], $0x80, v63, vm0, $0xb8;
	[tilespmem:$0x1CB00] =	vst v63  }
0x80: {  	v29 =	vperm.xlane v18, v13;
	v28 =	vadd.s32 v4, v27;
	s18 =	simm.s32 $0x1400  }
0x81: {  	[tilespmem:s18], [sflag:$0x2] =	stream.indirect_vreg.gather [hbm4b:s16+s4], $0x80, v25, vm0, $0xb8;
	[tilespmem:$0x1CB00] =	vst v63  }
0x82: {  	v31 =	vperm.xlane v18, v14;
	v30 =	vadd.s32 v4, v29;
	s19 =	simm.s32 $0x1480  }
0x83: {  	[tilespmem:s19], [sflag:$0x2] =	stream.indirect_vreg.gather [hbm4b:s16+s4], $0x80, v19, vm0, $0xb8;
	[tilespmem:$0x1CB00] =	vst v63  }
0x84: {  	v32 =	vperm.xlane v18, v15;
	s20 =	simm.s32 $0x1500;
	v19 =	vadd.s32 v4, v31  }
0x85: {  	[tilespmem:s20], [sflag:$0x2] =	stream.indirect_vreg.gather [hbm4b:s16+s4], $0x80, v28, vm0, $0xb8;
	[tilespmem:$0x1CB00] =	vst v63  }
0x86: {  	v34 =	vperm.xlane v18, v16;
	v33 =	vadd.s32 v4, v32;
	s21 =	simm.s32 $0x1580  }
0x87: {  	[tilespmem:s21], [sflag:$0x2] =	stream.indirect_vreg.gather [hbm4b:s16+s4], $0x80, v30, vm0, $0xb8;
	[tilespmem:$0x1CB00] =	vst v63  }
0x88: {  	v18 =	vperm.xlane v18, v17;
	v35 =	vadd.s32 v4, v34;
	s30 =	simm.s32 $0x1600  }
0x89: {  	[tilespmem:s30], [sflag:$0x2] =	stream.indirect_vreg.gather [hbm4b:s16+s4], $0x80, v19, vm0, $0xb8;
	[tilespmem:$0x1CB00] =	vst v63  }
0x8a: {  	v18 =	vadd.s32 v4, v18;
	s11 =	simm.s32 $0x1680  }
0x8b: {  	[tilespmem:s11], [sflag:$0x2] =	stream.indirect_vreg.gather [hbm4b:s16+s4], $0x80, v33, vm0, $0xb8;
	[tilespmem:$0x1CB00] =	vst v63  }
0x8c: {  	s18 =	simm.s32 $0x1700  }
0x8d: {  	[tilespmem:s18], [sflag:$0x2] =	stream.indirect_vreg.gather [hbm4b:s16+s4], $0x80, v35, vm0, $0xb8;
	[tilespmem:$0x1CB00] =	vst v63  }
0x8e: {  	s19 =	simm.s32 $0x1780  }
0x8f: {  	[tilespmem:s19], [sflag:$0x2] =	stream.indirect_vreg.gather [hbm4b:s16+s4], $0x80, v18, vm0, $0xb8;
	[tilespmem:$0x1CB00] =	vst v63  }
0x90: {  	v18 =	vld [tilespmem:$0x20];
	_ =	sdelay $0x4  }
0x91: {  	v19 =	vshll.u32 v18, $0x1  }
0x92: {  	v18 =	vand.u32 $0x7, v18;
	v19 =	vand.u32 $0xFFFFFFF0, v19  }
0x93: {  	v18 =	vor.u32 v18, v19  }
0x94: {  	v19 =	vperm.xlane v18, v3;
	_ =	sdelay $0x1  }
0x95: {  	v36 =	vperm.xlane v18, v2;
	v19 =	vadd.s32 v4, v19;
	_ =	sdelay $0x1  }
0x96: {  	v37 =	vperm.xlane v18, v5;
	v20 =	vadd.s32 v4, v36;
	_ =	sdelay $0x1  }
0x97: {  	s20 =	simm.s32 $0x1800;
	v38 =	vperm.xlane v18, v6;
	v21 =	vadd.s32 v4, v37  }
0x98: {  	[tilespmem:s20], [sflag:$0x2] =	stream.indirect_vreg.gather [hbm4b:s16+s4], $0x80, v19, vm0, $0xb8;
	[tilespmem:$0x1CB00] =	vst v63  }
0x99: {  	s21 =	simm.s32 $0x1880;
	v39 =	vperm.xlane v18, v7;
	v19 =	vadd.s32 v4, v38  }
0x9a: {  	[tilespmem:s21], [sflag:$0x2] =	stream.indirect_vreg.gather [hbm4b:s16+s4], $0x80, v20, vm0, $0xb8;
	[tilespmem:$0x1CB00] =	vst v63  }
0x9b: {  	s30 =	simm.s32 $0x1900;
	v41 =	vperm.xlane v18, v8;
	v40 =	vadd.s32 v4, v39  }
0x9c: {  	[tilespmem:s30], [sflag:$0x2] =	stream.indirect_vreg.gather [hbm4b:s16+s4], $0x80, v21, vm0, $0xb8;
	[tilespmem:$0x1CB00] =	vst v63  }
0x9d: {  	s11 =	simm.s32 $0x1980;
	v43 =	vperm.xlane v18, v9;
	v42 =	vadd.s32 v4, v41  }
0x9e: {  	[tilespmem:s11], [sflag:$0x2] =	stream.indirect_vreg.gather [hbm4b:s16+s4], $0x80, v19, vm0, $0xb8;
	[tilespmem:$0x1CB00] =	vst v63  }
0x9f: {  	s18 =	simm.s32 $0x1A00;
	v44 =	vperm.xlane v18, v1;
	v19 =	vadd.s32 v4, v43  }
0xa0: {  	[tilespmem:s18], [sflag:$0x2] =	stream.indirect_vreg.gather [hbm4b:s16+s4], $0x80, v40, vm0, $0xb8;
	[tilespmem:$0x1CB00] =	vst v63  }
0xa1: {  	s19 =	simm.s32 $0x1A80;
	v46 =	vperm.xlane v18, v10;
	v45 =	vadd.s32 v4, v44  }
0xa2: {  	[tilespmem:s19], [sflag:$0x2] =	stream.indirect_vreg.gather [hbm4b:s16+s4], $0x80, v42, vm0, $0xb8;
	[tilespmem:$0x1CB00] =	vst v63  }
0xa3: {  	v48 =	vperm.xlane v18, v11;
	v47 =	vadd.s32 v4, v46;
	s20 =	simm.s32 $0x1B00  }
0xa4: {  	[tilespmem:s20], [sflag:$0x2] =	stream.indirect_vreg.gather [hbm4b:s16+s4], $0x80, v19, vm0, $0xb8;
	[tilespmem:$0x1CB00] =	vst v63  }
0xa5: {  	v49 =	vperm.xlane v18, v12;
	s21 =	simm.s32 $0x1B80;
	v19 =	vadd.s32 v4, v48  }
0xa6: {  	[tilespmem:s21], [sflag:$0x2] =	stream.indirect_vreg.gather [hbm4b:s16+s4], $0x80, v45, vm0, $0xb8;
	[tilespmem:$0x1CB00] =	vst v63  }
0xa7: {  	v51 =	vperm.xlane v18, v13;
	v50 =	vadd.s32 v4, v49;
	s30 =	simm.s32 $0x1C00  }
0xa8: {  	[tilespmem:s30], [sflag:$0x2] =	stream.indirect_vreg.gather [hbm4b:s16+s4], $0x80, v47, vm0, $0xb8;
	[tilespmem:$0x1CB00] =	vst v63  }
0xa9: {  	v53 =	vperm.xlane v18, v14;
	v52 =	vadd.s32 v4, v51;
	s11 =	simm.s32 $0x1C80  }
0xaa: {  	[tilespmem:s11], [sflag:$0x2] =	stream.indirect_vreg.gather [hbm4b:s16+s4], $0x80, v19, vm0, $0xb8;
	[tilespmem:$0x1CB00] =	vst v63  }
0xab: {  	v54 =	vperm.xlane v18, v15;
	s18 =	simm.s32 $0x1D00;
	v19 =	vadd.s32 v4, v53  }
0xac: {  	[tilespmem:s18], [sflag:$0x2] =	stream.indirect_vreg.gather [hbm4b:s16+s4], $0x80, v50, vm0, $0xb8;
	[tilespmem:$0x1CB00] =	vst v63  }
0xad: {  	v56 =	vperm.xlane v18, v16;
	v55 =	vadd.s32 v4, v54;
	s19 =	simm.s32 $0x1D80  }
0xae: {  	[tilespmem:s19], [sflag:$0x2] =	stream.indirect_vreg.gather [hbm4b:s16+s4], $0x80, v52, vm0, $0xb8;
	[tilespmem:$0x1CB00] =	vst v63  }
0xaf: {  	v18 =	vperm.xlane v18, v17;
	v57 =	vadd.s32 v4, v56;
	s20 =	simm.s32 $0x1E00  }
0xb0: {  	[tilespmem:s20], [sflag:$0x2] =	stream.indirect_vreg.gather [hbm4b:s16+s4], $0x80, v19, vm0, $0xb8;
	[tilespmem:$0x1CB00] =	vst v63  }
0xb1: {  	v18 =	vadd.s32 v4, v18;
	s21 =	simm.s32 $0x1E80  }
0xb2: {  	[tilespmem:s21], [sflag:$0x2] =	stream.indirect_vreg.gather [hbm4b:s16+s4], $0x80, v55, vm0, $0xb8;
	[tilespmem:$0x1CB00] =	vst v63  }
0xb3: {  	s30 =	simm.s32 $0x1F00  }
0xb4: {  	[tilespmem:s30], [sflag:$0x2] =	stream.indirect_vreg.gather [hbm4b:s16+s4], $0x80, v57, vm0, $0xb8;
	[tilespmem:$0x1CB00] =	vst v63  }
0xb5: {  	s11 =	simm.s32 $0x1F80  }
0xb6: {  	[tilespmem:s11], [sflag:$0x2] =	stream.indirect_vreg.gather [hbm4b:s16+s4], $0x80, v18, vm0, $0xb8;
	[tilespmem:$0x1CB00] =	vst v63  }
0xb7: {  	v18 =	vld [tilespmem:$0x30];
	_ =	sdelay $0x4  }
0xb8: {  	v19 =	vshll.u32 v18, $0x1  }
0xb9: {  	v18 =	vand.u32 $0x7, v18;
	v19 =	vand.u32 $0xFFFFFFF0, v19  }
0xba: {  	v18 =	vor.u32 v18, v19  }
0xbb: {  	v19 =	vperm.xlane v18, v3;
	_ =	sdelay $0x1  }
0xbc: {  	v58 =	vperm.xlane v18, v2;
	v19 =	vadd.s32 v4, v19;
	_ =	sdelay $0x1  }
0xbd: {  	v59 =	vperm.xlane v18, v5;
	v20 =	vadd.s32 v4, v58;
	_ =	sdelay $0x1  }
0xbe: {  	s18 =	simm.s32 $0x2000;
	v60 =	vperm.xlane v18, v6;
	v21 =	vadd.s32 v4, v59  }
0xbf: {  	[tilespmem:s18], [sflag:$0x2] =	stream.indirect_vreg.gather [hbm4b:s16+s4], $0x80, v19, vm0, $0xb8;
	[tilespmem:$0x1CB00] =	vst v63  }
0xc0: {  	s19 =	simm.s32 $0x2080;
	v61 =	vperm.xlane v18, v7;
	v19 =	vadd.s32 v4, v60  }
0xc1: {  	[tilespmem:s19], [sflag:$0x2] =	stream.indirect_vreg.gather [hbm4b:s16+s4], $0x80, v20, vm0, $0xb8;
	[tilespmem:$0x1CB00] =	vst v63  }
0xc2: {  	s20 =	simm.s32 $0x2100;
	v63 =	vperm.xlane v18, v8;
	v62 =	vadd.s32 v4, v61  }
0xc3: {  	[tilespmem:s20], [sflag:$0x2] =	stream.indirect_vreg.gather [hbm4b:s16+s4], $0x80, v21, vm0, $0xb8;
	[tilespmem:$0x1CB00] =	vst v63  }
0xc4: {  	s21 =	simm.s32 $0x2180;
	v25 =	vperm.xlane v18, v9;
	v24 =	vadd.s32 v4, v63  }
0xc5: {  	[tilespmem:s21], [sflag:$0x2] =	stream.indirect_vreg.gather [hbm4b:s16+s4], $0x80, v19, vm0, $0xb8;
	[tilespmem:$0x1CB00] =	vst v63  }
0xc6: {  	s30 =	simm.s32 $0x2200;
	v26 =	vperm.xlane v18, v1;
	v19 =	vadd.s32 v4, v25  }
0xc7: {  	[tilespmem:s30], [sflag:$0x2] =	stream.indirect_vreg.gather [hbm4b:s16+s4], $0x80, v62, vm0, $0xb8;
	[tilespmem:$0x1CB00] =	vst v63  }
0xc8: {  	s11 =	simm.s32 $0x2280;
	v28 =	vperm.xlane v18, v10;
	v27 =	vadd.s32 v4, v26  }
0xc9: {  	[tilespmem:s11], [sflag:$0x2] =	stream.indirect_vreg.gather [hbm4b:s16+s4], $0x80, v24, vm0, $0xb8;
	[tilespmem:$0x1CB00] =	vst v63  }
0xca: {  	v30 =	vperm.xlane v18, v11;
	v29 =	vadd.s32 v4, v28;
	s18 =	simm.s32 $0x2300  }
0xcb: {  	[tilespmem:s18], [sflag:$0x2] =	stream.indirect_vreg.gather [hbm4b:s16+s4], $0x80, v19, vm0, $0xb8;
	[tilespmem:$0x1CB00] =	vst v63  }
0xcc: {  	v31 =	vperm.xlane v18, v12;
	s19 =	simm.s32 $0x2380;
	v19 =	vadd.s32 v4, v30  }
0xcd: {  	[tilespmem:s19], [sflag:$0x2] =	stream.indirect_vreg.gather [hbm4b:s16+s4], $0x80, v27, vm0, $0xb8;
	[tilespmem:$0x1CB00] =	vst v63  }
0xce: {  	v33 =	vperm.xlane v18, v13;
	v32 =	vadd.s32 v4, v31;
	s20 =	simm.s32 $0x2400  }
0xcf: {  	[tilespmem:s20], [sflag:$0x2] =	stream.indirect_vreg.gather [hbm4b:s16+s4], $0x80, v29, vm0, $0xb8;
	[tilespmem:$0x1CB00] =	vst v63  }
0xd0: {  	v35 =	vperm.xlane v18, v14;
	v34 =	vadd.s32 v4, v33;
	s21 =	simm.s32 $0x2480  }
0xd1: {  	[tilespmem:s21], [sflag:$0x2] =	stream.indirect_vreg.gather [hbm4b:s16+s4], $0x80, v19, vm0, $0xb8;
	[tilespmem:$0x1CB00] =	vst v63  }
0xd2: {  	v36 =	vperm.xlane v18, v15;
	s30 =	simm.s32 $0x2500;
	v19 =	vadd.s32 v4, v35  }
0xd3: {  	[tilespmem:s30], [sflag:$0x2] =	stream.indirect_vreg.gather [hbm4b:s16+s4], $0x80, v32, vm0, $0xb8;
	[tilespmem:$0x1CB00] =	vst v63  }
0xd4: {  	v38 =	vperm.xlane v18, v16;
	v37 =	vadd.s32 v4, v36;
	s11 =	simm.s32 $0x2580  }
0xd5: {  	[tilespmem:s11], [sflag:$0x2] =	stream.indirect_vreg.gather [hbm4b:s16+s4], $0x80, v34, vm0, $0xb8;
	[tilespmem:$0x1CB00] =	vst v63  }
0xd6: {  	v18 =	vperm.xlane v18, v17;
	v39 =	vadd.s32 v4, v38;
	s18 =	simm.s32 $0x2600  }
0xd7: {  	[tilespmem:s18], [sflag:$0x2] =	stream.indirect_vreg.gather [hbm4b:s16+s4], $0x80, v19, vm0, $0xb8;
	[tilespmem:$0x1CB00] =	vst v63  }
0xd8: {  	v18 =	vadd.s32 v4, v18;
	s19 =	simm.s32 $0x2680  }
0xd9: {  	[tilespmem:s19], [sflag:$0x2] =	stream.indirect_vreg.gather [hbm4b:s16+s4], $0x80, v37, vm0, $0xb8;
	[tilespmem:$0x1CB00] =	vst v63  }
0xda: {  	s20 =	simm.s32 $0x2700  }
0xdb: {  	[tilespmem:s20], [sflag:$0x2] =	stream.indirect_vreg.gather [hbm4b:s16+s4], $0x80, v39, vm0, $0xb8;
	[tilespmem:$0x1CB00] =	vst v63  }
0xdc: {  	s21 =	simm.s32 $0x2780  }
0xdd: {  	[tilespmem:s21], [sflag:$0x2] =	stream.indirect_vreg.gather [hbm4b:s16+s4], $0x80, v18, vm0, $0xb8;
	[tilespmem:$0x1CB00] =	vst v63  }
0xde: {  	v18 =	vld [tilespmem:$0x40];
	_ =	sdelay $0x4  }
0xdf: {  	v19 =	vshll.u32 v18, $0x1  }
0xe0: {  	v18 =	vand.u32 $0x7, v18;
	v19 =	vand.u32 $0xFFFFFFF0, v19  }
0xe1: {  	v18 =	vor.u32 v18, v19  }
0xe2: {  	v19 =	vperm.xlane v18, v3;
	_ =	sdelay $0x1  }
0xe3: {  	v40 =	vperm.xlane v18, v2;
	v19 =	vadd.s32 v4, v19;
	_ =	sdelay $0x1  }
0xe4: {  	v41 =	vperm.xlane v18, v5;
	v20 =	vadd.s32 v4, v40;
	_ =	sdelay $0x1  }
0xe5: {  	s30 =	simm.s32 $0x2800;
	v42 =	vperm.xlane v18, v6;
	v21 =	vadd.s32 v4, v41  }
0xe6: {  	[tilespmem:s30], [sflag:$0x2] =	stream.indirect_vreg.gather [hbm4b:s16+s4], $0x80, v19, vm0, $0xb8;
	[tilespmem:$0x1CB00] =	vst v63  }
0xe7: {  	s11 =	simm.s32 $0x2880;
	v43 =	vperm.xlane v18, v7;
	v19 =	vadd.s32 v4, v42  }
0xe8: {  	[tilespmem:s11], [sflag:$0x2] =	stream.indirect_vreg.gather [hbm4b:s16+s4], $0x80, v20, vm0, $0xb8;
	[tilespmem:$0x1CB00] =	vst v63  }
0xe9: {  	s18 =	simm.s32 $0x2900;
	v45 =	vperm.xlane v18, v8;
	v44 =	vadd.s32 v4, v43  }
0xea: {  	[tilespmem:s18], [sflag:$0x2] =	stream.indirect_vreg.gather [hbm4b:s16+s4], $0x80, v21, vm0, $0xb8;
	[tilespmem:$0x1CB00] =	vst v63  }
0xeb: {  	s19 =	simm.s32 $0x2980;
	v47 =	vperm.xlane v18, v9;
	v46 =	vadd.s32 v4, v45  }
0xec: {  	[tilespmem:s19], [sflag:$0x2] =	stream.indirect_vreg.gather [hbm4b:s16+s4], $0x80, v19, vm0, $0xb8;
	[tilespmem:$0x1CB00] =	vst v63  }
0xed: {  	s20 =	simm.s32 $0x2A00;
	v48 =	vperm.xlane v18, v1;
	v19 =	vadd.s32 v4, v47  }
0xee: {  	[tilespmem:s20], [sflag:$0x2] =	stream.indirect_vreg.gather [hbm4b:s16+s4], $0x80, v44, vm0, $0xb8;
	[tilespmem:$0x1CB00] =	vst v63  }
0xef: {  	s21 =	simm.s32 $0x2A80;
	v50 =	vperm.xlane v18, v10;
	v49 =	vadd.s32 v4, v48  }
0xf0: {  	[tilespmem:s21], [sflag:$0x2] =	stream.indirect_vreg.gather [hbm4b:s16+s4], $0x80, v46, vm0, $0xb8;
	[tilespmem:$0x1CB00] =	vst v63  }
0xf1: {  	v52 =	vperm.xlane v18, v11;
	v51 =	vadd.s32 v4, v50;
	s30 =	simm.s32 $0x2B00  }
0xf2: {  	[tilespmem:s30], [sflag:$0x2] =	stream.indirect_vreg.gather [hbm4b:s16+s4], $0x80, v19, vm0, $0xb8;
	[tilespmem:$0x1CB00] =	vst v63  }
0xf3: {  	v53 =	vperm.xlane v18, v12;
	s11 =	simm.s32 $0x2B80;
	v19 =	vadd.s32 v4, v52  }
0xf4: {  	[tilespmem:s11], [sflag:$0x2] =	stream.indirect_vreg.gather [hbm4b:s16+s4], $0x80, v49, vm0, $0xb8;
	[tilespmem:$0x1CB00] =	vst v63  }
0xf5: {  	v55 =	vperm.xlane v18, v13;
	v54 =	vadd.s32 v4, v53;
	s18 =	simm.s32 $0x2C00  }
0xf6: {  	[tilespmem:s18], [sflag:$0x2] =	stream.indirect_vreg.gather [hbm4b:s16+s4], $0x80, v51, vm0, $0xb8;
	[tilespmem:$0x1CB00] =	vst v63  }
0xf7: {  	v57 =	vperm.xlane v18, v14;
	v56 =	vadd.s32 v4, v55;
	s19 =	simm.s32 $0x2C80  }
0xf8: {  	[tilespmem:s19], [sflag:$0x2] =	stream.indirect_vreg.gather [hbm4b:s16+s4], $0x80, v19, vm0, $0xb8;
	[tilespmem:$0x1CB00] =	vst v63  }
0xf9: {  	v58 =	vperm.xlane v18, v15;
	s20 =	simm.s32 $0x2D00;
	v19 =	vadd.s32 v4, v57  }
0xfa: {  	[tilespmem:s20], [sflag:$0x2] =	stream.indirect_vreg.gather [hbm4b:s16+s4], $0x80, v54, vm0, $0xb8;
	[tilespmem:$0x1CB00] =	vst v63  }
0xfb: {  	v60 =	vperm.xlane v18, v16;
	v59 =	vadd.s32 v4, v58;
	s21 =	simm.s32 $0x2D80  }
0xfc: {  	[tilespmem:s21], [sflag:$0x2] =	stream.indirect_vreg.gather [hbm4b:s16+s4], $0x80, v56, vm0, $0xb8;
	[tilespmem:$0x1CB00] =	vst v63  }
0xfd: {  	v18 =	vperm.xlane v18, v17;
	v61 =	vadd.s32 v4, v60;
	s30 =	simm.s32 $0x2E00  }
0xfe: {  	[tilespmem:s30], [sflag:$0x2] =	stream.indirect_vreg.gather [hbm4b:s16+s4], $0x80, v19, vm0, $0xb8;
	[tilespmem:$0x1CB00] =	vst v63  }
0xff: {  	v18 =	vadd.s32 v4, v18;
	s11 =	simm.s32 $0x2E80  }
0x100: {  	[tilespmem:s11], [sflag:$0x2] =	stream.indirect_vreg.gather [hbm4b:s16+s4], $0x80, v59, vm0, $0xb8;
	[tilespmem:$0x1CB00] =	vst v63  }
0x101: {  	s18 =	simm.s32 $0x2F00  }
0x102: {  	[tilespmem:s18], [sflag:$0x2] =	stream.indirect_vreg.gather [hbm4b:s16+s4], $0x80, v61, vm0, $0xb8;
	[tilespmem:$0x1CB00] =	vst v63  }
0x103: {  	s19 =	simm.s32 $0x2F80  }
0x104: {  	[tilespmem:s19], [sflag:$0x2] =	stream.indirect_vreg.gather [hbm4b:s16+s4], $0x80, v18, vm0, $0xb8;
	[tilespmem:$0x1CB00] =	vst v63  }
0x105: {  	v18 =	vld [tilespmem:$0x50];
	_ =	sdelay $0x4  }
0x106: {  	v19 =	vshll.u32 v18, $0x1  }
0x107: {  	v18 =	vand.u32 $0x7, v18;
	v19 =	vand.u32 $0xFFFFFFF0, v19  }
0x108: {  	v18 =	vor.u32 v18, v19  }
0x109: {  	v19 =	vperm.xlane v18, v3;
	_ =	sdelay $0x1  }
0x10a: {  	v62 =	vperm.xlane v18, v2;
	v19 =	vadd.s32 v4, v19;
	_ =	sdelay $0x1  }
0x10b: {  	v63 =	vperm.xlane v18, v5;
	v20 =	vadd.s32 v4, v62;
	_ =	sdelay $0x1  }
0x10c: {  	s20 =	simm.s32 $0x3000;
	v24 =	vperm.xlane v18, v6;
	v21 =	vadd.s32 v4, v63  }
0x10d: {  	[tilespmem:s20], [sflag:$0x2] =	stream.indirect_vreg.gather [hbm4b:s16+s4], $0x80, v19, vm0, $0xb8;
	[tilespmem:$0x1CB00] =	vst v63  }
0x10e: {  	s21 =	simm.s32 $0x3080;
	v25 =	vperm.xlane v18, v7;
	v19 =	vadd.s32 v4, v24  }
0x10f: {  	[tilespmem:s21], [sflag:$0x2] =	stream.indirect_vreg.gather [hbm4b:s16+s4], $0x80, v20, vm0, $0xb8;
	[tilespmem:$0x1CB00] =	vst v63  }
0x110: {  	s30 =	simm.s32 $0x3100;
	v27 =	vperm.xlane v18, v8;
	v26 =	vadd.s32 v4, v25  }
0x111: {  	[tilespmem:s30], [sflag:$0x2] =	stream.indirect_vreg.gather [hbm4b:s16+s4], $0x80, v21, vm0, $0xb8;
	[tilespmem:$0x1CB00] =	vst v63  }
0x112: {  	s11 =	simm.s32 $0x3180;
	v29 =	vperm.xlane v18, v9;
	v28 =	vadd.s32 v4, v27  }
0x113: {  	[tilespmem:s11], [sflag:$0x2] =	stream.indirect_vreg.gather [hbm4b:s16+s4], $0x80, v19, vm0, $0xb8;
	[tilespmem:$0x1CB00] =	vst v63  }
0x114: {  	s18 =	simm.s32 $0x3200;
	v30 =	vperm.xlane v18, v1;
	v19 =	vadd.s32 v4, v29  }
0x115: {  	[tilespmem:s18], [sflag:$0x2] =	stream.indirect_vreg.gather [hbm4b:s16+s4], $0x80, v26, vm0, $0xb8;
	[tilespmem:$0x1CB00] =	vst v63  }
0x116: {  	s19 =	simm.s32 $0x3280;
	v32 =	vperm.xlane v18, v10;
	v31 =	vadd.s32 v4, v30  }
0x117: {  	[tilespmem:s19], [sflag:$0x2] =	stream.indirect_vreg.gather [hbm4b:s16+s4], $0x80, v28, vm0, $0xb8;
	[tilespmem:$0x1CB00] =	vst v63  }
0x118: {  	v34 =	vperm.xlane v18, v11;
	v33 =	vadd.s32 v4, v32;
	s20 =	simm.s32 $0x3300  }
0x119: {  	[tilespmem:s20], [sflag:$0x2] =	stream.indirect_vreg.gather [hbm4b:s16+s4], $0x80, v19, vm0, $0xb8;
	[tilespmem:$0x1CB00] =	vst v63  }
0x11a: {  	v35 =	vperm.xlane v18, v12;
	s21 =	simm.s32 $0x3380;
	v19 =	vadd.s32 v4, v34  }
0x11b: {  	[tilespmem:s21], [sflag:$0x2] =	stream.indirect_vreg.gather [hbm4b:s16+s4], $0x80, v31, vm0, $0xb8;
	[tilespmem:$0x1CB00] =	vst v63  }
0x11c: {  	v37 =	vperm.xlane v18, v13;
	v36 =	vadd.s32 v4, v35;
	s30 =	simm.s32 $0x3400  }
0x11d: {  	[tilespmem:s30], [sflag:$0x2] =	stream.indirect_vreg.gather [hbm4b:s16+s4], $0x80, v33, vm0, $0xb8;
	[tilespmem:$0x1CB00] =	vst v63  }
0x11e: {  	v39 =	vperm.xlane v18, v14;
	v38 =	vadd.s32 v4, v37;
	s11 =	simm.s32 $0x3480  }
0x11f: {  	[tilespmem:s11], [sflag:$0x2] =	stream.indirect_vreg.gather [hbm4b:s16+s4], $0x80, v19, vm0, $0xb8;
	[tilespmem:$0x1CB00] =	vst v63  }
0x120: {  	v40 =	vperm.xlane v18, v15;
	s18 =	simm.s32 $0x3500;
	v19 =	vadd.s32 v4, v39  }
0x121: {  	[tilespmem:s18], [sflag:$0x2] =	stream.indirect_vreg.gather [hbm4b:s16+s4], $0x80, v36, vm0, $0xb8;
	[tilespmem:$0x1CB00] =	vst v63  }
0x122: {  	v42 =	vperm.xlane v18, v16;
	v41 =	vadd.s32 v4, v40;
	s19 =	simm.s32 $0x3580  }
0x123: {  	[tilespmem:s19], [sflag:$0x2] =	stream.indirect_vreg.gather [hbm4b:s16+s4], $0x80, v38, vm0, $0xb8;
	[tilespmem:$0x1CB00] =	vst v63  }
0x124: {  	v18 =	vperm.xlane v18, v17;
	v43 =	vadd.s32 v4, v42;
	s20 =	simm.s32 $0x3600  }
0x125: {  	[tilespmem:s20], [sflag:$0x2] =	stream.indirect_vreg.gather [hbm4b:s16+s4], $0x80, v19, vm0, $0xb8;
	[tilespmem:$0x1CB00] =	vst v63  }
0x126: {  	v18 =	vadd.s32 v4, v18;
	s21 =	simm.s32 $0x3680  }
0x127: {  	[tilespmem:s21], [sflag:$0x2] =	stream.indirect_vreg.gather [hbm4b:s16+s4], $0x80, v41, vm0, $0xb8;
	[tilespmem:$0x1CB00] =	vst v63  }
0x128: {  	s30 =	simm.s32 $0x3700  }
0x129: {  	[tilespmem:s30], [sflag:$0x2] =	stream.indirect_vreg.gather [hbm4b:s16+s4], $0x80, v43, vm0, $0xb8;
	[tilespmem:$0x1CB00] =	vst v63  }
0x12a: {  	s11 =	simm.s32 $0x3780  }
0x12b: {  	[tilespmem:s11], [sflag:$0x2] =	stream.indirect_vreg.gather [hbm4b:s16+s4], $0x80, v18, vm0, $0xb8;
	[tilespmem:$0x1CB00] =	vst v63  }
0x12c: {  	v18 =	vld [tilespmem:$0x60];
	_ =	sdelay $0x4  }
0x12d: {  	v19 =	vshll.u32 v18, $0x1  }
0x12e: {  	v18 =	vand.u32 $0x7, v18;
	v19 =	vand.u32 $0xFFFFFFF0, v19  }
0x12f: {  	v18 =	vor.u32 v18, v19  }
0x130: {  	v19 =	vperm.xlane v18, v3;
	_ =	sdelay $0x1  }
0x131: {  	v44 =	vperm.xlane v18, v2;
	v19 =	vadd.s32 v4, v19;
	_ =	sdelay $0x1  }
0x132: {  	v45 =	vperm.xlane v18, v5;
	v20 =	vadd.s32 v4, v44;
	_ =	sdelay $0x1  }
0x133: {  	s18 =	simm.s32 $0x3800;
	v46 =	vperm.xlane v18, v6;
	v21 =	vadd.s32 v4, v45  }
0x134: {  	[tilespmem:s18], [sflag:$0x2] =	stream.indirect_vreg.gather [hbm4b:s16+s4], $0x80, v19, vm0, $0xb8;
	[tilespmem:$0x1CB00] =	vst v63  }
0x135: {  	s19 =	simm.s32 $0x3880;
	v47 =	vperm.xlane v18, v7;
	v19 =	vadd.s32 v4, v46  }
0x136: {  	[tilespmem:s19], [sflag:$0x2] =	stream.indirect_vreg.gather [hbm4b:s16+s4], $0x80, v20, vm0, $0xb8;
	[tilespmem:$0x1CB00] =	vst v63  }
0x137: {  	s20 =	simm.s32 $0x3900;
	v49 =	vperm.xlane v18, v8;
	v48 =	vadd.s32 v4, v47  }
0x138: {  	[tilespmem:s20], [sflag:$0x2] =	stream.indirect_vreg.gather [hbm4b:s16+s4], $0x80, v21, vm0, $0xb8;
	[tilespmem:$0x1CB00] =	vst v63  }
0x139: {  	s21 =	simm.s32 $0x3980;
	v51 =	vperm.xlane v18, v9;
	v50 =	vadd.s32 v4, v49  }
0x13a: {  	[tilespmem:s21], [sflag:$0x2] =	stream.indirect_vreg.gather [hbm4b:s16+s4], $0x80, v19, vm0, $0xb8;
	[tilespmem:$0x1CB00] =	vst v63  }
0x13b: {  	s30 =	simm.s32 $0x3A00;
	v52 =	vperm.xlane v18, v1;
	v19 =	vadd.s32 v4, v51  }
0x13c: {  	[tilespmem:s30], [sflag:$0x2] =	stream.indirect_vreg.gather [hbm4b:s16+s4], $0x80, v48, vm0, $0xb8;
	[tilespmem:$0x1CB00] =	vst v63  }
0x13d: {  	s11 =	simm.s32 $0x3A80;
	v54 =	vperm.xlane v18, v10;
	v53 =	vadd.s32 v4, v52  }
0x13e: {  	[tilespmem:s11], [sflag:$0x2] =	stream.indirect_vreg.gather [hbm4b:s16+s4], $0x80, v50, vm0, $0xb8;
	[tilespmem:$0x1CB00] =	vst v63  }
0x13f: {  	v56 =	vperm.xlane v18, v11;
	v55 =	vadd.s32 v4, v54;
	s18 =	simm.s32 $0x3B00  }
0x140: {  	[tilespmem:s18], [sflag:$0x2] =	stream.indirect_vreg.gather [hbm4b:s16+s4], $0x80, v19, vm0, $0xb8;
	[tilespmem:$0x1CB00] =	vst v63  }
0x141: {  	v57 =	vperm.xlane v18, v12;
	s19 =	simm.s32 $0x3B80;
	v19 =	vadd.s32 v4, v56  }
0x142: {  	[tilespmem:s19], [sflag:$0x2] =	stream.indirect_vreg.gather [hbm4b:s16+s4], $0x80, v53, vm0, $0xb8;
	[tilespmem:$0x1CB00] =	vst v63  }
0x143: {  	v59 =	vperm.xlane v18, v13;
	v58 =	vadd.s32 v4, v57;
	s20 =	simm.s32 $0x3C00  }
0x144: {  	[tilespmem:s20], [sflag:$0x2] =	stream.indirect_vreg.gather [hbm4b:s16+s4], $0x80, v55, vm0, $0xb8;
	[tilespmem:$0x1CB00] =	vst v63  }
0x145: {  	v61 =	vperm.xlane v18, v14;
	v60 =	vadd.s32 v4, v59;
	s21 =	simm.s32 $0x3C80  }
0x146: {  	[tilespmem:s21], [sflag:$0x2] =	stream.indirect_vreg.gather [hbm4b:s16+s4], $0x80, v19, vm0, $0xb8;
	[tilespmem:$0x1CB00] =	vst v63  }
0x147: {  	v62 =	vperm.xlane v18, v15;
	s30 =	simm.s32 $0x3D00;
	v19 =	vadd.s32 v4, v61  }
0x148: {  	[tilespmem:s30], [sflag:$0x2] =	stream.indirect_vreg.gather [hbm4b:s16+s4], $0x80, v58, vm0, $0xb8;
	[tilespmem:$0x1CB00] =	vst v63  }
0x149: {  	v24 =	vperm.xlane v18, v16;
	v63 =	vadd.s32 v4, v62;
	s11 =	simm.s32 $0x3D80  }
0x14a: {  	[tilespmem:s11], [sflag:$0x2] =	stream.indirect_vreg.gather [hbm4b:s16+s4], $0x80, v60, vm0, $0xb8;
	[tilespmem:$0x1CB00] =	vst v63  }
0x14b: {  	v18 =	vperm.xlane v18, v17;
	v25 =	vadd.s32 v4, v24;
	s18 =	simm.s32 $0x3E00  }
0x14c: {  	[tilespmem:s18], [sflag:$0x2] =	stream.indirect_vreg.gather [hbm4b:s16+s4], $0x80, v19, vm0, $0xb8;
	[tilespmem:$0x1CB00] =	vst v63  }
0x14d: {  	v18 =	vadd.s32 v4, v18;
	s19 =	simm.s32 $0x3E80  }
0x14e: {  	[tilespmem:s19], [sflag:$0x2] =	stream.indirect_vreg.gather [hbm4b:s16+s4], $0x80, v63, vm0, $0xb8;
	[tilespmem:$0x1CB00] =	vst v63  }
0x14f: {  	s20 =	simm.s32 $0x3F00  }
0x150: {  	[tilespmem:s20], [sflag:$0x2] =	stream.indirect_vreg.gather [hbm4b:s16+s4], $0x80, v25, vm0, $0xb8;
	[tilespmem:$0x1CB00] =	vst v63  }
0x151: {  	s21 =	simm.s32 $0x3F80  }
0x152: {  	[tilespmem:s21], [sflag:$0x2] =	stream.indirect_vreg.gather [hbm4b:s16+s4], $0x80, v18, vm0, $0xb8;
	[tilespmem:$0x1CB00] =	vst v63  }
0x153: {  	v18 =	vld [tilespmem:$0x70];
	_ =	sdelay $0x4  }
0x154: {  	v19 =	vshll.u32 v18, $0x1  }
0x155: {  	v18 =	vand.u32 $0x7, v18;
	v19 =	vand.u32 $0xFFFFFFF0, v19  }
0x156: {  	v18 =	vor.u32 v18, v19  }
0x157: {  	v19 =	vperm.xlane v18, v3;
	_ =	sdelay $0x1  }
0x158: {  	v26 =	vperm.xlane v18, v2;
	v19 =	vadd.s32 v4, v19;
	_ =	sdelay $0x1  }
0x159: {  	v27 =	vperm.xlane v18, v5;
	v20 =	vadd.s32 v4, v26;
	_ =	sdelay $0x1  }
0x15a: {  	s30 =	simm.s32 $0x4000;
	v28 =	vperm.xlane v18, v6;
	v21 =	vadd.s32 v4, v27  }
0x15b: {  	[tilespmem:s30], [sflag:$0x2] =	stream.indirect_vreg.gather [hbm4b:s16+s4], $0x80, v19, vm0, $0xb8;
	[tilespmem:$0x1CB00] =	vst v63  }
0x15c: {  	s11 =	simm.s32 $0x4080;
	v29 =	vperm.xlane v18, v7;
	v19 =	vadd.s32 v4, v28  }
0x15d: {  	[tilespmem:s11], [sflag:$0x2] =	stream.indirect_vreg.gather [hbm4b:s16+s4], $0x80, v20, vm0, $0xb8;
	[tilespmem:$0x1CB00] =	vst v63  }
0x15e: {  	s18 =	simm.s32 $0x4100;
	v31 =	vperm.xlane v18, v8;
	v30 =	vadd.s32 v4, v29  }
0x15f: {  	[tilespmem:s18], [sflag:$0x2] =	stream.indirect_vreg.gather [hbm4b:s16+s4], $0x80, v21, vm0, $0xb8;
	[tilespmem:$0x1CB00] =	vst v63  }
0x160: {  	s19 =	simm.s32 $0x4180;
	v33 =	vperm.xlane v18, v9;
	v32 =	vadd.s32 v4, v31  }
0x161: {  	[tilespmem:s19], [sflag:$0x2] =	stream.indirect_vreg.gather [hbm4b:s16+s4], $0x80, v19, vm0, $0xb8;
	[tilespmem:$0x1CB00] =	vst v63  }
0x162: {  	s20 =	simm.s32 $0x4200;
	v34 =	vperm.xlane v18, v1;
	v19 =	vadd.s32 v4, v33  }
0x163: {  	[tilespmem:s20], [sflag:$0x2] =	stream.indirect_vreg.gather [hbm4b:s16+s4], $0x80, v30, vm0, $0xb8;
	[tilespmem:$0x1CB00] =	vst v63  }
0x164: {  	s21 =	simm.s32 $0x4280;
	v36 =	vperm.xlane v18, v10;
	v35 =	vadd.s32 v4, v34  }
0x165: {  	[tilespmem:s21], [sflag:$0x2] =	stream.indirect_vreg.gather [hbm4b:s16+s4], $0x80, v32, vm0, $0xb8;
	[tilespmem:$0x1CB00] =	vst v63  }
0x166: {  	v38 =	vperm.xlane v18, v11;
	v37 =	vadd.s32 v4, v36;
	s30 =	simm.s32 $0x4300  }
0x167: {  	[tilespmem:s30], [sflag:$0x2] =	stream.indirect_vreg.gather [hbm4b:s16+s4], $0x80, v19, vm0, $0xb8;
	[tilespmem:$0x1CB00] =	vst v63  }
0x168: {  	v39 =	vperm.xlane v18, v12;
	s11 =	simm.s32 $0x4380;
	v19 =	vadd.s32 v4, v38  }
0x169: {  	[tilespmem:s11], [sflag:$0x2] =	stream.indirect_vreg.gather [hbm4b:s16+s4], $0x80, v35, vm0, $0xb8;
	[tilespmem:$0x1CB00] =	vst v63  }
0x16a: {  	v41 =	vperm.xlane v18, v13;
	v40 =	vadd.s32 v4, v39;
	s18 =	simm.s32 $0x4400  }
0x16b: {  	[tilespmem:s18], [sflag:$0x2] =	stream.indirect_vreg.gather [hbm4b:s16+s4], $0x80, v37, vm0, $0xb8;
	[tilespmem:$0x1CB00] =	vst v63  }
0x16c: {  	v43 =	vperm.xlane v18, v14;
	v42 =	vadd.s32 v4, v41;
	s19 =	simm.s32 $0x4480  }
0x16d: {  	[tilespmem:s19], [sflag:$0x2] =	stream.indirect_vreg.gather [hbm4b:s16+s4], $0x80, v19, vm0, $0xb8;
	[tilespmem:$0x1CB00] =	vst v63  }
0x16e: {  	v44 =	vperm.xlane v18, v15;
	s20 =	simm.s32 $0x4500;
	v19 =	vadd.s32 v4, v43  }
0x16f: {  	[tilespmem:s20], [sflag:$0x2] =	stream.indirect_vreg.gather [hbm4b:s16+s4], $0x80, v40, vm0, $0xb8;
	[tilespmem:$0x1CB00] =	vst v63  }
0x170: {  	v46 =	vperm.xlane v18, v16;
	v45 =	vadd.s32 v4, v44;
	s21 =	simm.s32 $0x4580  }
0x171: {  	[tilespmem:s21], [sflag:$0x2] =	stream.indirect_vreg.gather [hbm4b:s16+s4], $0x80, v42, vm0, $0xb8;
	[tilespmem:$0x1CB00] =	vst v63  }
0x172: {  	v18 =	vperm.xlane v18, v17;
	v47 =	vadd.s32 v4, v46;
	s30 =	simm.s32 $0x4600  }
0x173: {  	[tilespmem:s30], [sflag:$0x2] =	stream.indirect_vreg.gather [hbm4b:s16+s4], $0x80, v19, vm0, $0xb8;
	[tilespmem:$0x1CB00] =	vst v63  }
0x174: {  	v18 =	vadd.s32 v4, v18;
	s11 =	simm.s32 $0x4680  }
0x175: {  	[tilespmem:s11], [sflag:$0x2] =	stream.indirect_vreg.gather [hbm4b:s16+s4], $0x80, v45, vm0, $0xb8;
	[tilespmem:$0x1CB00] =	vst v63  }
0x176: {  	s18 =	simm.s32 $0x4700  }
0x177: {  	[tilespmem:s18], [sflag:$0x2] =	stream.indirect_vreg.gather [hbm4b:s16+s4], $0x80, v47, vm0, $0xb8;
	[tilespmem:$0x1CB00] =	vst v63  }
0x178: {  	s19 =	simm.s32 $0x4780  }
0x179: {  	[tilespmem:s19], [sflag:$0x2] =	stream.indirect_vreg.gather [hbm4b:s16+s4], $0x80, v18, vm0, $0xb8;
	[tilespmem:$0x1CB00] =	vst v63  }
0x17a: {  	v18 =	vld [tilespmem:$0x100];
	_ =	sdelay $0x4  }
0x17b: {  	v19 =	vshll.u32 v18, $0x1  }
0x17c: {  	v18 =	vand.u32 $0x7, v18;
	v19 =	vand.u32 $0xFFFFFFF0, v19  }
0x17d: {  	v18 =	vor.u32 v18, v19  }
0x17e: {  	v19 =	vperm.xlane v18, v3;
	_ =	sdelay $0x1  }
0x17f: {  	v48 =	vperm.xlane v18, v2;
	v19 =	vadd.s32 v4, v19;
	_ =	sdelay $0x1  }
0x180: {  	v49 =	vperm.xlane v18, v5;
	v20 =	vadd.s32 v4, v48;
	_ =	sdelay $0x1  }
0x181: {  	v50 =	vperm.xlane v18, v6;
	v21 =	vadd.s32 v4, v49  }
0x182: {  	[tilespmem:s31], [sflag:$0x2] =	stream.indirect_vreg.gather [hbm4b:s16+s4], $0x80, v19, vm0, $0xb8;
	[tilespmem:$0x1CB00] =	vst v63  }
0x183: {  	s20 =	simm.s32 $0x4880;
	v51 =	vperm.xlane v18, v7;
	v19 =	vadd.s32 v4, v50  }
0x184: {  	[tilespmem:s20], [sflag:$0x2] =	stream.indirect_vreg.gather [hbm4b:s16+s4], $0x80, v20, vm0, $0xb8;
	[tilespmem:$0x1CB00] =	vst v63  }
0x185: {  	s21 =	simm.s32 $0x4900;
	v53 =	vperm.xlane v18, v8;
	v52 =	vadd.s32 v4, v51  }
0x186: {  	[tilespmem:s21], [sflag:$0x2] =	stream.indirect_vreg.gather [hbm4b:s16+s4], $0x80, v21, vm0, $0xb8;
	[tilespmem:$0x1CB00] =	vst v63  }
0x187: {  	s30 =	simm.s32 $0x4980;
	v55 =	vperm.xlane v18, v9;
	v54 =	vadd.s32 v4, v53  }
0x188: {  	[tilespmem:s30], [sflag:$0x2] =	stream.indirect_vreg.gather [hbm4b:s16+s4], $0x80, v19, vm0, $0xb8;
	[tilespmem:$0x1CB00] =	vst v63  }
0x189: {  	s11 =	simm.s32 $0x4A00;
	v56 =	vperm.xlane v18, v1;
	v19 =	vadd.s32 v4, v55  }
0x18a: {  	[tilespmem:s11], [sflag:$0x2] =	stream.indirect_vreg.gather [hbm4b:s16+s4], $0x80, v52, vm0, $0xb8;
	[tilespmem:$0x1CB00] =	vst v63  }
0x18b: {  	s18 =	simm.s32 $0x4A80;
	v58 =	vperm.xlane v18, v10;
	v57 =	vadd.s32 v4, v56  }
0x18c: {  	[tilespmem:s18], [sflag:$0x2] =	stream.indirect_vreg.gather [hbm4b:s16+s4], $0x80, v54, vm0, $0xb8;
	[tilespmem:$0x1CB00] =	vst v63  }
0x18d: {  	s19 =	simm.s32 $0x4B00;
	v60 =	vperm.xlane v18, v11;
	v59 =	vadd.s32 v4, v58  }
0x18e: {  	[tilespmem:s19], [sflag:$0x2] =	stream.indirect_vreg.gather [hbm4b:s16+s4], $0x80, v19, vm0, $0xb8;
	[tilespmem:$0x1CB00] =	vst v63  }
0x18f: {  	v61 =	vperm.xlane v18, v12;
	s20 =	simm.s32 $0x4B80;
	v19 =	vadd.s32 v4, v60  }
0x190: {  	[tilespmem:s20], [sflag:$0x2] =	stream.indirect_vreg.gather [hbm4b:s16+s4], $0x80, v57, vm0, $0xb8;
	[tilespmem:$0x1CB00] =	vst v63  }
0x191: {  	v63 =	vperm.xlane v18, v13;
	v62 =	vadd.s32 v4, v61;
	s21 =	simm.s32 $0x4C00  }
0x192: {  	[tilespmem:s21], [sflag:$0x2] =	stream.indirect_vreg.gather [hbm4b:s16+s4], $0x80, v59, vm0, $0xb8;
	[tilespmem:$0x1CB00] =	vst v63  }
0x193: {  	v25 =	vperm.xlane v18, v14;
	v24 =	vadd.s32 v4, v63;
	s30 =	simm.s32 $0x4C80  }
0x194: {  	[tilespmem:s30], [sflag:$0x2] =	stream.indirect_vreg.gather [hbm4b:s16+s4], $0x80, v19, vm0, $0xb8;
	[tilespmem:$0x1CB00] =	vst v63  }
0x195: {  	v26 =	vperm.xlane v18, v15;
	s11 =	simm.s32 $0x4D00;
	v19 =	vadd.s32 v4, v25  }
0x196: {  	[tilespmem:s11], [sflag:$0x2] =	stream.indirect_vreg.gather [hbm4b:s16+s4], $0x80, v62, vm0, $0xb8;
	[tilespmem:$0x1CB00] =	vst v63  }
0x197: {  	v28 =	vperm.xlane v18, v16;
	v27 =	vadd.s32 v4, v26;
	s18 =	simm.s32 $0x4D80  }
0x198: {  	[tilespmem:s18], [sflag:$0x2] =	stream.indirect_vreg.gather [hbm4b:s16+s4], $0x80, v24, vm0, $0xb8;
	[tilespmem:$0x1CB00] =	vst v63  }
0x199: {  	v18 =	vperm.xlane v18, v17;
	v29 =	vadd.s32 v4, v28;
	s19 =	simm.s32 $0x4E00  }
0x19a: {  	[tilespmem:s19], [sflag:$0x2] =	stream.indirect_vreg.gather [hbm4b:s16+s4], $0x80, v19, vm0, $0xb8;
	[tilespmem:$0x1CB00] =	vst v63  }
0x19b: {  	v18 =	vadd.s32 v4, v18;
	s20 =	simm.s32 $0x4E80  }
0x19c: {  	[tilespmem:s20], [sflag:$0x2] =	stream.indirect_vreg.gather [hbm4b:s16+s4], $0x80, v27, vm0, $0xb8;
	[tilespmem:$0x1CB00] =	vst v63  }
0x19d: {  	s21 =	simm.s32 $0x4F00  }
0x19e: {  	[tilespmem:s21], [sflag:$0x2] =	stream.indirect_vreg.gather [hbm4b:s16+s4], $0x80, v29, vm0, $0xb8;
	[tilespmem:$0x1CB00] =	vst v63  }
0x19f: {  	s30 =	simm.s32 $0x4F80  }
0x1a0: {  	[tilespmem:s30], [sflag:$0x2] =	stream.indirect_vreg.gather [hbm4b:s16+s4], $0x80, v18, vm0, $0xb8;
	[tilespmem:$0x1CB00] =	vst v63  }
0x1a1: {  	v18 =	vld [tilespmem:$0x110];
	_ =	sdelay $0x4  }
0x1a2: {  	v19 =	vshll.u32 v18, $0x1  }
0x1a3: {  	v18 =	vand.u32 $0x7, v18;
	v19 =	vand.u32 $0xFFFFFFF0, v19  }
0x1a4: {  	v18 =	vor.u32 v18, v19  }
0x1a5: {  	v19 =	vperm.xlane v18, v3;
	_ =	sdelay $0x1  }
0x1a6: {  	v30 =	vperm.xlane v18, v2;
	v19 =	vadd.s32 v4, v19;
	_ =	sdelay $0x1  }
0x1a7: {  	v31 =	vperm.xlane v18, v5;
	v20 =	vadd.s32 v4, v30;
	_ =	sdelay $0x1  }
0x1a8: {  	s11 =	simm.s32 $0x5000;
	v32 =	vperm.xlane v18, v6;
	v21 =	vadd.s32 v4, v31  }
0x1a9: {  	[tilespmem:s11], [sflag:$0x2] =	stream.indirect_vreg.gather [hbm4b:s16+s4], $0x80, v19, vm0, $0xb8;
	[tilespmem:$0x1CB00] =	vst v63  }
0x1aa: {  	s18 =	simm.s32 $0x5080;
	v33 =	vperm.xlane v18, v7;
	v19 =	vadd.s32 v4, v32  }
0x1ab: {  	[tilespmem:s18], [sflag:$0x2] =	stream.indirect_vreg.gather [hbm4b:s16+s4], $0x80, v20, vm0, $0xb8;
	[tilespmem:$0x1CB00] =	vst v63  }
0x1ac: {  	s19 =	simm.s32 $0x5100;
	v35 =	vperm.xlane v18, v8;
	v34 =	vadd.s32 v4, v33  }
0x1ad: {  	[tilespmem:s19], [sflag:$0x2] =	stream.indirect_vreg.gather [hbm4b:s16+s4], $0x80, v21, vm0, $0xb8;
	[tilespmem:$0x1CB00] =	vst v63  }
0x1ae: {  	s20 =	simm.s32 $0x5180;
	v37 =	vperm.xlane v18, v9;
	v36 =	vadd.s32 v4, v35  }
0x1af: {  	[tilespmem:s20], [sflag:$0x2] =	stream.indirect_vreg.gather [hbm4b:s16+s4], $0x80, v19, vm0, $0xb8;
	[tilespmem:$0x1CB00] =	vst v63  }
0x1b0: {  	s21 =	simm.s32 $0x5200;
	v38 =	vperm.xlane v18, v1;
	v19 =	vadd.s32 v4, v37  }
0x1b1: {  	[tilespmem:s21], [sflag:$0x2] =	stream.indirect_vreg.gather [hbm4b:s16+s4], $0x80, v34, vm0, $0xb8;
	[tilespmem:$0x1CB00] =	vst v63  }
0x1b2: {  	s30 =	simm.s32 $0x5280;
	v40 =	vperm.xlane v18, v10;
	v39 =	vadd.s32 v4, v38  }
0x1b3: {  	[tilespmem:s30], [sflag:$0x2] =	stream.indirect_vreg.gather [hbm4b:s16+s4], $0x80, v36, vm0, $0xb8;
	[tilespmem:$0x1CB00] =	vst v63  }
0x1b4: {  	v42 =	vperm.xlane v18, v11;
	v41 =	vadd.s32 v4, v40;
	s11 =	simm.s32 $0x5300  }
0x1b5: {  	[tilespmem:s11], [sflag:$0x2] =	stream.indirect_vreg.gather [hbm4b:s16+s4], $0x80, v19, vm0, $0xb8;
	[tilespmem:$0x1CB00] =	vst v63  }
0x1b6: {  	v43 =	vperm.xlane v18, v12;
	s18 =	simm.s32 $0x5380;
	v19 =	vadd.s32 v4, v42  }
0x1b7: {  	[tilespmem:s18], [sflag:$0x2] =	stream.indirect_vreg.gather [hbm4b:s16+s4], $0x80, v39, vm0, $0xb8;
	[tilespmem:$0x1CB00] =	vst v63  }
0x1b8: {  	v45 =	vperm.xlane v18, v13;
	v44 =	vadd.s32 v4, v43;
	s19 =	simm.s32 $0x5400  }
0x1b9: {  	[tilespmem:s19], [sflag:$0x2] =	stream.indirect_vreg.gather [hbm4b:s16+s4], $0x80, v41, vm0, $0xb8;
	[tilespmem:$0x1CB00] =	vst v63  }
0x1ba: {  	v47 =	vperm.xlane v18, v14;
	v46 =	vadd.s32 v4, v45;
	s20 =	simm.s32 $0x5480  }
0x1bb: {  	[tilespmem:s20], [sflag:$0x2] =	stream.indirect_vreg.gather [hbm4b:s16+s4], $0x80, v19, vm0, $0xb8;
	[tilespmem:$0x1CB00] =	vst v63  }
0x1bc: {  	v48 =	vperm.xlane v18, v15;
	s21 =	simm.s32 $0x5500;
	v19 =	vadd.s32 v4, v47  }
0x1bd: {  	[tilespmem:s21], [sflag:$0x2] =	stream.indirect_vreg.gather [hbm4b:s16+s4], $0x80, v44, vm0, $0xb8;
	[tilespmem:$0x1CB00] =	vst v63  }
0x1be: {  	v50 =	vperm.xlane v18, v16;
	v49 =	vadd.s32 v4, v48;
	s30 =	simm.s32 $0x5580  }
0x1bf: {  	[tilespmem:s30], [sflag:$0x2] =	stream.indirect_vreg.gather [hbm4b:s16+s4], $0x80, v46, vm0, $0xb8;
	[tilespmem:$0x1CB00] =	vst v63  }
0x1c0: {  	v18 =	vperm.xlane v18, v17;
	v51 =	vadd.s32 v4, v50;
	s11 =	simm.s32 $0x5600  }
0x1c1: {  	[tilespmem:s11], [sflag:$0x2] =	stream.indirect_vreg.gather [hbm4b:s16+s4], $0x80, v19, vm0, $0xb8;
	[tilespmem:$0x1CB00] =	vst v63  }
0x1c2: {  	v18 =	vadd.s32 v4, v18;
	s18 =	simm.s32 $0x5680  }
0x1c3: {  	[tilespmem:s18], [sflag:$0x2] =	stream.indirect_vreg.gather [hbm4b:s16+s4], $0x80, v49, vm0, $0xb8;
	[tilespmem:$0x1CB00] =	vst v63  }
0x1c4: {  	s19 =	simm.s32 $0x5700  }
0x1c5: {  	[tilespmem:s19], [sflag:$0x2] =	stream.indirect_vreg.gather [hbm4b:s16+s4], $0x80, v51, vm0, $0xb8;
	[tilespmem:$0x1CB00] =	vst v63  }
0x1c6: {  	s20 =	simm.s32 $0x5780  }
0x1c7: {  	[tilespmem:s20], [sflag:$0x2] =	stream.indirect_vreg.gather [hbm4b:s16+s4], $0x80, v18, vm0, $0xb8;
	[tilespmem:$0x1CB00] =	vst v63  }
0x1c8: {  	v18 =	vld [tilespmem:$0x120];
	_ =	sdelay $0x4  }
0x1c9: {  	v19 =	vshll.u32 v18, $0x1  }
0x1ca: {  	v18 =	vand.u32 $0x7, v18;
	v19 =	vand.u32 $0xFFFFFFF0, v19  }
0x1cb: {  	v18 =	vor.u32 v18, v19  }
0x1cc: {  	v19 =	vperm.xlane v18, v3;
	_ =	sdelay $0x1  }
0x1cd: {  	v52 =	vperm.xlane v18, v2;
	v19 =	vadd.s32 v4, v19;
	_ =	sdelay $0x1  }
0x1ce: {  	v53 =	vperm.xlane v18, v5;
	v20 =	vadd.s32 v4, v52;
	_ =	sdelay $0x1  }
0x1cf: {  	s21 =	simm.s32 $0x5800;
	v54 =	vperm.xlane v18, v6;
	v21 =	vadd.s32 v4, v53  }
0x1d0: {  	[tilespmem:s21], [sflag:$0x2] =	stream.indirect_vreg.gather [hbm4b:s16+s4], $0x80, v19, vm0, $0xb8;
	[tilespmem:$0x1CB00] =	vst v63  }
0x1d1: {  	s30 =	simm.s32 $0x5880;
	v55 =	vperm.xlane v18, v7;
	v19 =	vadd.s32 v4, v54  }
0x1d2: {  	[tilespmem:s30], [sflag:$0x2] =	stream.indirect_vreg.gather [hbm4b:s16+s4], $0x80, v20, vm0, $0xb8;
	[tilespmem:$0x1CB00] =	vst v63  }
0x1d3: {  	s11 =	simm.s32 $0x5900;
	v57 =	vperm.xlane v18, v8;
	v56 =	vadd.s32 v4, v55  }
0x1d4: {  	[tilespmem:s11], [sflag:$0x2] =	stream.indirect_vreg.gather [hbm4b:s16+s4], $0x80, v21, vm0, $0xb8;
	[tilespmem:$0x1CB00] =	vst v63  }
0x1d5: {  	s18 =	simm.s32 $0x5980;
	v59 =	vperm.xlane v18, v9;
	v58 =	vadd.s32 v4, v57  }
0x1d6: {  	[tilespmem:s18], [sflag:$0x2] =	stream.indirect_vreg.gather [hbm4b:s16+s4], $0x80, v19, vm0, $0xb8;
	[tilespmem:$0x1CB00] =	vst v63  }
0x1d7: {  	s19 =	simm.s32 $0x5A00;
	v60 =	vperm.xlane v18, v1;
	v19 =	vadd.s32 v4, v59  }
0x1d8: {  	[tilespmem:s19], [sflag:$0x2] =	stream.indirect_vreg.gather [hbm4b:s16+s4], $0x80, v56, vm0, $0xb8;
	[tilespmem:$0x1CB00] =	vst v63  }
0x1d9: {  	s20 =	simm.s32 $0x5A80;
	v62 =	vperm.xlane v18, v10;
	v61 =	vadd.s32 v4, v60  }
0x1da: {  	[tilespmem:s20], [sflag:$0x2] =	stream.indirect_vreg.gather [hbm4b:s16+s4], $0x80, v58, vm0, $0xb8;
	[tilespmem:$0x1CB00] =	vst v63  }
0x1db: {  	v24 =	vperm.xlane v18, v11;
	v63 =	vadd.s32 v4, v62;
	s21 =	simm.s32 $0x5B00  }
0x1dc: {  	[tilespmem:s21], [sflag:$0x2] =	stream.indirect_vreg.gather [hbm4b:s16+s4], $0x80, v19, vm0, $0xb8;
	[tilespmem:$0x1CB00] =	vst v63  }
0x1dd: {  	v25 =	vperm.xlane v18, v12;
	s30 =	simm.s32 $0x5B80;
	v19 =	vadd.s32 v4, v24  }
0x1de: {  	[tilespmem:s30], [sflag:$0x2] =	stream.indirect_vreg.gather [hbm4b:s16+s4], $0x80, v61, vm0, $0xb8;
	[tilespmem:$0x1CB00] =	vst v63  }
0x1df: {  	v27 =	vperm.xlane v18, v13;
	v26 =	vadd.s32 v4, v25;
	s11 =	simm.s32 $0x5C00  }
0x1e0: {  	[tilespmem:s11], [sflag:$0x2] =	stream.indirect_vreg.gather [hbm4b:s16+s4], $0x80, v63, vm0, $0xb8;
	[tilespmem:$0x1CB00] =	vst v63  }
0x1e1: {  	v29 =	vperm.xlane v18, v14;
	v28 =	vadd.s32 v4, v27;
	s18 =	simm.s32 $0x5C80  }
0x1e2: {  	[tilespmem:s18], [sflag:$0x2] =	stream.indirect_vreg.gather [hbm4b:s16+s4], $0x80, v19, vm0, $0xb8;
	[tilespmem:$0x1CB00] =	vst v63  }
0x1e3: {  	v30 =	vperm.xlane v18, v15;
	s19 =	simm.s32 $0x5D00;
	v19 =	vadd.s32 v4, v29  }
0x1e4: {  	[tilespmem:s19], [sflag:$0x2] =	stream.indirect_vreg.gather [hbm4b:s16+s4], $0x80, v26, vm0, $0xb8;
	[tilespmem:$0x1CB00] =	vst v63  }
0x1e5: {  	v32 =	vperm.xlane v18, v16;
	v31 =	vadd.s32 v4, v30;
	s20 =	simm.s32 $0x5D80  }
0x1e6: {  	[tilespmem:s20], [sflag:$0x2] =	stream.indirect_vreg.gather [hbm4b:s16+s4], $0x80, v28, vm0, $0xb8;
	[tilespmem:$0x1CB00] =	vst v63  }
0x1e7: {  	v18 =	vperm.xlane v18, v17;
	v33 =	vadd.s32 v4, v32;
	s21 =	simm.s32 $0x5E00  }
0x1e8: {  	[tilespmem:s21], [sflag:$0x2] =	stream.indirect_vreg.gather [hbm4b:s16+s4], $0x80, v19, vm0, $0xb8;
	[tilespmem:$0x1CB00] =	vst v63  }
0x1e9: {  	v18 =	vadd.s32 v4, v18;
	s30 =	simm.s32 $0x5E80  }
0x1ea: {  	[tilespmem:s30], [sflag:$0x2] =	stream.indirect_vreg.gather [hbm4b:s16+s4], $0x80, v31, vm0, $0xb8;
	[tilespmem:$0x1CB00] =	vst v63  }
0x1eb: {  	s11 =	simm.s32 $0x5F00  }
0x1ec: {  	[tilespmem:s11], [sflag:$0x2] =	stream.indirect_vreg.gather [hbm4b:s16+s4], $0x80, v33, vm0, $0xb8;
	[tilespmem:$0x1CB00] =	vst v63  }
0x1ed: {  	s18 =	simm.s32 $0x5F80  }
0x1ee: {  	[tilespmem:s18], [sflag:$0x2] =	stream.indirect_vreg.gather [hbm4b:s16+s4], $0x80, v18, vm0, $0xb8;
	[tilespmem:$0x1CB00] =	vst v63  }
0x1ef: {  	v18 =	vld [tilespmem:$0x130];
	_ =	sdelay $0x4  }
0x1f0: {  	v19 =	vshll.u32 v18, $0x1  }
0x1f1: {  	v18 =	vand.u32 $0x7, v18;
	v19 =	vand.u32 $0xFFFFFFF0, v19  }
0x1f2: {  	v18 =	vor.u32 v18, v19  }
0x1f3: {  	v19 =	vperm.xlane v18, v3;
	_ =	sdelay $0x1  }
0x1f4: {  	v34 =	vperm.xlane v18, v2;
	v19 =	vadd.s32 v4, v19;
	_ =	sdelay $0x1  }
0x1f5: {  	v35 =	vperm.xlane v18, v5;
	v20 =	vadd.s32 v4, v34;
	_ =	sdelay $0x1  }
0x1f6: {  	s19 =	simm.s32 $0x6000;
	v36 =	vperm.xlane v18, v6;
	v21 =	vadd.s32 v4, v35  }
0x1f7: {  	[tilespmem:s19], [sflag:$0x2] =	stream.indirect_vreg.gather [hbm4b:s16+s4], $0x80, v19, vm0, $0xb8;
	[tilespmem:$0x1CB00] =	vst v63  }
0x1f8: {  	s20 =	simm.s32 $0x6080;
	v37 =	vperm.xlane v18, v7;
	v19 =	vadd.s32 v4, v36  }
0x1f9: {  	[tilespmem:s20], [sflag:$0x2] =	stream.indirect_vreg.gather [hbm4b:s16+s4], $0x80, v20, vm0, $0xb8;
	[tilespmem:$0x1CB00] =	vst v63  }
0x1fa: {  	s21 =	simm.s32 $0x6100;
	v39 =	vperm.xlane v18, v8;
	v38 =	vadd.s32 v4, v37  }
0x1fb: {  	[tilespmem:s21], [sflag:$0x2] =	stream.indirect_vreg.gather [hbm4b:s16+s4], $0x80, v21, vm0, $0xb8;
	[tilespmem:$0x1CB00] =	vst v63  }
0x1fc: {  	s30 =	simm.s32 $0x6180;
	v41 =	vperm.xlane v18, v9;
	v40 =	vadd.s32 v4, v39  }
0x1fd: {  	[tilespmem:s30], [sflag:$0x2] =	stream.indirect_vreg.gather [hbm4b:s16+s4], $0x80, v19, vm0, $0xb8;
	[tilespmem:$0x1CB00] =	vst v63  }
0x1fe: {  	s11 =	simm.s32 $0x6200;
	v42 =	vperm.xlane v18, v1;
	v19 =	vadd.s32 v4, v41  }
0x1ff: {  	[tilespmem:s11], [sflag:$0x2] =	stream.indirect_vreg.gather [hbm4b:s16+s4], $0x80, v38, vm0, $0xb8;
	[tilespmem:$0x1CB00] =	vst v63  }
0x200: {  	s18 =	simm.s32 $0x6280;
	v44 =	vperm.xlane v18, v10;
	v43 =	vadd.s32 v4, v42  }
0x201: {  	[tilespmem:s18], [sflag:$0x2] =	stream.indirect_vreg.gather [hbm4b:s16+s4], $0x80, v40, vm0, $0xb8;
	[tilespmem:$0x1CB00] =	vst v63  }
0x202: {  	v46 =	vperm.xlane v18, v11;
	v45 =	vadd.s32 v4, v44;
	s19 =	simm.s32 $0x6300  }
0x203: {  	[tilespmem:s19], [sflag:$0x2] =	stream.indirect_vreg.gather [hbm4b:s16+s4], $0x80, v19, vm0, $0xb8;
	[tilespmem:$0x1CB00] =	vst v63  }
0x204: {  	v47 =	vperm.xlane v18, v12;
	s20 =	simm.s32 $0x6380;
	v19 =	vadd.s32 v4, v46  }
0x205: {  	[tilespmem:s20], [sflag:$0x2] =	stream.indirect_vreg.gather [hbm4b:s16+s4], $0x80, v43, vm0, $0xb8;
	[tilespmem:$0x1CB00] =	vst v63  }
0x206: {  	v49 =	vperm.xlane v18, v13;
	v48 =	vadd.s32 v4, v47;
	s21 =	simm.s32 $0x6400  }
0x207: {  	[tilespmem:s21], [sflag:$0x2] =	stream.indirect_vreg.gather [hbm4b:s16+s4], $0x80, v45, vm0, $0xb8;
	[tilespmem:$0x1CB00] =	vst v63  }
0x208: {  	v51 =	vperm.xlane v18, v14;
	v50 =	vadd.s32 v4, v49;
	s30 =	simm.s32 $0x6480  }
0x209: {  	[tilespmem:s30], [sflag:$0x2] =	stream.indirect_vreg.gather [hbm4b:s16+s4], $0x80, v19, vm0, $0xb8;
	[tilespmem:$0x1CB00] =	vst v63  }
0x20a: {  	v52 =	vperm.xlane v18, v15;
	s11 =	simm.s32 $0x6500;
	v19 =	vadd.s32 v4, v51  }
0x20b: {  	[tilespmem:s11], [sflag:$0x2] =	stream.indirect_vreg.gather [hbm4b:s16+s4], $0x80, v48, vm0, $0xb8;
	[tilespmem:$0x1CB00] =	vst v63  }
0x20c: {  	v54 =	vperm.xlane v18, v16;
	v53 =	vadd.s32 v4, v52;
	s18 =	simm.s32 $0x6580  }
0x20d: {  	[tilespmem:s18], [sflag:$0x2] =	stream.indirect_vreg.gather [hbm4b:s16+s4], $0x80, v50, vm0, $0xb8;
	[tilespmem:$0x1CB00] =	vst v63  }
0x20e: {  	v18 =	vperm.xlane v18, v17;
	v55 =	vadd.s32 v4, v54;
	s19 =	simm.s32 $0x6600  }
0x20f: {  	[tilespmem:s19], [sflag:$0x2] =	stream.indirect_vreg.gather [hbm4b:s16+s4], $0x80, v19, vm0, $0xb8;
	[tilespmem:$0x1CB00] =	vst v63  }
0x210: {  	v18 =	vadd.s32 v4, v18;
	s20 =	simm.s32 $0x6680  }
0x211: {  	[tilespmem:s20], [sflag:$0x2] =	stream.indirect_vreg.gather [hbm4b:s16+s4], $0x80, v53, vm0, $0xb8;
	[tilespmem:$0x1CB00] =	vst v63  }
0x212: {  	s21 =	simm.s32 $0x6700  }
0x213: {  	[tilespmem:s21], [sflag:$0x2] =	stream.indirect_vreg.gather [hbm4b:s16+s4], $0x80, v55, vm0, $0xb8;
	[tilespmem:$0x1CB00] =	vst v63  }
0x214: {  	s30 =	simm.s32 $0x6780  }
0x215: {  	[tilespmem:s30], [sflag:$0x2] =	stream.indirect_vreg.gather [hbm4b:s16+s4], $0x80, v18, vm0, $0xb8;
	[tilespmem:$0x1CB00] =	vst v63  }
0x216: {  	v18 =	vld [tilespmem:$0x140];
	_ =	sdelay $0x4  }
0x217: {  	v19 =	vshll.u32 v18, $0x1  }
0x218: {  	v18 =	vand.u32 $0x7, v18;
	v19 =	vand.u32 $0xFFFFFFF0, v19  }
0x219: {  	v18 =	vor.u32 v18, v19  }
0x21a: {  	v19 =	vperm.xlane v18, v3;
	_ =	sdelay $0x1  }
0x21b: {  	v56 =	vperm.xlane v18, v2;
	v19 =	vadd.s32 v4, v19;
	_ =	sdelay $0x1  }
0x21c: {  	v57 =	vperm.xlane v18, v5;
	v20 =	vadd.s32 v4, v56;
	_ =	sdelay $0x1  }
0x21d: {  	s11 =	simm.s32 $0x6800;
	v58 =	vperm.xlane v18, v6;
	v21 =	vadd.s32 v4, v57  }
0x21e: {  	[tilespmem:s11], [sflag:$0x2] =	stream.indirect_vreg.gather [hbm4b:s16+s4], $0x80, v19, vm0, $0xb8;
	[tilespmem:$0x1CB00] =	vst v63  }
0x21f: {  	s18 =	simm.s32 $0x6880;
	v59 =	vperm.xlane v18, v7;
	v19 =	vadd.s32 v4, v58  }
0x220: {  	[tilespmem:s18], [sflag:$0x2] =	stream.indirect_vreg.gather [hbm4b:s16+s4], $0x80, v20, vm0, $0xb8;
	[tilespmem:$0x1CB00] =	vst v63  }
0x221: {  	s19 =	simm.s32 $0x6900;
	v61 =	vperm.xlane v18, v8;
	v60 =	vadd.s32 v4, v59  }
0x222: {  	[tilespmem:s19], [sflag:$0x2] =	stream.indirect_vreg.gather [hbm4b:s16+s4], $0x80, v21, vm0, $0xb8;
	[tilespmem:$0x1CB00] =	vst v63  }
0x223: {  	s20 =	simm.s32 $0x6980;
	v63 =	vperm.xlane v18, v9;
	v62 =	vadd.s32 v4, v61  }
0x224: {  	[tilespmem:s20], [sflag:$0x2] =	stream.indirect_vreg.gather [hbm4b:s16+s4], $0x80, v19, vm0, $0xb8;
	[tilespmem:$0x1CB00] =	vst v63  }
0x225: {  	s21 =	simm.s32 $0x6A00;
	v24 =	vperm.xlane v18, v1;
	v19 =	vadd.s32 v4, v63  }
0x226: {  	[tilespmem:s21], [sflag:$0x2] =	stream.indirect_vreg.gather [hbm4b:s16+s4], $0x80, v60, vm0, $0xb8;
	[tilespmem:$0x1CB00] =	vst v63  }
0x227: {  	s30 =	simm.s32 $0x6A80;
	v26 =	vperm.xlane v18, v10;
	v25 =	vadd.s32 v4, v24  }
0x228: {  	[tilespmem:s30], [sflag:$0x2] =	stream.indirect_vreg.gather [hbm4b:s16+s4], $0x80, v62, vm0, $0xb8;
	[tilespmem:$0x1CB00] =	vst v63  }
0x229: {  	v28 =	vperm.xlane v18, v11;
	v27 =	vadd.s32 v4, v26;
	s11 =	simm.s32 $0x6B00  }
0x22a: {  	[tilespmem:s11], [sflag:$0x2] =	stream.indirect_vreg.gather [hbm4b:s16+s4], $0x80, v19, vm0, $0xb8;
	[tilespmem:$0x1CB00] =	vst v63  }
0x22b: {  	v29 =	vperm.xlane v18, v12;
	s18 =	simm.s32 $0x6B80;
	v19 =	vadd.s32 v4, v28  }
0x22c: {  	[tilespmem:s18], [sflag:$0x2] =	stream.indirect_vreg.gather [hbm4b:s16+s4], $0x80, v25, vm0, $0xb8;
	[tilespmem:$0x1CB00] =	vst v63  }
0x22d: {  	v31 =	vperm.xlane v18, v13;
	v30 =	vadd.s32 v4, v29;
	s19 =	simm.s32 $0x6C00  }
0x22e: {  	[tilespmem:s19], [sflag:$0x2] =	stream.indirect_vreg.gather [hbm4b:s16+s4], $0x80, v27, vm0, $0xb8;
	[tilespmem:$0x1CB00] =	vst v63  }
0x22f: {  	v33 =	vperm.xlane v18, v14;
	v32 =	vadd.s32 v4, v31;
	s20 =	simm.s32 $0x6C80  }
0x230: {  	[tilespmem:s20], [sflag:$0x2] =	stream.indirect_vreg.gather [hbm4b:s16+s4], $0x80, v19, vm0, $0xb8;
	[tilespmem:$0x1CB00] =	vst v63  }
0x231: {  	v34 =	vperm.xlane v18, v15;
	s21 =	simm.s32 $0x6D00;
	v19 =	vadd.s32 v4, v33  }
0x232: {  	[tilespmem:s21], [sflag:$0x2] =	stream.indirect_vreg.gather [hbm4b:s16+s4], $0x80, v30, vm0, $0xb8;
	[tilespmem:$0x1CB00] =	vst v63  }
0x233: {  	v36 =	vperm.xlane v18, v16;
	v35 =	vadd.s32 v4, v34;
	s30 =	simm.s32 $0x6D80  }
0x234: {  	[tilespmem:s30], [sflag:$0x2] =	stream.indirect_vreg.gather [hbm4b:s16+s4], $0x80, v32, vm0, $0xb8;
	[tilespmem:$0x1CB00] =	vst v63  }
0x235: {  	v18 =	vperm.xlane v18, v17;
	v37 =	vadd.s32 v4, v36;
	s11 =	simm.s32 $0x6E00  }
0x236: {  	[tilespmem:s11], [sflag:$0x2] =	stream.indirect_vreg.gather [hbm4b:s16+s4], $0x80, v19, vm0, $0xb8;
	[tilespmem:$0x1CB00] =	vst v63  }
0x237: {  	v18 =	vadd.s32 v4, v18;
	s18 =	simm.s32 $0x6E80  }
0x238: {  	[tilespmem:s18], [sflag:$0x2] =	stream.indirect_vreg.gather [hbm4b:s16+s4], $0x80, v35, vm0, $0xb8;
	[tilespmem:$0x1CB00] =	vst v63  }
0x239: {  	s19 =	simm.s32 $0x6F00  }
0x23a: {  	[tilespmem:s19], [sflag:$0x2] =	stream.indirect_vreg.gather [hbm4b:s16+s4], $0x80, v37, vm0, $0xb8;
	[tilespmem:$0x1CB00] =	vst v63  }
0x23b: {  	s20 =	simm.s32 $0x6F80  }
0x23c: {  	[tilespmem:s20], [sflag:$0x2] =	stream.indirect_vreg.gather [hbm4b:s16+s4], $0x80, v18, vm0, $0xb8;
	[tilespmem:$0x1CB00] =	vst v63  }
0x23d: {  	v18 =	vld [tilespmem:$0x150];
	_ =	sdelay $0x4  }
0x23e: {  	v19 =	vshll.u32 v18, $0x1  }
0x23f: {  	v18 =	vand.u32 $0x7, v18;
	v19 =	vand.u32 $0xFFFFFFF0, v19  }
0x240: {  	v18 =	vor.u32 v18, v19  }
0x241: {  	v19 =	vperm.xlane v18, v3;
	_ =	sdelay $0x1  }
0x242: {  	v38 =	vperm.xlane v18, v2;
	v19 =	vadd.s32 v4, v19;
	_ =	sdelay $0x1  }
0x243: {  	v39 =	vperm.xlane v18, v5;
	v20 =	vadd.s32 v4, v38;
	_ =	sdelay $0x1  }
0x244: {  	s21 =	simm.s32 $0x7000;
	v40 =	vperm.xlane v18, v6;
	v21 =	vadd.s32 v4, v39  }
0x245: {  	[tilespmem:s21], [sflag:$0x2] =	stream.indirect_vreg.gather [hbm4b:s16+s4], $0x80, v19, vm0, $0xb8;
	[tilespmem:$0x1CB00] =	vst v63  }
0x246: {  	s30 =	simm.s32 $0x7080;
	v41 =	vperm.xlane v18, v7;
	v19 =	vadd.s32 v4, v40  }
0x247: {  	[tilespmem:s30], [sflag:$0x2] =	stream.indirect_vreg.gather [hbm4b:s16+s4], $0x80, v20, vm0, $0xb8;
	[tilespmem:$0x1CB00] =	vst v63  }
0x248: {  	s11 =	simm.s32 $0x7100;
	v43 =	vperm.xlane v18, v8;
	v42 =	vadd.s32 v4, v41  }
0x249: {  	[tilespmem:s11], [sflag:$0x2] =	stream.indirect_vreg.gather [hbm4b:s16+s4], $0x80, v21, vm0, $0xb8;
	[tilespmem:$0x1CB00] =	vst v63  }
0x24a: {  	s18 =	simm.s32 $0x7180;
	v45 =	vperm.xlane v18, v9;
	v44 =	vadd.s32 v4, v43  }
0x24b: {  	[tilespmem:s18], [sflag:$0x2] =	stream.indirect_vreg.gather [hbm4b:s16+s4], $0x80, v19, vm0, $0xb8;
	[tilespmem:$0x1CB00] =	vst v63  }
0x24c: {  	s19 =	simm.s32 $0x7200;
	v46 =	vperm.xlane v18, v1;
	v19 =	vadd.s32 v4, v45  }
0x24d: {  	[tilespmem:s19], [sflag:$0x2] =	stream.indirect_vreg.gather [hbm4b:s16+s4], $0x80, v42, vm0, $0xb8;
	[tilespmem:$0x1CB00] =	vst v63  }
0x24e: {  	s20 =	simm.s32 $0x7280;
	v48 =	vperm.xlane v18, v10;
	v47 =	vadd.s32 v4, v46  }
0x24f: {  	[tilespmem:s20], [sflag:$0x2] =	stream.indirect_vreg.gather [hbm4b:s16+s4], $0x80, v44, vm0, $0xb8;
	[tilespmem:$0x1CB00] =	vst v63  }
0x250: {  	v50 =	vperm.xlane v18, v11;
	v49 =	vadd.s32 v4, v48;
	s21 =	simm.s32 $0x7300  }
0x251: {  	[tilespmem:s21], [sflag:$0x2] =	stream.indirect_vreg.gather [hbm4b:s16+s4], $0x80, v19, vm0, $0xb8;
	[tilespmem:$0x1CB00] =	vst v63  }
0x252: {  	v51 =	vperm.xlane v18, v12;
	s30 =	simm.s32 $0x7380;
	v19 =	vadd.s32 v4, v50  }
0x253: {  	[tilespmem:s30], [sflag:$0x2] =	stream.indirect_vreg.gather [hbm4b:s16+s4], $0x80, v47, vm0, $0xb8;
	[tilespmem:$0x1CB00] =	vst v63  }
0x254: {  	v53 =	vperm.xlane v18, v13;
	v52 =	vadd.s32 v4, v51;
	s11 =	simm.s32 $0x7400  }
0x255: {  	[tilespmem:s11], [sflag:$0x2] =	stream.indirect_vreg.gather [hbm4b:s16+s4], $0x80, v49, vm0, $0xb8;
	[tilespmem:$0x1CB00] =	vst v63  }
0x256: {  	v55 =	vperm.xlane v18, v14;
	v54 =	vadd.s32 v4, v53;
	s18 =	simm.s32 $0x7480  }
0x257: {  	[tilespmem:s18], [sflag:$0x2] =	stream.indirect_vreg.gather [hbm4b:s16+s4], $0x80, v19, vm0, $0xb8;
	[tilespmem:$0x1CB00] =	vst v63  }
0x258: {  	v56 =	vperm.xlane v18, v15;
	s19 =	simm.s32 $0x7500;
	v19 =	vadd.s32 v4, v55  }
0x259: {  	[tilespmem:s19], [sflag:$0x2] =	stream.indirect_vreg.gather [hbm4b:s16+s4], $0x80, v52, vm0, $0xb8;
	[tilespmem:$0x1CB00] =	vst v63  }
0x25a: {  	v58 =	vperm.xlane v18, v16;
	v57 =	vadd.s32 v4, v56;
	s20 =	simm.s32 $0x7580  }
0x25b: {  	[tilespmem:s20], [sflag:$0x2] =	stream.indirect_vreg.gather [hbm4b:s16+s4], $0x80, v54, vm0, $0xb8;
	[tilespmem:$0x1CB00] =	vst v63  }
0x25c: {  	v18 =	vperm.xlane v18, v17;
	v59 =	vadd.s32 v4, v58;
	s21 =	simm.s32 $0x7600  }
0x25d: {  	[tilespmem:s21], [sflag:$0x2] =	stream.indirect_vreg.gather [hbm4b:s16+s4], $0x80, v19, vm0, $0xb8;
	[tilespmem:$0x1CB00] =	vst v63  }
0x25e: {  	v18 =	vadd.s32 v4, v18;
	s30 =	simm.s32 $0x7680  }
0x25f: {  	[tilespmem:s30], [sflag:$0x2] =	stream.indirect_vreg.gather [hbm4b:s16+s4], $0x80, v57, vm0, $0xb8;
	[tilespmem:$0x1CB00] =	vst v63  }
0x260: {  	s11 =	simm.s32 $0x7700  }
0x261: {  	[tilespmem:s11], [sflag:$0x2] =	stream.indirect_vreg.gather [hbm4b:s16+s4], $0x80, v59, vm0, $0xb8;
	[tilespmem:$0x1CB00] =	vst v63  }
0x262: {  	s18 =	simm.s32 $0x7780  }
0x263: {  	[tilespmem:s18], [sflag:$0x2] =	stream.indirect_vreg.gather [hbm4b:s16+s4], $0x80, v18, vm0, $0xb8;
	[tilespmem:$0x1CB00] =	vst v63  }
0x264: {  	v18 =	vld [tilespmem:$0x160];
	_ =	sdelay $0x4  }
0x265: {  	v19 =	vshll.u32 v18, $0x1  }
0x266: {  	v18 =	vand.u32 $0x7, v18;
	v19 =	vand.u32 $0xFFFFFFF0, v19  }
0x267: {  	v18 =	vor.u32 v18, v19  }
0x268: {  	v19 =	vperm.xlane v18, v3;
	_ =	sdelay $0x1  }
0x269: {  	v60 =	vperm.xlane v18, v2;
	v19 =	vadd.s32 v4, v19;
	_ =	sdelay $0x1  }
0x26a: {  	v61 =	vperm.xlane v18, v5;
	v20 =	vadd.s32 v4, v60;
	_ =	sdelay $0x1  }
0x26b: {  	s19 =	simm.s32 $0x7800;
	v62 =	vperm.xlane v18, v6;
	v21 =	vadd.s32 v4, v61  }
0x26c: {  	[tilespmem:s19], [sflag:$0x2] =	stream.indirect_vreg.gather [hbm4b:s16+s4], $0x80, v19, vm0, $0xb8;
	[tilespmem:$0x1CB00] =	vst v63  }
0x26d: {  	s20 =	simm.s32 $0x7880;
	v63 =	vperm.xlane v18, v7;
	v19 =	vadd.s32 v4, v62  }
0x26e: {  	[tilespmem:s20], [sflag:$0x2] =	stream.indirect_vreg.gather [hbm4b:s16+s4], $0x80, v20, vm0, $0xb8;
	[tilespmem:$0x1CB00] =	vst v63  }
0x26f: {  	s21 =	simm.s32 $0x7900;
	v25 =	vperm.xlane v18, v8;
	v24 =	vadd.s32 v4, v63  }
0x270: {  	[tilespmem:s21], [sflag:$0x2] =	stream.indirect_vreg.gather [hbm4b:s16+s4], $0x80, v21, vm0, $0xb8;
	[tilespmem:$0x1CB00] =	vst v63  }
0x271: {  	s30 =	simm.s32 $0x7980;
	v27 =	vperm.xlane v18, v9;
	v26 =	vadd.s32 v4, v25  }
0x272: {  	[tilespmem:s30], [sflag:$0x2] =	stream.indirect_vreg.gather [hbm4b:s16+s4], $0x80, v19, vm0, $0xb8;
	[tilespmem:$0x1CB00] =	vst v63  }
0x273: {  	s11 =	simm.s32 $0x7A00;
	v28 =	vperm.xlane v18, v1;
	v19 =	vadd.s32 v4, v27  }
0x274: {  	[tilespmem:s11], [sflag:$0x2] =	stream.indirect_vreg.gather [hbm4b:s16+s4], $0x80, v24, vm0, $0xb8;
	[tilespmem:$0x1CB00] =	vst v63  }
0x275: {  	s18 =	simm.s32 $0x7A80;
	v30 =	vperm.xlane v18, v10;
	v29 =	vadd.s32 v4, v28  }
0x276: {  	[tilespmem:s18], [sflag:$0x2] =	stream.indirect_vreg.gather [hbm4b:s16+s4], $0x80, v26, vm0, $0xb8;
	[tilespmem:$0x1CB00] =	vst v63  }
0x277: {  	v32 =	vperm.xlane v18, v11;
	v31 =	vadd.s32 v4, v30;
	s19 =	simm.s32 $0x7B00  }
0x278: {  	[tilespmem:s19], [sflag:$0x2] =	stream.indirect_vreg.gather [hbm4b:s16+s4], $0x80, v19, vm0, $0xb8;
	[tilespmem:$0x1CB00] =	vst v63  }
0x279: {  	v33 =	vperm.xlane v18, v12;
	s20 =	simm.s32 $0x7B80;
	v19 =	vadd.s32 v4, v32  }
0x27a: {  	[tilespmem:s20], [sflag:$0x2] =	stream.indirect_vreg.gather [hbm4b:s16+s4], $0x80, v29, vm0, $0xb8;
	[tilespmem:$0x1CB00] =	vst v63  }
0x27b: {  	v35 =	vperm.xlane v18, v13;
	v34 =	vadd.s32 v4, v33;
	s21 =	simm.s32 $0x7C00  }
0x27c: {  	[tilespmem:s21], [sflag:$0x2] =	stream.indirect_vreg.gather [hbm4b:s16+s4], $0x80, v31, vm0, $0xb8;
	[tilespmem:$0x1CB00] =	vst v63  }
0x27d: {  	v37 =	vperm.xlane v18, v14;
	v36 =	vadd.s32 v4, v35;
	s30 =	simm.s32 $0x7C80  }
0x27e: {  	[tilespmem:s30], [sflag:$0x2] =	stream.indirect_vreg.gather [hbm4b:s16+s4], $0x80, v19, vm0, $0xb8;
	[tilespmem:$0x1CB00] =	vst v63  }
0x27f: {  	v38 =	vperm.xlane v18, v15;
	s11 =	simm.s32 $0x7D00;
	v19 =	vadd.s32 v4, v37  }
0x280: {  	[tilespmem:s11], [sflag:$0x2] =	stream.indirect_vreg.gather [hbm4b:s16+s4], $0x80, v34, vm0, $0xb8;
	[tilespmem:$0x1CB00] =	vst v63  }
0x281: {  	v40 =	vperm.xlane v18, v16;
	v39 =	vadd.s32 v4, v38;
	s18 =	simm.s32 $0x7D80  }
0x282: {  	[tilespmem:s18], [sflag:$0x2] =	stream.indirect_vreg.gather [hbm4b:s16+s4], $0x80, v36, vm0, $0xb8;
	[tilespmem:$0x1CB00] =	vst v63  }
0x283: {  	v18 =	vperm.xlane v18, v17;
	v41 =	vadd.s32 v4, v40;
	s19 =	simm.s32 $0x7E00  }
0x284: {  	[tilespmem:s19], [sflag:$0x2] =	stream.indirect_vreg.gather [hbm4b:s16+s4], $0x80, v19, vm0, $0xb8;
	[tilespmem:$0x1CB00] =	vst v63  }
0x285: {  	v18 =	vadd.s32 v4, v18;
	s20 =	simm.s32 $0x7E80  }
0x286: {  	[tilespmem:s20], [sflag:$0x2] =	stream.indirect_vreg.gather [hbm4b:s16+s4], $0x80, v39, vm0, $0xb8;
	[tilespmem:$0x1CB00] =	vst v63  }
0x287: {  	s21 =	simm.s32 $0x7F00  }
0x288: {  	[tilespmem:s21], [sflag:$0x2] =	stream.indirect_vreg.gather [hbm4b:s16+s4], $0x80, v41, vm0, $0xb8;
	[tilespmem:$0x1CB00] =	vst v63  }
0x289: {  	_ = 	snop  }
0x28a: {  	[tilespmem:s24], [sflag:$0x2] =	stream.indirect_vreg.gather [hbm4b:s16+s4], $0x80, v18, vm0, $0xb8;
	[tilespmem:$0x1CB00] =	vst v63  }
0x28b: {  	v18 =	vld [tilespmem:$0x170];
	_ =	sdelay $0x4  }
0x28c: {  	v19 =	vshll.u32 v18, $0x1  }
0x28d: {  	v18 =	vand.u32 $0x7, v18;
	v19 =	vand.u32 $0xFFFFFFF0, v19  }
0x28e: {  	v18 =	vor.u32 v18, v19  }
0x28f: {  	v19 =	vperm.xlane v18, v3;
	_ =	sdelay $0x1  }
0x290: {  	v42 =	vperm.xlane v18, v2;
	v19 =	vadd.s32 v4, v19;
	_ =	sdelay $0x1  }
0x291: {  	v43 =	vperm.xlane v18, v5;
	v20 =	vadd.s32 v4, v42;
	_ =	sdelay $0x1  }
0x292: {  	v44 =	vperm.xlane v18, v6;
	v21 =	vadd.s32 v4, v43  }
0x293: {  	[tilespmem:s5], [sflag:$0x2] =	stream.indirect_vreg.gather [hbm4b:s16+s4], $0x80, v19, vm0, $0xb8;
	[tilespmem:$0x1CB00] =	vst v63  }
0x294: {  	v45 =	vperm.xlane v18, v7;
	v19 =	vadd.s32 v4, v44  }
0x295: {  	[tilespmem:s6], [sflag:$0x2] =	stream.indirect_vreg.gather [hbm4b:s16+s4], $0x80, v20, vm0, $0xb8;
	[tilespmem:$0x1CB00] =	vst v63  }
0x296: {  	v47 =	vperm.xlane v18, v8;
	v46 =	vadd.s32 v4, v45  }
0x297: {  	[tilespmem:s9], [sflag:$0x2] =	stream.indirect_vreg.gather [hbm4b:s16+s4], $0x80, v21, vm0, $0xb8;
	[tilespmem:$0x1CB00] =	vst v63  }
0x298: {  	v49 =	vperm.xlane v18, v9;
	v48 =	vadd.s32 v4, v47  }
0x299: {  	[tilespmem:s13], [sflag:$0x2] =	stream.indirect_vreg.gather [hbm4b:s16+s4], $0x80, v19, vm0, $0xb8;
	[tilespmem:$0x1CB00] =	vst v63  }
0x29a: {  	v50 =	vperm.xlane v18, v1;
	v19 =	vadd.s32 v4, v49  }
0x29b: {  	[tilespmem:s15], [sflag:$0x2] =	stream.indirect_vreg.gather [hbm4b:s16+s4], $0x80, v46, vm0, $0xb8;
	[tilespmem:$0x1CB00] =	vst v63  }
0x29c: {  	v52 =	vperm.xlane v18, v10;
	v51 =	vadd.s32 v4, v50  }
0x29d: {  	[tilespmem:s23], [sflag:$0x2] =	stream.indirect_vreg.gather [hbm4b:s16+s4], $0x80, v48, vm0, $0xb8;
	[tilespmem:$0x1CB00] =	vst v63  }
0x29e: {  	v54 =	vperm.xlane v18, v11;
	v53 =	vadd.s32 v4, v52  }
0x29f: {  	[tilespmem:s22], [sflag:$0x2] =	stream.indirect_vreg.gather [hbm4b:s16+s4], $0x80, v19, vm0, $0xb8;
	[tilespmem:$0x1CB00] =	vst v63  }
0x2a0: {  	v55 =	vperm.xlane v18, v12;
	v19 =	vadd.s32 v4, v54  }
0x2a1: {  	[tilespmem:s1], [sflag:$0x2] =	stream.indirect_vreg.gather [hbm4b:s16+s4], $0x80, v51, vm0, $0xb8;
	[tilespmem:$0x1CB00] =	vst v63  }
0x2a2: {  	v57 =	vperm.xlane v18, v13;
	v56 =	vadd.s32 v4, v55  }
0x2a3: {  	[tilespmem:s0], [sflag:$0x2] =	stream.indirect_vreg.gather [hbm4b:s16+s4], $0x80, v53, vm0, $0xb8;
	[tilespmem:$0x1CB00] =	vst v63  }
0x2a4: {  	s30 =	simm.s32 $0x8480;
	v59 =	vperm.xlane v18, v14;
	v58 =	vadd.s32 v4, v57  }
0x2a5: {  	[tilespmem:s30], [sflag:$0x2] =	stream.indirect_vreg.gather [hbm4b:s16+s4], $0x80, v19, vm0, $0xb8;
	[tilespmem:$0x1CB00] =	vst v63  }
0x2a6: {  	s11 =	simm.s32 $0x8500;
	v60 =	vperm.xlane v18, v15;
	v19 =	vadd.s32 v4, v59  }
0x2a7: {  	[tilespmem:s11], [sflag:$0x2] =	stream.indirect_vreg.gather [hbm4b:s16+s4], $0x80, v56, vm0, $0xb8;
	[tilespmem:$0x1CB00] =	vst v63  }
0x2a8: {  	s18 =	simm.s32 $0x8580;
	v62 =	vperm.xlane v18, v16;
	v61 =	vadd.s32 v4, v60  }
0x2a9: {  	[tilespmem:s18], [sflag:$0x2] =	stream.indirect_vreg.gather [hbm4b:s16+s4], $0x80, v58, vm0, $0xb8;
	[tilespmem:$0x1CB00] =	vst v63  }
0x2aa: {  	s19 =	simm.s32 $0x8600;
	v18 =	vperm.xlane v18, v17;
	v63 =	vadd.s32 v4, v62  }
0x2ab: {  	[tilespmem:s19], [sflag:$0x2] =	stream.indirect_vreg.gather [hbm4b:s16+s4], $0x80, v19, vm0, $0xb8;
	[tilespmem:$0x1CB00] =	vst v63  }
0x2ac: {  	s20 =	simm.s32 $0x8680;
	v18 =	vadd.s32 v4, v18  }
0x2ad: {  	[tilespmem:s20], [sflag:$0x2] =	stream.indirect_vreg.gather [hbm4b:s16+s4], $0x80, v61, vm0, $0xb8;
	[tilespmem:$0x1CB00] =	vst v63  }
0x2ae: {  	s21 =	simm.s32 $0x8700  }
0x2af: {  	[tilespmem:s21], [sflag:$0x2] =	stream.indirect_vreg.gather [hbm4b:s16+s4], $0x80, v63, vm0, $0xb8;
	[tilespmem:$0x1CB00] =	vst v63  }
0x2b0: {  	s30 =	simm.s32 $0x8780  }
0x2b1: {  	[tilespmem:s30], [sflag:$0x2] =	stream.indirect_vreg.gather [hbm4b:s16+s4], $0x80, v18, vm0, $0xb8;
	[tilespmem:$0x1CB00] =	vst v63  }
0x2b2: {  	s18 =	simm.s32 $0x0;
	[bflag:$0x0] =	sbarrier.arrive $0xFFFF  }
0x2b3: {  	s20 =	simm.s32 $0x0;
	s21 =	simm.s32 $0x0;
	s19 =	rddreg [dreg:$0x13]  }
.LBB2_2:
0x2b4: {  	_ =	swait.ge [sflag:s14], $0x4000;
	p1 =	slt.u32 s18, s12  }
0x2b5: {  	s11 =	sand.u32 $0x600, s20;
	[sflag:s14] =	ssyncset.done $0x0;
	p2 =	sge.u32 @!p1 s18, s17  }
0x2b6: {  	s7 =	sor.u32 $0x80, s11;
	[sflag:s14] =	ssyncadd.s32 $0xFFFFC000;
	p1 =	por p1, p2  }
0x2b7: {  	[spmem:s2] =	stream.indirect.scatter.add.f32 [tilespmem:s29], [sflag:$0x3], $0x80, s7, s10, $0xb8;
	[tilespmem:$0x1CB00] =	vst v63  }
0x2b8: {  	_ =	swait.ge @p1 [sflag:s26], $0x4000  }
0x2b9: {  	[sflag:s26] =	ssyncset.done @p1 $0x0  }
0x2ba: {  	[sflag:s26] =	ssyncadd.s32 @p1 $0xFFFFC000  }
0x2bb: {  	[spmem:s3] =	stream.indirect.scatter.add.f32 @!p1 [tilespmem:s8], [sflag:$0x4], $0x1, s7, s10, $0xb8;
	[tilespmem:$0x1CB00] =	vst v63  }
0x2bc: {  	_ =	swait.ge @!p1 [sflag:s26], $0x4000  }
0x2bd: {  	[sflag:s26] =	ssyncset.done @!p1 $0x0  }
0x2be: {  	[sflag:s26] =	ssyncadd.s32 @!p1 $0xFFFFC000  }
0x2bf: {  	_ =	swait.ge @!p1 [sflag:s25], $0x80  }
0x2c0: {  	[sflag:s25] =	ssyncset.done @!p1 $0x0  }
0x2c1: {  	[sflag:s25] =	ssyncadd.s32 @!p1 $0xFFFFFF80  }
0x2c2: {  	_ =	swait.ge [sflag:s28], $0x200  }
0x2c3: {  	s20 =	sadd.s32 $0x200, s20;
	[sflag:s28] =	ssyncset.done $0x0  }
0x2c4: {  	s7 =	sand.u32 $0x600, s20;
	[sflag:s28] =	ssyncadd.s32 $0xFFFFFE00  }
0x2c5: {  	v18 =	vld [tilespmem:s7+$0x0];
	_ =	sdelay $0x4  }
0x2c6: {  	v19 =	vshll.u32 v18, $0x1  }
0x2c7: {  	v18 =	vand.u32 $0x7, v18;
	v19 =	vand.u32 $0xFFFFFFF0, v19  }
0x2c8: {  	v18 =	vor.u32 v18, v19  }
0x2c9: {  	v19 =	vperm.xlane v18, v3;
	_ =	sdelay $0x1  }
0x2ca: {  	v20 =	vperm.xlane v18, v2;
	v19 =	vadd.s32 v4, v19;
	_ =	sdelay $0x1  }
0x2cb: {  	v21 =	vperm.xlane v18, v5;
	v20 =	vadd.s32 v4, v20;
	_ =	sdelay $0x1  }
0x2cc: {  	v22 =	vperm.xlane v18, v6;
	v21 =	vadd.s32 v4, v21  }
0x2cd: {  	[tilespmem:s29], [sflag:$0x2] =	stream.indirect_vreg.gather [hbm4b:s16+s4], $0x80, v19, vm0, $0xb8;
	[tilespmem:$0x1CB00] =	vst v63  }
0x2ce: {  	s30 =	simm.s32 $0x880;
	v35 =	vperm.xlane v18, v7;
	v19 =	vadd.s32 v4, v22  }
0x2cf: {  	[tilespmem:s30], [sflag:$0x2] =	stream.indirect_vreg.gather [hbm4b:s16+s4], $0x80, v20, vm0, $0xb8;
	[tilespmem:$0x1CB00] =	vst v63  }
0x2d0: {  	v37 =	vperm.xlane v18, v8;
	v36 =	vadd.s32 v4, v35;
	s30 =	simm.s32 $0x900  }
0x2d1: {  	[tilespmem:s30], [sflag:$0x2] =	stream.indirect_vreg.gather [hbm4b:s16+s4], $0x80, v21, vm0, $0xb8;
	[tilespmem:$0x1CB00] =	vst v63  }
0x2d2: {  	v39 =	vperm.xlane v18, v9;
	v38 =	vadd.s32 v4, v37;
	s30 =	simm.s32 $0x980  }
0x2d3: {  	[tilespmem:s30], [sflag:$0x2] =	stream.indirect_vreg.gather [hbm4b:s16+s4], $0x80, v19, vm0, $0xb8;
	[tilespmem:$0x1CB00] =	vst v63  }
0x2d4: {  	v40 =	vperm.xlane v18, v1;
	v19 =	vadd.s32 v4, v39;
	s30 =	simm.s32 $0xA00  }
0x2d5: {  	[tilespmem:s30], [sflag:$0x2] =	stream.indirect_vreg.gather [hbm4b:s16+s4], $0x80, v36, vm0, $0xb8;
	[tilespmem:$0x1CB00] =	vst v63  }
0x2d6: {  	v42 =	vperm.xlane v18, v10;
	v41 =	vadd.s32 v4, v40;
	s30 =	simm.s32 $0xA80  }
0x2d7: {  	[tilespmem:s30], [sflag:$0x2] =	stream.indirect_vreg.gather [hbm4b:s16+s4], $0x80, v38, vm0, $0xb8;
	[tilespmem:$0x1CB00] =	vst v63  }
0x2d8: {  	v44 =	vperm.xlane v18, v11;
	v43 =	vadd.s32 v4, v42;
	s30 =	simm.s32 $0xB00  }
0x2d9: {  	[tilespmem:s30], [sflag:$0x2] =	stream.indirect_vreg.gather [hbm4b:s16+s4], $0x80, v19, vm0, $0xb8;
	[tilespmem:$0x1CB00] =	vst v63  }
0x2da: {  	v45 =	vperm.xlane v18, v12;
	v19 =	vadd.s32 v4, v44;
	s30 =	simm.s32 $0xB80  }
0x2db: {  	[tilespmem:s30], [sflag:$0x2] =	stream.indirect_vreg.gather [hbm4b:s16+s4], $0x80, v41, vm0, $0xb8;
	[tilespmem:$0x1CB00] =	vst v63  }
0x2dc: {  	v47 =	vperm.xlane v18, v13;
	v46 =	vadd.s32 v4, v45;
	s30 =	simm.s32 $0xC00  }
0x2dd: {  	[tilespmem:s30], [sflag:$0x2] =	stream.indirect_vreg.gather [hbm4b:s16+s4], $0x80, v43, vm0, $0xb8;
	[tilespmem:$0x1CB00] =	vst v63  }
0x2de: {  	v49 =	vperm.xlane v18, v14;
	v48 =	vadd.s32 v4, v47;
	s30 =	simm.s32 $0xC80  }
0x2df: {  	[tilespmem:s30], [sflag:$0x2] =	stream.indirect_vreg.gather [hbm4b:s16+s4], $0x80, v19, vm0, $0xb8;
	[tilespmem:$0x1CB00] =	vst v63  }
0x2e0: {  	v50 =	vperm.xlane v18, v15;
	v19 =	vadd.s32 v4, v49;
	s30 =	simm.s32 $0xD00  }
0x2e1: {  	[tilespmem:s30], [sflag:$0x2] =	stream.indirect_vreg.gather [hbm4b:s16+s4], $0x80, v46, vm0, $0xb8;
	[tilespmem:$0x1CB00] =	vst v63  }
0x2e2: {  	v52 =	vperm.xlane v18, v16;
	v51 =	vadd.s32 v4, v50;
	s30 =	simm.s32 $0xD80  }
0x2e3: {  	[tilespmem:s30], [sflag:$0x2] =	stream.indirect_vreg.gather [hbm4b:s16+s4], $0x80, v48, vm0, $0xb8;
	[tilespmem:$0x1CB00] =	vst v63  }
0x2e4: {  	v18 =	vperm.xlane v18, v17;
	v53 =	vadd.s32 v4, v52;
	s30 =	simm.s32 $0xE00  }
0x2e5: {  	[tilespmem:s30], [sflag:$0x2] =	stream.indirect_vreg.gather [hbm4b:s16+s4], $0x80, v19, vm0, $0xb8;
	[tilespmem:$0x1CB00] =	vst v63  }
0x2e6: {  	v18 =	vadd.s32 v4, v18;
	s30 =	simm.s32 $0xE80  }
0x2e7: {  	[tilespmem:s30], [sflag:$0x2] =	stream.indirect_vreg.gather [hbm4b:s16+s4], $0x80, v51, vm0, $0xb8;
	[tilespmem:$0x1CB00] =	vst v63  }
0x2e8: {  	s30 =	simm.s32 $0xF00  }
0x2e9: {  	[tilespmem:s30], [sflag:$0x2] =	stream.indirect_vreg.gather [hbm4b:s16+s4], $0x80, v53, vm0, $0xb8;
	[tilespmem:$0x1CB00] =	vst v63  }
0x2ea: {  	s30 =	simm.s32 $0xF80  }
0x2eb: {  	[tilespmem:s30], [sflag:$0x2] =	stream.indirect_vreg.gather [hbm4b:s16+s4], $0x80, v18, vm0, $0xb8;
	[tilespmem:$0x1CB00] =	vst v63  }
0x2ec: {  	v18 =	vld [tilespmem:s7+$0x10];
	_ =	sdelay $0x4  }
0x2ed: {  	v19 =	vshll.u32 v18, $0x1  }
0x2ee: {  	v18 =	vand.u32 $0x7, v18;
	v19 =	vand.u32 $0xFFFFFFF0, v19  }
0x2ef: {  	v18 =	vor.u32 v18, v19  }
0x2f0: {  	v19 =	vperm.xlane v18, v3;
	_ =	sdelay $0x1  }
0x2f1: {  	v54 =	vperm.xlane v18, v2;
	v19 =	vadd.s32 v4, v19;
	_ =	sdelay $0x1  }
0x2f2: {  	v55 =	vperm.xlane v18, v5;
	v20 =	vadd.s32 v4, v54;
	_ =	sdelay $0x1  }
0x2f3: {  	s30 =	simm.s32 $0x1000;
	v56 =	vperm.xlane v18, v6;
	v21 =	vadd.s32 v4, v55  }
0x2f4: {  	[tilespmem:s30], [sflag:$0x2] =	stream.indirect_vreg.gather [hbm4b:s16+s4], $0x80, v19, vm0, $0xb8;
	[tilespmem:$0x1CB00] =	vst v63  }
0x2f5: {  	v57 =	vperm.xlane v18, v7;
	v19 =	vadd.s32 v4, v56;
	s30 =	simm.s32 $0x1080  }
0x2f6: {  	[tilespmem:s30], [sflag:$0x2] =	stream.indirect_vreg.gather [hbm4b:s16+s4], $0x80, v20, vm0, $0xb8;
	[tilespmem:$0x1CB00] =	vst v63  }
0x2f7: {  	v59 =	vperm.xlane v18, v8;
	v58 =	vadd.s32 v4, v57;
	s30 =	simm.s32 $0x1100  }
0x2f8: {  	[tilespmem:s30], [sflag:$0x2] =	stream.indirect_vreg.gather [hbm4b:s16+s4], $0x80, v21, vm0, $0xb8;
	[tilespmem:$0x1CB00] =	vst v63  }
0x2f9: {  	v61 =	vperm.xlane v18, v9;
	v60 =	vadd.s32 v4, v59;
	s30 =	simm.s32 $0x1180  }
0x2fa: {  	[tilespmem:s30], [sflag:$0x2] =	stream.indirect_vreg.gather [hbm4b:s16+s4], $0x80, v19, vm0, $0xb8;
	[tilespmem:$0x1CB00] =	vst v63  }
0x2fb: {  	v62 =	vperm.xlane v18, v1;
	v19 =	vadd.s32 v4, v61;
	s30 =	simm.s32 $0x1200  }
0x2fc: {  	[tilespmem:s30], [sflag:$0x2] =	stream.indirect_vreg.gather [hbm4b:s16+s4], $0x80, v58, vm0, $0xb8;
	[tilespmem:$0x1CB00] =	vst v63  }
0x2fd: {  	v24 =	vperm.xlane v18, v10;
	v63 =	vadd.s32 v4, v62;
	s30 =	simm.s32 $0x1280  }
0x2fe: {  	[tilespmem:s30], [sflag:$0x2] =	stream.indirect_vreg.gather [hbm4b:s16+s4], $0x80, v60, vm0, $0xb8;
	[tilespmem:$0x1CB00] =	vst v63  }
0x2ff: {  	v26 =	vperm.xlane v18, v11;
	v25 =	vadd.s32 v4, v24;
	s30 =	simm.s32 $0x1300  }
0x300: {  	[tilespmem:s30], [sflag:$0x2] =	stream.indirect_vreg.gather [hbm4b:s16+s4], $0x80, v19, vm0, $0xb8;
	[tilespmem:$0x1CB00] =	vst v63  }
0x301: {  	v27 =	vperm.xlane v18, v12;
	v19 =	vadd.s32 v4, v26;
	s30 =	simm.s32 $0x1380  }
0x302: {  	[tilespmem:s30], [sflag:$0x2] =	stream.indirect_vreg.gather [hbm4b:s16+s4], $0x80, v63, vm0, $0xb8;
	[tilespmem:$0x1CB00] =	vst v63  }
0x303: {  	v29 =	vperm.xlane v18, v13;
	v28 =	vadd.s32 v4, v27;
	s30 =	simm.s32 $0x1400  }
0x304: {  	[tilespmem:s30], [sflag:$0x2] =	stream.indirect_vreg.gather [hbm4b:s16+s4], $0x80, v25, vm0, $0xb8;
	[tilespmem:$0x1CB00] =	vst v63  }
0x305: {  	v31 =	vperm.xlane v18, v14;
	v30 =	vadd.s32 v4, v29;
	s30 =	simm.s32 $0x1480  }
0x306: {  	[tilespmem:s30], [sflag:$0x2] =	stream.indirect_vreg.gather [hbm4b:s16+s4], $0x80, v19, vm0, $0xb8;
	[tilespmem:$0x1CB00] =	vst v63  }
0x307: {  	v32 =	vperm.xlane v18, v15;
	v19 =	vadd.s32 v4, v31;
	s30 =	simm.s32 $0x1500  }
0x308: {  	[tilespmem:s30], [sflag:$0x2] =	stream.indirect_vreg.gather [hbm4b:s16+s4], $0x80, v28, vm0, $0xb8;
	[tilespmem:$0x1CB00] =	vst v63  }
0x309: {  	v34 =	vperm.xlane v18, v16;
	v33 =	vadd.s32 v4, v32;
	s30 =	simm.s32 $0x1580  }
0x30a: {  	[tilespmem:s30], [sflag:$0x2] =	stream.indirect_vreg.gather [hbm4b:s16+s4], $0x80, v30, vm0, $0xb8;
	[tilespmem:$0x1CB00] =	vst v63  }
0x30b: {  	v18 =	vperm.xlane v18, v17;
	v35 =	vadd.s32 v4, v34;
	s30 =	simm.s32 $0x1600  }
0x30c: {  	[tilespmem:s30], [sflag:$0x2] =	stream.indirect_vreg.gather [hbm4b:s16+s4], $0x80, v19, vm0, $0xb8;
	[tilespmem:$0x1CB00] =	vst v63  }
0x30d: {  	v18 =	vadd.s32 v4, v18;
	s30 =	simm.s32 $0x1680  }
0x30e: {  	[tilespmem:s30], [sflag:$0x2] =	stream.indirect_vreg.gather [hbm4b:s16+s4], $0x80, v33, vm0, $0xb8;
	[tilespmem:$0x1CB00] =	vst v63  }
0x30f: {  	s30 =	simm.s32 $0x1700  }
0x310: {  	[tilespmem:s30], [sflag:$0x2] =	stream.indirect_vreg.gather [hbm4b:s16+s4], $0x80, v35, vm0, $0xb8;
	[tilespmem:$0x1CB00] =	vst v63  }
0x311: {  	s30 =	simm.s32 $0x1780  }
0x312: {  	[tilespmem:s30], [sflag:$0x2] =	stream.indirect_vreg.gather [hbm4b:s16+s4], $0x80, v18, vm0, $0xb8;
	[tilespmem:$0x1CB00] =	vst v63  }
0x313: {  	v18 =	vld [tilespmem:s7+$0x20];
	_ =	sdelay $0x4  }
0x314: {  	v19 =	vshll.u32 v18, $0x1  }
0x315: {  	v18 =	vand.u32 $0x7, v18;
	v19 =	vand.u32 $0xFFFFFFF0, v19  }
0x316: {  	v18 =	vor.u32 v18, v19  }
0x317: {  	v19 =	vperm.xlane v18, v3;
	_ =	sdelay $0x1  }
0x318: {  	v36 =	vperm.xlane v18, v2;
	v19 =	vadd.s32 v4, v19;
	_ =	sdelay $0x1  }
0x319: {  	v37 =	vperm.xlane v18, v5;
	v20 =	vadd.s32 v4, v36;
	_ =	sdelay $0x1  }
0x31a: {  	s30 =	simm.s32 $0x1800;
	v38 =	vperm.xlane v18, v6;
	v21 =	vadd.s32 v4, v37  }
0x31b: {  	[tilespmem:s30], [sflag:$0x2] =	stream.indirect_vreg.gather [hbm4b:s16+s4], $0x80, v19, vm0, $0xb8;
	[tilespmem:$0x1CB00] =	vst v63  }
0x31c: {  	v39 =	vperm.xlane v18, v7;
	v19 =	vadd.s32 v4, v38;
	s30 =	simm.s32 $0x1880  }
0x31d: {  	[tilespmem:s30], [sflag:$0x2] =	stream.indirect_vreg.gather [hbm4b:s16+s4], $0x80, v20, vm0, $0xb8;
	[tilespmem:$0x1CB00] =	vst v63  }
0x31e: {  	v41 =	vperm.xlane v18, v8;
	v40 =	vadd.s32 v4, v39;
	s30 =	simm.s32 $0x1900  }
0x31f: {  	[tilespmem:s30], [sflag:$0x2] =	stream.indirect_vreg.gather [hbm4b:s16+s4], $0x80, v21, vm0, $0xb8;
	[tilespmem:$0x1CB00] =	vst v63  }
0x320: {  	v43 =	vperm.xlane v18, v9;
	v42 =	vadd.s32 v4, v41;
	s30 =	simm.s32 $0x1980  }
0x321: {  	[tilespmem:s30], [sflag:$0x2] =	stream.indirect_vreg.gather [hbm4b:s16+s4], $0x80, v19, vm0, $0xb8;
	[tilespmem:$0x1CB00] =	vst v63  }
0x322: {  	v44 =	vperm.xlane v18, v1;
	v19 =	vadd.s32 v4, v43;
	s30 =	simm.s32 $0x1A00  }
0x323: {  	[tilespmem:s30], [sflag:$0x2] =	stream.indirect_vreg.gather [hbm4b:s16+s4], $0x80, v40, vm0, $0xb8;
	[tilespmem:$0x1CB00] =	vst v63  }
0x324: {  	v46 =	vperm.xlane v18, v10;
	v45 =	vadd.s32 v4, v44;
	s30 =	simm.s32 $0x1A80  }
0x325: {  	[tilespmem:s30], [sflag:$0x2] =	stream.indirect_vreg.gather [hbm4b:s16+s4], $0x80, v42, vm0, $0xb8;
	[tilespmem:$0x1CB00] =	vst v63  }
0x326: {  	v48 =	vperm.xlane v18, v11;
	v47 =	vadd.s32 v4, v46;
	s30 =	simm.s32 $0x1B00  }
0x327: {  	[tilespmem:s30], [sflag:$0x2] =	stream.indirect_vreg.gather [hbm4b:s16+s4], $0x80, v19, vm0, $0xb8;
	[tilespmem:$0x1CB00] =	vst v63  }
0x328: {  	v49 =	vperm.xlane v18, v12;
	v19 =	vadd.s32 v4, v48;
	s30 =	simm.s32 $0x1B80  }
0x329: {  	[tilespmem:s30], [sflag:$0x2] =	stream.indirect_vreg.gather [hbm4b:s16+s4], $0x80, v45, vm0, $0xb8;
	[tilespmem:$0x1CB00] =	vst v63  }
0x32a: {  	v51 =	vperm.xlane v18, v13;
	v50 =	vadd.s32 v4, v49;
	s30 =	simm.s32 $0x1C00  }
0x32b: {  	[tilespmem:s30], [sflag:$0x2] =	stream.indirect_vreg.gather [hbm4b:s16+s4], $0x80, v47, vm0, $0xb8;
	[tilespmem:$0x1CB00] =	vst v63  }
0x32c: {  	v53 =	vperm.xlane v18, v14;
	v52 =	vadd.s32 v4, v51;
	s30 =	simm.s32 $0x1C80  }
0x32d: {  	[tilespmem:s30], [sflag:$0x2] =	stream.indirect_vreg.gather [hbm4b:s16+s4], $0x80, v19, vm0, $0xb8;
	[tilespmem:$0x1CB00] =	vst v63  }
0x32e: {  	v54 =	vperm.xlane v18, v15;
	v19 =	vadd.s32 v4, v53;
	s30 =	simm.s32 $0x1D00  }
0x32f: {  	[tilespmem:s30], [sflag:$0x2] =	stream.indirect_vreg.gather [hbm4b:s16+s4], $0x80, v50, vm0, $0xb8;
	[tilespmem:$0x1CB00] =	vst v63  }
0x330: {  	v56 =	vperm.xlane v18, v16;
	v55 =	vadd.s32 v4, v54;
	s30 =	simm.s32 $0x1D80  }
0x331: {  	[tilespmem:s30], [sflag:$0x2] =	stream.indirect_vreg.gather [hbm4b:s16+s4], $0x80, v52, vm0, $0xb8;
	[tilespmem:$0x1CB00] =	vst v63  }
0x332: {  	v18 =	vperm.xlane v18, v17;
	v57 =	vadd.s32 v4, v56;
	s30 =	simm.s32 $0x1E00  }
0x333: {  	[tilespmem:s30], [sflag:$0x2] =	stream.indirect_vreg.gather [hbm4b:s16+s4], $0x80, v19, vm0, $0xb8;
	[tilespmem:$0x1CB00] =	vst v63  }
0x334: {  	v18 =	vadd.s32 v4, v18;
	s30 =	simm.s32 $0x1E80  }
0x335: {  	[tilespmem:s30], [sflag:$0x2] =	stream.indirect_vreg.gather [hbm4b:s16+s4], $0x80, v55, vm0, $0xb8;
	[tilespmem:$0x1CB00] =	vst v63  }
0x336: {  	s30 =	simm.s32 $0x1F00  }
0x337: {  	[tilespmem:s30], [sflag:$0x2] =	stream.indirect_vreg.gather [hbm4b:s16+s4], $0x80, v57, vm0, $0xb8;
	[tilespmem:$0x1CB00] =	vst v63  }
0x338: {  	s30 =	simm.s32 $0x1F80  }
0x339: {  	[tilespmem:s30], [sflag:$0x2] =	stream.indirect_vreg.gather [hbm4b:s16+s4], $0x80, v18, vm0, $0xb8;
	[tilespmem:$0x1CB00] =	vst v63  }
0x33a: {  	v18 =	vld [tilespmem:s7+$0x30];
	_ =	sdelay $0x4  }
0x33b: {  	v19 =	vshll.u32 v18, $0x1  }
0x33c: {  	v18 =	vand.u32 $0x7, v18;
	v19 =	vand.u32 $0xFFFFFFF0, v19  }
0x33d: {  	v18 =	vor.u32 v18, v19  }
0x33e: {  	v19 =	vperm.xlane v18, v3;
	_ =	sdelay $0x1  }
0x33f: {  	v58 =	vperm.xlane v18, v2;
	v19 =	vadd.s32 v4, v19;
	_ =	sdelay $0x1  }
0x340: {  	v59 =	vperm.xlane v18, v5;
	v20 =	vadd.s32 v4, v58;
	_ =	sdelay $0x1  }
0x341: {  	s30 =	simm.s32 $0x2000;
	v60 =	vperm.xlane v18, v6;
	v21 =	vadd.s32 v4, v59  }
0x342: {  	[tilespmem:s30], [sflag:$0x2] =	stream.indirect_vreg.gather [hbm4b:s16+s4], $0x80, v19, vm0, $0xb8;
	[tilespmem:$0x1CB00] =	vst v63  }
0x343: {  	v61 =	vperm.xlane v18, v7;
	v19 =	vadd.s32 v4, v60;
	s30 =	simm.s32 $0x2080  }
0x344: {  	[tilespmem:s30], [sflag:$0x2] =	stream.indirect_vreg.gather [hbm4b:s16+s4], $0x80, v20, vm0, $0xb8;
	[tilespmem:$0x1CB00] =	vst v63  }
0x345: {  	v63 =	vperm.xlane v18, v8;
	v62 =	vadd.s32 v4, v61;
	s30 =	simm.s32 $0x2100  }
0x346: {  	[tilespmem:s30], [sflag:$0x2] =	stream.indirect_vreg.gather [hbm4b:s16+s4], $0x80, v21, vm0, $0xb8;
	[tilespmem:$0x1CB00] =	vst v63  }
0x347: {  	v25 =	vperm.xlane v18, v9;
	v24 =	vadd.s32 v4, v63;
	s30 =	simm.s32 $0x2180  }
0x348: {  	[tilespmem:s30], [sflag:$0x2] =	stream.indirect_vreg.gather [hbm4b:s16+s4], $0x80, v19, vm0, $0xb8;
	[tilespmem:$0x1CB00] =	vst v63  }
0x349: {  	v26 =	vperm.xlane v18, v1;
	v19 =	vadd.s32 v4, v25;
	s30 =	simm.s32 $0x2200  }
0x34a: {  	[tilespmem:s30], [sflag:$0x2] =	stream.indirect_vreg.gather [hbm4b:s16+s4], $0x80, v62, vm0, $0xb8;
	[tilespmem:$0x1CB00] =	vst v63  }
0x34b: {  	v28 =	vperm.xlane v18, v10;
	v27 =	vadd.s32 v4, v26;
	s30 =	simm.s32 $0x2280  }
0x34c: {  	[tilespmem:s30], [sflag:$0x2] =	stream.indirect_vreg.gather [hbm4b:s16+s4], $0x80, v24, vm0, $0xb8;
	[tilespmem:$0x1CB00] =	vst v63  }
0x34d: {  	v30 =	vperm.xlane v18, v11;
	v29 =	vadd.s32 v4, v28;
	s30 =	simm.s32 $0x2300  }
0x34e: {  	[tilespmem:s30], [sflag:$0x2] =	stream.indirect_vreg.gather [hbm4b:s16+s4], $0x80, v19, vm0, $0xb8;
	[tilespmem:$0x1CB00] =	vst v63  }
0x34f: {  	v31 =	vperm.xlane v18, v12;
	v19 =	vadd.s32 v4, v30;
	s30 =	simm.s32 $0x2380  }
0x350: {  	[tilespmem:s30], [sflag:$0x2] =	stream.indirect_vreg.gather [hbm4b:s16+s4], $0x80, v27, vm0, $0xb8;
	[tilespmem:$0x1CB00] =	vst v63  }
0x351: {  	v33 =	vperm.xlane v18, v13;
	v32 =	vadd.s32 v4, v31;
	s30 =	simm.s32 $0x2400  }
0x352: {  	[tilespmem:s30], [sflag:$0x2] =	stream.indirect_vreg.gather [hbm4b:s16+s4], $0x80, v29, vm0, $0xb8;
	[tilespmem:$0x1CB00] =	vst v63  }
0x353: {  	v35 =	vperm.xlane v18, v14;
	v34 =	vadd.s32 v4, v33;
	s30 =	simm.s32 $0x2480  }
0x354: {  	[tilespmem:s30], [sflag:$0x2] =	stream.indirect_vreg.gather [hbm4b:s16+s4], $0x80, v19, vm0, $0xb8;
	[tilespmem:$0x1CB00] =	vst v63  }
0x355: {  	v36 =	vperm.xlane v18, v15;
	v19 =	vadd.s32 v4, v35;
	s30 =	simm.s32 $0x2500  }
0x356: {  	[tilespmem:s30], [sflag:$0x2] =	stream.indirect_vreg.gather [hbm4b:s16+s4], $0x80, v32, vm0, $0xb8;
	[tilespmem:$0x1CB00] =	vst v63  }
0x357: {  	v38 =	vperm.xlane v18, v16;
	v37 =	vadd.s32 v4, v36;
	s30 =	simm.s32 $0x2580  }
0x358: {  	[tilespmem:s30], [sflag:$0x2] =	stream.indirect_vreg.gather [hbm4b:s16+s4], $0x80, v34, vm0, $0xb8;
	[tilespmem:$0x1CB00] =	vst v63  }
0x359: {  	v18 =	vperm.xlane v18, v17;
	v39 =	vadd.s32 v4, v38;
	s30 =	simm.s32 $0x2600  }
0x35a: {  	[tilespmem:s30], [sflag:$0x2] =	stream.indirect_vreg.gather [hbm4b:s16+s4], $0x80, v19, vm0, $0xb8;
	[tilespmem:$0x1CB00] =	vst v63  }
0x35b: {  	v18 =	vadd.s32 v4, v18;
	s30 =	simm.s32 $0x2680  }
0x35c: {  	[tilespmem:s30], [sflag:$0x2] =	stream.indirect_vreg.gather [hbm4b:s16+s4], $0x80, v37, vm0, $0xb8;
	[tilespmem:$0x1CB00] =	vst v63  }
0x35d: {  	s30 =	simm.s32 $0x2700  }
0x35e: {  	[tilespmem:s30], [sflag:$0x2] =	stream.indirect_vreg.gather [hbm4b:s16+s4], $0x80, v39, vm0, $0xb8;
	[tilespmem:$0x1CB00] =	vst v63  }
0x35f: {  	s30 =	simm.s32 $0x2780  }
0x360: {  	[tilespmem:s30], [sflag:$0x2] =	stream.indirect_vreg.gather [hbm4b:s16+s4], $0x80, v18, vm0, $0xb8;
	[tilespmem:$0x1CB00] =	vst v63  }
0x361: {  	v18 =	vld [tilespmem:s7+$0x40];
	_ =	sdelay $0x4  }
0x362: {  	v19 =	vshll.u32 v18, $0x1  }
0x363: {  	v18 =	vand.u32 $0x7, v18;
	v19 =	vand.u32 $0xFFFFFFF0, v19  }
0x364: {  	v18 =	vor.u32 v18, v19  }
0x365: {  	v19 =	vperm.xlane v18, v3;
	_ =	sdelay $0x1  }
0x366: {  	v40 =	vperm.xlane v18, v2;
	v19 =	vadd.s32 v4, v19;
	_ =	sdelay $0x1  }
0x367: {  	v41 =	vperm.xlane v18, v5;
	v20 =	vadd.s32 v4, v40;
	_ =	sdelay $0x1  }
0x368: {  	s30 =	simm.s32 $0x2800;
	v42 =	vperm.xlane v18, v6;
	v21 =	vadd.s32 v4, v41  }
0x369: {  	[tilespmem:s30], [sflag:$0x2] =	stream.indirect_vreg.gather [hbm4b:s16+s4], $0x80, v19, vm0, $0xb8;
	[tilespmem:$0x1CB00] =	vst v63  }
0x36a: {  	v43 =	vperm.xlane v18, v7;
	v19 =	vadd.s32 v4, v42;
	s30 =	simm.s32 $0x2880  }
0x36b: {  	[tilespmem:s30], [sflag:$0x2] =	stream.indirect_vreg.gather [hbm4b:s16+s4], $0x80, v20, vm0, $0xb8;
	[tilespmem:$0x1CB00] =	vst v63  }
0x36c: {  	v45 =	vperm.xlane v18, v8;
	v44 =	vadd.s32 v4, v43;
	s30 =	simm.s32 $0x2900  }
0x36d: {  	[tilespmem:s30], [sflag:$0x2] =	stream.indirect_vreg.gather [hbm4b:s16+s4], $0x80, v21, vm0, $0xb8;
	[tilespmem:$0x1CB00] =	vst v63  }
0x36e: {  	v47 =	vperm.xlane v18, v9;
	v46 =	vadd.s32 v4, v45;
	s30 =	simm.s32 $0x2980  }
0x36f: {  	[tilespmem:s30], [sflag:$0x2] =	stream.indirect_vreg.gather [hbm4b:s16+s4], $0x80, v19, vm0, $0xb8;
	[tilespmem:$0x1CB00] =	vst v63  }
0x370: {  	v48 =	vperm.xlane v18, v1;
	v19 =	vadd.s32 v4, v47;
	s30 =	simm.s32 $0x2A00  }
0x371: {  	[tilespmem:s30], [sflag:$0x2] =	stream.indirect_vreg.gather [hbm4b:s16+s4], $0x80, v44, vm0, $0xb8;
	[tilespmem:$0x1CB00] =	vst v63  }
0x372: {  	v50 =	vperm.xlane v18, v10;
	v49 =	vadd.s32 v4, v48;
	s30 =	simm.s32 $0x2A80  }
0x373: {  	[tilespmem:s30], [sflag:$0x2] =	stream.indirect_vreg.gather [hbm4b:s16+s4], $0x80, v46, vm0, $0xb8;
	[tilespmem:$0x1CB00] =	vst v63  }
0x374: {  	v52 =	vperm.xlane v18, v11;
	v51 =	vadd.s32 v4, v50;
	s30 =	simm.s32 $0x2B00  }
0x375: {  	[tilespmem:s30], [sflag:$0x2] =	stream.indirect_vreg.gather [hbm4b:s16+s4], $0x80, v19, vm0, $0xb8;
	[tilespmem:$0x1CB00] =	vst v63  }
0x376: {  	v53 =	vperm.xlane v18, v12;
	v19 =	vadd.s32 v4, v52;
	s30 =	simm.s32 $0x2B80  }
0x377: {  	[tilespmem:s30], [sflag:$0x2] =	stream.indirect_vreg.gather [hbm4b:s16+s4], $0x80, v49, vm0, $0xb8;
	[tilespmem:$0x1CB00] =	vst v63  }
0x378: {  	v55 =	vperm.xlane v18, v13;
	v54 =	vadd.s32 v4, v53;
	s30 =	simm.s32 $0x2C00  }
0x379: {  	[tilespmem:s30], [sflag:$0x2] =	stream.indirect_vreg.gather [hbm4b:s16+s4], $0x80, v51, vm0, $0xb8;
	[tilespmem:$0x1CB00] =	vst v63  }
0x37a: {  	v57 =	vperm.xlane v18, v14;
	v56 =	vadd.s32 v4, v55;
	s30 =	simm.s32 $0x2C80  }
0x37b: {  	[tilespmem:s30], [sflag:$0x2] =	stream.indirect_vreg.gather [hbm4b:s16+s4], $0x80, v19, vm0, $0xb8;
	[tilespmem:$0x1CB00] =	vst v63  }
0x37c: {  	v58 =	vperm.xlane v18, v15;
	v19 =	vadd.s32 v4, v57;
	s30 =	simm.s32 $0x2D00  }
0x37d: {  	[tilespmem:s30], [sflag:$0x2] =	stream.indirect_vreg.gather [hbm4b:s16+s4], $0x80, v54, vm0, $0xb8;
	[tilespmem:$0x1CB00] =	vst v63  }
0x37e: {  	v60 =	vperm.xlane v18, v16;
	v59 =	vadd.s32 v4, v58;
	s30 =	simm.s32 $0x2D80  }
0x37f: {  	[tilespmem:s30], [sflag:$0x2] =	stream.indirect_vreg.gather [hbm4b:s16+s4], $0x80, v56, vm0, $0xb8;
	[tilespmem:$0x1CB00] =	vst v63  }
0x380: {  	v18 =	vperm.xlane v18, v17;
	v61 =	vadd.s32 v4, v60;
	s30 =	simm.s32 $0x2E00  }
0x381: {  	[tilespmem:s30], [sflag:$0x2] =	stream.indirect_vreg.gather [hbm4b:s16+s4], $0x80, v19, vm0, $0xb8;
	[tilespmem:$0x1CB00] =	vst v63  }
0x382: {  	v18 =	vadd.s32 v4, v18;
	s30 =	simm.s32 $0x2E80  }
0x383: {  	[tilespmem:s30], [sflag:$0x2] =	stream.indirect_vreg.gather [hbm4b:s16+s4], $0x80, v59, vm0, $0xb8;
	[tilespmem:$0x1CB00] =	vst v63  }
0x384: {  	s30 =	simm.s32 $0x2F00  }
0x385: {  	[tilespmem:s30], [sflag:$0x2] =	stream.indirect_vreg.gather [hbm4b:s16+s4], $0x80, v61, vm0, $0xb8;
	[tilespmem:$0x1CB00] =	vst v63  }
0x386: {  	s30 =	simm.s32 $0x2F80  }
0x387: {  	[tilespmem:s30], [sflag:$0x2] =	stream.indirect_vreg.gather [hbm4b:s16+s4], $0x80, v18, vm0, $0xb8;
	[tilespmem:$0x1CB00] =	vst v63  }
0x388: {  	v18 =	vld [tilespmem:s7+$0x50];
	_ =	sdelay $0x4  }
0x389: {  	v19 =	vshll.u32 v18, $0x1  }
0x38a: {  	v18 =	vand.u32 $0x7, v18;
	v19 =	vand.u32 $0xFFFFFFF0, v19  }
0x38b: {  	v18 =	vor.u32 v18, v19  }
0x38c: {  	v19 =	vperm.xlane v18, v3;
	_ =	sdelay $0x1  }
0x38d: {  	v62 =	vperm.xlane v18, v2;
	v19 =	vadd.s32 v4, v19;
	_ =	sdelay $0x1  }
0x38e: {  	v63 =	vperm.xlane v18, v5;
	v20 =	vadd.s32 v4, v62;
	_ =	sdelay $0x1  }
0x38f: {  	s30 =	simm.s32 $0x3000;
	v24 =	vperm.xlane v18, v6;
	v21 =	vadd.s32 v4, v63  }
0x390: {  	[tilespmem:s30], [sflag:$0x2] =	stream.indirect_vreg.gather [hbm4b:s16+s4], $0x80, v19, vm0, $0xb8;
	[tilespmem:$0x1CB00] =	vst v63  }
0x391: {  	v25 =	vperm.xlane v18, v7;
	v19 =	vadd.s32 v4, v24;
	s30 =	simm.s32 $0x3080  }
0x392: {  	[tilespmem:s30], [sflag:$0x2] =	stream.indirect_vreg.gather [hbm4b:s16+s4], $0x80, v20, vm0, $0xb8;
	[tilespmem:$0x1CB00] =	vst v63  }
0x393: {  	v27 =	vperm.xlane v18, v8;
	v26 =	vadd.s32 v4, v25;
	s30 =	simm.s32 $0x3100  }
0x394: {  	[tilespmem:s30], [sflag:$0x2] =	stream.indirect_vreg.gather [hbm4b:s16+s4], $0x80, v21, vm0, $0xb8;
	[tilespmem:$0x1CB00] =	vst v63  }
0x395: {  	v29 =	vperm.xlane v18, v9;
	v28 =	vadd.s32 v4, v27;
	s30 =	simm.s32 $0x3180  }
0x396: {  	[tilespmem:s30], [sflag:$0x2] =	stream.indirect_vreg.gather [hbm4b:s16+s4], $0x80, v19, vm0, $0xb8;
	[tilespmem:$0x1CB00] =	vst v63  }
0x397: {  	v30 =	vperm.xlane v18, v1;
	v19 =	vadd.s32 v4, v29;
	s30 =	simm.s32 $0x3200  }
0x398: {  	[tilespmem:s30], [sflag:$0x2] =	stream.indirect_vreg.gather [hbm4b:s16+s4], $0x80, v26, vm0, $0xb8;
	[tilespmem:$0x1CB00] =	vst v63  }
0x399: {  	v32 =	vperm.xlane v18, v10;
	v31 =	vadd.s32 v4, v30;
	s30 =	simm.s32 $0x3280  }
0x39a: {  	[tilespmem:s30], [sflag:$0x2] =	stream.indirect_vreg.gather [hbm4b:s16+s4], $0x80, v28, vm0, $0xb8;
	[tilespmem:$0x1CB00] =	vst v63  }
0x39b: {  	v34 =	vperm.xlane v18, v11;
	v33 =	vadd.s32 v4, v32;
	s30 =	simm.s32 $0x3300  }
0x39c: {  	[tilespmem:s30], [sflag:$0x2] =	stream.indirect_vreg.gather [hbm4b:s16+s4], $0x80, v19, vm0, $0xb8;
	[tilespmem:$0x1CB00] =	vst v63  }
0x39d: {  	v35 =	vperm.xlane v18, v12;
	v19 =	vadd.s32 v4, v34;
	s30 =	simm.s32 $0x3380  }
0x39e: {  	[tilespmem:s30], [sflag:$0x2] =	stream.indirect_vreg.gather [hbm4b:s16+s4], $0x80, v31, vm0, $0xb8;
	[tilespmem:$0x1CB00] =	vst v63  }
0x39f: {  	v37 =	vperm.xlane v18, v13;
	v36 =	vadd.s32 v4, v35;
	s30 =	simm.s32 $0x3400  }
0x3a0: {  	[tilespmem:s30], [sflag:$0x2] =	stream.indirect_vreg.gather [hbm4b:s16+s4], $0x80, v33, vm0, $0xb8;
	[tilespmem:$0x1CB00] =	vst v63  }
0x3a1: {  	v39 =	vperm.xlane v18, v14;
	v38 =	vadd.s32 v4, v37;
	s30 =	simm.s32 $0x3480  }
0x3a2: {  	[tilespmem:s30], [sflag:$0x2] =	stream.indirect_vreg.gather [hbm4b:s16+s4], $0x80, v19, vm0, $0xb8;
	[tilespmem:$0x1CB00] =	vst v63  }
0x3a3: {  	v40 =	vperm.xlane v18, v15;
	v19 =	vadd.s32 v4, v39;
	s30 =	simm.s32 $0x3500  }
0x3a4: {  	[tilespmem:s30], [sflag:$0x2] =	stream.indirect_vreg.gather [hbm4b:s16+s4], $0x80, v36, vm0, $0xb8;
	[tilespmem:$0x1CB00] =	vst v63  }
0x3a5: {  	v42 =	vperm.xlane v18, v16;
	v41 =	vadd.s32 v4, v40;
	s30 =	simm.s32 $0x3580  }
0x3a6: {  	[tilespmem:s30], [sflag:$0x2] =	stream.indirect_vreg.gather [hbm4b:s16+s4], $0x80, v38, vm0, $0xb8;
	[tilespmem:$0x1CB00] =	vst v63  }
0x3a7: {  	v18 =	vperm.xlane v18, v17;
	v43 =	vadd.s32 v4, v42;
	s30 =	simm.s32 $0x3600  }
0x3a8: {  	[tilespmem:s30], [sflag:$0x2] =	stream.indirect_vreg.gather [hbm4b:s16+s4], $0x80, v19, vm0, $0xb8;
	[tilespmem:$0x1CB00] =	vst v63  }
0x3a9: {  	v18 =	vadd.s32 v4, v18;
	s30 =	simm.s32 $0x3680  }
0x3aa: {  	[tilespmem:s30], [sflag:$0x2] =	stream.indirect_vreg.gather [hbm4b:s16+s4], $0x80, v41, vm0, $0xb8;
	[tilespmem:$0x1CB00] =	vst v63  }
0x3ab: {  	s30 =	simm.s32 $0x3700  }
0x3ac: {  	[tilespmem:s30], [sflag:$0x2] =	stream.indirect_vreg.gather [hbm4b:s16+s4], $0x80, v43, vm0, $0xb8;
	[tilespmem:$0x1CB00] =	vst v63  }
0x3ad: {  	s30 =	simm.s32 $0x3780  }
0x3ae: {  	[tilespmem:s30], [sflag:$0x2] =	stream.indirect_vreg.gather [hbm4b:s16+s4], $0x80, v18, vm0, $0xb8;
	[tilespmem:$0x1CB00] =	vst v63  }
0x3af: {  	v18 =	vld [tilespmem:s7+$0x60];
	_ =	sdelay $0x4  }
0x3b0: {  	v19 =	vshll.u32 v18, $0x1  }
0x3b1: {  	v18 =	vand.u32 $0x7, v18;
	v19 =	vand.u32 $0xFFFFFFF0, v19  }
0x3b2: {  	v18 =	vor.u32 v18, v19  }
0x3b3: {  	v19 =	vperm.xlane v18, v3;
	_ =	sdelay $0x1  }
0x3b4: {  	v44 =	vperm.xlane v18, v2;
	v19 =	vadd.s32 v4, v19;
	_ =	sdelay $0x1  }
0x3b5: {  	v45 =	vperm.xlane v18, v5;
	v20 =	vadd.s32 v4, v44;
	_ =	sdelay $0x1  }
0x3b6: {  	s30 =	simm.s32 $0x3800;
	v46 =	vperm.xlane v18, v6;
	v21 =	vadd.s32 v4, v45  }
0x3b7: {  	[tilespmem:s30], [sflag:$0x2] =	stream.indirect_vreg.gather [hbm4b:s16+s4], $0x80, v19, vm0, $0xb8;
	[tilespmem:$0x1CB00] =	vst v63  }
0x3b8: {  	v47 =	vperm.xlane v18, v7;
	v19 =	vadd.s32 v4, v46;
	s30 =	simm.s32 $0x3880  }
0x3b9: {  	[tilespmem:s30], [sflag:$0x2] =	stream.indirect_vreg.gather [hbm4b:s16+s4], $0x80, v20, vm0, $0xb8;
	[tilespmem:$0x1CB00] =	vst v63  }
0x3ba: {  	v49 =	vperm.xlane v18, v8;
	v48 =	vadd.s32 v4, v47;
	s30 =	simm.s32 $0x3900  }
0x3bb: {  	[tilespmem:s30], [sflag:$0x2] =	stream.indirect_vreg.gather [hbm4b:s16+s4], $0x80, v21, vm0, $0xb8;
	[tilespmem:$0x1CB00] =	vst v63  }
0x3bc: {  	v51 =	vperm.xlane v18, v9;
	v50 =	vadd.s32 v4, v49;
	s30 =	simm.s32 $0x3980  }
0x3bd: {  	[tilespmem:s30], [sflag:$0x2] =	stream.indirect_vreg.gather [hbm4b:s16+s4], $0x80, v19, vm0, $0xb8;
	[tilespmem:$0x1CB00] =	vst v63  }
0x3be: {  	v52 =	vperm.xlane v18, v1;
	v19 =	vadd.s32 v4, v51;
	s30 =	simm.s32 $0x3A00  }
0x3bf: {  	[tilespmem:s30], [sflag:$0x2] =	stream.indirect_vreg.gather [hbm4b:s16+s4], $0x80, v48, vm0, $0xb8;
	[tilespmem:$0x1CB00] =	vst v63  }
0x3c0: {  	v54 =	vperm.xlane v18, v10;
	v53 =	vadd.s32 v4, v52;
	s30 =	simm.s32 $0x3A80  }
0x3c1: {  	[tilespmem:s30], [sflag:$0x2] =	stream.indirect_vreg.gather [hbm4b:s16+s4], $0x80, v50, vm0, $0xb8;
	[tilespmem:$0x1CB00] =	vst v63  }
0x3c2: {  	v56 =	vperm.xlane v18, v11;
	v55 =	vadd.s32 v4, v54;
	s30 =	simm.s32 $0x3B00  }
0x3c3: {  	[tilespmem:s30], [sflag:$0x2] =	stream.indirect_vreg.gather [hbm4b:s16+s4], $0x80, v19, vm0, $0xb8;
	[tilespmem:$0x1CB00] =	vst v63  }
0x3c4: {  	v57 =	vperm.xlane v18, v12;
	v19 =	vadd.s32 v4, v56;
	s30 =	simm.s32 $0x3B80  }
0x3c5: {  	[tilespmem:s30], [sflag:$0x2] =	stream.indirect_vreg.gather [hbm4b:s16+s4], $0x80, v53, vm0, $0xb8;
	[tilespmem:$0x1CB00] =	vst v63  }
0x3c6: {  	v59 =	vperm.xlane v18, v13;
	v58 =	vadd.s32 v4, v57;
	s30 =	simm.s32 $0x3C00  }
0x3c7: {  	[tilespmem:s30], [sflag:$0x2] =	stream.indirect_vreg.gather [hbm4b:s16+s4], $0x80, v55, vm0, $0xb8;
	[tilespmem:$0x1CB00] =	vst v63  }
0x3c8: {  	v61 =	vperm.xlane v18, v14;
	v60 =	vadd.s32 v4, v59;
	s30 =	simm.s32 $0x3C80  }
0x3c9: {  	[tilespmem:s30], [sflag:$0x2] =	stream.indirect_vreg.gather [hbm4b:s16+s4], $0x80, v19, vm0, $0xb8;
	[tilespmem:$0x1CB00] =	vst v63  }
0x3ca: {  	v62 =	vperm.xlane v18, v15;
	v19 =	vadd.s32 v4, v61;
	s30 =	simm.s32 $0x3D00  }
0x3cb: {  	[tilespmem:s30], [sflag:$0x2] =	stream.indirect_vreg.gather [hbm4b:s16+s4], $0x80, v58, vm0, $0xb8;
	[tilespmem:$0x1CB00] =	vst v63  }
0x3cc: {  	v24 =	vperm.xlane v18, v16;
	v63 =	vadd.s32 v4, v62;
	s30 =	simm.s32 $0x3D80  }
0x3cd: {  	[tilespmem:s30], [sflag:$0x2] =	stream.indirect_vreg.gather [hbm4b:s16+s4], $0x80, v60, vm0, $0xb8;
	[tilespmem:$0x1CB00] =	vst v63  }
0x3ce: {  	v18 =	vperm.xlane v18, v17;
	v25 =	vadd.s32 v4, v24;
	s30 =	simm.s32 $0x3E00  }
0x3cf: {  	[tilespmem:s30], [sflag:$0x2] =	stream.indirect_vreg.gather [hbm4b:s16+s4], $0x80, v19, vm0, $0xb8;
	[tilespmem:$0x1CB00] =	vst v63  }
0x3d0: {  	v18 =	vadd.s32 v4, v18;
	s30 =	simm.s32 $0x3E80  }
0x3d1: {  	[tilespmem:s30], [sflag:$0x2] =	stream.indirect_vreg.gather [hbm4b:s16+s4], $0x80, v63, vm0, $0xb8;
	[tilespmem:$0x1CB00] =	vst v63  }
0x3d2: {  	s30 =	simm.s32 $0x3F00  }
0x3d3: {  	[tilespmem:s30], [sflag:$0x2] =	stream.indirect_vreg.gather [hbm4b:s16+s4], $0x80, v25, vm0, $0xb8;
	[tilespmem:$0x1CB00] =	vst v63  }
0x3d4: {  	s30 =	simm.s32 $0x3F80  }
0x3d5: {  	[tilespmem:s30], [sflag:$0x2] =	stream.indirect_vreg.gather [hbm4b:s16+s4], $0x80, v18, vm0, $0xb8;
	[tilespmem:$0x1CB00] =	vst v63  }
0x3d6: {  	v18 =	vld [tilespmem:s7+$0x70];
	_ =	sdelay $0x4  }
0x3d7: {  	v19 =	vshll.u32 v18, $0x1  }
0x3d8: {  	v18 =	vand.u32 $0x7, v18;
	v19 =	vand.u32 $0xFFFFFFF0, v19  }
0x3d9: {  	v18 =	vor.u32 v18, v19  }
0x3da: {  	v19 =	vperm.xlane v18, v3;
	_ =	sdelay $0x1  }
0x3db: {  	v26 =	vperm.xlane v18, v2;
	v19 =	vadd.s32 v4, v19;
	_ =	sdelay $0x1  }
0x3dc: {  	v27 =	vperm.xlane v18, v5;
	v20 =	vadd.s32 v4, v26;
	_ =	sdelay $0x1  }
0x3dd: {  	s30 =	simm.s32 $0x4000;
	v28 =	vperm.xlane v18, v6;
	v21 =	vadd.s32 v4, v27  }
0x3de: {  	[tilespmem:s30], [sflag:$0x2] =	stream.indirect_vreg.gather [hbm4b:s16+s4], $0x80, v19, vm0, $0xb8;
	[tilespmem:$0x1CB00] =	vst v63  }
0x3df: {  	v29 =	vperm.xlane v18, v7;
	v19 =	vadd.s32 v4, v28;
	s30 =	simm.s32 $0x4080  }
0x3e0: {  	[tilespmem:s30], [sflag:$0x2] =	stream.indirect_vreg.gather [hbm4b:s16+s4], $0x80, v20, vm0, $0xb8;
	[tilespmem:$0x1CB00] =	vst v63  }
0x3e1: {  	v31 =	vperm.xlane v18, v8;
	v30 =	vadd.s32 v4, v29;
	s30 =	simm.s32 $0x4100  }
0x3e2: {  	[tilespmem:s30], [sflag:$0x2] =	stream.indirect_vreg.gather [hbm4b:s16+s4], $0x80, v21, vm0, $0xb8;
	[tilespmem:$0x1CB00] =	vst v63  }
0x3e3: {  	v33 =	vperm.xlane v18, v9;
	v32 =	vadd.s32 v4, v31;
	s30 =	simm.s32 $0x4180  }
0x3e4: {  	[tilespmem:s30], [sflag:$0x2] =	stream.indirect_vreg.gather [hbm4b:s16+s4], $0x80, v19, vm0, $0xb8;
	[tilespmem:$0x1CB00] =	vst v63  }
0x3e5: {  	v34 =	vperm.xlane v18, v1;
	v19 =	vadd.s32 v4, v33;
	s30 =	simm.s32 $0x4200  }
0x3e6: {  	[tilespmem:s30], [sflag:$0x2] =	stream.indirect_vreg.gather [hbm4b:s16+s4], $0x80, v30, vm0, $0xb8;
	[tilespmem:$0x1CB00] =	vst v63  }
0x3e7: {  	v36 =	vperm.xlane v18, v10;
	v35 =	vadd.s32 v4, v34;
	s30 =	simm.s32 $0x4280  }
0x3e8: {  	[tilespmem:s30], [sflag:$0x2] =	stream.indirect_vreg.gather [hbm4b:s16+s4], $0x80, v32, vm0, $0xb8;
	[tilespmem:$0x1CB00] =	vst v63  }
0x3e9: {  	v38 =	vperm.xlane v18, v11;
	v37 =	vadd.s32 v4, v36;
	s30 =	simm.s32 $0x4300  }
0x3ea: {  	[tilespmem:s30], [sflag:$0x2] =	stream.indirect_vreg.gather [hbm4b:s16+s4], $0x80, v19, vm0, $0xb8;
	[tilespmem:$0x1CB00] =	vst v63  }
0x3eb: {  	v39 =	vperm.xlane v18, v12;
	v19 =	vadd.s32 v4, v38;
	s30 =	simm.s32 $0x4380  }
0x3ec: {  	[tilespmem:s30], [sflag:$0x2] =	stream.indirect_vreg.gather [hbm4b:s16+s4], $0x80, v35, vm0, $0xb8;
	[tilespmem:$0x1CB00] =	vst v63  }
0x3ed: {  	v41 =	vperm.xlane v18, v13;
	v40 =	vadd.s32 v4, v39;
	s30 =	simm.s32 $0x4400  }
0x3ee: {  	[tilespmem:s30], [sflag:$0x2] =	stream.indirect_vreg.gather [hbm4b:s16+s4], $0x80, v37, vm0, $0xb8;
	[tilespmem:$0x1CB00] =	vst v63  }
0x3ef: {  	v43 =	vperm.xlane v18, v14;
	v42 =	vadd.s32 v4, v41;
	s30 =	simm.s32 $0x4480  }
0x3f0: {  	[tilespmem:s30], [sflag:$0x2] =	stream.indirect_vreg.gather [hbm4b:s16+s4], $0x80, v19, vm0, $0xb8;
	[tilespmem:$0x1CB00] =	vst v63  }
0x3f1: {  	v44 =	vperm.xlane v18, v15;
	v19 =	vadd.s32 v4, v43;
	s30 =	simm.s32 $0x4500  }
0x3f2: {  	[tilespmem:s30], [sflag:$0x2] =	stream.indirect_vreg.gather [hbm4b:s16+s4], $0x80, v40, vm0, $0xb8;
	[tilespmem:$0x1CB00] =	vst v63  }
0x3f3: {  	v46 =	vperm.xlane v18, v16;
	v45 =	vadd.s32 v4, v44;
	s30 =	simm.s32 $0x4580  }
0x3f4: {  	[tilespmem:s30], [sflag:$0x2] =	stream.indirect_vreg.gather [hbm4b:s16+s4], $0x80, v42, vm0, $0xb8;
	[tilespmem:$0x1CB00] =	vst v63  }
0x3f5: {  	v18 =	vperm.xlane v18, v17;
	v47 =	vadd.s32 v4, v46;
	s30 =	simm.s32 $0x4600  }
0x3f6: {  	[tilespmem:s30], [sflag:$0x2] =	stream.indirect_vreg.gather [hbm4b:s16+s4], $0x80, v19, vm0, $0xb8;
	[tilespmem:$0x1CB00] =	vst v63  }
0x3f7: {  	v18 =	vadd.s32 v4, v18;
	s30 =	simm.s32 $0x4680  }
0x3f8: {  	[tilespmem:s30], [sflag:$0x2] =	stream.indirect_vreg.gather [hbm4b:s16+s4], $0x80, v45, vm0, $0xb8;
	[tilespmem:$0x1CB00] =	vst v63  }
0x3f9: {  	s30 =	simm.s32 $0x4700  }
0x3fa: {  	[tilespmem:s30], [sflag:$0x2] =	stream.indirect_vreg.gather [hbm4b:s16+s4], $0x80, v47, vm0, $0xb8;
	[tilespmem:$0x1CB00] =	vst v63  }
0x3fb: {  	s30 =	simm.s32 $0x4780  }
0x3fc: {  	[tilespmem:s30], [sflag:$0x2] =	stream.indirect_vreg.gather [hbm4b:s16+s4], $0x80, v18, vm0, $0xb8;
	[tilespmem:$0x1CB00] =	vst v63  }
0x3fd: {  	s30 =	sadd.s32 $0x1, s18  }
0x3fe: {  	_ =	swait.ge [sflag:s14], $0x4000;
	p1 =	slt.u32 s30, s12  }
0x3ff: {  	[sflag:s14] =	ssyncset.done $0x0;
	p2 =	sge.u32 @!p1 s30, s17  }
0x400: {  	s30 =	sadd.s32 $0x180, s11;
	[sflag:s14] =	ssyncadd.s32 $0xFFFFC000;
	p1 =	por p1, p2  }
0x401: {  	[spmem:s2] =	stream.indirect.scatter.add.f32 [tilespmem:s31], [sflag:$0x3], $0x80, s30, s10, $0xb8;
	[tilespmem:$0x1CB00] =	vst v63  }
0x402: {  	_ =	swait.ge @p1 [sflag:s26], $0x4000  }
0x403: {  	[sflag:s26] =	ssyncset.done @p1 $0x0  }
0x404: {  	[sflag:s26] =	ssyncadd.s32 @p1 $0xFFFFC000  }
0x405: {  	[spmem:s3] =	stream.indirect.scatter.add.f32 @!p1 [tilespmem:s8], [sflag:$0x4], $0x1, s30, s10, $0xb8;
	[tilespmem:$0x1CB00] =	vst v63  }
0x406: {  	_ =	swait.ge @!p1 [sflag:s26], $0x4000  }
0x407: {  	[sflag:s26] =	ssyncset.done @!p1 $0x0  }
0x408: {  	[sflag:s26] =	ssyncadd.s32 @!p1 $0xFFFFC000  }
0x409: {  	_ =	swait.ge @!p1 [sflag:s25], $0x80  }
0x40a: {  	[sflag:s25] =	ssyncset.done @!p1 $0x0  }
0x40b: {  	[sflag:s25] =	ssyncadd.s32 @!p1 $0xFFFFFF80;
	p1 =	sgt.u32 s21, $0x23  }
0x40c: {  	s30 =	simm.s32 @!p1 $0x0  }
0x40d: {  	[tilespmem:s11], [sflag:$0x1] =	stream.linear.gather @!p1 [hbm4b:s19+s30], $0x200, $0x38;
	[tilespmem:$0x1CB00] =	vst v63  }
0x40e: {  	v18 =	vld [tilespmem:s7+$0x100];
	_ =	sdelay $0x4  }
0x40f: {  	v19 =	vshll.u32 v18, $0x1  }
0x410: {  	v18 =	vand.u32 $0x7, v18;
	v19 =	vand.u32 $0xFFFFFFF0, v19  }
0x411: {  	v18 =	vor.u32 v18, v19  }
0x412: {  	v19 =	vperm.xlane v18, v3;
	_ =	sdelay $0x1  }
0x413: {  	v48 =	vperm.xlane v18, v2;
	v19 =	vadd.s32 v4, v19;
	_ =	sdelay $0x1  }
0x414: {  	v49 =	vperm.xlane v18, v5;
	v20 =	vadd.s32 v4, v48;
	_ =	sdelay $0x1  }
0x415: {  	v50 =	vperm.xlane v18, v6;
	v21 =	vadd.s32 v4, v49  }
0x416: {  	[tilespmem:s31], [sflag:$0x2] =	stream.indirect_vreg.gather [hbm4b:s16+s4], $0x80, v19, vm0, $0xb8;
	[tilespmem:$0x1CB00] =	vst v63  }
0x417: {  	s30 =	simm.s32 $0x4880;
	v51 =	vperm.xlane v18, v7;
	v19 =	vadd.s32 v4, v50  }
0x418: {  	[tilespmem:s30], [sflag:$0x2] =	stream.indirect_vreg.gather [hbm4b:s16+s4], $0x80, v20, vm0, $0xb8;
	[tilespmem:$0x1CB00] =	vst v63  }
0x419: {  	v53 =	vperm.xlane v18, v8;
	v52 =	vadd.s32 v4, v51;
	s30 =	simm.s32 $0x4900  }
0x41a: {  	[tilespmem:s30], [sflag:$0x2] =	stream.indirect_vreg.gather [hbm4b:s16+s4], $0x80, v21, vm0, $0xb8;
	[tilespmem:$0x1CB00] =	vst v63  }
0x41b: {  	v55 =	vperm.xlane v18, v9;
	v54 =	vadd.s32 v4, v53;
	s30 =	simm.s32 $0x4980  }
0x41c: {  	[tilespmem:s30], [sflag:$0x2] =	stream.indirect_vreg.gather [hbm4b:s16+s4], $0x80, v19, vm0, $0xb8;
	[tilespmem:$0x1CB00] =	vst v63  }
0x41d: {  	v56 =	vperm.xlane v18, v1;
	v19 =	vadd.s32 v4, v55;
	s30 =	simm.s32 $0x4A00  }
0x41e: {  	[tilespmem:s30], [sflag:$0x2] =	stream.indirect_vreg.gather [hbm4b:s16+s4], $0x80, v52, vm0, $0xb8;
	[tilespmem:$0x1CB00] =	vst v63  }
0x41f: {  	v58 =	vperm.xlane v18, v10;
	v57 =	vadd.s32 v4, v56;
	s30 =	simm.s32 $0x4A80  }
0x420: {  	[tilespmem:s30], [sflag:$0x2] =	stream.indirect_vreg.gather [hbm4b:s16+s4], $0x80, v54, vm0, $0xb8;
	[tilespmem:$0x1CB00] =	vst v63  }
0x421: {  	v60 =	vperm.xlane v18, v11;
	v59 =	vadd.s32 v4, v58;
	s30 =	simm.s32 $0x4B00  }
0x422: {  	[tilespmem:s30], [sflag:$0x2] =	stream.indirect_vreg.gather [hbm4b:s16+s4], $0x80, v19, vm0, $0xb8;
	[tilespmem:$0x1CB00] =	vst v63  }
0x423: {  	v61 =	vperm.xlane v18, v12;
	v19 =	vadd.s32 v4, v60;
	s30 =	simm.s32 $0x4B80  }
0x424: {  	[tilespmem:s30], [sflag:$0x2] =	stream.indirect_vreg.gather [hbm4b:s16+s4], $0x80, v57, vm0, $0xb8;
	[tilespmem:$0x1CB00] =	vst v63  }
0x425: {  	v63 =	vperm.xlane v18, v13;
	v62 =	vadd.s32 v4, v61;
	s30 =	simm.s32 $0x4C00  }
0x426: {  	[tilespmem:s30], [sflag:$0x2] =	stream.indirect_vreg.gather [hbm4b:s16+s4], $0x80, v59, vm0, $0xb8;
	[tilespmem:$0x1CB00] =	vst v63  }
0x427: {  	v25 =	vperm.xlane v18, v14;
	v24 =	vadd.s32 v4, v63;
	s30 =	simm.s32 $0x4C80  }
0x428: {  	[tilespmem:s30], [sflag:$0x2] =	stream.indirect_vreg.gather [hbm4b:s16+s4], $0x80, v19, vm0, $0xb8;
	[tilespmem:$0x1CB00] =	vst v63  }
0x429: {  	v26 =	vperm.xlane v18, v15;
	v19 =	vadd.s32 v4, v25;
	s30 =	simm.s32 $0x4D00  }
0x42a: {  	[tilespmem:s30], [sflag:$0x2] =	stream.indirect_vreg.gather [hbm4b:s16+s4], $0x80, v62, vm0, $0xb8;
	[tilespmem:$0x1CB00] =	vst v63  }
0x42b: {  	v28 =	vperm.xlane v18, v16;
	v27 =	vadd.s32 v4, v26;
	s30 =	simm.s32 $0x4D80  }
0x42c: {  	[tilespmem:s30], [sflag:$0x2] =	stream.indirect_vreg.gather [hbm4b:s16+s4], $0x80, v24, vm0, $0xb8;
	[tilespmem:$0x1CB00] =	vst v63  }
0x42d: {  	v18 =	vperm.xlane v18, v17;
	v29 =	vadd.s32 v4, v28;
	s30 =	simm.s32 $0x4E00  }
0x42e: {  	[tilespmem:s30], [sflag:$0x2] =	stream.indirect_vreg.gather [hbm4b:s16+s4], $0x80, v19, vm0, $0xb8;
	[tilespmem:$0x1CB00] =	vst v63  }
0x42f: {  	v18 =	vadd.s32 v4, v18;
	s30 =	simm.s32 $0x4E80  }
0x430: {  	[tilespmem:s30], [sflag:$0x2] =	stream.indirect_vreg.gather [hbm4b:s16+s4], $0x80, v27, vm0, $0xb8;
	[tilespmem:$0x1CB00] =	vst v63  }
0x431: {  	s30 =	simm.s32 $0x4F00  }
0x432: {  	[tilespmem:s30], [sflag:$0x2] =	stream.indirect_vreg.gather [hbm4b:s16+s4], $0x80, v29, vm0, $0xb8;
	[tilespmem:$0x1CB00] =	vst v63  }
0x433: {  	s30 =	simm.s32 $0x4F80  }
0x434: {  	[tilespmem:s30], [sflag:$0x2] =	stream.indirect_vreg.gather [hbm4b:s16+s4], $0x80, v18, vm0, $0xb8;
	[tilespmem:$0x1CB00] =	vst v63  }
0x435: {  	v18 =	vld [tilespmem:s7+$0x110];
	_ =	sdelay $0x4  }
0x436: {  	v19 =	vshll.u32 v18, $0x1  }
0x437: {  	v18 =	vand.u32 $0x7, v18;
	v19 =	vand.u32 $0xFFFFFFF0, v19  }
0x438: {  	v18 =	vor.u32 v18, v19  }
0x439: {  	v19 =	vperm.xlane v18, v3;
	_ =	sdelay $0x1  }
0x43a: {  	v30 =	vperm.xlane v18, v2;
	v19 =	vadd.s32 v4, v19;
	_ =	sdelay $0x1  }
0x43b: {  	v31 =	vperm.xlane v18, v5;
	v20 =	vadd.s32 v4, v30;
	_ =	sdelay $0x1  }
0x43c: {  	s30 =	simm.s32 $0x5000;
	v32 =	vperm.xlane v18, v6;
	v21 =	vadd.s32 v4, v31  }
0x43d: {  	[tilespmem:s30], [sflag:$0x2] =	stream.indirect_vreg.gather [hbm4b:s16+s4], $0x80, v19, vm0, $0xb8;
	[tilespmem:$0x1CB00] =	vst v63  }
0x43e: {  	v33 =	vperm.xlane v18, v7;
	v19 =	vadd.s32 v4, v32;
	s30 =	simm.s32 $0x5080  }
0x43f: {  	[tilespmem:s30], [sflag:$0x2] =	stream.indirect_vreg.gather [hbm4b:s16+s4], $0x80, v20, vm0, $0xb8;
	[tilespmem:$0x1CB00] =	vst v63  }
0x440: {  	v35 =	vperm.xlane v18, v8;
	v34 =	vadd.s32 v4, v33;
	s30 =	simm.s32 $0x5100  }
0x441: {  	[tilespmem:s30], [sflag:$0x2] =	stream.indirect_vreg.gather [hbm4b:s16+s4], $0x80, v21, vm0, $0xb8;
	[tilespmem:$0x1CB00] =	vst v63  }
0x442: {  	v37 =	vperm.xlane v18, v9;
	v36 =	vadd.s32 v4, v35;
	s30 =	simm.s32 $0x5180  }
0x443: {  	[tilespmem:s30], [sflag:$0x2] =	stream.indirect_vreg.gather [hbm4b:s16+s4], $0x80, v19, vm0, $0xb8;
	[tilespmem:$0x1CB00] =	vst v63  }
0x444: {  	v38 =	vperm.xlane v18, v1;
	v19 =	vadd.s32 v4, v37;
	s30 =	simm.s32 $0x5200  }
0x445: {  	[tilespmem:s30], [sflag:$0x2] =	stream.indirect_vreg.gather [hbm4b:s16+s4], $0x80, v34, vm0, $0xb8;
	[tilespmem:$0x1CB00] =	vst v63  }
0x446: {  	v40 =	vperm.xlane v18, v10;
	v39 =	vadd.s32 v4, v38;
	s30 =	simm.s32 $0x5280  }
0x447: {  	[tilespmem:s30], [sflag:$0x2] =	stream.indirect_vreg.gather [hbm4b:s16+s4], $0x80, v36, vm0, $0xb8;
	[tilespmem:$0x1CB00] =	vst v63  }
0x448: {  	v42 =	vperm.xlane v18, v11;
	v41 =	vadd.s32 v4, v40;
	s30 =	simm.s32 $0x5300  }
0x449: {  	[tilespmem:s30], [sflag:$0x2] =	stream.indirect_vreg.gather [hbm4b:s16+s4], $0x80, v19, vm0, $0xb8;
	[tilespmem:$0x1CB00] =	vst v63  }
0x44a: {  	v43 =	vperm.xlane v18, v12;
	v19 =	vadd.s32 v4, v42;
	s30 =	simm.s32 $0x5380  }
0x44b: {  	[tilespmem:s30], [sflag:$0x2] =	stream.indirect_vreg.gather [hbm4b:s16+s4], $0x80, v39, vm0, $0xb8;
	[tilespmem:$0x1CB00] =	vst v63  }
0x44c: {  	v45 =	vperm.xlane v18, v13;
	v44 =	vadd.s32 v4, v43;
	s30 =	simm.s32 $0x5400  }
0x44d: {  	[tilespmem:s30], [sflag:$0x2] =	stream.indirect_vreg.gather [hbm4b:s16+s4], $0x80, v41, vm0, $0xb8;
	[tilespmem:$0x1CB00] =	vst v63  }
0x44e: {  	v47 =	vperm.xlane v18, v14;
	v46 =	vadd.s32 v4, v45;
	s30 =	simm.s32 $0x5480  }
0x44f: {  	[tilespmem:s30], [sflag:$0x2] =	stream.indirect_vreg.gather [hbm4b:s16+s4], $0x80, v19, vm0, $0xb8;
	[tilespmem:$0x1CB00] =	vst v63  }
0x450: {  	v48 =	vperm.xlane v18, v15;
	v19 =	vadd.s32 v4, v47;
	s30 =	simm.s32 $0x5500  }
0x451: {  	[tilespmem:s30], [sflag:$0x2] =	stream.indirect_vreg.gather [hbm4b:s16+s4], $0x80, v44, vm0, $0xb8;
	[tilespmem:$0x1CB00] =	vst v63  }
0x452: {  	v50 =	vperm.xlane v18, v16;
	v49 =	vadd.s32 v4, v48;
	s30 =	simm.s32 $0x5580  }
0x453: {  	[tilespmem:s30], [sflag:$0x2] =	stream.indirect_vreg.gather [hbm4b:s16+s4], $0x80, v46, vm0, $0xb8;
	[tilespmem:$0x1CB00] =	vst v63  }
0x454: {  	v18 =	vperm.xlane v18, v17;
	v51 =	vadd.s32 v4, v50;
	s30 =	simm.s32 $0x5600  }
0x455: {  	[tilespmem:s30], [sflag:$0x2] =	stream.indirect_vreg.gather [hbm4b:s16+s4], $0x80, v19, vm0, $0xb8;
	[tilespmem:$0x1CB00] =	vst v63  }
0x456: {  	v18 =	vadd.s32 v4, v18;
	s30 =	simm.s32 $0x5680  }
0x457: {  	[tilespmem:s30], [sflag:$0x2] =	stream.indirect_vreg.gather [hbm4b:s16+s4], $0x80, v49, vm0, $0xb8;
	[tilespmem:$0x1CB00] =	vst v63  }
0x458: {  	s30 =	simm.s32 $0x5700  }
0x459: {  	[tilespmem:s30], [sflag:$0x2] =	stream.indirect_vreg.gather [hbm4b:s16+s4], $0x80, v51, vm0, $0xb8;
	[tilespmem:$0x1CB00] =	vst v63  }
0x45a: {  	s30 =	simm.s32 $0x5780  }
0x45b: {  	[tilespmem:s30], [sflag:$0x2] =	stream.indirect_vreg.gather [hbm4b:s16+s4], $0x80, v18, vm0, $0xb8;
	[tilespmem:$0x1CB00] =	vst v63  }
0x45c: {  	v18 =	vld [tilespmem:s7+$0x120];
	_ =	sdelay $0x4  }
0x45d: {  	v19 =	vshll.u32 v18, $0x1  }
0x45e: {  	v18 =	vand.u32 $0x7, v18;
	v19 =	vand.u32 $0xFFFFFFF0, v19  }
0x45f: {  	v18 =	vor.u32 v18, v19  }
0x460: {  	v19 =	vperm.xlane v18, v3;
	_ =	sdelay $0x1  }
0x461: {  	v52 =	vperm.xlane v18, v2;
	v19 =	vadd.s32 v4, v19;
	_ =	sdelay $0x1  }
0x462: {  	v53 =	vperm.xlane v18, v5;
	v20 =	vadd.s32 v4, v52;
	_ =	sdelay $0x1  }
0x463: {  	s30 =	simm.s32 $0x5800;
	v54 =	vperm.xlane v18, v6;
	v21 =	vadd.s32 v4, v53  }
0x464: {  	[tilespmem:s30], [sflag:$0x2] =	stream.indirect_vreg.gather [hbm4b:s16+s4], $0x80, v19, vm0, $0xb8;
	[tilespmem:$0x1CB00] =	vst v63  }
0x465: {  	v55 =	vperm.xlane v18, v7;
	v19 =	vadd.s32 v4, v54;
	s30 =	simm.s32 $0x5880  }
0x466: {  	[tilespmem:s30], [sflag:$0x2] =	stream.indirect_vreg.gather [hbm4b:s16+s4], $0x80, v20, vm0, $0xb8;
	[tilespmem:$0x1CB00] =	vst v63  }
0x467: {  	v57 =	vperm.xlane v18, v8;
	v56 =	vadd.s32 v4, v55;
	s30 =	simm.s32 $0x5900  }
0x468: {  	[tilespmem:s30], [sflag:$0x2] =	stream.indirect_vreg.gather [hbm4b:s16+s4], $0x80, v21, vm0, $0xb8;
	[tilespmem:$0x1CB00] =	vst v63  }
0x469: {  	v59 =	vperm.xlane v18, v9;
	v58 =	vadd.s32 v4, v57;
	s30 =	simm.s32 $0x5980  }
0x46a: {  	[tilespmem:s30], [sflag:$0x2] =	stream.indirect_vreg.gather [hbm4b:s16+s4], $0x80, v19, vm0, $0xb8;
	[tilespmem:$0x1CB00] =	vst v63  }
0x46b: {  	v60 =	vperm.xlane v18, v1;
	v19 =	vadd.s32 v4, v59;
	s30 =	simm.s32 $0x5A00  }
0x46c: {  	[tilespmem:s30], [sflag:$0x2] =	stream.indirect_vreg.gather [hbm4b:s16+s4], $0x80, v56, vm0, $0xb8;
	[tilespmem:$0x1CB00] =	vst v63  }
0x46d: {  	v62 =	vperm.xlane v18, v10;
	v61 =	vadd.s32 v4, v60;
	s30 =	simm.s32 $0x5A80  }
0x46e: {  	[tilespmem:s30], [sflag:$0x2] =	stream.indirect_vreg.gather [hbm4b:s16+s4], $0x80, v58, vm0, $0xb8;
	[tilespmem:$0x1CB00] =	vst v63  }
0x46f: {  	v24 =	vperm.xlane v18, v11;
	v63 =	vadd.s32 v4, v62;
	s30 =	simm.s32 $0x5B00  }
0x470: {  	[tilespmem:s30], [sflag:$0x2] =	stream.indirect_vreg.gather [hbm4b:s16+s4], $0x80, v19, vm0, $0xb8;
	[tilespmem:$0x1CB00] =	vst v63  }
0x471: {  	v25 =	vperm.xlane v18, v12;
	v19 =	vadd.s32 v4, v24;
	s30 =	simm.s32 $0x5B80  }
0x472: {  	[tilespmem:s30], [sflag:$0x2] =	stream.indirect_vreg.gather [hbm4b:s16+s4], $0x80, v61, vm0, $0xb8;
	[tilespmem:$0x1CB00] =	vst v63  }
0x473: {  	v27 =	vperm.xlane v18, v13;
	v26 =	vadd.s32 v4, v25;
	s30 =	simm.s32 $0x5C00  }
0x474: {  	[tilespmem:s30], [sflag:$0x2] =	stream.indirect_vreg.gather [hbm4b:s16+s4], $0x80, v63, vm0, $0xb8;
	[tilespmem:$0x1CB00] =	vst v63  }
0x475: {  	v29 =	vperm.xlane v18, v14;
	v28 =	vadd.s32 v4, v27;
	s30 =	simm.s32 $0x5C80  }
0x476: {  	[tilespmem:s30], [sflag:$0x2] =	stream.indirect_vreg.gather [hbm4b:s16+s4], $0x80, v19, vm0, $0xb8;
	[tilespmem:$0x1CB00] =	vst v63  }
0x477: {  	v30 =	vperm.xlane v18, v15;
	v19 =	vadd.s32 v4, v29;
	s30 =	simm.s32 $0x5D00  }
0x478: {  	[tilespmem:s30], [sflag:$0x2] =	stream.indirect_vreg.gather [hbm4b:s16+s4], $0x80, v26, vm0, $0xb8;
	[tilespmem:$0x1CB00] =	vst v63  }
0x479: {  	v32 =	vperm.xlane v18, v16;
	v31 =	vadd.s32 v4, v30;
	s30 =	simm.s32 $0x5D80  }
0x47a: {  	[tilespmem:s30], [sflag:$0x2] =	stream.indirect_vreg.gather [hbm4b:s16+s4], $0x80, v28, vm0, $0xb8;
	[tilespmem:$0x1CB00] =	vst v63  }
0x47b: {  	v18 =	vperm.xlane v18, v17;
	v33 =	vadd.s32 v4, v32;
	s30 =	simm.s32 $0x5E00  }
0x47c: {  	[tilespmem:s30], [sflag:$0x2] =	stream.indirect_vreg.gather [hbm4b:s16+s4], $0x80, v19, vm0, $0xb8;
	[tilespmem:$0x1CB00] =	vst v63  }
0x47d: {  	v18 =	vadd.s32 v4, v18;
	s30 =	simm.s32 $0x5E80  }
0x47e: {  	[tilespmem:s30], [sflag:$0x2] =	stream.indirect_vreg.gather [hbm4b:s16+s4], $0x80, v31, vm0, $0xb8;
	[tilespmem:$0x1CB00] =	vst v63  }
0x47f: {  	s30 =	simm.s32 $0x5F00  }
0x480: {  	[tilespmem:s30], [sflag:$0x2] =	stream.indirect_vreg.gather [hbm4b:s16+s4], $0x80, v33, vm0, $0xb8;
	[tilespmem:$0x1CB00] =	vst v63  }
0x481: {  	s30 =	simm.s32 $0x5F80  }
0x482: {  	[tilespmem:s30], [sflag:$0x2] =	stream.indirect_vreg.gather [hbm4b:s16+s4], $0x80, v18, vm0, $0xb8;
	[tilespmem:$0x1CB00] =	vst v63  }
0x483: {  	v18 =	vld [tilespmem:s7+$0x130];
	_ =	sdelay $0x4  }
0x484: {  	v19 =	vshll.u32 v18, $0x1  }
0x485: {  	v18 =	vand.u32 $0x7, v18;
	v19 =	vand.u32 $0xFFFFFFF0, v19  }
0x486: {  	v18 =	vor.u32 v18, v19  }
0x487: {  	v19 =	vperm.xlane v18, v3;
	_ =	sdelay $0x1  }
0x488: {  	v34 =	vperm.xlane v18, v2;
	v19 =	vadd.s32 v4, v19;
	_ =	sdelay $0x1  }
0x489: {  	v35 =	vperm.xlane v18, v5;
	v20 =	vadd.s32 v4, v34;
	_ =	sdelay $0x1  }
0x48a: {  	s30 =	simm.s32 $0x6000;
	v36 =	vperm.xlane v18, v6;
	v21 =	vadd.s32 v4, v35  }
0x48b: {  	[tilespmem:s30], [sflag:$0x2] =	stream.indirect_vreg.gather [hbm4b:s16+s4], $0x80, v19, vm0, $0xb8;
	[tilespmem:$0x1CB00] =	vst v63  }
0x48c: {  	v37 =	vperm.xlane v18, v7;
	v19 =	vadd.s32 v4, v36;
	s30 =	simm.s32 $0x6080  }
0x48d: {  	[tilespmem:s30], [sflag:$0x2] =	stream.indirect_vreg.gather [hbm4b:s16+s4], $0x80, v20, vm0, $0xb8;
	[tilespmem:$0x1CB00] =	vst v63  }
0x48e: {  	v39 =	vperm.xlane v18, v8;
	v38 =	vadd.s32 v4, v37;
	s30 =	simm.s32 $0x6100  }
0x48f: {  	[tilespmem:s30], [sflag:$0x2] =	stream.indirect_vreg.gather [hbm4b:s16+s4], $0x80, v21, vm0, $0xb8;
	[tilespmem:$0x1CB00] =	vst v63  }
0x490: {  	v41 =	vperm.xlane v18, v9;
	v40 =	vadd.s32 v4, v39;
	s30 =	simm.s32 $0x6180  }
0x491: {  	[tilespmem:s30], [sflag:$0x2] =	stream.indirect_vreg.gather [hbm4b:s16+s4], $0x80, v19, vm0, $0xb8;
	[tilespmem:$0x1CB00] =	vst v63  }
0x492: {  	v42 =	vperm.xlane v18, v1;
	v19 =	vadd.s32 v4, v41;
	s30 =	simm.s32 $0x6200  }
0x493: {  	[tilespmem:s30], [sflag:$0x2] =	stream.indirect_vreg.gather [hbm4b:s16+s4], $0x80, v38, vm0, $0xb8;
	[tilespmem:$0x1CB00] =	vst v63  }
0x494: {  	v44 =	vperm.xlane v18, v10;
	v43 =	vadd.s32 v4, v42;
	s30 =	simm.s32 $0x6280  }
0x495: {  	[tilespmem:s30], [sflag:$0x2] =	stream.indirect_vreg.gather [hbm4b:s16+s4], $0x80, v40, vm0, $0xb8;
	[tilespmem:$0x1CB00] =	vst v63  }
0x496: {  	v46 =	vperm.xlane v18, v11;
	v45 =	vadd.s32 v4, v44;
	s30 =	simm.s32 $0x6300  }
0x497: {  	[tilespmem:s30], [sflag:$0x2] =	stream.indirect_vreg.gather [hbm4b:s16+s4], $0x80, v19, vm0, $0xb8;
	[tilespmem:$0x1CB00] =	vst v63  }
0x498: {  	v47 =	vperm.xlane v18, v12;
	v19 =	vadd.s32 v4, v46;
	s30 =	simm.s32 $0x6380  }
0x499: {  	[tilespmem:s30], [sflag:$0x2] =	stream.indirect_vreg.gather [hbm4b:s16+s4], $0x80, v43, vm0, $0xb8;
	[tilespmem:$0x1CB00] =	vst v63  }
0x49a: {  	v49 =	vperm.xlane v18, v13;
	v48 =	vadd.s32 v4, v47;
	s30 =	simm.s32 $0x6400  }
0x49b: {  	[tilespmem:s30], [sflag:$0x2] =	stream.indirect_vreg.gather [hbm4b:s16+s4], $0x80, v45, vm0, $0xb8;
	[tilespmem:$0x1CB00] =	vst v63  }
0x49c: {  	v51 =	vperm.xlane v18, v14;
	v50 =	vadd.s32 v4, v49;
	s30 =	simm.s32 $0x6480  }
0x49d: {  	[tilespmem:s30], [sflag:$0x2] =	stream.indirect_vreg.gather [hbm4b:s16+s4], $0x80, v19, vm0, $0xb8;
	[tilespmem:$0x1CB00] =	vst v63  }
0x49e: {  	v52 =	vperm.xlane v18, v15;
	v19 =	vadd.s32 v4, v51;
	s30 =	simm.s32 $0x6500  }
0x49f: {  	[tilespmem:s30], [sflag:$0x2] =	stream.indirect_vreg.gather [hbm4b:s16+s4], $0x80, v48, vm0, $0xb8;
	[tilespmem:$0x1CB00] =	vst v63  }
0x4a0: {  	v54 =	vperm.xlane v18, v16;
	v53 =	vadd.s32 v4, v52;
	s30 =	simm.s32 $0x6580  }
0x4a1: {  	[tilespmem:s30], [sflag:$0x2] =	stream.indirect_vreg.gather [hbm4b:s16+s4], $0x80, v50, vm0, $0xb8;
	[tilespmem:$0x1CB00] =	vst v63  }
0x4a2: {  	v18 =	vperm.xlane v18, v17;
	v55 =	vadd.s32 v4, v54;
	s30 =	simm.s32 $0x6600  }
0x4a3: {  	[tilespmem:s30], [sflag:$0x2] =	stream.indirect_vreg.gather [hbm4b:s16+s4], $0x80, v19, vm0, $0xb8;
	[tilespmem:$0x1CB00] =	vst v63  }
0x4a4: {  	v18 =	vadd.s32 v4, v18;
	s30 =	simm.s32 $0x6680  }
0x4a5: {  	[tilespmem:s30], [sflag:$0x2] =	stream.indirect_vreg.gather [hbm4b:s16+s4], $0x80, v53, vm0, $0xb8;
	[tilespmem:$0x1CB00] =	vst v63  }
0x4a6: {  	s30 =	simm.s32 $0x6700  }
0x4a7: {  	[tilespmem:s30], [sflag:$0x2] =	stream.indirect_vreg.gather [hbm4b:s16+s4], $0x80, v55, vm0, $0xb8;
	[tilespmem:$0x1CB00] =	vst v63  }
0x4a8: {  	s30 =	simm.s32 $0x6780  }
0x4a9: {  	[tilespmem:s30], [sflag:$0x2] =	stream.indirect_vreg.gather [hbm4b:s16+s4], $0x80, v18, vm0, $0xb8;
	[tilespmem:$0x1CB00] =	vst v63  }
0x4aa: {  	v18 =	vld [tilespmem:s7+$0x140];
	_ =	sdelay $0x4  }
0x4ab: {  	v19 =	vshll.u32 v18, $0x1  }
0x4ac: {  	v18 =	vand.u32 $0x7, v18;
	v19 =	vand.u32 $0xFFFFFFF0, v19  }
0x4ad: {  	v18 =	vor.u32 v18, v19  }
0x4ae: {  	v19 =	vperm.xlane v18, v3;
	_ =	sdelay $0x1  }
0x4af: {  	v56 =	vperm.xlane v18, v2;
	v19 =	vadd.s32 v4, v19;
	_ =	sdelay $0x1  }
0x4b0: {  	v57 =	vperm.xlane v18, v5;
	v20 =	vadd.s32 v4, v56;
	_ =	sdelay $0x1  }
0x4b1: {  	s30 =	simm.s32 $0x6800;
	v58 =	vperm.xlane v18, v6;
	v21 =	vadd.s32 v4, v57  }
0x4b2: {  	[tilespmem:s30], [sflag:$0x2] =	stream.indirect_vreg.gather [hbm4b:s16+s4], $0x80, v19, vm0, $0xb8;
	[tilespmem:$0x1CB00] =	vst v63  }
0x4b3: {  	v59 =	vperm.xlane v18, v7;
	v19 =	vadd.s32 v4, v58;
	s30 =	simm.s32 $0x6880  }
0x4b4: {  	[tilespmem:s30], [sflag:$0x2] =	stream.indirect_vreg.gather [hbm4b:s16+s4], $0x80, v20, vm0, $0xb8;
	[tilespmem:$0x1CB00] =	vst v63  }
0x4b5: {  	v61 =	vperm.xlane v18, v8;
	v60 =	vadd.s32 v4, v59;
	s30 =	simm.s32 $0x6900  }
0x4b6: {  	[tilespmem:s30], [sflag:$0x2] =	stream.indirect_vreg.gather [hbm4b:s16+s4], $0x80, v21, vm0, $0xb8;
	[tilespmem:$0x1CB00] =	vst v63  }
0x4b7: {  	v63 =	vperm.xlane v18, v9;
	v62 =	vadd.s32 v4, v61;
	s30 =	simm.s32 $0x6980  }
0x4b8: {  	[tilespmem:s30], [sflag:$0x2] =	stream.indirect_vreg.gather [hbm4b:s16+s4], $0x80, v19, vm0, $0xb8;
	[tilespmem:$0x1CB00] =	vst v63  }
0x4b9: {  	v24 =	vperm.xlane v18, v1;
	v19 =	vadd.s32 v4, v63;
	s30 =	simm.s32 $0x6A00  }
0x4ba: {  	[tilespmem:s30], [sflag:$0x2] =	stream.indirect_vreg.gather [hbm4b:s16+s4], $0x80, v60, vm0, $0xb8;
	[tilespmem:$0x1CB00] =	vst v63  }
0x4bb: {  	v26 =	vperm.xlane v18, v10;
	v25 =	vadd.s32 v4, v24;
	s30 =	simm.s32 $0x6A80  }
0x4bc: {  	[tilespmem:s30], [sflag:$0x2] =	stream.indirect_vreg.gather [hbm4b:s16+s4], $0x80, v62, vm0, $0xb8;
	[tilespmem:$0x1CB00] =	vst v63  }
0x4bd: {  	v28 =	vperm.xlane v18, v11;
	v27 =	vadd.s32 v4, v26;
	s30 =	simm.s32 $0x6B00  }
0x4be: {  	[tilespmem:s30], [sflag:$0x2] =	stream.indirect_vreg.gather [hbm4b:s16+s4], $0x80, v19, vm0, $0xb8;
	[tilespmem:$0x1CB00] =	vst v63  }
0x4bf: {  	v29 =	vperm.xlane v18, v12;
	v19 =	vadd.s32 v4, v28;
	s30 =	simm.s32 $0x6B80  }
0x4c0: {  	[tilespmem:s30], [sflag:$0x2] =	stream.indirect_vreg.gather [hbm4b:s16+s4], $0x80, v25, vm0, $0xb8;
	[tilespmem:$0x1CB00] =	vst v63  }
0x4c1: {  	v31 =	vperm.xlane v18, v13;
	v30 =	vadd.s32 v4, v29;
	s30 =	simm.s32 $0x6C00  }
0x4c2: {  	[tilespmem:s30], [sflag:$0x2] =	stream.indirect_vreg.gather [hbm4b:s16+s4], $0x80, v27, vm0, $0xb8;
	[tilespmem:$0x1CB00] =	vst v63  }
0x4c3: {  	v33 =	vperm.xlane v18, v14;
	v32 =	vadd.s32 v4, v31;
	s30 =	simm.s32 $0x6C80  }
0x4c4: {  	[tilespmem:s30], [sflag:$0x2] =	stream.indirect_vreg.gather [hbm4b:s16+s4], $0x80, v19, vm0, $0xb8;
	[tilespmem:$0x1CB00] =	vst v63  }
0x4c5: {  	v34 =	vperm.xlane v18, v15;
	v19 =	vadd.s32 v4, v33;
	s30 =	simm.s32 $0x6D00  }
0x4c6: {  	[tilespmem:s30], [sflag:$0x2] =	stream.indirect_vreg.gather [hbm4b:s16+s4], $0x80, v30, vm0, $0xb8;
	[tilespmem:$0x1CB00] =	vst v63  }
0x4c7: {  	v36 =	vperm.xlane v18, v16;
	v35 =	vadd.s32 v4, v34;
	s30 =	simm.s32 $0x6D80  }
0x4c8: {  	[tilespmem:s30], [sflag:$0x2] =	stream.indirect_vreg.gather [hbm4b:s16+s4], $0x80, v32, vm0, $0xb8;
	[tilespmem:$0x1CB00] =	vst v63  }
0x4c9: {  	v18 =	vperm.xlane v18, v17;
	v37 =	vadd.s32 v4, v36;
	s30 =	simm.s32 $0x6E00  }
0x4ca: {  	[tilespmem:s30], [sflag:$0x2] =	stream.indirect_vreg.gather [hbm4b:s16+s4], $0x80, v19, vm0, $0xb8;
	[tilespmem:$0x1CB00] =	vst v63  }
0x4cb: {  	v18 =	vadd.s32 v4, v18;
	s30 =	simm.s32 $0x6E80  }
0x4cc: {  	[tilespmem:s30], [sflag:$0x2] =	stream.indirect_vreg.gather [hbm4b:s16+s4], $0x80, v35, vm0, $0xb8;
	[tilespmem:$0x1CB00] =	vst v63  }
0x4cd: {  	s30 =	simm.s32 $0x6F00  }
0x4ce: {  	[tilespmem:s30], [sflag:$0x2] =	stream.indirect_vreg.gather [hbm4b:s16+s4], $0x80, v37, vm0, $0xb8;
	[tilespmem:$0x1CB00] =	vst v63  }
0x4cf: {  	s30 =	simm.s32 $0x6F80  }
0x4d0: {  	[tilespmem:s30], [sflag:$0x2] =	stream.indirect_vreg.gather [hbm4b:s16+s4], $0x80, v18, vm0, $0xb8;
	[tilespmem:$0x1CB00] =	vst v63  }
0x4d1: {  	v18 =	vld [tilespmem:s7+$0x150];
	_ =	sdelay $0x4  }
0x4d2: {  	v19 =	vshll.u32 v18, $0x1  }
0x4d3: {  	v18 =	vand.u32 $0x7, v18;
	v19 =	vand.u32 $0xFFFFFFF0, v19  }
0x4d4: {  	v18 =	vor.u32 v18, v19  }
0x4d5: {  	v19 =	vperm.xlane v18, v3;
	_ =	sdelay $0x1  }
0x4d6: {  	v38 =	vperm.xlane v18, v2;
	v19 =	vadd.s32 v4, v19;
	_ =	sdelay $0x1  }
0x4d7: {  	v39 =	vperm.xlane v18, v5;
	v20 =	vadd.s32 v4, v38;
	_ =	sdelay $0x1  }
0x4d8: {  	s30 =	simm.s32 $0x7000;
	v40 =	vperm.xlane v18, v6;
	v21 =	vadd.s32 v4, v39  }
0x4d9: {  	[tilespmem:s30], [sflag:$0x2] =	stream.indirect_vreg.gather [hbm4b:s16+s4], $0x80, v19, vm0, $0xb8;
	[tilespmem:$0x1CB00] =	vst v63  }
0x4da: {  	v41 =	vperm.xlane v18, v7;
	v19 =	vadd.s32 v4, v40;
	s30 =	simm.s32 $0x7080  }
0x4db: {  	[tilespmem:s30], [sflag:$0x2] =	stream.indirect_vreg.gather [hbm4b:s16+s4], $0x80, v20, vm0, $0xb8;
	[tilespmem:$0x1CB00] =	vst v63  }
0x4dc: {  	v43 =	vperm.xlane v18, v8;
	v42 =	vadd.s32 v4, v41;
	s30 =	simm.s32 $0x7100  }
0x4dd: {  	[tilespmem:s30], [sflag:$0x2] =	stream.indirect_vreg.gather [hbm4b:s16+s4], $0x80, v21, vm0, $0xb8;
	[tilespmem:$0x1CB00] =	vst v63  }
0x4de: {  	v45 =	vperm.xlane v18, v9;
	v44 =	vadd.s32 v4, v43;
	s30 =	simm.s32 $0x7180  }
0x4df: {  	[tilespmem:s30], [sflag:$0x2] =	stream.indirect_vreg.gather [hbm4b:s16+s4], $0x80, v19, vm0, $0xb8;
	[tilespmem:$0x1CB00] =	vst v63  }
0x4e0: {  	v46 =	vperm.xlane v18, v1;
	v19 =	vadd.s32 v4, v45;
	s30 =	simm.s32 $0x7200  }
0x4e1: {  	[tilespmem:s30], [sflag:$0x2] =	stream.indirect_vreg.gather [hbm4b:s16+s4], $0x80, v42, vm0, $0xb8;
	[tilespmem:$0x1CB00] =	vst v63  }
0x4e2: {  	v48 =	vperm.xlane v18, v10;
	v47 =	vadd.s32 v4, v46;
	s30 =	simm.s32 $0x7280  }
0x4e3: {  	[tilespmem:s30], [sflag:$0x2] =	stream.indirect_vreg.gather [hbm4b:s16+s4], $0x80, v44, vm0, $0xb8;
	[tilespmem:$0x1CB00] =	vst v63  }
0x4e4: {  	v50 =	vperm.xlane v18, v11;
	v49 =	vadd.s32 v4, v48;
	s30 =	simm.s32 $0x7300  }
0x4e5: {  	[tilespmem:s30], [sflag:$0x2] =	stream.indirect_vreg.gather [hbm4b:s16+s4], $0x80, v19, vm0, $0xb8;
	[tilespmem:$0x1CB00] =	vst v63  }
0x4e6: {  	v51 =	vperm.xlane v18, v12;
	v19 =	vadd.s32 v4, v50;
	s30 =	simm.s32 $0x7380  }
0x4e7: {  	[tilespmem:s30], [sflag:$0x2] =	stream.indirect_vreg.gather [hbm4b:s16+s4], $0x80, v47, vm0, $0xb8;
	[tilespmem:$0x1CB00] =	vst v63  }
0x4e8: {  	v53 =	vperm.xlane v18, v13;
	v52 =	vadd.s32 v4, v51;
	s30 =	simm.s32 $0x7400  }
0x4e9: {  	[tilespmem:s30], [sflag:$0x2] =	stream.indirect_vreg.gather [hbm4b:s16+s4], $0x80, v49, vm0, $0xb8;
	[tilespmem:$0x1CB00] =	vst v63  }
0x4ea: {  	v55 =	vperm.xlane v18, v14;
	v54 =	vadd.s32 v4, v53;
	s30 =	simm.s32 $0x7480  }
0x4eb: {  	[tilespmem:s30], [sflag:$0x2] =	stream.indirect_vreg.gather [hbm4b:s16+s4], $0x80, v19, vm0, $0xb8;
	[tilespmem:$0x1CB00] =	vst v63  }
0x4ec: {  	v56 =	vperm.xlane v18, v15;
	v19 =	vadd.s32 v4, v55;
	s30 =	simm.s32 $0x7500  }
0x4ed: {  	[tilespmem:s30], [sflag:$0x2] =	stream.indirect_vreg.gather [hbm4b:s16+s4], $0x80, v52, vm0, $0xb8;
	[tilespmem:$0x1CB00] =	vst v63  }
0x4ee: {  	v58 =	vperm.xlane v18, v16;
	v57 =	vadd.s32 v4, v56;
	s30 =	simm.s32 $0x7580  }
0x4ef: {  	[tilespmem:s30], [sflag:$0x2] =	stream.indirect_vreg.gather [hbm4b:s16+s4], $0x80, v54, vm0, $0xb8;
	[tilespmem:$0x1CB00] =	vst v63  }
0x4f0: {  	v18 =	vperm.xlane v18, v17;
	v59 =	vadd.s32 v4, v58;
	s30 =	simm.s32 $0x7600  }
0x4f1: {  	[tilespmem:s30], [sflag:$0x2] =	stream.indirect_vreg.gather [hbm4b:s16+s4], $0x80, v19, vm0, $0xb8;
	[tilespmem:$0x1CB00] =	vst v63  }
0x4f2: {  	v18 =	vadd.s32 v4, v18;
	s30 =	simm.s32 $0x7680  }
0x4f3: {  	[tilespmem:s30], [sflag:$0x2] =	stream.indirect_vreg.gather [hbm4b:s16+s4], $0x80, v57, vm0, $0xb8;
	[tilespmem:$0x1CB00] =	vst v63  }
0x4f4: {  	s30 =	simm.s32 $0x7700  }
0x4f5: {  	[tilespmem:s30], [sflag:$0x2] =	stream.indirect_vreg.gather [hbm4b:s16+s4], $0x80, v59, vm0, $0xb8;
	[tilespmem:$0x1CB00] =	vst v63  }
0x4f6: {  	s30 =	simm.s32 $0x7780  }
0x4f7: {  	[tilespmem:s30], [sflag:$0x2] =	stream.indirect_vreg.gather [hbm4b:s16+s4], $0x80, v18, vm0, $0xb8;
	[tilespmem:$0x1CB00] =	vst v63  }
0x4f8: {  	v18 =	vld [tilespmem:s7+$0x160];
	_ =	sdelay $0x4  }
0x4f9: {  	v19 =	vshll.u32 v18, $0x1  }
0x4fa: {  	v18 =	vand.u32 $0x7, v18;
	v19 =	vand.u32 $0xFFFFFFF0, v19  }
0x4fb: {  	v18 =	vor.u32 v18, v19  }
0x4fc: {  	v19 =	vperm.xlane v18, v3;
	_ =	sdelay $0x1  }
0x4fd: {  	v60 =	vperm.xlane v18, v2;
	v19 =	vadd.s32 v4, v19;
	_ =	sdelay $0x1  }
0x4fe: {  	v61 =	vperm.xlane v18, v5;
	v20 =	vadd.s32 v4, v60;
	_ =	sdelay $0x1  }
0x4ff: {  	s30 =	simm.s32 $0x7800;
	v62 =	vperm.xlane v18, v6;
	v21 =	vadd.s32 v4, v61  }
0x500: {  	[tilespmem:s30], [sflag:$0x2] =	stream.indirect_vreg.gather [hbm4b:s16+s4], $0x80, v19, vm0, $0xb8;
	[tilespmem:$0x1CB00] =	vst v63  }
0x501: {  	v63 =	vperm.xlane v18, v7;
	v19 =	vadd.s32 v4, v62;
	s30 =	simm.s32 $0x7880  }
0x502: {  	[tilespmem:s30], [sflag:$0x2] =	stream.indirect_vreg.gather [hbm4b:s16+s4], $0x80, v20, vm0, $0xb8;
	[tilespmem:$0x1CB00] =	vst v63  }
0x503: {  	v25 =	vperm.xlane v18, v8;
	v24 =	vadd.s32 v4, v63;
	s30 =	simm.s32 $0x7900  }
0x504: {  	[tilespmem:s30], [sflag:$0x2] =	stream.indirect_vreg.gather [hbm4b:s16+s4], $0x80, v21, vm0, $0xb8;
	[tilespmem:$0x1CB00] =	vst v63  }
0x505: {  	v27 =	vperm.xlane v18, v9;
	v26 =	vadd.s32 v4, v25;
	s30 =	simm.s32 $0x7980  }
0x506: {  	[tilespmem:s30], [sflag:$0x2] =	stream.indirect_vreg.gather [hbm4b:s16+s4], $0x80, v19, vm0, $0xb8;
	[tilespmem:$0x1CB00] =	vst v63  }
0x507: {  	v28 =	vperm.xlane v18, v1;
	v19 =	vadd.s32 v4, v27;
	s30 =	simm.s32 $0x7A00  }
0x508: {  	[tilespmem:s30], [sflag:$0x2] =	stream.indirect_vreg.gather [hbm4b:s16+s4], $0x80, v24, vm0, $0xb8;
	[tilespmem:$0x1CB00] =	vst v63  }
0x509: {  	v30 =	vperm.xlane v18, v10;
	v29 =	vadd.s32 v4, v28;
	s30 =	simm.s32 $0x7A80  }
0x50a: {  	[tilespmem:s30], [sflag:$0x2] =	stream.indirect_vreg.gather [hbm4b:s16+s4], $0x80, v26, vm0, $0xb8;
	[tilespmem:$0x1CB00] =	vst v63  }
0x50b: {  	v32 =	vperm.xlane v18, v11;
	v31 =	vadd.s32 v4, v30;
	s30 =	simm.s32 $0x7B00  }
0x50c: {  	[tilespmem:s30], [sflag:$0x2] =	stream.indirect_vreg.gather [hbm4b:s16+s4], $0x80, v19, vm0, $0xb8;
	[tilespmem:$0x1CB00] =	vst v63  }
0x50d: {  	v33 =	vperm.xlane v18, v12;
	v19 =	vadd.s32 v4, v32;
	s30 =	simm.s32 $0x7B80  }
0x50e: {  	[tilespmem:s30], [sflag:$0x2] =	stream.indirect_vreg.gather [hbm4b:s16+s4], $0x80, v29, vm0, $0xb8;
	[tilespmem:$0x1CB00] =	vst v63  }
0x50f: {  	v35 =	vperm.xlane v18, v13;
	v34 =	vadd.s32 v4, v33;
	s30 =	simm.s32 $0x7C00  }
0x510: {  	[tilespmem:s30], [sflag:$0x2] =	stream.indirect_vreg.gather [hbm4b:s16+s4], $0x80, v31, vm0, $0xb8;
	[tilespmem:$0x1CB00] =	vst v63  }
0x511: {  	v37 =	vperm.xlane v18, v14;
	v36 =	vadd.s32 v4, v35;
	s30 =	simm.s32 $0x7C80  }
0x512: {  	[tilespmem:s30], [sflag:$0x2] =	stream.indirect_vreg.gather [hbm4b:s16+s4], $0x80, v19, vm0, $0xb8;
	[tilespmem:$0x1CB00] =	vst v63  }
0x513: {  	v38 =	vperm.xlane v18, v15;
	v19 =	vadd.s32 v4, v37;
	s30 =	simm.s32 $0x7D00  }
0x514: {  	[tilespmem:s30], [sflag:$0x2] =	stream.indirect_vreg.gather [hbm4b:s16+s4], $0x80, v34, vm0, $0xb8;
	[tilespmem:$0x1CB00] =	vst v63  }
0x515: {  	v40 =	vperm.xlane v18, v16;
	v39 =	vadd.s32 v4, v38;
	s30 =	simm.s32 $0x7D80  }
0x516: {  	[tilespmem:s30], [sflag:$0x2] =	stream.indirect_vreg.gather [hbm4b:s16+s4], $0x80, v36, vm0, $0xb8;
	[tilespmem:$0x1CB00] =	vst v63  }
0x517: {  	v18 =	vperm.xlane v18, v17;
	v41 =	vadd.s32 v4, v40;
	s30 =	simm.s32 $0x7E00  }
0x518: {  	[tilespmem:s30], [sflag:$0x2] =	stream.indirect_vreg.gather [hbm4b:s16+s4], $0x80, v19, vm0, $0xb8;
	[tilespmem:$0x1CB00] =	vst v63  }
0x519: {  	v18 =	vadd.s32 v4, v18;
	s30 =	simm.s32 $0x7E80  }
0x51a: {  	[tilespmem:s30], [sflag:$0x2] =	stream.indirect_vreg.gather [hbm4b:s16+s4], $0x80, v39, vm0, $0xb8;
	[tilespmem:$0x1CB00] =	vst v63  }
0x51b: {  	s30 =	simm.s32 $0x7F00  }
0x51c: {  	[tilespmem:s30], [sflag:$0x2] =	stream.indirect_vreg.gather [hbm4b:s16+s4], $0x80, v41, vm0, $0xb8;
	[tilespmem:$0x1CB00] =	vst v63  }
0x51d: {  	_ = 	snop  }
0x51e: {  	[tilespmem:s24], [sflag:$0x2] =	stream.indirect_vreg.gather [hbm4b:s16+s4], $0x80, v18, vm0, $0xb8;
	[tilespmem:$0x1CB00] =	vst v63  }
0x51f: {  	v18 =	vld [tilespmem:s7+$0x170];
	_ =	sdelay $0x4  }
0x520: {  	v19 =	vshll.u32 v18, $0x1  }
0x521: {  	v18 =	vand.u32 $0x7, v18;
	v19 =	vand.u32 $0xFFFFFFF0, v19  }
0x522: {  	v18 =	vor.u32 v18, v19  }
0x523: {  	v19 =	vperm.xlane v18, v3;
	_ =	sdelay $0x1  }
0x524: {  	v42 =	vperm.xlane v18, v2;
	v19 =	vadd.s32 v4, v19;
	_ =	sdelay $0x1  }
0x525: {  	v43 =	vperm.xlane v18, v5;
	v20 =	vadd.s32 v4, v42;
	_ =	sdelay $0x1  }
0x526: {  	v44 =	vperm.xlane v18, v6;
	v21 =	vadd.s32 v4, v43  }
0x527: {  	[tilespmem:s5], [sflag:$0x2] =	stream.indirect_vreg.gather [hbm4b:s16+s4], $0x80, v19, vm0, $0xb8;
	[tilespmem:$0x1CB00] =	vst v63  }
0x528: {  	v45 =	vperm.xlane v18, v7;
	v19 =	vadd.s32 v4, v44  }
0x529: {  	[tilespmem:s6], [sflag:$0x2] =	stream.indirect_vreg.gather [hbm4b:s16+s4], $0x80, v20, vm0, $0xb8;
	[tilespmem:$0x1CB00] =	vst v63  }
0x52a: {  	v47 =	vperm.xlane v18, v8;
	v46 =	vadd.s32 v4, v45  }
0x52b: {  	[tilespmem:s9], [sflag:$0x2] =	stream.indirect_vreg.gather [hbm4b:s16+s4], $0x80, v21, vm0, $0xb8;
	[tilespmem:$0x1CB00] =	vst v63  }
0x52c: {  	v49 =	vperm.xlane v18, v9;
	v48 =	vadd.s32 v4, v47  }
0x52d: {  	[tilespmem:s13], [sflag:$0x2] =	stream.indirect_vreg.gather [hbm4b:s16+s4], $0x80, v19, vm0, $0xb8;
	[tilespmem:$0x1CB00] =	vst v63  }
0x52e: {  	v50 =	vperm.xlane v18, v1;
	v19 =	vadd.s32 v4, v49  }
0x52f: {  	[tilespmem:s15], [sflag:$0x2] =	stream.indirect_vreg.gather [hbm4b:s16+s4], $0x80, v46, vm0, $0xb8;
	[tilespmem:$0x1CB00] =	vst v63  }
0x530: {  	v52 =	vperm.xlane v18, v10;
	v51 =	vadd.s32 v4, v50  }
0x531: {  	[tilespmem:s23], [sflag:$0x2] =	stream.indirect_vreg.gather [hbm4b:s16+s4], $0x80, v48, vm0, $0xb8;
	[tilespmem:$0x1CB00] =	vst v63  }
0x532: {  	v54 =	vperm.xlane v18, v11;
	v53 =	vadd.s32 v4, v52  }
0x533: {  	[tilespmem:s22], [sflag:$0x2] =	stream.indirect_vreg.gather [hbm4b:s16+s4], $0x80, v19, vm0, $0xb8;
	[tilespmem:$0x1CB00] =	vst v63  }
0x534: {  	v55 =	vperm.xlane v18, v12;
	v19 =	vadd.s32 v4, v54  }
0x535: {  	[tilespmem:s1], [sflag:$0x2] =	stream.indirect_vreg.gather [hbm4b:s16+s4], $0x80, v51, vm0, $0xb8;
	[tilespmem:$0x1CB00] =	vst v63  }
0x536: {  	v57 =	vperm.xlane v18, v13;
	v56 =	vadd.s32 v4, v55  }
0x537: {  	[tilespmem:s0], [sflag:$0x2] =	stream.indirect_vreg.gather [hbm4b:s16+s4], $0x80, v53, vm0, $0xb8;
	[tilespmem:$0x1CB00] =	vst v63  }
0x538: {  	s30 =	simm.s32 $0x8480;
	v59 =	vperm.xlane v18, v14;
	v58 =	vadd.s32 v4, v57  }
0x539: {  	[tilespmem:s30], [sflag:$0x2] =	stream.indirect_vreg.gather [hbm4b:s16+s4], $0x80, v19, vm0, $0xb8;
	[tilespmem:$0x1CB00] =	vst v63  }
0x53a: {  	s11 =	simm.s32 $0x8500;
	v60 =	vperm.xlane v18, v15;
	v19 =	vadd.s32 v4, v59  }
0x53b: {  	[tilespmem:s11], [sflag:$0x2] =	stream.indirect_vreg.gather [hbm4b:s16+s4], $0x80, v56, vm0, $0xb8;
	[tilespmem:$0x1CB00] =	vst v63  }
0x53c: {  	v61 =	vadd.s32 v4, v60;
	s30 =	simm.s32 $0x8580  }
0x53d: {  	v62 =	vperm.xlane v18, v16;
	[tilespmem:s30], [sflag:$0x2] =	stream.indirect_vreg.gather [hbm4b:s16+s4], $0x80, v58, vm0, $0xb8;
	[tilespmem:$0x1CB00] =	vst v63  }
0x53e: {  	s21 =	sadd.s32 $0x1, s21;
	s11 =	simm.s32 $0x8600  }
0x53f: {  	v18 =	vperm.xlane v18, v17;
	v63 =	vadd.s32 v4, v62;
	[tilespmem:s11], [sflag:$0x2] =	stream.indirect_vreg.gather [hbm4b:s16+s4], $0x80, v19, vm0, $0xb8;
	[tilespmem:$0x1CB00] =	vst v63  }
0x540: {  	p1 =	sne.s32 s21, $0x27;
	s30 =	simm.s32 $0x8680  }
0x541: {  	v18 =	vadd.s32 v4, v18;
	[tilespmem:s30], [sflag:$0x2] =	stream.indirect_vreg.gather [hbm4b:s16+s4], $0x80, v61, vm0, $0xb8;
	[tilespmem:$0x1CB00] =	vst v63  }
.Ltmp0:
0x542: {  	_ = 	snop;
	(pc) =	sbr.rel @p1 .LBB2_2-.Ltmp0, $4  }
0x543: {  	s11 =	simm.s32 $0x8700  }
0x544: {  	[tilespmem:s11], [sflag:$0x2] =	stream.indirect_vreg.gather [hbm4b:s16+s4], $0x80, v63, vm0, $0xb8;
	[tilespmem:$0x1CB00] =	vst v63  }
0x545: {  	s18 =	sadd.s32 $0x2, s18;
	s19 =	sadd.s32 $0x40, s19;
	s30 =	simm.s32 $0x8780  }
0x546: {  	[tilespmem:s30], [sflag:$0x2] =	stream.indirect_vreg.gather [hbm4b:s16+s4], $0x80, v18, vm0, $0xb8;
	[tilespmem:$0x1CB00] =	vst v63  }
0x547: {  	_ =	swait.ge [sflag:s14], $0x4000  }
0x548: {  	[sflag:s14] =	ssyncset.done $0x0  }
0x549: {  	s7 =	simm.s32 $0x680;
	[sflag:s14] =	ssyncadd.s32 $0xFFFFC000  }
0x54a: {  	[spmem:s2] =	stream.indirect.scatter.add.f32 [tilespmem:s29], [sflag:$0x3], $0x80, s7, s10, $0xb8;
	[tilespmem:$0x1CB00] =	vst v63  }
0x54b: {  	s7 =	simm.s32 @p0 $0x2  }
0x54c: {  	_ =	swait.ge @p0 [sflag:s7], $0x4000  }
0x54d: {  	s11 =	simm.s32 @p0 $0x780;
	[sflag:s7] =	ssyncset.done @p0 $0x0  }
0x54e: {  	s18 =	simm.s32 @p0 $0x4800;
	[sflag:s7] =	ssyncadd.s32 @p0 $0xFFFFC000;
	s7 =	simm.s32 @p0 $0x80  }
0x54f: {  	[spmem:s2] =	stream.indirect.scatter.add.f32 @p0 [tilespmem:s18], [sflag:$0x3], $0x80, s11, s7, $0xb8;
	[tilespmem:$0x1CB00] =	vst v63  }
0x550: {  	s7 =	simm.s32 @!p0 $0x80;
	s11 =	simm.s32 @!p0 $0x680;
	s18 =	simm.s32 @!p0 $0x8800  }
0x551: {  	[spmem:s3] =	stream.indirect.scatter.add.f32 @!p0 [tilespmem:s18], [sflag:$0x4], $0x1, s11, s7, $0xb8;
	[tilespmem:$0x1CB00] =	vst v63  }
0x552: {  	s11 =	simm.s32 @!p0 $0x2  }
0x553: {  	_ =	swait.ge @!p0 [sflag:s11], $0x4000  }
0x554: {  	[sflag:s11] =	ssyncset.done @!p0 $0x0  }
0x555: {  	s19 =	simm.s32 @!p0 $0x4800;
	[sflag:s11] =	ssyncadd.s32 @!p0 $0xFFFFC000;
	s11 =	simm.s32 @!p0 $0x780  }
0x556: {  	[spmem:s2] =	stream.indirect.scatter.add.f32 @!p0 [tilespmem:s19], [sflag:$0x3], $0x80, s11, s7, $0xb8;
	[tilespmem:$0x1CB00] =	vst v63  }
0x557: {  	_ = 	snop  }
0x558: {  	[spmem:s3] =	stream.indirect.scatter.add.f32 @!p0 [tilespmem:s18], [sflag:$0x4], $0x1, s11, s7, $0xb8;
	[tilespmem:$0x1CB00] =	vst v63  }
0x559: {  	_ =	swait.ge [sflag:s26], $0x4000  }
0x55a: {  	[sflag:s26] =	ssyncset.done $0x0  }
0x55b: {  	[sflag:s26] =	ssyncadd.s32 $0xFFFFC000  }
0x55c: {  	_ =	swait.ge [sflag:s26], $0x4000  }
0x55d: {  	[sflag:s26] =	ssyncset.done $0x0  }
0x55e: {  	s7 =	simm.s32 @!p0 $0x4;
	[sflag:s26] =	ssyncadd.s32 $0xFFFFC000  }
0x55f: {  	_ =	swait.ge @!p0 [sflag:s7], $0x80  }
0x560: {  	[sflag:s7] =	ssyncset.done @!p0 $0x0  }
0x561: {  	[sflag:s7] =	ssyncadd.s32 @!p0 $0xFFFFFF80  }
0x562: {  	_ =	swait.ge @!p0 [sflag:s7], $0x80  }
0x563: {  	[sflag:s7] =	ssyncset.done @!p0 $0x0  }
0x564: {  	[sflag:s7] =	ssyncadd.s32 @!p0 $0xFFFFFF80  }
0x565: {  	[bflag:$0x0] =	sbarrier.arrive $0xFFFF  }
0x566: {  	s18 =	rddreg [dreg:$0xc]  }
0x567: {  	s19 =	rddreg [dreg:$0x10]  }
0x568: {  	s20 =	rddreg [dreg:$0x16];
	s7 =	sor.u32 $0x1C05, s18  }
0x569: {  	[hbm:s19], [sflag:s7] =	dma.local [spmem:s20], $0x2800  }
0x56a: {  	s19 =	simm.s32 $0x5  }
0x56b: {  	_ =	swait.ge [sflag:s19], $0x2800  }
0x56c: {  	s21 =	simm.s32 $0x10;
	[sflag:s19] =	ssyncset.done $0x0;
	s11 =	rddreg [dreg:$0x11]  }
0x56d: {  	s20 =	simm.s32 $0x20;
	s30 =	rddreg [dreg:$0x15];
	[sflag:s19] =	ssyncadd.s32 $0xFFFFD800  }
0x56e: {  	[hbm:s11@s20], [sflag:s7] =	dma.strided [spmem:s30@s21], $0x50, s28, $0x10   }
0x56f: {  	_ =	swait.ge [sflag:s19], $0x50  }
0x570: {  	s21 =	rddreg [dreg:$0x14]  }
0x571: {  	s30 =	rddreg [dreg:$0x12];
	s11 =	sadd.s32 $0x1, s21  }
0x572: {  	p1 =	sne.s32 s11, s30  }
.Ltmp1:
0x573: {  	_ = 	snop;
	(pc) =	sbr.rel @p1 .LBB2_1-.Ltmp1, $3  }
0x574: {  	_ =	sdelay $0x1  }
0x575: {  	[sflag:s19] =	ssyncset.done $0x0  }
0x576: {  	[sflag:s19] =	ssyncadd.s32 $0xFFFFFFB0  }
0x577: {  	_ =	sfence.sel $0x180000  }
0x578: {  	[bflag:$0x0] =	sbarrier.arrive $0xFFFF  }
0x579: {  	_ =	strace $0x90000047  }
0x57a: {  	s0 =	stileid.u32;
	[bflag:$0x2] =	sbarrier.arrive $0xFFFF  }
0x57b: {  	p0 =	sne.s32 s0, $0x0;
	s0 =	rddreg [dreg:$0x5]  }
0x57c: {  	s0 =	sadd.s32 @!p0 $0x100000, s0  }
0x57d: {  	[sflag:s0] =	ssyncadd.tile.s32 @!p0 $0x1;
	_ =	shalt  }
.Lfunc_end2:
_tile_overlayer_lowered:
.L_overlay_start_2:
0x57e: {  	(tag) =	ssettag $0x2  }
0x57f: {  	s0 =	rddreg [dreg:$0x0];
	s2 =	stileid.u32  }
0x580: {  	s1 =	rddreg [dreg:$0x1];
	p0 =	sne.s32 s2, $0x0  }
0x581: {  	s3 =	rddreg [dreg:$0x2];
	[bflag:$0x3] =	sbarrier.arrive $0xFFFF;
	s2 =	simm.s32 @!p0 $0x1C05  }
0x582: {  	[timem:s3], [sflag:s2] =	dma.local @!p0 [hbm:s0], s1  }
0x583: {  	s0 =	simm.s32 @!p0 $0x5  }
0x584: {  	_ =	swait.ge @!p0 [sflag:s0], s1  }
0x585: {  	s1 =	ssub.s32 @!p0 $0x0, s1;
	[sflag:s0] =	ssyncset.done @!p0 $0x0  }
0x586: {  	[sflag:s0] =	ssyncadd.s32 @!p0 s1  }
0x587: {  	[bflag:$0x3] =	sbarrier.arrive $0xFFFF  }
0x588: {  	_ =	shalt  }

</sc_bundles>
